<compile_context>
chip_gen: v7x
topology: tpu7x:2x2x1
jax: 0.10.2.dev20260603
libtpu: 0.0.44.dev20260713+nightly
codegen_flags: <defaults>
</compile_context>

<pallas_src>
import functools

import jax
import jax.numpy as jnp
from jax import lax
from jax.experimental import pallas as pl
from jax.experimental.pallas import tpu as pltpu
import jax.experimental.pallas.tpu_sc as plsc

N_NODES = 10000
N_EDGES = 160000
N_MASKED = 112000
D = 128
DE = 16
LAT = 64
W = 128

NB = 1000
EB = 2048
E_P = 163840
MB = 2048

NC = 2
NS = 16
NW = NC * NS
GL = 128
SG = 64
E_SW = E_P // (NW * SG)
M_P = 114688
M_GW = M_P // (NW * GL)


def _ln(x, g, b, eps=1e-5):
    mu = x.mean(-1, keepdims=True)
    var = ((x - mu) ** 2).mean(-1, keepdims=True)
    return (x - mu) / jnp.sqrt(var + eps) * g + b


def _silu(x):
    return x * jax.nn.sigmoid(x)


def _dot(a, b):
    return jnp.dot(a, b, preferred_element_type=jnp.float32)


def _pack(proj, xp):
    aux = jnp.concatenate(
        [xp, jnp.zeros((proj.shape[0], D - DE), jnp.float32)], axis=1)
    pb = lax.bitcast_convert_type(proj, jnp.int32)
    ab = lax.bitcast_convert_type(aux, jnp.int32)
    half = jnp.int32(0x8000)
    hi = jnp.bitwise_and(ab + half, jnp.int32(-65536))
    lo = lax.shift_right_logical(pb + half, 16)
    return jnp.bitwise_or(hi, lo)


def _unpack(g):
    proj = lax.bitcast_convert_type(jnp.left_shift(g, 16), jnp.float32)
    aux = lax.bitcast_convert_type(
        jnp.bitwise_and(g, jnp.int32(-65536)), jnp.float32)
    return proj, aux[:, :DE]


def _embed_body(x, xp, w1, b1, g1, c1, w2, b2, g2, c2, wa, wb,
                h_ref, sa_ref, sb_ref):
    h = _dot(x[...], w1[...]) + b1[...]
    h = jax.nn.gelu(_ln(h, g1[...], c1[...]))
    h = _dot(h, w2[...]) + b2[...]
    h = jax.nn.gelu(_ln(h, g2[...], c2[...]))
    h_ref[...] = h
    sa_ref[...] = _pack(_dot(h, wa[...]), xp[...])
    sb_ref[...] = _pack(_dot(h, wb[...]), xp[...])


def _full(shape):
    return pl.BlockSpec(shape, lambda i: (0,) * len(shape))


def _rows(nb, d):
    return pl.BlockSpec((nb, d), lambda i: (i, 0))


def _embed_call(x, xp, w1, b1, g1, c1, w2, b2, g2, c2, wa, wb):
    f = pl.pallas_call(
        _embed_body,
        grid=(N_NODES // NB,),
        in_specs=[_rows(NB, D), _rows(NB, DE)]
        + [_full(a.shape) for a in (w1, b1, g1, c1, w2, b2, g2, c2, wa, wb)],
        out_specs=[_rows(NB, D), _rows(NB, W), _rows(NB, W)],
        out_shape=[jax.ShapeDtypeStruct((N_NODES, D), jnp.float32),
                   jax.ShapeDtypeStruct((N_NODES, W), jnp.int32),
                   jax.ShapeDtypeStruct((N_NODES, W), jnp.int32)],
    )
    return f(x, xp, w1, b1, g1, c1, w2, b2, g2, c2, wa, wb)


def _make_edge_body(with_coord):
    if with_coord:
        def body(ga, gb, ef, wd, wc, be1, w2, b2, wc1, bc1, wc2,
                 m2_ref, mx_ref):
            row0 = pl.program_id(0) * EB
            rid = row0 + jax.lax.broadcasted_iota(jnp.int32, (EB, 1), 0)
            valid = (rid < N_EDGES).astype(jnp.float32)
            pa, xa = _unpack(ga[...])
            pb, xb = _unpack(gb[...])
            hsum = pa + pb
            dx = xa - xb
            radial = jnp.sum(dx * dx, axis=-1, keepdims=True)
            m1 = _silu(hsum + radial * wc[...]
                       + _dot(ef[...], wd[...]) + be1[...])
            m2 = _silu(_dot(m1, w2[...]) + b2[...])
            t = _silu(_dot(m2, wc1[...]) + bc1[...])
            cw = jnp.sum(t * wc2[...], axis=-1, keepdims=True)
            col = jax.lax.broadcasted_iota(jnp.int32, (1, DE), 1)
            e3 = jnp.where(col == 3, 1.0, 0.0)
            m2_ref[...] = m2 * valid
            mx_ref[...] = (cw * dx + e3) * valid
        return body
    else:
        def body(ga, gb, ef, wd, wc, be1, w2, b2, m2_ref):
            row0 = pl.program_id(0) * EB
            rid = row0 + jax.lax.broadcasted_iota(jnp.int32, (EB, 1), 0)
            valid = (rid < N_EDGES).astype(jnp.float32)
            pa, xa = _unpack(ga[...])
            pb, xb = _unpack(gb[...])
            hsum = pa + pb
            dx = xa - xb
            radial = jnp.sum(dx * dx, axis=-1, keepdims=True)
            m1 = _silu(hsum + radial * wc[...]
                       + _dot(ef[...], wd[...]) + be1[...])
            m2 = _silu(_dot(m1, w2[...]) + b2[...])
            m2_ref[...] = m2 * valid
        return body


def _edge_call(with_coord, ga, gb, ef, wd, wc, be1, w2, b2,
               wc1=None, bc1=None, wc2=None):
    args = [ga, gb, ef, wd, wc, be1, w2, b2]
    n_out = 1
    if with_coord:
        args += [wc1, bc1, wc2]
        n_out = 2
    in_specs = ([_rows(EB, W), _rows(EB, W), _rows(EB, DE)]
                + [_full(a.shape) for a in args[3:]])
    out_specs = [_rows(EB, D)] + ([_rows(EB, DE)] if with_coord else [])
    out_shape = [jax.ShapeDtypeStruct((E_P, D), jnp.float32)] + (
        [jax.ShapeDtypeStruct((E_P, DE), jnp.float32)] if with_coord else [])
    f = pl.pallas_call(
        _make_edge_body(with_coord),
        grid=(E_P // EB,),
        in_specs=in_specs,
        out_specs=out_specs if n_out > 1 else out_specs[0],
        out_shape=out_shape if n_out > 1 else out_shape[0],
    )
    return f(*args)


def _make_node_body(n_partial, final):
    if not final:
        def body(h, hs, ms, xp, wnh, wnn, bn1, wn2, bn2, g, c, wa, wb,
                 h_ref, sa_ref, sb_ref):
            hsum = hs[0]
            msum = ms[0]
            for k in range(1, n_partial):
                hsum = hsum + hs[k]
                msum = msum + ms[k]
            cnt = jnp.maximum(msum[:, 3:4], 1.0)
            hn = _silu(_dot(h[...], wnh[...]) + _dot(hsum, wnn[...]) + bn1[...])
            hh = _dot(hn, wn2[...]) + bn2[...]
            h1 = _ln(hh, g[...], c[...])
            col = jax.lax.broadcasted_iota(jnp.int32, (1, DE), 1)
            m3 = jnp.where(col < 3, 1.0, 0.0)
            x2 = xp[...] + (msum * m3) / cnt
            h_ref[...] = h1
            sa_ref[...] = _pack(_dot(h1, wa[...]), x2)
            sb_ref[...] = _pack(_dot(h1, wb[...]), x2)
        return body
    else:
        def body(h, hs, wnh, wnn, bn1, wn2, bn2, wmu, bmu, wlv, blv, eps,
                 z_ref, mu_ref, lv_ref, zp_ref):
            hsum = hs[0]
            for k in range(1, n_partial):
                hsum = hsum + hs[k]
            hn = _silu(_dot(h[...], wnh[...]) + _dot(hsum, wnn[...]) + bn1[...])
            h2 = _dot(hn, wn2[...]) + bn2[...]
            mu = _dot(h2, wmu[...]) + bmu[...]
            lv = _dot(h2, wlv[...]) + blv[...]
            z = eps[...] * jnp.exp(lv) + mu
            z_ref[...] = z
            mu_ref[...] = mu
            lv_ref[...] = lv
            zp_ref[...] = jnp.concatenate([z, jnp.zeros_like(z)], axis=1)
        return body


def _part(nb, d, n_partial):
    return pl.BlockSpec((n_partial, nb, d), lambda i: (0, i, 0))


def _node_call(h, hs, ms, xp, wnh, wnn, bn1, wn2, bn2, g, c, wa, wb):
    np_ = hs.shape[0]
    f = pl.pallas_call(
        _make_node_body(np_, final=False),
        grid=(N_NODES // NB,),
        in_specs=[_rows(NB, D), _part(NB, D, np_), _part(NB, DE, np_),
                  _rows(NB, DE)] + [_full(a.shape) for a in
                                    (wnh, wnn, bn1, wn2, bn2, g, c, wa, wb)],
        out_specs=[_rows(NB, D), _rows(NB, W), _rows(NB, W)],
        out_shape=[jax.ShapeDtypeStruct((N_NODES, D), jnp.float32),
                   jax.ShapeDtypeStruct((N_NODES, W), jnp.int32),
                   jax.ShapeDtypeStruct((N_NODES, W), jnp.int32)],
    )
    return f(h, hs, ms, xp, wnh, wnn, bn1, wn2, bn2, g, c, wa, wb)


def _node_final_call(h, hs, wnh, wnn, bn1, wn2, bn2, wmu, bmu, wlv, blv, eps):
    np_ = hs.shape[0]
    f = pl.pallas_call(
        _make_node_body(np_, final=True),
        grid=(N_NODES // NB,),
        in_specs=[_rows(NB, D), _part(NB, D, np_)]
        + [_full(a.shape) for a in (wnh, wnn, bn1, wn2, bn2, wmu, bmu, wlv, blv)]
        + [_rows(NB, LAT)],
        out_specs=[_rows(NB, LAT)] * 3 + [_rows(NB, D)],
        out_shape=[jax.ShapeDtypeStruct((N_NODES, LAT), jnp.float32)] * 3
        + [jax.ShapeDtypeStruct((N_NODES, D), jnp.float32)],
    )
    return f(h, hs, wnh, wnn, bn1, wn2, bn2, wmu, bmu, wlv, blv, eps)


def _dec_body(zsp, zdp, zsn, zdn, w0, b0, w1, b1, pos_ref, neg_ref):
    xp = (zsp[:, :LAT] * zdp[:, :LAT]).astype(jnp.float32)
    xn = (zsn[:, :LAT] * zdn[:, :LAT]).astype(jnp.float32)
    ap = jax.nn.relu(_dot(xp, w0[...]) + b0[...])
    an = jax.nn.relu(_dot(xn, w0[...]) + b0[...])
    pos_ref[...] = jax.nn.sigmoid(_dot(ap, w1[...]) + b1[...])
    neg_ref[...] = jax.nn.sigmoid(_dot(an, w1[...]) + b1[...])


def _dec_call(zsp, zdp, zsn, zdn, w0, b0, w1, b1):
    f = pl.pallas_call(
        _dec_body,
        grid=(pl.cdiv(N_MASKED, MB),),
        in_specs=[_rows(MB, D)] * 4 + [_full(a.shape) for a in (w0, b0, w1, b1)],
        out_specs=[_rows(MB, D)] * 2,
        out_shape=[jax.ShapeDtypeStruct((N_MASKED, D), jnp.float32)] * 2,
    )
    return f(zsp, zdp, zsn, zdn, w0, b0, w1, b1)


def _sc_mesh():
    return plsc.VectorSubcoreMesh(core_axis_name="c", subcore_axis_name="s")


def _sc_gather_layer(sa, sb, src_g, dst_g):
    @functools.partial(
        pl.kernel, mesh=_sc_mesh(),
        out_type=[jax.ShapeDtypeStruct((E_P, W), jnp.int32),
                  jax.ShapeDtypeStruct((E_P, W), jnp.int32)],
        scratch_types=[
            pltpu.VMEM((E_SW, SG), jnp.int32),
            pltpu.VMEM((E_SW, SG), jnp.int32),
            pltpu.VMEM((SG, W), jnp.int32), pltpu.VMEM((SG, W), jnp.int32),
            pltpu.VMEM((SG, W), jnp.int32), pltpu.VMEM((SG, W), jnp.int32),
            pltpu.SemaphoreType.DMA, pltpu.SemaphoreType.DMA,
        ],
    )
    def k(sa_h, sb_h, sg_h, dg_h, oa, ob,
          si, di, a0, b0, a1, b1, gsem, ssem):
        wid = lax.axis_index("c") * NS + lax.axis_index("s")
        g0 = wid * E_SW
        pltpu.sync_copy(sg_h.at[wid], si)
        pltpu.sync_copy(dg_h.at[wid], di)

        def body(jj, _):
            j0 = 2 * jj
            j1 = j0 + 1
            cs = []
            for (j, ba, bb) in ((j0, a0, b0), (j1, a1, b1)):
                cs.append(pltpu.async_copy(sa_h.at[si.at[j]], ba, gsem))
                cs.append(pltpu.async_copy(sb_h.at[di.at[j]], bb, gsem))
            for c in cs:
                c.wait()
            ws = []
            for (j, ba, bb) in ((j0, a0, b0), (j1, a1, b1)):
                base = (g0 + j) * SG
                ws.append(pltpu.async_copy(ba, oa.at[pl.ds(base, SG)], ssem))
                ws.append(pltpu.async_copy(bb, ob.at[pl.ds(base, SG)], ssem))
            for w in ws:
                w.wait()
            return 0
        lax.fori_loop(0, E_SW // 2, body, 0)
    return k(sa, sb, src_g, dst_g)


def _sc_gather_dec(zp, g0_, g1_, g2_, g3_):
    @functools.partial(
        pl.kernel, mesh=_sc_mesh(),
        out_type=[jax.ShapeDtypeStruct((M_P, D), jnp.float32)] * 4,
        scratch_types=[pltpu.VMEM((M_GW, GL), jnp.int32)] * 4
        + [pltpu.VMEM((GL, D), jnp.float32)] * 4
        + [pltpu.SemaphoreType.DMA, pltpu.SemaphoreType.DMA],
    )
    def k(z_h, i0h, i1h, i2h, i3h, o0, o1, o2, o3,
          v0, v1, v2, v3, b0, b1, b2, b3, gsem, ssem):
        wid = lax.axis_index("c") * NS + lax.axis_index("s")
        g0 = wid * M_GW
        for ih, iv in ((i0h, v0), (i1h, v1), (i2h, v2), (i3h, v3)):
            pltpu.sync_copy(ih.at[wid], iv)

        def body(j, _):
            base = (g0 + j) * GL
            cs = [pltpu.async_copy(z_h.at[iv.at[j]], bb, gsem)
                  for iv, bb in ((v0, b0), (v1, b1), (v2, b2), (v3, b3))]
            for c in cs:
                c.wait()
            ws = [pltpu.async_copy(bb, oo.at[pl.ds(base, GL)], ssem)
                  for bb, oo in ((b0, o0), (b1, o1), (b2, o2), (b3, o3))]
            for w in ws:
                w.wait()
            return 0
        lax.fori_loop(0, M_GW, body, 0)
    return k(zp, g0_, g1_, g2_, g3_)


def kernel(node_feat, xyz, edge_feat, edge_index, masked_edges, neg_edges,
           params):
    p = params
    t = lambda w: w.T
    row = lambda v: v.reshape(1, -1)

    src = edge_index[0].astype(jnp.int32)
    dst = edge_index[1].astype(jnp.int32)
    pad = E_P - N_EDGES
    srcp = jnp.concatenate([src, jnp.zeros((pad,), jnp.int32)])
    dstp = jnp.concatenate([dst, jnp.zeros((pad,), jnp.int32)])
    srcg = srcp.reshape(NW, E_SW, SG)
    dstg = dstp.reshape(NW, E_SW, SG)
    efp = jnp.pad(edge_feat, ((0, pad), (0, 0)))
    xp = jnp.pad(xyz, ((0, 0), (0, DE - 3)))

    mpad = M_P - N_MASKED
    def decg(e):
        return jnp.concatenate([e.astype(jnp.int32),
                                jnp.zeros((mpad,), jnp.int32)]
                               ).reshape(NW, M_GW, GL)

    e = p['emb1']; e2 = p['emb2']
    l1, l2 = p['egnn']

    def split_e1(lp):
        Wm = lp['e1']['W']
        return (row(Wm[:, 2 * D]), t(Wm[:, 2 * D + 1:]), row(lp['e1']['b']))

    h, sa, sb = _embed_call(
        node_feat, xp, t(e['W']), row(e['b']),
        row(p['emb_ln1']['g']), row(p['emb_ln1']['b']),
        t(e2['W']), row(e2['b']),
        row(p['emb_ln2']['g']), row(p['emb_ln2']['b']),
        t(l1['e1']['W'][:, :D]), t(l1['e1']['W'][:, D:2 * D]))

    for li, lp in enumerate((l1, l2)):
        wc_, wd_, be1_ = split_e1(lp)
        ga, gb = _sc_gather_layer(sa, sb, srcg, dstg)
        if li == 0:
            m2, mx = _edge_call(True, ga, gb, efp, wd_, wc_, be1_,
                                t(lp['e2']['W']), row(lp['e2']['b']),
                                t(lp['c1']['W']), row(lp['c1']['b']),
                                row(lp['c2']['W'][0]))
            s = jax.ops.segment_sum(
                jnp.concatenate([m2[:N_EDGES], mx[:N_EDGES]], axis=1),
                dst, num_segments=N_NODES)
            hsum = s[:, :D][None]
            msum = s[:, D:][None]
            n2p = p['egnn'][1]
            h, sa, sb = _node_call(
                h, hsum, msum, xp,
                t(lp['n1']['W'][:, :D]), t(lp['n1']['W'][:, D:]),
                row(lp['n1']['b']), t(lp['n2']['W']), row(lp['n2']['b']),
                row(p['gc_ln']['g']), row(p['gc_ln']['b']),
                t(n2p['e1']['W'][:, :D]), t(n2p['e1']['W'][:, D:2 * D]))
        else:
            m2 = _edge_call(False, ga, gb, efp, wd_, wc_, be1_,
                            t(lp['e2']['W']), row(lp['e2']['b']))
            hsum = jax.ops.segment_sum(m2[:N_EDGES], dst,
                                       num_segments=N_NODES)[None]
            eps = jax.random.uniform(jax.random.key(42), (N_NODES, LAT),
                                     dtype=jnp.float32)
            z, mu, lv, zp = _node_final_call(
                h, hsum,
                t(lp['n1']['W'][:, :D]), t(lp['n1']['W'][:, D:]),
                row(lp['n1']['b']), t(lp['n2']['W']), row(lp['n2']['b']),
                t(p['mu']['W']), row(p['mu']['b']),
                t(p['lv']['W']), row(p['lv']['b']), eps)

    zsp, zdp, zsn, zdn = _sc_gather_dec(
        zp, decg(masked_edges[0]), decg(masked_edges[1]),
        decg(neg_edges[0]), decg(neg_edges[1]))
    pos_out, neg_out = _dec_call(zsp, zdp, zsn, zdn,
                                 t(p['dec0']['W']), row(p['dec0']['b']),
                                 t(p['dec1']['W']), row(p['dec1']['b']))
    return (z, mu, lv, pos_out, neg_out)

# --- scband reference (transcript-rebuilt; emitter-appended) ---
"""Pipeline reference for scband-mask-gae-88364657148160 (READ-ONLY COPY).

The authoritative reference and input builder live on the scoring server;
editing this copy changes nothing except your own understanding.
"""

import jax, jax.numpy as jnp
import numpy as np

N_NODES = 10000
N_EDGES = 160000
N_MASKED = 112000
D_FEAT = 128
D_EDGE = 16
LATENT = 64


def _linear(x, p):
    y = x @ p['W'].T
    if 'b' in p:
        y = y + p['b']
    return y


def _layernorm(x, p, eps=1e-5):
    mu = x.mean(-1, keepdims=True)
    var = ((x - mu) ** 2).mean(-1, keepdims=True)
    return (x - mu) / jnp.sqrt(var + eps) * p['g'] + p['b']


def _silu(x):
    return x * jax.nn.sigmoid(x)


def _init_lin(key, din, dout, bias=True):
    k1, k2 = jax.random.split(key)
    s = 1.0 / np.sqrt(din)
    p = {'W': jax.random.uniform(k1, (dout, din), minval=-s, maxval=s, dtype=jnp.float32)}
    if bias:
        p['b'] = jax.random.uniform(k2, (dout,), minval=-s, maxval=s, dtype=jnp.float32)
    return p


def _init_ln(d):
    return {'g': jnp.ones((d,), jnp.float32), 'b': jnp.zeros((d,), jnp.float32)}


def _init_params(key):
    ks = jax.random.split(key, 24)
    C = D_FEAT
    p = {}
    # Encoder.initial_node_embedding: Linear, LN, GELU, Drop, Linear, LN, GELU, Drop
    p['emb1'] = _init_lin(ks[0], C, C)
    p['emb_ln1'] = _init_ln(C)
    p['emb2'] = _init_lin(ks[1], C, C)
    p['emb_ln2'] = _init_ln(C)
    # GraphConv layer_norm (shared across layers)
    p['gc_ln'] = _init_ln(C)
    # 2 EGNNConv layers (DGL EGNNConv: edge_mlp, node_mlp, coord_mlp)
    layers = []
    for i in range(2):
        kk = jax.random.split(ks[2 + i], 6)
        layers.append({
            'e1': _init_lin(kk[0], 2 * C + D_EDGE + 1, C),
            'e2': _init_lin(kk[1], C, C),
            'n1': _init_lin(kk[2], 2 * C, C),
            'n2': _init_lin(kk[3], C, C),
            'c1': _init_lin(kk[4], C, C),
            'c2': _init_lin(kk[5], C, 1, bias=False),
        })
    p['egnn'] = layers
    p['mu'] = _init_lin(ks[4], C, LATENT)
    p['lv'] = _init_lin(ks[5], C, LATENT)
    # EdgeDecoder: Linear(latent, channels), Linear(channels, n_input_feats)
    p['dec0'] = _init_lin(ks[6], LATENT, C)
    p['dec1'] = _init_lin(ks[7], C, C)
    return p


def _egnn_conv(lp, h, x, edge_feat, src, dst, n_nodes):
    x_diff = x[src] - x[dst]
    radial = jnp.sum(x_diff ** 2, axis=-1, keepdims=True)
    m = jnp.concatenate([h[src], h[dst], radial, edge_feat], axis=-1)
    m = _silu(_linear(m, lp['e1']))
    m = _silu(_linear(m, lp['e2']))
    coord_w = _linear(_silu(_linear(m, lp['c1'])), lp['c2'])
    msg_x = coord_w * x_diff
    h_neigh = jax.ops.segment_sum(m, dst, num_segments=n_nodes)
    cnt = jax.ops.segment_sum(jnp.ones((dst.shape[0],), jnp.float32), dst, num_segments=n_nodes)
    cnt = jnp.maximum(cnt, 1.0)
    x_neigh = jax.ops.segment_sum(msg_x, dst, num_segments=n_nodes) / cnt[:, None]
    h_out = _linear(_silu(_linear(jnp.concatenate([h, h_neigh], axis=-1), lp['n1'])), lp['n2'])
    x_out = x + x_neigh
    return h_out, x_out


def _edge_decoder(z, edges, params):
    # x = z[src] * z[dst]; dropout (eval=identity) -> Linear -> ReLU -> Linear -> sigmoid
    x = z[edges[0]] * z[edges[1]]
    x = jax.nn.relu(_linear(x, params['dec0']))
    x = _linear(x, params['dec1'])
    return jax.nn.sigmoid(x)


def _forward(node_feat, xyz, edge_feat, params, edge_index, masked_edges, neg_edges):
    # initial node embedding (dropout = identity in eval)
    h = _linear(node_feat, params['emb1'])
    h = jax.nn.gelu(_layernorm(h, params['emb_ln1']))
    h = _linear(h, params['emb2'])
    h = jax.nn.gelu(_layernorm(h, params['emb_ln2']))
    # GraphConv: 2 EGNN layers over all edges, layernorm between layers
    src = edge_index[0]
    dst = edge_index[1]
    x = xyz
    n_layers = len(params['egnn'])
    for i in range(n_layers):
        h, x = _egnn_conv(params['egnn'][i], h, x, edge_feat, src, dst, N_NODES)
        if i != n_layers - 1:
            h = _layernorm(h, params['gc_ln'])
    mu = _linear(h, params['mu'])
    logvar = _linear(h, params['lv'])
    std = jnp.exp(logvar)
    eps = jax.random.uniform(jax.random.key(42), std.shape, dtype=jnp.float32)
    z = eps * std + mu
    pos_out = _edge_decoder(z, masked_edges, params)
    neg_out = _edge_decoder(z, neg_edges, params)
    return (z, mu, logvar, pos_out, neg_out)


def setup_inputs(seed: int = 0) -> dict:
    key = jax.random.key(seed)
    ks = jax.random.split(key, 8)
    node_feat = jax.random.normal(ks[0], (N_NODES, D_FEAT), dtype=jnp.float32)
    xyz = jax.random.normal(ks[1], (N_NODES, 3), dtype=jnp.float32)
    edge_feat = jax.random.normal(ks[2], (N_EDGES, D_EDGE), dtype=jnp.float32)
    edge_index = jax.random.randint(ks[3], (2, N_EDGES), 0, N_NODES).astype(jnp.int64)
    masked_edges = jax.random.randint(ks[4], (2, N_MASKED), 0, N_NODES).astype(jnp.int64)
    neg_edges = jax.random.randint(ks[5], (2, N_MASKED), 0, N_NODES).astype(jnp.int64)
    params = _init_params(ks[6])
    return {'node_feat': node_feat, 'xyz': xyz, 'edge_feat': edge_feat,
            'edge_index': edge_index, 'masked_edges': masked_edges,
            'neg_edges': neg_edges, 'params': params}


def reference(node_feat, xyz, edge_feat, edge_index, masked_edges, neg_edges, params):
    return _forward(node_feat, xyz, edge_feat, params, edge_index, masked_edges, neg_edges)

if __name__ == "__main__":
    import jax
    _d = setup_inputs()
    print(jax.jit(kernel)(*tuple(_d.values())))

</pallas_src>

<mosaic_0001>
#map = affine_map<(d0, d1) -> (0, 0)>
#map1 = affine_map<(d0, d1) -> (0, 0, 0)>
module attributes {stable_mosaic.version = 14 : i64} {
  func.func @k(%arg0: i32, %arg1: i32, %arg2: memref<10000x128xi32, #tpu.memory_space<hbm>>, %arg3: memref<10000x128xi32, #tpu.memory_space<hbm>>, %arg4: memref<32x80x64xi32, #tpu.memory_space<hbm>>, %arg5: memref<32x80x64xi32, #tpu.memory_space<hbm>>, %arg6: memref<163840x128xi32, #tpu.memory_space<hbm>>, %arg7: memref<163840x128xi32, #tpu.memory_space<hbm>>, %arg8: memref<80x64xi32, #tpu.memory_space<vmem>>, %arg9: memref<80x64xi32, #tpu.memory_space<vmem>>, %arg10: memref<64x128xi32, #tpu.memory_space<vmem>>, %arg11: memref<64x128xi32, #tpu.memory_space<vmem>>, %arg12: memref<64x128xi32, #tpu.memory_space<vmem>>, %arg13: memref<64x128xi32, #tpu.memory_space<vmem>>, %arg14: memref<!tpu.dma_semaphore, #tpu.memory_space<semaphore_mem>>, %arg15: memref<!tpu.dma_semaphore, #tpu.memory_space<semaphore_mem>>) attributes {dimension_semantics = [#tpu.dimension_semantics<core_parallel>, #tpu.dimension_semantics<subcore_parallel>], iteration_bounds = array<i64: 2, 16>, scalar_prefetch = 0 : i64, scratch_operands = 8 : i64, tpu.core_type = #tpu.core_type<sc_vector_subcore>, window_params = [{transform_indices = #map}, {transform_indices = #map}, {transform_indices = #map1}, {transform_indices = #map1}, {transform_indices = #map}, {transform_indices = #map}]} {
    %mul3A = arith.constant 16 : i32
    %mul3A_0 = arith.muli %arg0, %mul3A : i32
    %add3A = arith.addi %mul3A_0, %arg1 : i32
    %mul3A_1 = arith.constant 80 : i32
    %mul3A_2 = arith.muli %add3A, %mul3A_1 : i32
    "tpu.region"() ({
      %run_scoped3A = tpu.sem_alloc : memref<!tpu.dma_semaphore, #tpu.memory_space<semaphore_mem>>
      %dma_start3A = arith.constant 0 : i32
      %dma_start3A_9 = arith.constant 0 : i32
      %dma_start3A_10 = tpu.memref_slice %arg4[%add3A, %dma_start3A, %dma_start3A_9] : memref<32x80x64xi32, #tpu.memory_space<hbm>> -> memref<1x80x64xi32, #tpu.memory_space<hbm>>
      %dma_start3A_11 = tpu.memref_squeeze %dma_start3A_10 : memref<1x80x64xi32, #tpu.memory_space<hbm>> -> memref<80x64xi32, #tpu.memory_space<hbm>>
      %dma_start3A_12 = arith.constant 0 : i32
      %dma_start3A_13 = arith.constant 0 : i32
      %dma_start3A_14 = tpu.memref_slice %arg4[%add3A, %dma_start3A_12, %dma_start3A_13] : memref<32x80x64xi32, #tpu.memory_space<hbm>> -> memref<1x80x64xi32, #tpu.memory_space<hbm>>
      %dma_start3A_15 = tpu.memref_squeeze %dma_start3A_14 : memref<1x80x64xi32, #tpu.memory_space<hbm>> -> memref<80x64xi32, #tpu.memory_space<hbm>>
      tpu.enqueue_dma source(%dma_start3A_15 : memref<80x64xi32, #tpu.memory_space<hbm>>) target(%arg8 : memref<80x64xi32, #tpu.memory_space<vmem>>) target_semaphore(%run_scoped3A : memref<!tpu.dma_semaphore, #tpu.memory_space<semaphore_mem>>)
      %dma_wait3A = arith.constant 0 : i32
      %dma_wait3A_16 = arith.constant 0 : i32
      %dma_wait3A_17 = tpu.memref_slice %arg4[%add3A, %dma_wait3A, %dma_wait3A_16] : memref<32x80x64xi32, #tpu.memory_space<hbm>> -> memref<1x80x64xi32, #tpu.memory_space<hbm>>
      %dma_wait3A_18 = tpu.memref_squeeze %dma_wait3A_17 : memref<1x80x64xi32, #tpu.memory_space<hbm>> -> memref<80x64xi32, #tpu.memory_space<hbm>>
      %dma_wait3A_19 = arith.constant 0 : i32
      %dma_wait3A_20 = arith.constant 0 : i32
      %dma_wait3A_21 = tpu.memref_slice %arg4[%add3A, %dma_wait3A_19, %dma_wait3A_20] : memref<32x80x64xi32, #tpu.memory_space<hbm>> -> memref<1x80x64xi32, #tpu.memory_space<hbm>>
      %dma_wait3A_22 = tpu.memref_squeeze %dma_wait3A_21 : memref<1x80x64xi32, #tpu.memory_space<hbm>> -> memref<80x64xi32, #tpu.memory_space<hbm>>
      tpu.wait_dma2 semaphore(%run_scoped3A : memref<!tpu.dma_semaphore, #tpu.memory_space<semaphore_mem>>) src(%dma_wait3A_22 : memref<80x64xi32, #tpu.memory_space<hbm>>) dst(%arg8 : memref<80x64xi32, #tpu.memory_space<vmem>>)
      tpu.yield
    }) : () -> ()
    "tpu.region"() ({
      %run_scoped3A = tpu.sem_alloc : memref<!tpu.dma_semaphore, #tpu.memory_space<semaphore_mem>>
      %dma_start3A = arith.constant 0 : i32
      %dma_start3A_9 = arith.constant 0 : i32
      %dma_start3A_10 = tpu.memref_slice %arg5[%add3A, %dma_start3A, %dma_start3A_9] : memref<32x80x64xi32, #tpu.memory_space<hbm>> -> memref<1x80x64xi32, #tpu.memory_space<hbm>>
      %dma_start3A_11 = tpu.memref_squeeze %dma_start3A_10 : memref<1x80x64xi32, #tpu.memory_space<hbm>> -> memref<80x64xi32, #tpu.memory_space<hbm>>
      %dma_start3A_12 = arith.constant 0 : i32
      %dma_start3A_13 = arith.constant 0 : i32
      %dma_start3A_14 = tpu.memref_slice %arg5[%add3A, %dma_start3A_12, %dma_start3A_13] : memref<32x80x64xi32, #tpu.memory_space<hbm>> -> memref<1x80x64xi32, #tpu.memory_space<hbm>>
      %dma_start3A_15 = tpu.memref_squeeze %dma_start3A_14 : memref<1x80x64xi32, #tpu.memory_space<hbm>> -> memref<80x64xi32, #tpu.memory_space<hbm>>
      tpu.enqueue_dma source(%dma_start3A_15 : memref<80x64xi32, #tpu.memory_space<hbm>>) target(%arg9 : memref<80x64xi32, #tpu.memory_space<vmem>>) target_semaphore(%run_scoped3A : memref<!tpu.dma_semaphore, #tpu.memory_space<semaphore_mem>>)
      %dma_wait3A = arith.constant 0 : i32
      %dma_wait3A_16 = arith.constant 0 : i32
      %dma_wait3A_17 = tpu.memref_slice %arg5[%add3A, %dma_wait3A, %dma_wait3A_16] : memref<32x80x64xi32, #tpu.memory_space<hbm>> -> memref<1x80x64xi32, #tpu.memory_space<hbm>>
      %dma_wait3A_18 = tpu.memref_squeeze %dma_wait3A_17 : memref<1x80x64xi32, #tpu.memory_space<hbm>> -> memref<80x64xi32, #tpu.memory_space<hbm>>
      %dma_wait3A_19 = arith.constant 0 : i32
      %dma_wait3A_20 = arith.constant 0 : i32
      %dma_wait3A_21 = tpu.memref_slice %arg5[%add3A, %dma_wait3A_19, %dma_wait3A_20] : memref<32x80x64xi32, #tpu.memory_space<hbm>> -> memref<1x80x64xi32, #tpu.memory_space<hbm>>
      %dma_wait3A_22 = tpu.memref_squeeze %dma_wait3A_21 : memref<1x80x64xi32, #tpu.memory_space<hbm>> -> memref<80x64xi32, #tpu.memory_space<hbm>>
      tpu.wait_dma2 semaphore(%run_scoped3A : memref<!tpu.dma_semaphore, #tpu.memory_space<semaphore_mem>>) src(%dma_wait3A_22 : memref<80x64xi32, #tpu.memory_space<hbm>>) dst(%arg9 : memref<80x64xi32, #tpu.memory_space<vmem>>)
      tpu.yield
    }) : () -> ()
    %scan3A = arith.constant 0 : i32
    %scan3A_3 = arith.constant 0 : i32
    %scan3A_4 = arith.constant 40 : i32
    %scan3A_5 = arith.addi %scan3A_3, %scan3A_4 : i32
    %scan3A_6 = arith.constant 1 : i32
    %scan3A_7 = scf.for %scan3A_9 = %scan3A_3 to %scan3A_5 step %scan3A_6 iter_args(%scan3A_10 = %scan3A) -> (i32)  : i32 {
      %mul3A_11 = arith.constant 2 : i32
      %mul3A_12 = arith.muli %mul3A_11, %scan3A_9 : i32
      %add3A_13 = arith.constant 1 : i32
      %add3A_14 = arith.addi %mul3A_12, %add3A_13 : i32
      %dma_start3A = arith.constant 0 : i32
      %dma_start3A_15 = tpu.memref_slice %arg8[%mul3A_12, %dma_start3A] : memref<80x64xi32, #tpu.memory_space<vmem>> -> memref<1x64xi32, #tpu.memory_space<vmem>>
      %dma_start3A_16 = tpu.memref_squeeze %dma_start3A_15 : memref<1x64xi32, #tpu.memory_space<vmem>> -> memref<64xi32, #tpu.memory_space<vmem>>
      %dma_start3A_17 = arith.constant 0 : i32
      %dma_start3A_18 = arith.constant 0 : i32
      %dma_start3A_19 = tpu.memref_slice %arg2[%dma_start3A_17, %dma_start3A_18] : memref<10000x128xi32, #tpu.memory_space<hbm>> -> memref<10000x128xi32, #tpu.memory_space<hbm>>
      tpu.enqueue_indirect_dma source(%dma_start3A_19 : memref<10000x128xi32, #tpu.memory_space<hbm>>) target(%arg10 : memref<64x128xi32, #tpu.memory_space<vmem>>) offsets(%dma_start3A_16 : memref<64xi32, #tpu.memory_space<vmem>>) semaphore(%arg14 : memref<!tpu.dma_semaphore, #tpu.memory_space<semaphore_mem>>)
      %dma_start3A_20 = arith.constant 0 : i32
      %dma_start3A_21 = tpu.memref_slice %arg9[%mul3A_12, %dma_start3A_20] : memref<80x64xi32, #tpu.memory_space<vmem>> -> memref<1x64xi32, #tpu.memory_space<vmem>>
      %dma_start3A_22 = tpu.memref_squeeze %dma_start3A_21 : memref<1x64xi32, #tpu.memory_space<vmem>> -> memref<64xi32, #tpu.memory_space<vmem>>
      %dma_start3A_23 = arith.constant 0 : i32
      %dma_start3A_24 = arith.constant 0 : i32
      %dma_start3A_25 = tpu.memref_slice %arg3[%dma_start3A_23, %dma_start3A_24] : memref<10000x128xi32, #tpu.memory_space<hbm>> -> memref<10000x128xi32, #tpu.memory_space<hbm>>
      tpu.enqueue_indirect_dma source(%dma_start3A_25 : memref<10000x128xi32, #tpu.memory_space<hbm>>) target(%arg11 : memref<64x128xi32, #tpu.memory_space<vmem>>) offsets(%dma_start3A_22 : memref<64xi32, #tpu.memory_space<vmem>>) semaphore(%arg14 : memref<!tpu.dma_semaphore, #tpu.memory_space<semaphore_mem>>)
      %dma_start3A_26 = arith.constant 0 : i32
      %dma_start3A_27 = tpu.memref_slice %arg8[%add3A_14, %dma_start3A_26] : memref<80x64xi32, #tpu.memory_space<vmem>> -> memref<1x64xi32, #tpu.memory_space<vmem>>
      %dma_start3A_28 = tpu.memref_squeeze %dma_start3A_27 : memref<1x64xi32, #tpu.memory_space<vmem>> -> memref<64xi32, #tpu.memory_space<vmem>>
      %dma_start3A_29 = arith.constant 0 : i32
      %dma_start3A_30 = arith.constant 0 : i32
      %dma_start3A_31 = tpu.memref_slice %arg2[%dma_start3A_29, %dma_start3A_30] : memref<10000x128xi32, #tpu.memory_space<hbm>> -> memref<10000x128xi32, #tpu.memory_space<hbm>>
      tpu.enqueue_indirect_dma source(%dma_start3A_31 : memref<10000x128xi32, #tpu.memory_space<hbm>>) target(%arg12 : memref<64x128xi32, #tpu.memory_space<vmem>>) offsets(%dma_start3A_28 : memref<64xi32, #tpu.memory_space<vmem>>) semaphore(%arg14 : memref<!tpu.dma_semaphore, #tpu.memory_space<semaphore_mem>>)
      %dma_start3A_32 = arith.constant 0 : i32
      %dma_start3A_33 = tpu.memref_slice %arg9[%add3A_14, %dma_start3A_32] : memref<80x64xi32, #tpu.memory_space<vmem>> -> memref<1x64xi32, #tpu.memory_space<vmem>>
      %dma_start3A_34 = tpu.memref_squeeze %dma_start3A_33 : memref<1x64xi32, #tpu.memory_space<vmem>> -> memref<64xi32, #tpu.memory_space<vmem>>
      %dma_start3A_35 = arith.constant 0 : i32
      %dma_start3A_36 = arith.constant 0 : i32
      %dma_start3A_37 = tpu.memref_slice %arg3[%dma_start3A_35, %dma_start3A_36] : memref<10000x128xi32, #tpu.memory_space<hbm>> -> memref<10000x128xi32, #tpu.memory_space<hbm>>
      tpu.enqueue_indirect_dma source(%dma_start3A_37 : memref<10000x128xi32, #tpu.memory_space<hbm>>) target(%arg13 : memref<64x128xi32, #tpu.memory_space<vmem>>) offsets(%dma_start3A_34 : memref<64xi32, #tpu.memory_space<vmem>>) semaphore(%arg14 : memref<!tpu.dma_semaphore, #tpu.memory_space<semaphore_mem>>)
      %dma_wait3A = arith.constant 0 : i32
      %dma_wait3A_38 = tpu.memref_slice %arg8[%mul3A_12, %dma_wait3A] : memref<80x64xi32, #tpu.memory_space<vmem>> -> memref<1x64xi32, #tpu.memory_space<vmem>>
      %dma_wait3A_39 = tpu.memref_squeeze %dma_wait3A_38 : memref<1x64xi32, #tpu.memory_space<vmem>> -> memref<64xi32, #tpu.memory_space<vmem>>
      %dma_wait3A_40 = arith.constant 0 : i32
      %dma_wait3A_41 = arith.constant 0 : i32
      %dma_wait3A_42 = tpu.memref_slice %arg2[%dma_wait3A_40, %dma_wait3A_41] : memref<10000x128xi32, #tpu.memory_space<hbm>> -> memref<10000x128xi32, #tpu.memory_space<hbm>>
      tpu.wait_indirect_dma semaphore(%arg14 : memref<!tpu.dma_semaphore, #tpu.memory_space<semaphore_mem>>) src(%dma_wait3A_42 : memref<10000x128xi32, #tpu.memory_space<hbm>>) dst(%arg10 : memref<64x128xi32, #tpu.memory_space<vmem>>)
      %dma_wait3A_43 = arith.constant 0 : i32
      %dma_wait3A_44 = tpu.memref_slice %arg9[%mul3A_12, %dma_wait3A_43] : memref<80x64xi32, #tpu.memory_space<vmem>> -> memref<1x64xi32, #tpu.memory_space<vmem>>
      %dma_wait3A_45 = tpu.memref_squeeze %dma_wait3A_44 : memref<1x64xi32, #tpu.memory_space<vmem>> -> memref<64xi32, #tpu.memory_space<vmem>>
      %dma_wait3A_46 = arith.constant 0 : i32
      %dma_wait3A_47 = arith.constant 0 : i32
      %dma_wait3A_48 = tpu.memref_slice %arg3[%dma_wait3A_46, %dma_wait3A_47] : memref<10000x128xi32, #tpu.memory_space<hbm>> -> memref<10000x128xi32, #tpu.memory_space<hbm>>
      tpu.wait_indirect_dma semaphore(%arg14 : memref<!tpu.dma_semaphore, #tpu.memory_space<semaphore_mem>>) src(%dma_wait3A_48 : memref<10000x128xi32, #tpu.memory_space<hbm>>) dst(%arg11 : memref<64x128xi32, #tpu.memory_space<vmem>>)
      %dma_wait3A_49 = arith.constant 0 : i32
      %dma_wait3A_50 = tpu.memref_slice %arg8[%add3A_14, %dma_wait3A_49] : memref<80x64xi32, #tpu.memory_space<vmem>> -> memref<1x64xi32, #tpu.memory_space<vmem>>
      %dma_wait3A_51 = tpu.memref_squeeze %dma_wait3A_50 : memref<1x64xi32, #tpu.memory_space<vmem>> -> memref<64xi32, #tpu.memory_space<vmem>>
      %dma_wait3A_52 = arith.constant 0 : i32
      %dma_wait3A_53 = arith.constant 0 : i32
      %dma_wait3A_54 = tpu.memref_slice %arg2[%dma_wait3A_52, %dma_wait3A_53] : memref<10000x128xi32, #tpu.memory_space<hbm>> -> memref<10000x128xi32, #tpu.memory_space<hbm>>
      tpu.wait_indirect_dma semaphore(%arg14 : memref<!tpu.dma_semaphore, #tpu.memory_space<semaphore_mem>>) src(%dma_wait3A_54 : memref<10000x128xi32, #tpu.memory_space<hbm>>) dst(%arg12 : memref<64x128xi32, #tpu.memory_space<vmem>>)
      %dma_wait3A_55 = arith.constant 0 : i32
      %dma_wait3A_56 = tpu.memref_slice %arg9[%add3A_14, %dma_wait3A_55] : memref<80x64xi32, #tpu.memory_space<vmem>> -> memref<1x64xi32, #tpu.memory_space<vmem>>
      %dma_wait3A_57 = tpu.memref_squeeze %dma_wait3A_56 : memref<1x64xi32, #tpu.memory_space<vmem>> -> memref<64xi32, #tpu.memory_space<vmem>>
      %dma_wait3A_58 = arith.constant 0 : i32
      %dma_wait3A_59 = arith.constant 0 : i32
      %dma_wait3A_60 = tpu.memref_slice %arg3[%dma_wait3A_58, %dma_wait3A_59] : memref<10000x128xi32, #tpu.memory_space<hbm>> -> memref<10000x128xi32, #tpu.memory_space<hbm>>
      tpu.wait_indirect_dma semaphore(%arg14 : memref<!tpu.dma_semaphore, #tpu.memory_space<semaphore_mem>>) src(%dma_wait3A_60 : memref<10000x128xi32, #tpu.memory_space<hbm>>) dst(%arg13 : memref<64x128xi32, #tpu.memory_space<vmem>>)
      %add3A_61 = arith.addi %mul3A_2, %mul3A_12 : i32
      %mul3A_62 = arith.constant 64 : i32
      %mul3A_63 = arith.muli %add3A_61, %mul3A_62 : i32
      %dma_start3A_64 = arith.constant 0 : i32
      %dma_start3A_65 = tpu.memref_slice %arg6[%mul3A_63, %dma_start3A_64] : memref<163840x128xi32, #tpu.memory_space<hbm>> -> memref<64x128xi32, #tpu.memory_space<hbm>>
      %dma_start3A_66 = arith.constant 0 : i32
      %dma_start3A_67 = tpu.memref_slice %arg6[%mul3A_63, %dma_start3A_66] : memref<163840x128xi32, #tpu.memory_space<hbm>> -> memref<64x128xi32, #tpu.memory_space<hbm>>
      tpu.enqueue_dma source(%arg10 : memref<64x128xi32, #tpu.memory_space<vmem>>) target(%dma_start3A_67 : memref<64x128xi32, #tpu.memory_space<hbm>>) target_semaphore(%arg15 : memref<!tpu.dma_semaphore, #tpu.memory_space<semaphore_mem>>)
      %dma_start3A_68 = arith.constant 0 : i32
      %dma_start3A_69 = tpu.memref_slice %arg7[%mul3A_63, %dma_start3A_68] : memref<163840x128xi32, #tpu.memory_space<hbm>> -> memref<64x128xi32, #tpu.memory_space<hbm>>
      %dma_start3A_70 = arith.constant 0 : i32
      %dma_start3A_71 = tpu.memref_slice %arg7[%mul3A_63, %dma_start3A_70] : memref<163840x128xi32, #tpu.memory_space<hbm>> -> memref<64x128xi32, #tpu.memory_space<hbm>>
      tpu.enqueue_dma source(%arg11 : memref<64x128xi32, #tpu.memory_space<vmem>>) target(%dma_start3A_71 : memref<64x128xi32, #tpu.memory_space<hbm>>) target_semaphore(%arg15 : memref<!tpu.dma_semaphore, #tpu.memory_space<semaphore_mem>>)
      %add3A_72 = arith.addi %mul3A_2, %add3A_14 : i32
      %mul3A_73 = arith.constant 64 : i32
      %mul3A_74 = arith.muli %add3A_72, %mul3A_73 : i32
      %dma_start3A_75 = arith.constant 0 : i32
      %dma_start3A_76 = tpu.memref_slice %arg6[%mul3A_74, %dma_start3A_75] : memref<163840x128xi32, #tpu.memory_space<hbm>> -> memref<64x128xi32, #tpu.memory_space<hbm>>
      %dma_start3A_77 = arith.constant 0 : i32
      %dma_start3A_78 = tpu.memref_slice %arg6[%mul3A_74, %dma_start3A_77] : memref<163840x128xi32, #tpu.memory_space<hbm>> -> memref<64x128xi32, #tpu.memory_space<hbm>>
      tpu.enqueue_dma source(%arg12 : memref<64x128xi32, #tpu.memory_space<vmem>>) target(%dma_start3A_78 : memref<64x128xi32, #tpu.memory_space<hbm>>) target_semaphore(%arg15 : memref<!tpu.dma_semaphore, #tpu.memory_space<semaphore_mem>>)
      %dma_start3A_79 = arith.constant 0 : i32
      %dma_start3A_80 = tpu.memref_slice %arg7[%mul3A_74, %dma_start3A_79] : memref<163840x128xi32, #tpu.memory_space<hbm>> -> memref<64x128xi32, #tpu.memory_space<hbm>>
      %dma_start3A_81 = arith.constant 0 : i32
      %dma_start3A_82 = tpu.memref_slice %arg7[%mul3A_74, %dma_start3A_81] : memref<163840x128xi32, #tpu.memory_space<hbm>> -> memref<64x128xi32, #tpu.memory_space<hbm>>
      tpu.enqueue_dma source(%arg13 : memref<64x128xi32, #tpu.memory_space<vmem>>) target(%dma_start3A_82 : memref<64x128xi32, #tpu.memory_space<hbm>>) target_semaphore(%arg15 : memref<!tpu.dma_semaphore, #tpu.memory_space<semaphore_mem>>)
      %dma_wait3A_83 = arith.constant 0 : i32
      %dma_wait3A_84 = tpu.memref_slice %arg6[%mul3A_63, %dma_wait3A_83] : memref<163840x128xi32, #tpu.memory_space<hbm>> -> memref<64x128xi32, #tpu.memory_space<hbm>>
      %dma_wait3A_85 = arith.constant 0 : i32
      %dma_wait3A_86 = tpu.memref_slice %arg6[%mul3A_63, %dma_wait3A_85] : memref<163840x128xi32, #tpu.memory_space<hbm>> -> memref<64x128xi32, #tpu.memory_space<hbm>>
      tpu.wait_dma2 semaphore(%arg15 : memref<!tpu.dma_semaphore, #tpu.memory_space<semaphore_mem>>) src(%arg10 : memref<64x128xi32, #tpu.memory_space<vmem>>) dst(%dma_wait3A_86 : memref<64x128xi32, #tpu.memory_space<hbm>>)
      %dma_wait3A_87 = arith.constant 0 : i32
      %dma_wait3A_88 = tpu.memref_slice %arg7[%mul3A_63, %dma_wait3A_87] : memref<163840x128xi32, #tpu.memory_space<hbm>> -> memref<64x128xi32, #tpu.memory_space<hbm>>
      %dma_wait3A_89 = arith.constant 0 : i32
      %dma_wait3A_90 = tpu.memref_slice %arg7[%mul3A_63, %dma_wait3A_89] : memref<163840x128xi32, #tpu.memory_space<hbm>> -> memref<64x128xi32, #tpu.memory_space<hbm>>
      tpu.wait_dma2 semaphore(%arg15 : memref<!tpu.dma_semaphore, #tpu.memory_space<semaphore_mem>>) src(%arg11 : memref<64x128xi32, #tpu.memory_space<vmem>>) dst(%dma_wait3A_90 : memref<64x128xi32, #tpu.memory_space<hbm>>)
      %dma_wait3A_91 = arith.constant 0 : i32
      %dma_wait3A_92 = tpu.memref_slice %arg6[%mul3A_74, %dma_wait3A_91] : memref<163840x128xi32, #tpu.memory_space<hbm>> -> memref<64x128xi32, #tpu.memory_space<hbm>>
      %dma_wait3A_93 = arith.constant 0 : i32
      %dma_wait3A_94 = tpu.memref_slice %arg6[%mul3A_74, %dma_wait3A_93] : memref<163840x128xi32, #tpu.memory_space<hbm>> -> memref<64x128xi32, #tpu.memory_space<hbm>>
      tpu.wait_dma2 semaphore(%arg15 : memref<!tpu.dma_semaphore, #tpu.memory_space<semaphore_mem>>) src(%arg12 : memref<64x128xi32, #tpu.memory_space<vmem>>) dst(%dma_wait3A_94 : memref<64x128xi32, #tpu.memory_space<hbm>>)
      %dma_wait3A_95 = arith.constant 0 : i32
      %dma_wait3A_96 = tpu.memref_slice %arg7[%mul3A_74, %dma_wait3A_95] : memref<163840x128xi32, #tpu.memory_space<hbm>> -> memref<64x128xi32, #tpu.memory_space<hbm>>
      %dma_wait3A_97 = arith.constant 0 : i32
      %dma_wait3A_98 = tpu.memref_slice %arg7[%mul3A_74, %dma_wait3A_97] : memref<163840x128xi32, #tpu.memory_space<hbm>> -> memref<64x128xi32, #tpu.memory_space<hbm>>
      tpu.wait_dma2 semaphore(%arg15 : memref<!tpu.dma_semaphore, #tpu.memory_space<semaphore_mem>>) src(%arg13 : memref<64x128xi32, #tpu.memory_space<vmem>>) dst(%dma_wait3A_98 : memref<64x128xi32, #tpu.memory_space<hbm>>)
      %scan3A_99 = arith.constant 0 : i32
      scf.yield %scan3A_99 : i32
    }
    %scan3A_8 = arith.constant 40 : i32
    return
  }
}

#map = affine_map<(d0, d1) -> (0, 0)>
#map1 = affine_map<(d0, d1) -> (0, 0, 0)>
module attributes {stable_mosaic.version = 14 : i64} {
  func.func @k(%arg0: i32, %arg1: i32, %arg2: memref<10000x128xi32, #tpu.memory_space<hbm>>, %arg3: memref<10000x128xi32, #tpu.memory_space<hbm>>, %arg4: memref<32x80x64xi32, #tpu.memory_space<hbm>>, %arg5: memref<32x80x64xi32, #tpu.memory_space<hbm>>, %arg6: memref<163840x128xi32, #tpu.memory_space<hbm>>, %arg7: memref<163840x128xi32, #tpu.memory_space<hbm>>, %arg8: memref<80x64xi32, #tpu.memory_space<vmem>>, %arg9: memref<80x64xi32, #tpu.memory_space<vmem>>, %arg10: memref<64x128xi32, #tpu.memory_space<vmem>>, %arg11: memref<64x128xi32, #tpu.memory_space<vmem>>, %arg12: memref<64x128xi32, #tpu.memory_space<vmem>>, %arg13: memref<64x128xi32, #tpu.memory_space<vmem>>, %arg14: memref<!tpu.dma_semaphore, #tpu.memory_space<semaphore_mem>>, %arg15: memref<!tpu.dma_semaphore, #tpu.memory_space<semaphore_mem>>) attributes {dimension_semantics = [#tpu.dimension_semantics<core_parallel>, #tpu.dimension_semantics<subcore_parallel>], iteration_bounds = array<i64: 2, 16>, scalar_prefetch = 0 : i64, scratch_operands = 8 : i64, tpu.core_type = #tpu.core_type<sc_vector_subcore>, window_params = [{transform_indices = #map}, {transform_indices = #map}, {transform_indices = #map1}, {transform_indices = #map1}, {transform_indices = #map}, {transform_indices = #map}]} {
    %mul3A = arith.constant 16 : i32
    %mul3A_0 = arith.muli %arg0, %mul3A : i32
    %add3A = arith.addi %mul3A_0, %arg1 : i32
    %mul3A_1 = arith.constant 80 : i32
    %mul3A_2 = arith.muli %add3A, %mul3A_1 : i32
    "tpu.region"() ({
      %run_scoped3A = tpu.sem_alloc : memref<!tpu.dma_semaphore, #tpu.memory_space<semaphore_mem>>
      %dma_start3A = arith.constant 0 : i32
      %dma_start3A_9 = arith.constant 0 : i32
      %dma_start3A_10 = tpu.memref_slice %arg4[%add3A, %dma_start3A, %dma_start3A_9] : memref<32x80x64xi32, #tpu.memory_space<hbm>> -> memref<1x80x64xi32, #tpu.memory_space<hbm>>
      %dma_start3A_11 = tpu.memref_squeeze %dma_start3A_10 : memref<1x80x64xi32, #tpu.memory_space<hbm>> -> memref<80x64xi32, #tpu.memory_space<hbm>>
      %dma_start3A_12 = arith.constant 0 : i32
      %dma_start3A_13 = arith.constant 0 : i32
      %dma_start3A_14 = tpu.memref_slice %arg4[%add3A, %dma_start3A_12, %dma_start3A_13] : memref<32x80x64xi32, #tpu.memory_space<hbm>> -> memref<1x80x64xi32, #tpu.memory_space<hbm>>
      %dma_start3A_15 = tpu.memref_squeeze %dma_start3A_14 : memref<1x80x64xi32, #tpu.memory_space<hbm>> -> memref<80x64xi32, #tpu.memory_space<hbm>>
      tpu.enqueue_dma source(%dma_start3A_15 : memref<80x64xi32, #tpu.memory_space<hbm>>) target(%arg8 : memref<80x64xi32, #tpu.memory_space<vmem>>) target_semaphore(%run_scoped3A : memref<!tpu.dma_semaphore, #tpu.memory_space<semaphore_mem>>)
      %dma_wait3A = arith.constant 0 : i32
      %dma_wait3A_16 = arith.constant 0 : i32
      %dma_wait3A_17 = tpu.memref_slice %arg4[%add3A, %dma_wait3A, %dma_wait3A_16] : memref<32x80x64xi32, #tpu.memory_space<hbm>> -> memref<1x80x64xi32, #tpu.memory_space<hbm>>
      %dma_wait3A_18 = tpu.memref_squeeze %dma_wait3A_17 : memref<1x80x64xi32, #tpu.memory_space<hbm>> -> memref<80x64xi32, #tpu.memory_space<hbm>>
      %dma_wait3A_19 = arith.constant 0 : i32
      %dma_wait3A_20 = arith.constant 0 : i32
      %dma_wait3A_21 = tpu.memref_slice %arg4[%add3A, %dma_wait3A_19, %dma_wait3A_20] : memref<32x80x64xi32, #tpu.memory_space<hbm>> -> memref<1x80x64xi32, #tpu.memory_space<hbm>>
      %dma_wait3A_22 = tpu.memref_squeeze %dma_wait3A_21 : memref<1x80x64xi32, #tpu.memory_space<hbm>> -> memref<80x64xi32, #tpu.memory_space<hbm>>
      tpu.wait_dma2 semaphore(%run_scoped3A : memref<!tpu.dma_semaphore, #tpu.memory_space<semaphore_mem>>) src(%dma_wait3A_22 : memref<80x64xi32, #tpu.memory_space<hbm>>) dst(%arg8 : memref<80x64xi32, #tpu.memory_space<vmem>>)
      tpu.yield
    }) : () -> ()
    "tpu.region"() ({
      %run_scoped3A = tpu.sem_alloc : memref<!tpu.dma_semaphore, #tpu.memory_space<semaphore_mem>>
      %dma_start3A = arith.constant 0 : i32
      %dma_start3A_9 = arith.constant 0 : i32
      %dma_start3A_10 = tpu.memref_slice %arg5[%add3A, %dma_start3A, %dma_start3A_9] : memref<32x80x64xi32, #tpu.memory_space<hbm>> -> memref<1x80x64xi32, #tpu.memory_space<hbm>>
      %dma_start3A_11 = tpu.memref_squeeze %dma_start3A_10 : memref<1x80x64xi32, #tpu.memory_space<hbm>> -> memref<80x64xi32, #tpu.memory_space<hbm>>
      %dma_start3A_12 = arith.constant 0 : i32
      %dma_start3A_13 = arith.constant 0 : i32
      %dma_start3A_14 = tpu.memref_slice %arg5[%add3A, %dma_start3A_12, %dma_start3A_13] : memref<32x80x64xi32, #tpu.memory_space<hbm>> -> memref<1x80x64xi32, #tpu.memory_space<hbm>>
      %dma_start3A_15 = tpu.memref_squeeze %dma_start3A_14 : memref<1x80x64xi32, #tpu.memory_space<hbm>> -> memref<80x64xi32, #tpu.memory_space<hbm>>
      tpu.enqueue_dma source(%dma_start3A_15 : memref<80x64xi32, #tpu.memory_space<hbm>>) target(%arg9 : memref<80x64xi32, #tpu.memory_space<vmem>>) target_semaphore(%run_scoped3A : memref<!tpu.dma_semaphore, #tpu.memory_space<semaphore_mem>>)
      %dma_wait3A = arith.constant 0 : i32
      %dma_wait3A_16 = arith.constant 0 : i32
      %dma_wait3A_17 = tpu.memref_slice %arg5[%add3A, %dma_wait3A, %dma_wait3A_16] : memref<32x80x64xi32, #tpu.memory_space<hbm>> -> memref<1x80x64xi32, #tpu.memory_space<hbm>>
      %dma_wait3A_18 = tpu.memref_squeeze %dma_wait3A_17 : memref<1x80x64xi32, #tpu.memory_space<hbm>> -> memref<80x64xi32, #tpu.memory_space<hbm>>
      %dma_wait3A_19 = arith.constant 0 : i32
      %dma_wait3A_20 = arith.constant 0 : i32
      %dma_wait3A_21 = tpu.memref_slice %arg5[%add3A, %dma_wait3A_19, %dma_wait3A_20] : memref<32x80x64xi32, #tpu.memory_space<hbm>> -> memref<1x80x64xi32, #tpu.memory_space<hbm>>
      %dma_wait3A_22 = tpu.memref_squeeze %dma_wait3A_21 : memref<1x80x64xi32, #tpu.memory_space<hbm>> -> memref<80x64xi32, #tpu.memory_space<hbm>>
      tpu.wait_dma2 semaphore(%run_scoped3A : memref<!tpu.dma_semaphore, #tpu.memory_space<semaphore_mem>>) src(%dma_wait3A_22 : memref<80x64xi32, #tpu.memory_space<hbm>>) dst(%arg9 : memref<80x64xi32, #tpu.memory_space<vmem>>)
      tpu.yield
    }) : () -> ()
    %scan3A = arith.constant 0 : i32
    %scan3A_3 = arith.constant 0 : i32
    %scan3A_4 = arith.constant 40 : i32
    %scan3A_5 = arith.addi %scan3A_3, %scan3A_4 : i32
    %scan3A_6 = arith.constant 1 : i32
    %scan3A_7 = scf.for %scan3A_9 = %scan3A_3 to %scan3A_5 step %scan3A_6 iter_args(%scan3A_10 = %scan3A) -> (i32)  : i32 {
      %mul3A_11 = arith.constant 2 : i32
      %mul3A_12 = arith.muli %mul3A_11, %scan3A_9 : i32
      %add3A_13 = arith.constant 1 : i32
      %add3A_14 = arith.addi %mul3A_12, %add3A_13 : i32
      %dma_start3A = arith.constant 0 : i32
      %dma_start3A_15 = tpu.memref_slice %arg8[%mul3A_12, %dma_start3A] : memref<80x64xi32, #tpu.memory_space<vmem>> -> memref<1x64xi32, #tpu.memory_space<vmem>>
      %dma_start3A_16 = tpu.memref_squeeze %dma_start3A_15 : memref<1x64xi32, #tpu.memory_space<vmem>> -> memref<64xi32, #tpu.memory_space<vmem>>
      %dma_start3A_17 = arith.constant 0 : i32
      %dma_start3A_18 = arith.constant 0 : i32
      %dma_start3A_19 = tpu.memref_slice %arg2[%dma_start3A_17, %dma_start3A_18] : memref<10000x128xi32, #tpu.memory_space<hbm>> -> memref<10000x128xi32, #tpu.memory_space<hbm>>
      tpu.enqueue_indirect_dma source(%dma_start3A_19 : memref<10000x128xi32, #tpu.memory_space<hbm>>) target(%arg10 : memref<64x128xi32, #tpu.memory_space<vmem>>) offsets(%dma_start3A_16 : memref<64xi32, #tpu.memory_space<vmem>>) semaphore(%arg14 : memref<!tpu.dma_semaphore, #tpu.memory_space<semaphore_mem>>)
      %dma_start3A_20 = arith.constant 0 : i32
      %dma_start3A_21 = tpu.memref_slice %arg9[%mul3A_12, %dma_start3A_20] : memref<80x64xi32, #tpu.memory_space<vmem>> -> memref<1x64xi32, #tpu.memory_space<vmem>>
      %dma_start3A_22 = tpu.memref_squeeze %dma_start3A_21 : memref<1x64xi32, #tpu.memory_space<vmem>> -> memref<64xi32, #tpu.memory_space<vmem>>
      %dma_start3A_23 = arith.constant 0 : i32
      %dma_start3A_24 = arith.constant 0 : i32
      %dma_start3A_25 = tpu.memref_slice %arg3[%dma_start3A_23, %dma_start3A_24] : memref<10000x128xi32, #tpu.memory_space<hbm>> -> memref<10000x128xi32, #tpu.memory_space<hbm>>
      tpu.enqueue_indirect_dma source(%dma_start3A_25 : memref<10000x128xi32, #tpu.memory_space<hbm>>) target(%arg11 : memref<64x128xi32, #tpu.memory_space<vmem>>) offsets(%dma_start3A_22 : memref<64xi32, #tpu.memory_space<vmem>>) semaphore(%arg14 : memref<!tpu.dma_semaphore, #tpu.memory_space<semaphore_mem>>)
      %dma_start3A_26 = arith.constant 0 : i32
      %dma_start3A_27 = tpu.memref_slice %arg8[%add3A_14, %dma_start3A_26] : memref<80x64xi32, #tpu.memory_space<vmem>> -> memref<1x64xi32, #tpu.memory_space<vmem>>
      %dma_start3A_28 = tpu.memref_squeeze %dma_start3A_27 : memref<1x64xi32, #tpu.memory_space<vmem>> -> memref<64xi32, #tpu.memory_space<vmem>>
      %dma_start3A_29 = arith.constant 0 : i32
      %dma_start3A_30 = arith.constant 0 : i32
      %dma_start3A_31 = tpu.memref_slice %arg2[%dma_start3A_29, %dma_start3A_30] : memref<10000x128xi32, #tpu.memory_space<hbm>> -> memref<10000x128xi32, #tpu.memory_space<hbm>>
      tpu.enqueue_indirect_dma source(%dma_start3A_31 : memref<10000x128xi32, #tpu.memory_space<hbm>>) target(%arg12 : memref<64x128xi32, #tpu.memory_space<vmem>>) offsets(%dma_start3A_28 : memref<64xi32, #tpu.memory_space<vmem>>) semaphore(%arg14 : memref<!tpu.dma_semaphore, #tpu.memory_space<semaphore_mem>>)
      %dma_start3A_32 = arith.constant 0 : i32
      %dma_start3A_33 = tpu.memref_slice %arg9[%add3A_14, %dma_start3A_32] : memref<80x64xi32, #tpu.memory_space<vmem>> -> memref<1x64xi32, #tpu.memory_space<vmem>>
      %dma_start3A_34 = tpu.memref_squeeze %dma_start3A_33 : memref<1x64xi32, #tpu.memory_space<vmem>> -> memref<64xi32, #tpu.memory_space<vmem>>
      %dma_start3A_35 = arith.constant 0 : i32
      %dma_start3A_36 = arith.constant 0 : i32
      %dma_start3A_37 = tpu.memref_slice %arg3[%dma_start3A_35, %dma_start3A_36] : memref<10000x128xi32, #tpu.memory_space<hbm>> -> memref<10000x128xi32, #tpu.memory_space<hbm>>
      tpu.enqueue_indirect_dma source(%dma_start3A_37 : memref<10000x128xi32, #tpu.memory_space<hbm>>) target(%arg13 : memref<64x128xi32, #tpu.memory_space<vmem>>) offsets(%dma_start3A_34 : memref<64xi32, #tpu.memory_space<vmem>>) semaphore(%arg14 : memref<!tpu.dma_semaphore, #tpu.memory_space<semaphore_mem>>)
      %dma_wait3A = arith.constant 0 : i32
      %dma_wait3A_38 = tpu.memref_slice %arg8[%mul3A_12, %dma_wait3A] : memref<80x64xi32, #tpu.memory_space<vmem>> -> memref<1x64xi32, #tpu.memory_space<vmem>>
      %dma_wait3A_39 = tpu.memref_squeeze %dma_wait3A_38 : memref<1x64xi32, #tpu.memory_space<vmem>> -> memref<64xi32, #tpu.memory_space<vmem>>
      %dma_wait3A_40 = arith.constant 0 : i32
      %dma_wait3A_41 = arith.constant 0 : i32
      %dma_wait3A_42 = tpu.memref_slice %arg2[%dma_wait3A_40, %dma_wait3A_41] : memref<10000x128xi32, #tpu.memory_space<hbm>> -> memref<10000x128xi32, #tpu.memory_space<hbm>>
      tpu.wait_indirect_dma semaphore(%arg14 : memref<!tpu.dma_semaphore, #tpu.memory_space<semaphore_mem>>) src(%dma_wait3A_42 : memref<10000x128xi32, #tpu.memory_space<hbm>>) dst(%arg10 : memref<64x128xi32, #tpu.memory_space<vmem>>)
      %dma_wait3A_43 = arith.constant 0 : i32
      %dma_wait3A_44 = tpu.memref_slice %arg9[%mul3A_12, %dma_wait3A_43] : memref<80x64xi32, #tpu.memory_space<vmem>> -> memref<1x64xi32, #tpu.memory_space<vmem>>
      %dma_wait3A_45 = tpu.memref_squeeze %dma_wait3A_44 : memref<1x64xi32, #tpu.memory_space<vmem>> -> memref<64xi32, #tpu.memory_space<vmem>>
      %dma_wait3A_46 = arith.constant 0 : i32
      %dma_wait3A_47 = arith.constant 0 : i32
      %dma_wait3A_48 = tpu.memref_slice %arg3[%dma_wait3A_46, %dma_wait3A_47] : memref<10000x128xi32, #tpu.memory_space<hbm>> -> memref<10000x128xi32, #tpu.memory_space<hbm>>
      tpu.wait_indirect_dma semaphore(%arg14 : memref<!tpu.dma_semaphore, #tpu.memory_space<semaphore_mem>>) src(%dma_wait3A_48 : memref<10000x128xi32, #tpu.memory_space<hbm>>) dst(%arg11 : memref<64x128xi32, #tpu.memory_space<vmem>>)
      %dma_wait3A_49 = arith.constant 0 : i32
      %dma_wait3A_50 = tpu.memref_slice %arg8[%add3A_14, %dma_wait3A_49] : memref<80x64xi32, #tpu.memory_space<vmem>> -> memref<1x64xi32, #tpu.memory_space<vmem>>
      %dma_wait3A_51 = tpu.memref_squeeze %dma_wait3A_50 : memref<1x64xi32, #tpu.memory_space<vmem>> -> memref<64xi32, #tpu.memory_space<vmem>>
      %dma_wait3A_52 = arith.constant 0 : i32
      %dma_wait3A_53 = arith.constant 0 : i32
      %dma_wait3A_54 = tpu.memref_slice %arg2[%dma_wait3A_52, %dma_wait3A_53] : memref<10000x128xi32, #tpu.memory_space<hbm>> -> memref<10000x128xi32, #tpu.memory_space<hbm>>
      tpu.wait_indirect_dma semaphore(%arg14 : memref<!tpu.dma_semaphore, #tpu.memory_space<semaphore_mem>>) src(%dma_wait3A_54 : memref<10000x128xi32, #tpu.memory_space<hbm>>) dst(%arg12 : memref<64x128xi32, #tpu.memory_space<vmem>>)
      %dma_wait3A_55 = arith.constant 0 : i32
      %dma_wait3A_56 = tpu.memref_slice %arg9[%add3A_14, %dma_wait3A_55] : memref<80x64xi32, #tpu.memory_space<vmem>> -> memref<1x64xi32, #tpu.memory_space<vmem>>
      %dma_wait3A_57 = tpu.memref_squeeze %dma_wait3A_56 : memref<1x64xi32, #tpu.memory_space<vmem>> -> memref<64xi32, #tpu.memory_space<vmem>>
      %dma_wait3A_58 = arith.constant 0 : i32
      %dma_wait3A_59 = arith.constant 0 : i32
      %dma_wait3A_60 = tpu.memref_slice %arg3[%dma_wait3A_58, %dma_wait3A_59] : memref<10000x128xi32, #tpu.memory_space<hbm>> -> memref<10000x128xi32, #tpu.memory_space<hbm>>
      tpu.wait_indirect_dma semaphore(%arg14 : memref<!tpu.dma_semaphore, #tpu.memory_space<semaphore_mem>>) src(%dma_wait3A_60 : memref<10000x128xi32, #tpu.memory_space<hbm>>) dst(%arg13 : memref<64x128xi32, #tpu.memory_space<vmem>>)
      %add3A_61 = arith.addi %mul3A_2, %mul3A_12 : i32
      %mul3A_62 = arith.constant 64 : i32
      %mul3A_63 = arith.muli %add3A_61, %mul3A_62 : i32
      %dma_start3A_64 = arith.constant 0 : i32
      %dma_start3A_65 = tpu.memref_slice %arg6[%mul3A_63, %dma_start3A_64] : memref<163840x128xi32, #tpu.memory_space<hbm>> -> memref<64x128xi32, #tpu.memory_space<hbm>>
      %dma_start3A_66 = arith.constant 0 : i32
      %dma_start3A_67 = tpu.memref_slice %arg6[%mul3A_63, %dma_start3A_66] : memref<163840x128xi32, #tpu.memory_space<hbm>> -> memref<64x128xi32, #tpu.memory_space<hbm>>
      tpu.enqueue_dma source(%arg10 : memref<64x128xi32, #tpu.memory_space<vmem>>) target(%dma_start3A_67 : memref<64x128xi32, #tpu.memory_space<hbm>>) target_semaphore(%arg15 : memref<!tpu.dma_semaphore, #tpu.memory_space<semaphore_mem>>)
      %dma_start3A_68 = arith.constant 0 : i32
      %dma_start3A_69 = tpu.memref_slice %arg7[%mul3A_63, %dma_start3A_68] : memref<163840x128xi32, #tpu.memory_space<hbm>> -> memref<64x128xi32, #tpu.memory_space<hbm>>
      %dma_start3A_70 = arith.constant 0 : i32
      %dma_start3A_71 = tpu.memref_slice %arg7[%mul3A_63, %dma_start3A_70] : memref<163840x128xi32, #tpu.memory_space<hbm>> -> memref<64x128xi32, #tpu.memory_space<hbm>>
      tpu.enqueue_dma source(%arg11 : memref<64x128xi32, #tpu.memory_space<vmem>>) target(%dma_start3A_71 : memref<64x128xi32, #tpu.memory_space<hbm>>) target_semaphore(%arg15 : memref<!tpu.dma_semaphore, #tpu.memory_space<semaphore_mem>>)
      %add3A_72 = arith.addi %mul3A_2, %add3A_14 : i32
      %mul3A_73 = arith.constant 64 : i32
      %mul3A_74 = arith.muli %add3A_72, %mul3A_73 : i32
      %dma_start3A_75 = arith.constant 0 : i32
      %dma_start3A_76 = tpu.memref_slice %arg6[%mul3A_74, %dma_start3A_75] : memref<163840x128xi32, #tpu.memory_space<hbm>> -> memref<64x128xi32, #tpu.memory_space<hbm>>
      %dma_start3A_77 = arith.constant 0 : i32
      %dma_start3A_78 = tpu.memref_slice %arg6[%mul3A_74, %dma_start3A_77] : memref<163840x128xi32, #tpu.memory_space<hbm>> -> memref<64x128xi32, #tpu.memory_space<hbm>>
      tpu.enqueue_dma source(%arg12 : memref<64x128xi32, #tpu.memory_space<vmem>>) target(%dma_start3A_78 : memref<64x128xi32, #tpu.memory_space<hbm>>) target_semaphore(%arg15 : memref<!tpu.dma_semaphore, #tpu.memory_space<semaphore_mem>>)
      %dma_start3A_79 = arith.constant 0 : i32
      %dma_start3A_80 = tpu.memref_slice %arg7[%mul3A_74, %dma_start3A_79] : memref<163840x128xi32, #tpu.memory_space<hbm>> -> memref<64x128xi32, #tpu.memory_space<hbm>>
      %dma_start3A_81 = arith.constant 0 : i32
      %dma_start3A_82 = tpu.memref_slice %arg7[%mul3A_74, %dma_start3A_81] : memref<163840x128xi32, #tpu.memory_space<hbm>> -> memref<64x128xi32, #tpu.memory_space<hbm>>
      tpu.enqueue_dma source(%arg13 : memref<64x128xi32, #tpu.memory_space<vmem>>) target(%dma_start3A_82 : memref<64x128xi32, #tpu.memory_space<hbm>>) target_semaphore(%arg15 : memref<!tpu.dma_semaphore, #tpu.memory_space<semaphore_mem>>)
      %dma_wait3A_83 = arith.constant 0 : i32
      %dma_wait3A_84 = tpu.memref_slice %arg6[%mul3A_63, %dma_wait3A_83] : memref<163840x128xi32, #tpu.memory_space<hbm>> -> memref<64x128xi32, #tpu.memory_space<hbm>>
      %dma_wait3A_85 = arith.constant 0 : i32
      %dma_wait3A_86 = tpu.memref_slice %arg6[%mul3A_63, %dma_wait3A_85] : memref<163840x128xi32, #tpu.memory_space<hbm>> -> memref<64x128xi32, #tpu.memory_space<hbm>>
      tpu.wait_dma2 semaphore(%arg15 : memref<!tpu.dma_semaphore, #tpu.memory_space<semaphore_mem>>) src(%arg10 : memref<64x128xi32, #tpu.memory_space<vmem>>) dst(%dma_wait3A_86 : memref<64x128xi32, #tpu.memory_space<hbm>>)
      %dma_wait3A_87 = arith.constant 0 : i32
      %dma_wait3A_88 = tpu.memref_slice %arg7[%mul3A_63, %dma_wait3A_87] : memref<163840x128xi32, #tpu.memory_space<hbm>> -> memref<64x128xi32, #tpu.memory_space<hbm>>
      %dma_wait3A_89 = arith.constant 0 : i32
      %dma_wait3A_90 = tpu.memref_slice %arg7[%mul3A_63, %dma_wait3A_89] : memref<163840x128xi32, #tpu.memory_space<hbm>> -> memref<64x128xi32, #tpu.memory_space<hbm>>
      tpu.wait_dma2 semaphore(%arg15 : memref<!tpu.dma_semaphore, #tpu.memory_space<semaphore_mem>>) src(%arg11 : memref<64x128xi32, #tpu.memory_space<vmem>>) dst(%dma_wait3A_90 : memref<64x128xi32, #tpu.memory_space<hbm>>)
      %dma_wait3A_91 = arith.constant 0 : i32
      %dma_wait3A_92 = tpu.memref_slice %arg6[%mul3A_74, %dma_wait3A_91] : memref<163840x128xi32, #tpu.memory_space<hbm>> -> memref<64x128xi32, #tpu.memory_space<hbm>>
      %dma_wait3A_93 = arith.constant 0 : i32
      %dma_wait3A_94 = tpu.memref_slice %arg6[%mul3A_74, %dma_wait3A_93] : memref<163840x128xi32, #tpu.memory_space<hbm>> -> memref<64x128xi32, #tpu.memory_space<hbm>>
      tpu.wait_dma2 semaphore(%arg15 : memref<!tpu.dma_semaphore, #tpu.memory_space<semaphore_mem>>) src(%arg12 : memref<64x128xi32, #tpu.memory_space<vmem>>) dst(%dma_wait3A_94 : memref<64x128xi32, #tpu.memory_space<hbm>>)
      %dma_wait3A_95 = arith.constant 0 : i32
      %dma_wait3A_96 = tpu.memref_slice %arg7[%mul3A_74, %dma_wait3A_95] : memref<163840x128xi32, #tpu.memory_space<hbm>> -> memref<64x128xi32, #tpu.memory_space<hbm>>
      %dma_wait3A_97 = arith.constant 0 : i32
      %dma_wait3A_98 = tpu.memref_slice %arg7[%mul3A_74, %dma_wait3A_97] : memref<163840x128xi32, #tpu.memory_space<hbm>> -> memref<64x128xi32, #tpu.memory_space<hbm>>
      tpu.wait_dma2 semaphore(%arg15 : memref<!tpu.dma_semaphore, #tpu.memory_space<semaphore_mem>>) src(%arg13 : memref<64x128xi32, #tpu.memory_space<vmem>>) dst(%dma_wait3A_98 : memref<64x128xi32, #tpu.memory_space<hbm>>)
      %scan3A_99 = arith.constant 0 : i32
      scf.yield %scan3A_99 : i32
    }
    %scan3A_8 = arith.constant 40 : i32
    return
  }
}

#map = affine_map<(d0, d1) -> (0, 0)>
#map1 = affine_map<(d0, d1) -> (0, 0, 0)>
module attributes {stable_mosaic.version = 14 : i64} {
  func.func @k(%arg0: i32, %arg1: i32, %arg2: memref<10000x128xf32, #tpu.memory_space<hbm>>, %arg3: memref<32x28x128xi32, #tpu.memory_space<hbm>>, %arg4: memref<32x28x128xi32, #tpu.memory_space<hbm>>, %arg5: memref<32x28x128xi32, #tpu.memory_space<hbm>>, %arg6: memref<32x28x128xi32, #tpu.memory_space<hbm>>, %arg7: memref<114688x128xf32, #tpu.memory_space<hbm>>, %arg8: memref<114688x128xf32, #tpu.memory_space<hbm>>, %arg9: memref<114688x128xf32, #tpu.memory_space<hbm>>, %arg10: memref<114688x128xf32, #tpu.memory_space<hbm>>, %arg11: memref<28x128xi32, #tpu.memory_space<vmem>>, %arg12: memref<28x128xi32, #tpu.memory_space<vmem>>, %arg13: memref<28x128xi32, #tpu.memory_space<vmem>>, %arg14: memref<28x128xi32, #tpu.memory_space<vmem>>, %arg15: memref<128x128xf32, #tpu.memory_space<vmem>>, %arg16: memref<128x128xf32, #tpu.memory_space<vmem>>, %arg17: memref<128x128xf32, #tpu.memory_space<vmem>>, %arg18: memref<128x128xf32, #tpu.memory_space<vmem>>, %arg19: memref<!tpu.dma_semaphore, #tpu.memory_space<semaphore_mem>>, %arg20: memref<!tpu.dma_semaphore, #tpu.memory_space<semaphore_mem>>) attributes {dimension_semantics = [#tpu.dimension_semantics<core_parallel>, #tpu.dimension_semantics<subcore_parallel>], iteration_bounds = array<i64: 2, 16>, scalar_prefetch = 0 : i64, scratch_operands = 10 : i64, tpu.core_type = #tpu.core_type<sc_vector_subcore>, window_params = [{transform_indices = #map}, {transform_indices = #map1}, {transform_indices = #map1}, {transform_indices = #map1}, {transform_indices = #map1}, {transform_indices = #map}, {transform_indices = #map}, {transform_indices = #map}, {transform_indices = #map}]} {
    %mul3A = arith.constant 16 : i32
    %mul3A_0 = arith.muli %arg0, %mul3A : i32
    %add3A = arith.addi %mul3A_0, %arg1 : i32
    %mul3A_1 = arith.constant 28 : i32
    %mul3A_2 = arith.muli %add3A, %mul3A_1 : i32
    "tpu.region"() ({
      %run_scoped3A = tpu.sem_alloc : memref<!tpu.dma_semaphore, #tpu.memory_space<semaphore_mem>>
      %dma_start3A = arith.constant 0 : i32
      %dma_start3A_9 = arith.constant 0 : i32
      %dma_start3A_10 = tpu.memref_slice %arg3[%add3A, %dma_start3A, %dma_start3A_9] : memref<32x28x128xi32, #tpu.memory_space<hbm>> -> memref<1x28x128xi32, #tpu.memory_space<hbm>>
      %dma_start3A_11 = tpu.memref_squeeze %dma_start3A_10 : memref<1x28x128xi32, #tpu.memory_space<hbm>> -> memref<28x128xi32, #tpu.memory_space<hbm>>
      %dma_start3A_12 = arith.constant 0 : i32
      %dma_start3A_13 = arith.constant 0 : i32
      %dma_start3A_14 = tpu.memref_slice %arg3[%add3A, %dma_start3A_12, %dma_start3A_13] : memref<32x28x128xi32, #tpu.memory_space<hbm>> -> memref<1x28x128xi32, #tpu.memory_space<hbm>>
      %dma_start3A_15 = tpu.memref_squeeze %dma_start3A_14 : memref<1x28x128xi32, #tpu.memory_space<hbm>> -> memref<28x128xi32, #tpu.memory_space<hbm>>
      tpu.enqueue_dma source(%dma_start3A_15 : memref<28x128xi32, #tpu.memory_space<hbm>>) target(%arg11 : memref<28x128xi32, #tpu.memory_space<vmem>>) target_semaphore(%run_scoped3A : memref<!tpu.dma_semaphore, #tpu.memory_space<semaphore_mem>>)
      %dma_wait3A = arith.constant 0 : i32
      %dma_wait3A_16 = arith.constant 0 : i32
      %dma_wait3A_17 = tpu.memref_slice %arg3[%add3A, %dma_wait3A, %dma_wait3A_16] : memref<32x28x128xi32, #tpu.memory_space<hbm>> -> memref<1x28x128xi32, #tpu.memory_space<hbm>>
      %dma_wait3A_18 = tpu.memref_squeeze %dma_wait3A_17 : memref<1x28x128xi32, #tpu.memory_space<hbm>> -> memref<28x128xi32, #tpu.memory_space<hbm>>
      %dma_wait3A_19 = arith.constant 0 : i32
      %dma_wait3A_20 = arith.constant 0 : i32
      %dma_wait3A_21 = tpu.memref_slice %arg3[%add3A, %dma_wait3A_19, %dma_wait3A_20] : memref<32x28x128xi32, #tpu.memory_space<hbm>> -> memref<1x28x128xi32, #tpu.memory_space<hbm>>
      %dma_wait3A_22 = tpu.memref_squeeze %dma_wait3A_21 : memref<1x28x128xi32, #tpu.memory_space<hbm>> -> memref<28x128xi32, #tpu.memory_space<hbm>>
      tpu.wait_dma2 semaphore(%run_scoped3A : memref<!tpu.dma_semaphore, #tpu.memory_space<semaphore_mem>>) src(%dma_wait3A_22 : memref<28x128xi32, #tpu.memory_space<hbm>>) dst(%arg11 : memref<28x128xi32, #tpu.memory_space<vmem>>)
      tpu.yield
    }) : () -> ()
    "tpu.region"() ({
      %run_scoped3A = tpu.sem_alloc : memref<!tpu.dma_semaphore, #tpu.memory_space<semaphore_mem>>
      %dma_start3A = arith.constant 0 : i32
      %dma_start3A_9 = arith.constant 0 : i32
      %dma_start3A_10 = tpu.memref_slice %arg4[%add3A, %dma_start3A, %dma_start3A_9] : memref<32x28x128xi32, #tpu.memory_space<hbm>> -> memref<1x28x128xi32, #tpu.memory_space<hbm>>
      %dma_start3A_11 = tpu.memref_squeeze %dma_start3A_10 : memref<1x28x128xi32, #tpu.memory_space<hbm>> -> memref<28x128xi32, #tpu.memory_space<hbm>>
      %dma_start3A_12 = arith.constant 0 : i32
      %dma_start3A_13 = arith.constant 0 : i32
      %dma_start3A_14 = tpu.memref_slice %arg4[%add3A, %dma_start3A_12, %dma_start3A_13] : memref<32x28x128xi32, #tpu.memory_space<hbm>> -> memref<1x28x128xi32, #tpu.memory_space<hbm>>
      %dma_start3A_15 = tpu.memref_squeeze %dma_start3A_14 : memref<1x28x128xi32, #tpu.memory_space<hbm>> -> memref<28x128xi32, #tpu.memory_space<hbm>>
      tpu.enqueue_dma source(%dma_start3A_15 : memref<28x128xi32, #tpu.memory_space<hbm>>) target(%arg12 : memref<28x128xi32, #tpu.memory_space<vmem>>) target_semaphore(%run_scoped3A : memref<!tpu.dma_semaphore, #tpu.memory_space<semaphore_mem>>)
      %dma_wait3A = arith.constant 0 : i32
      %dma_wait3A_16 = arith.constant 0 : i32
      %dma_wait3A_17 = tpu.memref_slice %arg4[%add3A, %dma_wait3A, %dma_wait3A_16] : memref<32x28x128xi32, #tpu.memory_space<hbm>> -> memref<1x28x128xi32, #tpu.memory_space<hbm>>
      %dma_wait3A_18 = tpu.memref_squeeze %dma_wait3A_17 : memref<1x28x128xi32, #tpu.memory_space<hbm>> -> memref<28x128xi32, #tpu.memory_space<hbm>>
      %dma_wait3A_19 = arith.constant 0 : i32
      %dma_wait3A_20 = arith.constant 0 : i32
      %dma_wait3A_21 = tpu.memref_slice %arg4[%add3A, %dma_wait3A_19, %dma_wait3A_20] : memref<32x28x128xi32, #tpu.memory_space<hbm>> -> memref<1x28x128xi32, #tpu.memory_space<hbm>>
      %dma_wait3A_22 = tpu.memref_squeeze %dma_wait3A_21 : memref<1x28x128xi32, #tpu.memory_space<hbm>> -> memref<28x128xi32, #tpu.memory_space<hbm>>
      tpu.wait_dma2 semaphore(%run_scoped3A : memref<!tpu.dma_semaphore, #tpu.memory_space<semaphore_mem>>) src(%dma_wait3A_22 : memref<28x128xi32, #tpu.memory_space<hbm>>) dst(%arg12 : memref<28x128xi32, #tpu.memory_space<vmem>>)
      tpu.yield
    }) : () -> ()
    "tpu.region"() ({
      %run_scoped3A = tpu.sem_alloc : memref<!tpu.dma_semaphore, #tpu.memory_space<semaphore_mem>>
      %dma_start3A = arith.constant 0 : i32
      %dma_start3A_9 = arith.constant 0 : i32
      %dma_start3A_10 = tpu.memref_slice %arg5[%add3A, %dma_start3A, %dma_start3A_9] : memref<32x28x128xi32, #tpu.memory_space<hbm>> -> memref<1x28x128xi32, #tpu.memory_space<hbm>>
      %dma_start3A_11 = tpu.memref_squeeze %dma_start3A_10 : memref<1x28x128xi32, #tpu.memory_space<hbm>> -> memref<28x128xi32, #tpu.memory_space<hbm>>
      %dma_start3A_12 = arith.constant 0 : i32
      %dma_start3A_13 = arith.constant 0 : i32
      %dma_start3A_14 = tpu.memref_slice %arg5[%add3A, %dma_start3A_12, %dma_start3A_13] : memref<32x28x128xi32, #tpu.memory_space<hbm>> -> memref<1x28x128xi32, #tpu.memory_space<hbm>>
      %dma_start3A_15 = tpu.memref_squeeze %dma_start3A_14 : memref<1x28x128xi32, #tpu.memory_space<hbm>> -> memref<28x128xi32, #tpu.memory_space<hbm>>
      tpu.enqueue_dma source(%dma_start3A_15 : memref<28x128xi32, #tpu.memory_space<hbm>>) target(%arg13 : memref<28x128xi32, #tpu.memory_space<vmem>>) target_semaphore(%run_scoped3A : memref<!tpu.dma_semaphore, #tpu.memory_space<semaphore_mem>>)
      %dma_wait3A = arith.constant 0 : i32
      %dma_wait3A_16 = arith.constant 0 : i32
      %dma_wait3A_17 = tpu.memref_slice %arg5[%add3A, %dma_wait3A, %dma_wait3A_16] : memref<32x28x128xi32, #tpu.memory_space<hbm>> -> memref<1x28x128xi32, #tpu.memory_space<hbm>>
      %dma_wait3A_18 = tpu.memref_squeeze %dma_wait3A_17 : memref<1x28x128xi32, #tpu.memory_space<hbm>> -> memref<28x128xi32, #tpu.memory_space<hbm>>
      %dma_wait3A_19 = arith.constant 0 : i32
      %dma_wait3A_20 = arith.constant 0 : i32
      %dma_wait3A_21 = tpu.memref_slice %arg5[%add3A, %dma_wait3A_19, %dma_wait3A_20] : memref<32x28x128xi32, #tpu.memory_space<hbm>> -> memref<1x28x128xi32, #tpu.memory_space<hbm>>
      %dma_wait3A_22 = tpu.memref_squeeze %dma_wait3A_21 : memref<1x28x128xi32, #tpu.memory_space<hbm>> -> memref<28x128xi32, #tpu.memory_space<hbm>>
      tpu.wait_dma2 semaphore(%run_scoped3A : memref<!tpu.dma_semaphore, #tpu.memory_space<semaphore_mem>>) src(%dma_wait3A_22 : memref<28x128xi32, #tpu.memory_space<hbm>>) dst(%arg13 : memref<28x128xi32, #tpu.memory_space<vmem>>)
      tpu.yield
    }) : () -> ()
    "tpu.region"() ({
      %run_scoped3A = tpu.sem_alloc : memref<!tpu.dma_semaphore, #tpu.memory_space<semaphore_mem>>
      %dma_start3A = arith.constant 0 : i32
      %dma_start3A_9 = arith.constant 0 : i32
      %dma_start3A_10 = tpu.memref_slice %arg6[%add3A, %dma_start3A, %dma_start3A_9] : memref<32x28x128xi32, #tpu.memory_space<hbm>> -> memref<1x28x128xi32, #tpu.memory_space<hbm>>
      %dma_start3A_11 = tpu.memref_squeeze %dma_start3A_10 : memref<1x28x128xi32, #tpu.memory_space<hbm>> -> memref<28x128xi32, #tpu.memory_space<hbm>>
      %dma_start3A_12 = arith.constant 0 : i32
      %dma_start3A_13 = arith.constant 0 : i32
      %dma_start3A_14 = tpu.memref_slice %arg6[%add3A, %dma_start3A_12, %dma_start3A_13] : memref<32x28x128xi32, #tpu.memory_space<hbm>> -> memref<1x28x128xi32, #tpu.memory_space<hbm>>
      %dma_start3A_15 = tpu.memref_squeeze %dma_start3A_14 : memref<1x28x128xi32, #tpu.memory_space<hbm>> -> memref<28x128xi32, #tpu.memory_space<hbm>>
      tpu.enqueue_dma source(%dma_start3A_15 : memref<28x128xi32, #tpu.memory_space<hbm>>) target(%arg14 : memref<28x128xi32, #tpu.memory_space<vmem>>) target_semaphore(%run_scoped3A : memref<!tpu.dma_semaphore, #tpu.memory_space<semaphore_mem>>)
      %dma_wait3A = arith.constant 0 : i32
      %dma_wait3A_16 = arith.constant 0 : i32
      %dma_wait3A_17 = tpu.memref_slice %arg6[%add3A, %dma_wait3A, %dma_wait3A_16] : memref<32x28x128xi32, #tpu.memory_space<hbm>> -> memref<1x28x128xi32, #tpu.memory_space<hbm>>
      %dma_wait3A_18 = tpu.memref_squeeze %dma_wait3A_17 : memref<1x28x128xi32, #tpu.memory_space<hbm>> -> memref<28x128xi32, #tpu.memory_space<hbm>>
      %dma_wait3A_19 = arith.constant 0 : i32
      %dma_wait3A_20 = arith.constant 0 : i32
      %dma_wait3A_21 = tpu.memref_slice %arg6[%add3A, %dma_wait3A_19, %dma_wait3A_20] : memref<32x28x128xi32, #tpu.memory_space<hbm>> -> memref<1x28x128xi32, #tpu.memory_space<hbm>>
      %dma_wait3A_22 = tpu.memref_squeeze %dma_wait3A_21 : memref<1x28x128xi32, #tpu.memory_space<hbm>> -> memref<28x128xi32, #tpu.memory_space<hbm>>
      tpu.wait_dma2 semaphore(%run_scoped3A : memref<!tpu.dma_semaphore, #tpu.memory_space<semaphore_mem>>) src(%dma_wait3A_22 : memref<28x128xi32, #tpu.memory_space<hbm>>) dst(%arg14 : memref<28x128xi32, #tpu.memory_space<vmem>>)
      tpu.yield
    }) : () -> ()
    %scan3A = arith.constant 0 : i32
    %scan3A_3 = arith.constant 0 : i32
    %scan3A_4 = arith.constant 28 : i32
    %scan3A_5 = arith.addi %scan3A_3, %scan3A_4 : i32
    %scan3A_6 = arith.constant 1 : i32
    %scan3A_7 = scf.for %scan3A_9 = %scan3A_3 to %scan3A_5 step %scan3A_6 iter_args(%scan3A_10 = %scan3A) -> (i32)  : i32 {
      %add3A_11 = arith.addi %mul3A_2, %scan3A_9 : i32
      %mul3A_12 = arith.constant 128 : i32
      %mul3A_13 = arith.muli %add3A_11, %mul3A_12 : i32
      %dma_start3A = arith.constant 0 : i32
      %dma_start3A_14 = tpu.memref_slice %arg11[%scan3A_9, %dma_start3A] : memref<28x128xi32, #tpu.memory_space<vmem>> -> memref<1x128xi32, #tpu.memory_space<vmem>>
      %dma_start3A_15 = tpu.memref_squeeze %dma_start3A_14 : memref<1x128xi32, #tpu.memory_space<vmem>> -> memref<128xi32, #tpu.memory_space<vmem>>
      %dma_start3A_16 = arith.constant 0 : i32
      %dma_start3A_17 = arith.constant 0 : i32
      %dma_start3A_18 = tpu.memref_slice %arg2[%dma_start3A_16, %dma_start3A_17] : memref<10000x128xf32, #tpu.memory_space<hbm>> -> memref<10000x128xf32, #tpu.memory_space<hbm>>
      tpu.enqueue_indirect_dma source(%dma_start3A_18 : memref<10000x128xf32, #tpu.memory_space<hbm>>) target(%arg15 : memref<128x128xf32, #tpu.memory_space<vmem>>) offsets(%dma_start3A_15 : memref<128xi32, #tpu.memory_space<vmem>>) semaphore(%arg19 : memref<!tpu.dma_semaphore, #tpu.memory_space<semaphore_mem>>)
      %dma_start3A_19 = arith.constant 0 : i32
      %dma_start3A_20 = tpu.memref_slice %arg12[%scan3A_9, %dma_start3A_19] : memref<28x128xi32, #tpu.memory_space<vmem>> -> memref<1x128xi32, #tpu.memory_space<vmem>>
      %dma_start3A_21 = tpu.memref_squeeze %dma_start3A_20 : memref<1x128xi32, #tpu.memory_space<vmem>> -> memref<128xi32, #tpu.memory_space<vmem>>
      %dma_start3A_22 = arith.constant 0 : i32
      %dma_start3A_23 = arith.constant 0 : i32
      %dma_start3A_24 = tpu.memref_slice %arg2[%dma_start3A_22, %dma_start3A_23] : memref<10000x128xf32, #tpu.memory_space<hbm>> -> memref<10000x128xf32, #tpu.memory_space<hbm>>
      tpu.enqueue_indirect_dma source(%dma_start3A_24 : memref<10000x128xf32, #tpu.memory_space<hbm>>) target(%arg16 : memref<128x128xf32, #tpu.memory_space<vmem>>) offsets(%dma_start3A_21 : memref<128xi32, #tpu.memory_space<vmem>>) semaphore(%arg19 : memref<!tpu.dma_semaphore, #tpu.memory_space<semaphore_mem>>)
      %dma_start3A_25 = arith.constant 0 : i32
      %dma_start3A_26 = tpu.memref_slice %arg13[%scan3A_9, %dma_start3A_25] : memref<28x128xi32, #tpu.memory_space<vmem>> -> memref<1x128xi32, #tpu.memory_space<vmem>>
      %dma_start3A_27 = tpu.memref_squeeze %dma_start3A_26 : memref<1x128xi32, #tpu.memory_space<vmem>> -> memref<128xi32, #tpu.memory_space<vmem>>
      %dma_start3A_28 = arith.constant 0 : i32
      %dma_start3A_29 = arith.constant 0 : i32
      %dma_start3A_30 = tpu.memref_slice %arg2[%dma_start3A_28, %dma_start3A_29] : memref<10000x128xf32, #tpu.memory_space<hbm>> -> memref<10000x128xf32, #tpu.memory_space<hbm>>
      tpu.enqueue_indirect_dma source(%dma_start3A_30 : memref<10000x128xf32, #tpu.memory_space<hbm>>) target(%arg17 : memref<128x128xf32, #tpu.memory_space<vmem>>) offsets(%dma_start3A_27 : memref<128xi32, #tpu.memory_space<vmem>>) semaphore(%arg19 : memref<!tpu.dma_semaphore, #tpu.memory_space<semaphore_mem>>)
      %dma_start3A_31 = arith.constant 0 : i32
      %dma_start3A_32 = tpu.memref_slice %arg14[%scan3A_9, %dma_start3A_31] : memref<28x128xi32, #tpu.memory_space<vmem>> -> memref<1x128xi32, #tpu.memory_space<vmem>>
      %dma_start3A_33 = tpu.memref_squeeze %dma_start3A_32 : memref<1x128xi32, #tpu.memory_space<vmem>> -> memref<128xi32, #tpu.memory_space<vmem>>
      %dma_start3A_34 = arith.constant 0 : i32
      %dma_start3A_35 = arith.constant 0 : i32
      %dma_start3A_36 = tpu.memref_slice %arg2[%dma_start3A_34, %dma_start3A_35] : memref<10000x128xf32, #tpu.memory_space<hbm>> -> memref<10000x128xf32, #tpu.memory_space<hbm>>
      tpu.enqueue_indirect_dma source(%dma_start3A_36 : memref<10000x128xf32, #tpu.memory_space<hbm>>) target(%arg18 : memref<128x128xf32, #tpu.memory_space<vmem>>) offsets(%dma_start3A_33 : memref<128xi32, #tpu.memory_space<vmem>>) semaphore(%arg19 : memref<!tpu.dma_semaphore, #tpu.memory_space<semaphore_mem>>)
      %dma_wait3A = arith.constant 0 : i32
      %dma_wait3A_37 = tpu.memref_slice %arg11[%scan3A_9, %dma_wait3A] : memref<28x128xi32, #tpu.memory_space<vmem>> -> memref<1x128xi32, #tpu.memory_space<vmem>>
      %dma_wait3A_38 = tpu.memref_squeeze %dma_wait3A_37 : memref<1x128xi32, #tpu.memory_space<vmem>> -> memref<128xi32, #tpu.memory_space<vmem>>
      %dma_wait3A_39 = arith.constant 0 : i32
      %dma_wait3A_40 = arith.constant 0 : i32
      %dma_wait3A_41 = tpu.memref_slice %arg2[%dma_wait3A_39, %dma_wait3A_40] : memref<10000x128xf32, #tpu.memory_space<hbm>> -> memref<10000x128xf32, #tpu.memory_space<hbm>>
      tpu.wait_indirect_dma semaphore(%arg19 : memref<!tpu.dma_semaphore, #tpu.memory_space<semaphore_mem>>) src(%dma_wait3A_41 : memref<10000x128xf32, #tpu.memory_space<hbm>>) dst(%arg15 : memref<128x128xf32, #tpu.memory_space<vmem>>)
      %dma_wait3A_42 = arith.constant 0 : i32
      %dma_wait3A_43 = tpu.memref_slice %arg12[%scan3A_9, %dma_wait3A_42] : memref<28x128xi32, #tpu.memory_space<vmem>> -> memref<1x128xi32, #tpu.memory_space<vmem>>
      %dma_wait3A_44 = tpu.memref_squeeze %dma_wait3A_43 : memref<1x128xi32, #tpu.memory_space<vmem>> -> memref<128xi32, #tpu.memory_space<vmem>>
      %dma_wait3A_45 = arith.constant 0 : i32
      %dma_wait3A_46 = arith.constant 0 : i32
      %dma_wait3A_47 = tpu.memref_slice %arg2[%dma_wait3A_45, %dma_wait3A_46] : memref<10000x128xf32, #tpu.memory_space<hbm>> -> memref<10000x128xf32, #tpu.memory_space<hbm>>
      tpu.wait_indirect_dma semaphore(%arg19 : memref<!tpu.dma_semaphore, #tpu.memory_space<semaphore_mem>>) src(%dma_wait3A_47 : memref<10000x128xf32, #tpu.memory_space<hbm>>) dst(%arg16 : memref<128x128xf32, #tpu.memory_space<vmem>>)
      %dma_wait3A_48 = arith.constant 0 : i32
      %dma_wait3A_49 = tpu.memref_slice %arg13[%scan3A_9, %dma_wait3A_48] : memref<28x128xi32, #tpu.memory_space<vmem>> -> memref<1x128xi32, #tpu.memory_space<vmem>>
      %dma_wait3A_50 = tpu.memref_squeeze %dma_wait3A_49 : memref<1x128xi32, #tpu.memory_space<vmem>> -> memref<128xi32, #tpu.memory_space<vmem>>
      %dma_wait3A_51 = arith.constant 0 : i32
      %dma_wait3A_52 = arith.constant 0 : i32
      %dma_wait3A_53 = tpu.memref_slice %arg2[%dma_wait3A_51, %dma_wait3A_52] : memref<10000x128xf32, #tpu.memory_space<hbm>> -> memref<10000x128xf32, #tpu.memory_space<hbm>>
      tpu.wait_indirect_dma semaphore(%arg19 : memref<!tpu.dma_semaphore, #tpu.memory_space<semaphore_mem>>) src(%dma_wait3A_53 : memref<10000x128xf32, #tpu.memory_space<hbm>>) dst(%arg17 : memref<128x128xf32, #tpu.memory_space<vmem>>)
      %dma_wait3A_54 = arith.constant 0 : i32
      %dma_wait3A_55 = tpu.memref_slice %arg14[%scan3A_9, %dma_wait3A_54] : memref<28x128xi32, #tpu.memory_space<vmem>> -> memref<1x128xi32, #tpu.memory_space<vmem>>
      %dma_wait3A_56 = tpu.memref_squeeze %dma_wait3A_55 : memref<1x128xi32, #tpu.memory_space<vmem>> -> memref<128xi32, #tpu.memory_space<vmem>>
      %dma_wait3A_57 = arith.constant 0 : i32
      %dma_wait3A_58 = arith.constant 0 : i32
      %dma_wait3A_59 = tpu.memref_slice %arg2[%dma_wait3A_57, %dma_wait3A_58] : memref<10000x128xf32, #tpu.memory_space<hbm>> -> memref<10000x128xf32, #tpu.memory_space<hbm>>
      tpu.wait_indirect_dma semaphore(%arg19 : memref<!tpu.dma_semaphore, #tpu.memory_space<semaphore_mem>>) src(%dma_wait3A_59 : memref<10000x128xf32, #tpu.memory_space<hbm>>) dst(%arg18 : memref<128x128xf32, #tpu.memory_space<vmem>>)
      %dma_start3A_60 = arith.constant 0 : i32
      %dma_start3A_61 = tpu.memref_slice %arg7[%mul3A_13, %dma_start3A_60] : memref<114688x128xf32, #tpu.memory_space<hbm>> -> memref<128x128xf32, #tpu.memory_space<hbm>>
      %dma_start3A_62 = arith.constant 0 : i32
      %dma_start3A_63 = tpu.memref_slice %arg7[%mul3A_13, %dma_start3A_62] : memref<114688x128xf32, #tpu.memory_space<hbm>> -> memref<128x128xf32, #tpu.memory_space<hbm>>
      tpu.enqueue_dma source(%arg15 : memref<128x128xf32, #tpu.memory_space<vmem>>) target(%dma_start3A_63 : memref<128x128xf32, #tpu.memory_space<hbm>>) target_semaphore(%arg20 : memref<!tpu.dma_semaphore, #tpu.memory_space<semaphore_mem>>)
      %dma_start3A_64 = arith.constant 0 : i32
      %dma_start3A_65 = tpu.memref_slice %arg8[%mul3A_13, %dma_start3A_64] : memref<114688x128xf32, #tpu.memory_space<hbm>> -> memref<128x128xf32, #tpu.memory_space<hbm>>
      %dma_start3A_66 = arith.constant 0 : i32
      %dma_start3A_67 = tpu.memref_slice %arg8[%mul3A_13, %dma_start3A_66] : memref<114688x128xf32, #tpu.memory_space<hbm>> -> memref<128x128xf32, #tpu.memory_space<hbm>>
      tpu.enqueue_dma source(%arg16 : memref<128x128xf32, #tpu.memory_space<vmem>>) target(%dma_start3A_67 : memref<128x128xf32, #tpu.memory_space<hbm>>) target_semaphore(%arg20 : memref<!tpu.dma_semaphore, #tpu.memory_space<semaphore_mem>>)
      %dma_start3A_68 = arith.constant 0 : i32
      %dma_start3A_69 = tpu.memref_slice %arg9[%mul3A_13, %dma_start3A_68] : memref<114688x128xf32, #tpu.memory_space<hbm>> -> memref<128x128xf32, #tpu.memory_space<hbm>>
      %dma_start3A_70 = arith.constant 0 : i32
      %dma_start3A_71 = tpu.memref_slice %arg9[%mul3A_13, %dma_start3A_70] : memref<114688x128xf32, #tpu.memory_space<hbm>> -> memref<128x128xf32, #tpu.memory_space<hbm>>
      tpu.enqueue_dma source(%arg17 : memref<128x128xf32, #tpu.memory_space<vmem>>) target(%dma_start3A_71 : memref<128x128xf32, #tpu.memory_space<hbm>>) target_semaphore(%arg20 : memref<!tpu.dma_semaphore, #tpu.memory_space<semaphore_mem>>)
      %dma_start3A_72 = arith.constant 0 : i32
      %dma_start3A_73 = tpu.memref_slice %arg10[%mul3A_13, %dma_start3A_72] : memref<114688x128xf32, #tpu.memory_space<hbm>> -> memref<128x128xf32, #tpu.memory_space<hbm>>
      %dma_start3A_74 = arith.constant 0 : i32
      %dma_start3A_75 = tpu.memref_slice %arg10[%mul3A_13, %dma_start3A_74] : memref<114688x128xf32, #tpu.memory_space<hbm>> -> memref<128x128xf32, #tpu.memory_space<hbm>>
      tpu.enqueue_dma source(%arg18 : memref<128x128xf32, #tpu.memory_space<vmem>>) target(%dma_start3A_75 : memref<128x128xf32, #tpu.memory_space<hbm>>) target_semaphore(%arg20 : memref<!tpu.dma_semaphore, #tpu.memory_space<semaphore_mem>>)
      %dma_wait3A_76 = arith.constant 0 : i32
      %dma_wait3A_77 = tpu.memref_slice %arg7[%mul3A_13, %dma_wait3A_76] : memref<114688x128xf32, #tpu.memory_space<hbm>> -> memref<128x128xf32, #tpu.memory_space<hbm>>
      %dma_wait3A_78 = arith.constant 0 : i32
      %dma_wait3A_79 = tpu.memref_slice %arg7[%mul3A_13, %dma_wait3A_78] : memref<114688x128xf32, #tpu.memory_space<hbm>> -> memref<128x128xf32, #tpu.memory_space<hbm>>
      tpu.wait_dma2 semaphore(%arg20 : memref<!tpu.dma_semaphore, #tpu.memory_space<semaphore_mem>>) src(%arg15 : memref<128x128xf32, #tpu.memory_space<vmem>>) dst(%dma_wait3A_79 : memref<128x128xf32, #tpu.memory_space<hbm>>)
      %dma_wait3A_80 = arith.constant 0 : i32
      %dma_wait3A_81 = tpu.memref_slice %arg8[%mul3A_13, %dma_wait3A_80] : memref<114688x128xf32, #tpu.memory_space<hbm>> -> memref<128x128xf32, #tpu.memory_space<hbm>>
      %dma_wait3A_82 = arith.constant 0 : i32
      %dma_wait3A_83 = tpu.memref_slice %arg8[%mul3A_13, %dma_wait3A_82] : memref<114688x128xf32, #tpu.memory_space<hbm>> -> memref<128x128xf32, #tpu.memory_space<hbm>>
      tpu.wait_dma2 semaphore(%arg20 : memref<!tpu.dma_semaphore, #tpu.memory_space<semaphore_mem>>) src(%arg16 : memref<128x128xf32, #tpu.memory_space<vmem>>) dst(%dma_wait3A_83 : memref<128x128xf32, #tpu.memory_space<hbm>>)
      %dma_wait3A_84 = arith.constant 0 : i32
      %dma_wait3A_85 = tpu.memref_slice %arg9[%mul3A_13, %dma_wait3A_84] : memref<114688x128xf32, #tpu.memory_space<hbm>> -> memref<128x128xf32, #tpu.memory_space<hbm>>
      %dma_wait3A_86 = arith.constant 0 : i32
      %dma_wait3A_87 = tpu.memref_slice %arg9[%mul3A_13, %dma_wait3A_86] : memref<114688x128xf32, #tpu.memory_space<hbm>> -> memref<128x128xf32, #tpu.memory_space<hbm>>
      tpu.wait_dma2 semaphore(%arg20 : memref<!tpu.dma_semaphore, #tpu.memory_space<semaphore_mem>>) src(%arg17 : memref<128x128xf32, #tpu.memory_space<vmem>>) dst(%dma_wait3A_87 : memref<128x128xf32, #tpu.memory_space<hbm>>)
      %dma_wait3A_88 = arith.constant 0 : i32
      %dma_wait3A_89 = tpu.memref_slice %arg10[%mul3A_13, %dma_wait3A_88] : memref<114688x128xf32, #tpu.memory_space<hbm>> -> memref<128x128xf32, #tpu.memory_space<hbm>>
      %dma_wait3A_90 = arith.constant 0 : i32
      %dma_wait3A_91 = tpu.memref_slice %arg10[%mul3A_13, %dma_wait3A_90] : memref<114688x128xf32, #tpu.memory_space<hbm>> -> memref<128x128xf32, #tpu.memory_space<hbm>>
      tpu.wait_dma2 semaphore(%arg20 : memref<!tpu.dma_semaphore, #tpu.memory_space<semaphore_mem>>) src(%arg18 : memref<128x128xf32, #tpu.memory_space<vmem>>) dst(%dma_wait3A_91 : memref<128x128xf32, #tpu.memory_space<hbm>>)
      %scan3A_92 = arith.constant 0 : i32
      scf.yield %scan3A_92 : i32
    }
    %scan3A_8 = arith.constant 28 : i32
    return
  }
}

module attributes {stable_mosaic.version = 14 : i64} {
  func.func @_embed_body(%arg0: i32, %arg1: memref<1000x128xf32, #tpu.memory_space<vmem>>, %arg2: memref<1000x16xf32, #tpu.memory_space<vmem>>, %arg3: memref<128x128xf32, #tpu.memory_space<vmem>>, %arg4: memref<1x128xf32, #tpu.memory_space<vmem>>, %arg5: memref<1x128xf32, #tpu.memory_space<vmem>>, %arg6: memref<1x128xf32, #tpu.memory_space<vmem>>, %arg7: memref<128x128xf32, #tpu.memory_space<vmem>>, %arg8: memref<1x128xf32, #tpu.memory_space<vmem>>, %arg9: memref<1x128xf32, #tpu.memory_space<vmem>>, %arg10: memref<1x128xf32, #tpu.memory_space<vmem>>, %arg11: memref<128x128xf32, #tpu.memory_space<vmem>>, %arg12: memref<128x128xf32, #tpu.memory_space<vmem>>, %arg13: memref<1000x128xf32, #tpu.memory_space<vmem>>, %arg14: memref<1000x128xi32, #tpu.memory_space<vmem>>, %arg15: memref<1000x128xi32, #tpu.memory_space<vmem>>) attributes {dimension_semantics = [#tpu.dimension_semantics<arbitrary>], iteration_bounds = array<i64: 10>, scalar_prefetch = 0 : i64, scratch_operands = 0 : i64, tpu.core_type = #tpu.core_type<tc>, window_params = [{transform_indices = @transform_0, window_bounds = array<i64: 1000, 128>}, {transform_indices = @transform_1, window_bounds = array<i64: 1000, 16>}, {pipeline_mode = #tpu.pipeline_mode<synchronous>, transform_indices = @transform_2, window_bounds = array<i64: 128, 128>}, {pipeline_mode = #tpu.pipeline_mode<synchronous>, transform_indices = @transform_3, window_bounds = array<i64: 1, 128>}, {pipeline_mode = #tpu.pipeline_mode<synchronous>, transform_indices = @transform_4, window_bounds = array<i64: 1, 128>}, {pipeline_mode = #tpu.pipeline_mode<synchronous>, transform_indices = @transform_5, window_bounds = array<i64: 1, 128>}, {pipeline_mode = #tpu.pipeline_mode<synchronous>, transform_indices = @transform_6, window_bounds = array<i64: 128, 128>}, {pipeline_mode = #tpu.pipeline_mode<synchronous>, transform_indices = @transform_7, window_bounds = array<i64: 1, 128>}, {pipeline_mode = #tpu.pipeline_mode<synchronous>, transform_indices = @transform_8, window_bounds = array<i64: 1, 128>}, {pipeline_mode = #tpu.pipeline_mode<synchronous>, transform_indices = @transform_9, window_bounds = array<i64: 1, 128>}, {pipeline_mode = #tpu.pipeline_mode<synchronous>, transform_indices = @transform_10, window_bounds = array<i64: 128, 128>}, {pipeline_mode = #tpu.pipeline_mode<synchronous>, transform_indices = @transform_11, window_bounds = array<i64: 128, 128>}, {transform_indices = @transform_12, window_bounds = array<i64: 1000, 128>}, {transform_indices = @transform_13, window_bounds = array<i64: 1000, 128>}, {transform_indices = @transform_14, window_bounds = array<i64: 1000, 128>}]} {
    %get3A = arith.constant 0 : index
    %get3A_0 = arith.constant 0 : index
    %get3A_1 = vector.load %arg1[%get3A, %get3A_0] : memref<1000x128xf32, #tpu.memory_space<vmem>>, vector<1000x128xf32>
    %get3A_2 = arith.constant 0 : index
    %get3A_3 = arith.constant 0 : index
    %get3A_4 = vector.load %arg3[%get3A_2, %get3A_3] : memref<128x128xf32, #tpu.memory_space<vmem>>, vector<128x128xf32>
    %dot_general3A = arith.constant dense<0.000000e+00> : vector<1000x128xf32>
    %dot_general3A_5 = tpu.matmul %get3A_1, %get3A_4, %dot_general3A {dimension_numbers = #tpu.dot_dimension_numbers<[1], [0], [0], [1], [0, 0, 1, 1], [], []>, transpose_lhs_hint = false} : vector<1000x128xf32>, vector<128x128xf32>, vector<1000x128xf32> -> vector<1000x128xf32>
    %get3A_6 = arith.constant 0 : index
    %get3A_7 = arith.constant 0 : index
    %get3A_8 = vector.load %arg4[%get3A_6, %get3A_7] : memref<1x128xf32, #tpu.memory_space<vmem>>, vector<1x128xf32>
    %add3A = vector.broadcast %get3A_8 : vector<1x128xf32> to vector<1000x128xf32>
    %add3A_9 = arith.addf %dot_general3A_5, %add3A : vector<1000x128xf32>
    %get3A_10 = arith.constant 0 : index
    %get3A_11 = arith.constant 0 : index
    %get3A_12 = vector.load %arg5[%get3A_10, %get3A_11] : memref<1x128xf32, #tpu.memory_space<vmem>>, vector<1x128xf32>
    %get3A_13 = arith.constant 0 : index
    %get3A_14 = arith.constant 0 : index
    %get3A_15 = vector.load %arg6[%get3A_13, %get3A_14] : memref<1x128xf32, #tpu.memory_space<vmem>>, vector<1x128xf32>
    %reduce_sum3A = arith.constant dense<0.000000e+00> : vector<1000xf32>
    %reduce_sum3A_16 = vector.multi_reduction <add>, %add3A_9, %reduce_sum3A [1] : vector<1000x128xf32> to vector<1000xf32>
    %broadcast_in_dim3A = vector.shape_cast %reduce_sum3A_16 : vector<1000xf32> to vector<1000x1xf32>
    %div3A = arith.constant 1.280000e+02 : f32
    %div3A_17 = vector.broadcast %div3A : f32 to vector<1000x1xf32>
    %div3A_18 = arith.divf %broadcast_in_dim3A, %div3A_17 : vector<1000x1xf32>
    %sub3A = vector.broadcast %div3A_18 : vector<1000x1xf32> to vector<1000x128xf32>
    %sub3A_19 = arith.subf %add3A_9, %sub3A : vector<1000x128xf32>
    %integer_pow3A = arith.mulf %sub3A_19, %sub3A_19 : vector<1000x128xf32>
    %reduce_sum3A_20 = arith.constant dense<0.000000e+00> : vector<1000xf32>
    %reduce_sum3A_21 = vector.multi_reduction <add>, %integer_pow3A, %reduce_sum3A_20 [1] : vector<1000x128xf32> to vector<1000xf32>
    %broadcast_in_dim3A_22 = vector.shape_cast %reduce_sum3A_21 : vector<1000xf32> to vector<1000x1xf32>
    %div3A_23 = arith.constant 1.280000e+02 : f32
    %div3A_24 = vector.broadcast %div3A_23 : f32 to vector<1000x1xf32>
    %div3A_25 = arith.divf %broadcast_in_dim3A_22, %div3A_24 : vector<1000x1xf32>
    %sub3A_26 = vector.broadcast %div3A_18 : vector<1000x1xf32> to vector<1000x128xf32>
    %sub3A_27 = arith.subf %add3A_9, %sub3A_26 : vector<1000x128xf32>
    %add3A_28 = arith.constant 9.99999974E-6 : f32
    %add3A_29 = vector.broadcast %add3A_28 : f32 to vector<1000x1xf32>
    %add3A_30 = arith.addf %div3A_25, %add3A_29 : vector<1000x1xf32>
    %sqrt3A = math.sqrt %add3A_30 : vector<1000x1xf32>
    %div3A_31 = vector.broadcast %sqrt3A : vector<1000x1xf32> to vector<1000x128xf32>
    %div3A_32 = arith.divf %sub3A_27, %div3A_31 : vector<1000x128xf32>
    %mul3A = vector.broadcast %get3A_12 : vector<1x128xf32> to vector<1000x128xf32>
    %mul3A_33 = arith.mulf %div3A_32, %mul3A : vector<1000x128xf32>
    %add3A_34 = vector.broadcast %get3A_15 : vector<1x128xf32> to vector<1000x128xf32>
    %add3A_35 = arith.addf %mul3A_33, %add3A_34 : vector<1000x128xf32>
    %integer_pow3A_36 = arith.mulf %add3A_35, %add3A_35 : vector<1000x128xf32>
    %integer_pow3A_37 = arith.mulf %add3A_35, %integer_pow3A_36 : vector<1000x128xf32>
    %mul3A_38 = arith.constant 4.471500e-02 : f32
    %mul3A_39 = vector.broadcast %mul3A_38 : f32 to vector<1000x128xf32>
    %mul3A_40 = arith.mulf %mul3A_39, %integer_pow3A_37 : vector<1000x128xf32>
    %add3A_41 = arith.addf %add3A_35, %mul3A_40 : vector<1000x128xf32>
    %mul3A_42 = arith.constant 0.797884583 : f32
    %mul3A_43 = vector.broadcast %mul3A_42 : f32 to vector<1000x128xf32>
    %mul3A_44 = arith.mulf %mul3A_43, %add3A_41 : vector<1000x128xf32>
    %tanh3A = math.tanh %mul3A_44 : vector<1000x128xf32>
    %add3A_45 = arith.constant 1.000000e+00 : f32
    %add3A_46 = vector.broadcast %add3A_45 : f32 to vector<1000x128xf32>
    %add3A_47 = arith.addf %add3A_46, %tanh3A : vector<1000x128xf32>
    %mul3A_48 = arith.constant 5.000000e-01 : f32
    %mul3A_49 = vector.broadcast %mul3A_48 : f32 to vector<1000x128xf32>
    %mul3A_50 = arith.mulf %mul3A_49, %add3A_47 : vector<1000x128xf32>
    %mul3A_51 = arith.mulf %add3A_35, %mul3A_50 : vector<1000x128xf32>
    %get3A_52 = arith.constant 0 : index
    %get3A_53 = arith.constant 0 : index
    %get3A_54 = vector.load %arg7[%get3A_52, %get3A_53] : memref<128x128xf32, #tpu.memory_space<vmem>>, vector<128x128xf32>
    %dot_general3A_55 = arith.constant dense<0.000000e+00> : vector<1000x128xf32>
    %dot_general3A_56 = tpu.matmul %mul3A_51, %get3A_54, %dot_general3A_55 {dimension_numbers = #tpu.dot_dimension_numbers<[1], [0], [0], [1], [0, 0, 1, 1], [], []>, transpose_lhs_hint = false} : vector<1000x128xf32>, vector<128x128xf32>, vector<1000x128xf32> -> vector<1000x128xf32>
    %get3A_57 = arith.constant 0 : index
    %get3A_58 = arith.constant 0 : index
    %get3A_59 = vector.load %arg8[%get3A_57, %get3A_58] : memref<1x128xf32, #tpu.memory_space<vmem>>, vector<1x128xf32>
    %add3A_60 = vector.broadcast %get3A_59 : vector<1x128xf32> to vector<1000x128xf32>
    %add3A_61 = arith.addf %dot_general3A_56, %add3A_60 : vector<1000x128xf32>
    %get3A_62 = arith.constant 0 : index
    %get3A_63 = arith.constant 0 : index
    %get3A_64 = vector.load %arg9[%get3A_62, %get3A_63] : memref<1x128xf32, #tpu.memory_space<vmem>>, vector<1x128xf32>
    %get3A_65 = arith.constant 0 : index
    %get3A_66 = arith.constant 0 : index
    %get3A_67 = vector.load %arg10[%get3A_65, %get3A_66] : memref<1x128xf32, #tpu.memory_space<vmem>>, vector<1x128xf32>
    %reduce_sum3A_68 = arith.constant dense<0.000000e+00> : vector<1000xf32>
    %reduce_sum3A_69 = vector.multi_reduction <add>, %add3A_61, %reduce_sum3A_68 [1] : vector<1000x128xf32> to vector<1000xf32>
    %broadcast_in_dim3A_70 = vector.shape_cast %reduce_sum3A_69 : vector<1000xf32> to vector<1000x1xf32>
    %div3A_71 = arith.constant 1.280000e+02 : f32
    %div3A_72 = vector.broadcast %div3A_71 : f32 to vector<1000x1xf32>
    %div3A_73 = arith.divf %broadcast_in_dim3A_70, %div3A_72 : vector<1000x1xf32>
    %sub3A_74 = vector.broadcast %div3A_73 : vector<1000x1xf32> to vector<1000x128xf32>
    %sub3A_75 = arith.subf %add3A_61, %sub3A_74 : vector<1000x128xf32>
    %integer_pow3A_76 = arith.mulf %sub3A_75, %sub3A_75 : vector<1000x128xf32>
    %reduce_sum3A_77 = arith.constant dense<0.000000e+00> : vector<1000xf32>
    %reduce_sum3A_78 = vector.multi_reduction <add>, %integer_pow3A_76, %reduce_sum3A_77 [1] : vector<1000x128xf32> to vector<1000xf32>
    %broadcast_in_dim3A_79 = vector.shape_cast %reduce_sum3A_78 : vector<1000xf32> to vector<1000x1xf32>
    %div3A_80 = arith.constant 1.280000e+02 : f32
    %div3A_81 = vector.broadcast %div3A_80 : f32 to vector<1000x1xf32>
    %div3A_82 = arith.divf %broadcast_in_dim3A_79, %div3A_81 : vector<1000x1xf32>
    %sub3A_83 = vector.broadcast %div3A_73 : vector<1000x1xf32> to vector<1000x128xf32>
    %sub3A_84 = arith.subf %add3A_61, %sub3A_83 : vector<1000x128xf32>
    %add3A_85 = arith.constant 9.99999974E-6 : f32
    %add3A_86 = vector.broadcast %add3A_85 : f32 to vector<1000x1xf32>
    %add3A_87 = arith.addf %div3A_82, %add3A_86 : vector<1000x1xf32>
    %sqrt3A_88 = math.sqrt %add3A_87 : vector<1000x1xf32>
    %div3A_89 = vector.broadcast %sqrt3A_88 : vector<1000x1xf32> to vector<1000x128xf32>
    %div3A_90 = arith.divf %sub3A_84, %div3A_89 : vector<1000x128xf32>
    %mul3A_91 = vector.broadcast %get3A_64 : vector<1x128xf32> to vector<1000x128xf32>
    %mul3A_92 = arith.mulf %div3A_90, %mul3A_91 : vector<1000x128xf32>
    %add3A_93 = vector.broadcast %get3A_67 : vector<1x128xf32> to vector<1000x128xf32>
    %add3A_94 = arith.addf %mul3A_92, %add3A_93 : vector<1000x128xf32>
    %integer_pow3A_95 = arith.mulf %add3A_94, %add3A_94 : vector<1000x128xf32>
    %integer_pow3A_96 = arith.mulf %add3A_94, %integer_pow3A_95 : vector<1000x128xf32>
    %mul3A_97 = arith.constant 4.471500e-02 : f32
    %mul3A_98 = vector.broadcast %mul3A_97 : f32 to vector<1000x128xf32>
    %mul3A_99 = arith.mulf %mul3A_98, %integer_pow3A_96 : vector<1000x128xf32>
    %add3A_100 = arith.addf %add3A_94, %mul3A_99 : vector<1000x128xf32>
    %mul3A_101 = arith.constant 0.797884583 : f32
    %mul3A_102 = vector.broadcast %mul3A_101 : f32 to vector<1000x128xf32>
    %mul3A_103 = arith.mulf %mul3A_102, %add3A_100 : vector<1000x128xf32>
    %tanh3A_104 = math.tanh %mul3A_103 : vector<1000x128xf32>
    %add3A_105 = arith.constant 1.000000e+00 : f32
    %add3A_106 = vector.broadcast %add3A_105 : f32 to vector<1000x128xf32>
    %add3A_107 = arith.addf %add3A_106, %tanh3A_104 : vector<1000x128xf32>
    %mul3A_108 = arith.constant 5.000000e-01 : f32
    %mul3A_109 = vector.broadcast %mul3A_108 : f32 to vector<1000x128xf32>
    %mul3A_110 = arith.mulf %mul3A_109, %add3A_107 : vector<1000x128xf32>
    %mul3A_111 = arith.mulf %add3A_94, %mul3A_110 : vector<1000x128xf32>
    %swap3A = arith.constant 0 : index
    %swap3A_112 = arith.constant 0 : index
    %swap3A_113 = vector.load %arg13[%swap3A, %swap3A_112] : memref<1000x128xf32, #tpu.memory_space<vmem>>, vector<1000x128xf32>
    tpu.vector_store %arg13[%swap3A, %swap3A_112], %mul3A_111 {strides = array<i32>} : memref<1000x128xf32, #tpu.memory_space<vmem>>, vector<1000x128xf32>,
    %get3A_114 = arith.constant 0 : index
    %get3A_115 = arith.constant 0 : index
    %get3A_116 = vector.load %arg11[%get3A_114, %get3A_115] : memref<128x128xf32, #tpu.memory_space<vmem>>, vector<128x128xf32>
    %dot_general3A_117 = arith.constant dense<0.000000e+00> : vector<1000x128xf32>
    %dot_general3A_118 = tpu.matmul %mul3A_111, %get3A_116, %dot_general3A_117 {dimension_numbers = #tpu.dot_dimension_numbers<[1], [0], [0], [1], [0, 0, 1, 1], [], []>, transpose_lhs_hint = false} : vector<1000x128xf32>, vector<128x128xf32>, vector<1000x128xf32> -> vector<1000x128xf32>
    %get3A_119 = arith.constant 0 : index
    %get3A_120 = arith.constant 0 : index
    %get3A_121 = vector.load %arg2[%get3A_119, %get3A_120] : memref<1000x16xf32, #tpu.memory_space<vmem>>, vector<1000x16xf32>
    %broadcast_in_dim3A_122 = arith.constant 0.000000e+00 : f32
    %broadcast_in_dim3A_123 = vector.broadcast %broadcast_in_dim3A_122 : f32 to vector<1000x112xf32>
    %concatenate3A = tpu.concatenate %get3A_121, %broadcast_in_dim3A_123 in 1 : vector<1000x16xf32>, vector<1000x112xf32> -> vector<1000x128xf32>
    %bitcast_convert_type3A = tpu.bitcast %dot_general3A_118 : vector<1000x128xf32> -> vector<1000x128xi32>
    %bitcast_convert_type3A_124 = tpu.bitcast %concatenate3A : vector<1000x128xf32> -> vector<1000x128xi32>
    %add3A_125 = arith.constant 32768 : i32
    %add3A_126 = vector.broadcast %add3A_125 : i32 to vector<1000x128xi32>
    %add3A_127 = arith.addi %bitcast_convert_type3A_124, %add3A_126 : vector<1000x128xi32>
    %and3A = arith.constant -65536 : i32
    %and3A_128 = vector.broadcast %and3A : i32 to vector<1000x128xi32>
    %and3A_129 = arith.andi %add3A_127, %and3A_128 : vector<1000x128xi32>
    %add3A_130 = arith.constant 32768 : i32
    %add3A_131 = vector.broadcast %add3A_130 : i32 to vector<1000x128xi32>
    %add3A_132 = arith.addi %bitcast_convert_type3A, %add3A_131 : vector<1000x128xi32>
    %shift_right_logical3A = arith.constant 16 : i32
    %shift_right_logical3A_133 = vector.broadcast %shift_right_logical3A : i32 to vector<1000x128xi32>
    %shift_right_logical3A_134 = arith.shrui %add3A_132, %shift_right_logical3A_133 : vector<1000x128xi32>
    %or3A = arith.ori %and3A_129, %shift_right_logical3A_134 : vector<1000x128xi32>
    %swap3A_135 = arith.constant 0 : index
    %swap3A_136 = arith.constant 0 : index
    %swap3A_137 = vector.load %arg14[%swap3A_135, %swap3A_136] : memref<1000x128xi32, #tpu.memory_space<vmem>>, vector<1000x128xi32>
    tpu.vector_store %arg14[%swap3A_135, %swap3A_136], %or3A {strides = array<i32>} : memref<1000x128xi32, #tpu.memory_space<vmem>>, vector<1000x128xi32>,
    %get3A_138 = arith.constant 0 : index
    %get3A_139 = arith.constant 0 : index
    %get3A_140 = vector.load %arg12[%get3A_138, %get3A_139] : memref<128x128xf32, #tpu.memory_space<vmem>>, vector<128x128xf32>
    %dot_general3A_141 = arith.constant dense<0.000000e+00> : vector<1000x128xf32>
    %dot_general3A_142 = tpu.matmul %mul3A_111, %get3A_140, %dot_general3A_141 {dimension_numbers = #tpu.dot_dimension_numbers<[1], [0], [0], [1], [0, 0, 1, 1], [], []>, transpose_lhs_hint = false} : vector<1000x128xf32>, vector<128x128xf32>, vector<1000x128xf32> -> vector<1000x128xf32>
    %get3A_143 = arith.constant 0 : index
    %get3A_144 = arith.constant 0 : index
    %get3A_145 = vector.load %arg2[%get3A_143, %get3A_144] : memref<1000x16xf32, #tpu.memory_space<vmem>>, vector<1000x16xf32>
    %broadcast_in_dim3A_146 = arith.constant 0.000000e+00 : f32
    %broadcast_in_dim3A_147 = vector.broadcast %broadcast_in_dim3A_146 : f32 to vector<1000x112xf32>
    %concatenate3A_148 = tpu.concatenate %get3A_145, %broadcast_in_dim3A_147 in 1 : vector<1000x16xf32>, vector<1000x112xf32> -> vector<1000x128xf32>
    %bitcast_convert_type3A_149 = tpu.bitcast %dot_general3A_142 : vector<1000x128xf32> -> vector<1000x128xi32>
    %bitcast_convert_type3A_150 = tpu.bitcast %concatenate3A_148 : vector<1000x128xf32> -> vector<1000x128xi32>
    %add3A_151 = arith.constant 32768 : i32
    %add3A_152 = vector.broadcast %add3A_151 : i32 to vector<1000x128xi32>
    %add3A_153 = arith.addi %bitcast_convert_type3A_150, %add3A_152 : vector<1000x128xi32>
    %and3A_154 = arith.constant -65536 : i32
    %and3A_155 = vector.broadcast %and3A_154 : i32 to vector<1000x128xi32>
    %and3A_156 = arith.andi %add3A_153, %and3A_155 : vector<1000x128xi32>
    %add3A_157 = arith.constant 32768 : i32
    %add3A_158 = vector.broadcast %add3A_157 : i32 to vector<1000x128xi32>
    %add3A_159 = arith.addi %bitcast_convert_type3A_149, %add3A_158 : vector<1000x128xi32>
    %shift_right_logical3A_160 = arith.constant 16 : i32
    %shift_right_logical3A_161 = vector.broadcast %shift_right_logical3A_160 : i32 to vector<1000x128xi32>
    %shift_right_logical3A_162 = arith.shrui %add3A_159, %shift_right_logical3A_161 : vector<1000x128xi32>
    %or3A_163 = arith.ori %and3A_156, %shift_right_logical3A_162 : vector<1000x128xi32>
    %swap3A_164 = arith.constant 0 : index
    %swap3A_165 = arith.constant 0 : index
    %swap3A_166 = vector.load %arg15[%swap3A_164, %swap3A_165] : memref<1000x128xi32, #tpu.memory_space<vmem>>, vector<1000x128xi32>
    tpu.vector_store %arg15[%swap3A_164, %swap3A_165], %or3A_163 {strides = array<i32>} : memref<1000x128xi32, #tpu.memory_space<vmem>>, vector<1000x128xi32>,
    return
  }
  func.func @transform_0(%arg0: i32) -> (i32, i32) {
    %c0_i32 = arith.constant 0 : i32
    %c0_i32_0 = arith.constant 0 : i32
    return %arg0, %c0_i32 : i32, i32
  }
  func.func @transform_1(%arg0: i32) -> (i32, i32) {
    %c0_i32 = arith.constant 0 : i32
    %c0_i32_0 = arith.constant 0 : i32
    return %arg0, %c0_i32 : i32, i32
  }
  func.func @transform_2(%arg0: i32) -> (i32, i32) {
    %c0_i32 = arith.constant 0 : i32
    %c0_i32_0 = arith.constant 0 : i32
    %c0_i32_1 = arith.constant 0 : i32
    return %c0_i32, %c0_i32_0 : i32, i32
  }
  func.func @transform_3(%arg0: i32) -> (i32, i32) {
    %c0_i32 = arith.constant 0 : i32
    %c0_i32_0 = arith.constant 0 : i32
    %c0_i32_1 = arith.constant 0 : i32
    return %c0_i32, %c0_i32_0 : i32, i32
  }
  func.func @transform_4(%arg0: i32) -> (i32, i32) {
    %c0_i32 = arith.constant 0 : i32
    %c0_i32_0 = arith.constant 0 : i32
    %c0_i32_1 = arith.constant 0 : i32
    return %c0_i32, %c0_i32_0 : i32, i32
  }
  func.func @transform_5(%arg0: i32) -> (i32, i32) {
    %c0_i32 = arith.constant 0 : i32
    %c0_i32_0 = arith.constant 0 : i32
    %c0_i32_1 = arith.constant 0 : i32
    return %c0_i32, %c0_i32_0 : i32, i32
  }
  func.func @transform_6(%arg0: i32) -> (i32, i32) {
    %c0_i32 = arith.constant 0 : i32
    %c0_i32_0 = arith.constant 0 : i32
    %c0_i32_1 = arith.constant 0 : i32
    return %c0_i32, %c0_i32_0 : i32, i32
  }
  func.func @transform_7(%arg0: i32) -> (i32, i32) {
    %c0_i32 = arith.constant 0 : i32
    %c0_i32_0 = arith.constant 0 : i32
    %c0_i32_1 = arith.constant 0 : i32
    return %c0_i32, %c0_i32_0 : i32, i32
  }
  func.func @transform_8(%arg0: i32) -> (i32, i32) {
    %c0_i32 = arith.constant 0 : i32
    %c0_i32_0 = arith.constant 0 : i32
    %c0_i32_1 = arith.constant 0 : i32
    return %c0_i32, %c0_i32_0 : i32, i32
  }
  func.func @transform_9(%arg0: i32) -> (i32, i32) {
    %c0_i32 = arith.constant 0 : i32
    %c0_i32_0 = arith.constant 0 : i32
    %c0_i32_1 = arith.constant 0 : i32
    return %c0_i32, %c0_i32_0 : i32, i32
  }
  func.func @transform_10(%arg0: i32) -> (i32, i32) {
    %c0_i32 = arith.constant 0 : i32
    %c0_i32_0 = arith.constant 0 : i32
    %c0_i32_1 = arith.constant 0 : i32
    return %c0_i32, %c0_i32_0 : i32, i32
  }
  func.func @transform_11(%arg0: i32) -> (i32, i32) {
    %c0_i32 = arith.constant 0 : i32
    %c0_i32_0 = arith.constant 0 : i32
    %c0_i32_1 = arith.constant 0 : i32
    return %c0_i32, %c0_i32_0 : i32, i32
  }
  func.func @transform_12(%arg0: i32) -> (i32, i32) {
    %c0_i32 = arith.constant 0 : i32
    %c0_i32_0 = arith.constant 0 : i32
    return %arg0, %c0_i32 : i32, i32
  }
  func.func @transform_13(%arg0: i32) -> (i32, i32) {
    %c0_i32 = arith.constant 0 : i32
    %c0_i32_0 = arith.constant 0 : i32
    return %arg0, %c0_i32 : i32, i32
  }
  func.func @transform_14(%arg0: i32) -> (i32, i32) {
    %c0_i32 = arith.constant 0 : i32
    %c0_i32_0 = arith.constant 0 : i32
    return %arg0, %c0_i32 : i32, i32
  }
}

module attributes {stable_mosaic.version = 14 : i64} {
  func.func @body(%arg0: i32, %arg1: memref<2048x128xi32, #tpu.memory_space<vmem>>, %arg2: memref<2048x128xi32, #tpu.memory_space<vmem>>, %arg3: memref<2048x16xf32, #tpu.memory_space<vmem>>, %arg4: memref<16x128xf32, #tpu.memory_space<vmem>>, %arg5: memref<1x128xf32, #tpu.memory_space<vmem>>, %arg6: memref<1x128xf32, #tpu.memory_space<vmem>>, %arg7: memref<128x128xf32, #tpu.memory_space<vmem>>, %arg8: memref<1x128xf32, #tpu.memory_space<vmem>>, %arg9: memref<128x128xf32, #tpu.memory_space<vmem>>, %arg10: memref<1x128xf32, #tpu.memory_space<vmem>>, %arg11: memref<1x128xf32, #tpu.memory_space<vmem>>, %arg12: memref<2048x128xf32, #tpu.memory_space<vmem>>, %arg13: memref<2048x16xf32, #tpu.memory_space<vmem>>) attributes {dimension_semantics = [#tpu.dimension_semantics<arbitrary>], iteration_bounds = array<i64: 80>, scalar_prefetch = 0 : i64, scratch_operands = 0 : i64, tpu.core_type = #tpu.core_type<tc>, window_params = [{transform_indices = @transform_0, window_bounds = array<i64: 2048, 128>}, {transform_indices = @transform_1, window_bounds = array<i64: 2048, 128>}, {transform_indices = @transform_2, window_bounds = array<i64: 2048, 16>}, {pipeline_mode = #tpu.pipeline_mode<synchronous>, transform_indices = @transform_3, window_bounds = array<i64: 16, 128>}, {pipeline_mode = #tpu.pipeline_mode<synchronous>, transform_indices = @transform_4, window_bounds = array<i64: 1, 128>}, {pipeline_mode = #tpu.pipeline_mode<synchronous>, transform_indices = @transform_5, window_bounds = array<i64: 1, 128>}, {pipeline_mode = #tpu.pipeline_mode<synchronous>, transform_indices = @transform_6, window_bounds = array<i64: 128, 128>}, {pipeline_mode = #tpu.pipeline_mode<synchronous>, transform_indices = @transform_7, window_bounds = array<i64: 1, 128>}, {pipeline_mode = #tpu.pipeline_mode<synchronous>, transform_indices = @transform_8, window_bounds = array<i64: 128, 128>}, {pipeline_mode = #tpu.pipeline_mode<synchronous>, transform_indices = @transform_9, window_bounds = array<i64: 1, 128>}, {pipeline_mode = #tpu.pipeline_mode<synchronous>, transform_indices = @transform_10, window_bounds = array<i64: 1, 128>}, {transform_indices = @transform_11, window_bounds = array<i64: 2048, 128>}, {transform_indices = @transform_12, window_bounds = array<i64: 2048, 16>}]} {
    %mul3A = arith.constant 2048 : i32
    %mul3A_0 = arith.muli %arg0, %mul3A : i32
    %iota3A = tpu.iota {dimensions = array<i32: 0>} : vector<2048x1xi32>
    %add3A = vector.broadcast %mul3A_0 : i32 to vector<2048x1xi32>
    %add3A_1 = arith.addi %add3A, %iota3A : vector<2048x1xi32>
    %lt3A = arith.constant 160000 : i32
    %lt3A_2 = vector.broadcast %lt3A : i32 to vector<2048x1xi32>
    %lt3A_3 = arith.cmpi slt, %add3A_1, %lt3A_2 : vector<2048x1xi32>
    %convert_element_type3A = arith.extui %lt3A_3 : vector<2048x1xi1> to vector<2048x1xi32>
    %convert_element_type3A_4 = arith.sitofp %convert_element_type3A : vector<2048x1xi32> to vector<2048x1xf32>
    %get3A = arith.constant 0 : index
    %get3A_5 = arith.constant 0 : index
    %get3A_6 = vector.load %arg1[%get3A, %get3A_5] : memref<2048x128xi32, #tpu.memory_space<vmem>>, vector<2048x128xi32>
    %shift_left3A = arith.constant 16 : i32
    %shift_left3A_7 = vector.broadcast %shift_left3A : i32 to vector<2048x128xi32>
    %shift_left3A_8 = arith.shli %get3A_6, %shift_left3A_7 : vector<2048x128xi32>
    %bitcast_convert_type3A = tpu.bitcast %shift_left3A_8 : vector<2048x128xi32> -> vector<2048x128xf32>
    %and3A = arith.constant -65536 : i32
    %and3A_9 = vector.broadcast %and3A : i32 to vector<2048x128xi32>
    %and3A_10 = arith.andi %get3A_6, %and3A_9 : vector<2048x128xi32>
    %bitcast_convert_type3A_11 = tpu.bitcast %and3A_10 : vector<2048x128xi32> -> vector<2048x128xf32>
    %slice3A = vector.extract_strided_slice %bitcast_convert_type3A_11 {offsets = [0, 0], sizes = [2048, 16], strides = [1, 1]} : vector<2048x128xf32> to vector<2048x16xf32>
    %get3A_12 = arith.constant 0 : index
    %get3A_13 = arith.constant 0 : index
    %get3A_14 = vector.load %arg2[%get3A_12, %get3A_13] : memref<2048x128xi32, #tpu.memory_space<vmem>>, vector<2048x128xi32>
    %shift_left3A_15 = arith.constant 16 : i32
    %shift_left3A_16 = vector.broadcast %shift_left3A_15 : i32 to vector<2048x128xi32>
    %shift_left3A_17 = arith.shli %get3A_14, %shift_left3A_16 : vector<2048x128xi32>
    %bitcast_convert_type3A_18 = tpu.bitcast %shift_left3A_17 : vector<2048x128xi32> -> vector<2048x128xf32>
    %and3A_19 = arith.constant -65536 : i32
    %and3A_20 = vector.broadcast %and3A_19 : i32 to vector<2048x128xi32>
    %and3A_21 = arith.andi %get3A_14, %and3A_20 : vector<2048x128xi32>
    %bitcast_convert_type3A_22 = tpu.bitcast %and3A_21 : vector<2048x128xi32> -> vector<2048x128xf32>
    %slice3A_23 = vector.extract_strided_slice %bitcast_convert_type3A_22 {offsets = [0, 0], sizes = [2048, 16], strides = [1, 1]} : vector<2048x128xf32> to vector<2048x16xf32>
    %add3A_24 = arith.addf %bitcast_convert_type3A, %bitcast_convert_type3A_18 : vector<2048x128xf32>
    %sub3A = arith.subf %slice3A, %slice3A_23 : vector<2048x16xf32>
    %mul3A_25 = arith.mulf %sub3A, %sub3A : vector<2048x16xf32>
    %reduce_sum3A = arith.constant dense<0.000000e+00> : vector<2048xf32>
    %reduce_sum3A_26 = vector.multi_reduction <add>, %mul3A_25, %reduce_sum3A [1] : vector<2048x16xf32> to vector<2048xf32>
    %broadcast_in_dim3A = vector.shape_cast %reduce_sum3A_26 : vector<2048xf32> to vector<2048x1xf32>
    %get3A_27 = arith.constant 0 : index
    %get3A_28 = arith.constant 0 : index
    %get3A_29 = vector.load %arg5[%get3A_27, %get3A_28] : memref<1x128xf32, #tpu.memory_space<vmem>>, vector<1x128xf32>
    %mul3A_30 = vector.broadcast %broadcast_in_dim3A : vector<2048x1xf32> to vector<2048x128xf32>
    %mul3A_31 = vector.broadcast %get3A_29 : vector<1x128xf32> to vector<2048x128xf32>
    %mul3A_32 = arith.mulf %mul3A_30, %mul3A_31 : vector<2048x128xf32>
    %add3A_33 = arith.addf %add3A_24, %mul3A_32 : vector<2048x128xf32>
    %get3A_34 = arith.constant 0 : index
    %get3A_35 = arith.constant 0 : index
    %get3A_36 = vector.load %arg3[%get3A_34, %get3A_35] : memref<2048x16xf32, #tpu.memory_space<vmem>>, vector<2048x16xf32>
    %get3A_37 = arith.constant 0 : index
    %get3A_38 = arith.constant 0 : index
    %get3A_39 = vector.load %arg4[%get3A_37, %get3A_38] : memref<16x128xf32, #tpu.memory_space<vmem>>, vector<16x128xf32>
    %dot_general3A = arith.constant dense<0.000000e+00> : vector<2048x128xf32>
    %dot_general3A_40 = tpu.matmul %get3A_36, %get3A_39, %dot_general3A {dimension_numbers = #tpu.dot_dimension_numbers<[1], [0], [0], [1], [0, 0, 1, 1], [], []>, transpose_lhs_hint = false} : vector<2048x16xf32>, vector<16x128xf32>, vector<2048x128xf32> -> vector<2048x128xf32>
    %add3A_41 = arith.addf %add3A_33, %dot_general3A_40 : vector<2048x128xf32>
    %get3A_42 = arith.constant 0 : index
    %get3A_43 = arith.constant 0 : index
    %get3A_44 = vector.load %arg6[%get3A_42, %get3A_43] : memref<1x128xf32, #tpu.memory_space<vmem>>, vector<1x128xf32>
    %add3A_45 = vector.broadcast %get3A_44 : vector<1x128xf32> to vector<2048x128xf32>
    %add3A_46 = arith.addf %add3A_41, %add3A_45 : vector<2048x128xf32>
    %logistic3A = arith.negf %add3A_46 : vector<2048x128xf32>
    %logistic3A_47 = math.exp %logistic3A : vector<2048x128xf32>
    %logistic3A_48 = arith.constant 1.000000e+00 : f32
    %logistic3A_49 = vector.broadcast %logistic3A_48 : f32 to vector<2048x128xf32>
    %logistic3A_50 = arith.addf %logistic3A_49, %logistic3A_47 : vector<2048x128xf32>
    %logistic3A_51 = arith.divf %logistic3A_49, %logistic3A_50 : vector<2048x128xf32>
    %mul3A_52 = arith.mulf %add3A_46, %logistic3A_51 : vector<2048x128xf32>
    %get3A_53 = arith.constant 0 : index
    %get3A_54 = arith.constant 0 : index
    %get3A_55 = vector.load %arg7[%get3A_53, %get3A_54] : memref<128x128xf32, #tpu.memory_space<vmem>>, vector<128x128xf32>
    %dot_general3A_56 = arith.constant dense<0.000000e+00> : vector<2048x128xf32>
    %dot_general3A_57 = tpu.matmul %mul3A_52, %get3A_55, %dot_general3A_56 {dimension_numbers = #tpu.dot_dimension_numbers<[1], [0], [0], [1], [0, 0, 1, 1], [], []>, transpose_lhs_hint = false} : vector<2048x128xf32>, vector<128x128xf32>, vector<2048x128xf32> -> vector<2048x128xf32>
    %get3A_58 = arith.constant 0 : index
    %get3A_59 = arith.constant 0 : index
    %get3A_60 = vector.load %arg8[%get3A_58, %get3A_59] : memref<1x128xf32, #tpu.memory_space<vmem>>, vector<1x128xf32>
    %add3A_61 = vector.broadcast %get3A_60 : vector<1x128xf32> to vector<2048x128xf32>
    %add3A_62 = arith.addf %dot_general3A_57, %add3A_61 : vector<2048x128xf32>
    %logistic3A_63 = arith.negf %add3A_62 : vector<2048x128xf32>
    %logistic3A_64 = math.exp %logistic3A_63 : vector<2048x128xf32>
    %logistic3A_65 = arith.constant 1.000000e+00 : f32
    %logistic3A_66 = vector.broadcast %logistic3A_65 : f32 to vector<2048x128xf32>
    %logistic3A_67 = arith.addf %logistic3A_66, %logistic3A_64 : vector<2048x128xf32>
    %logistic3A_68 = arith.divf %logistic3A_66, %logistic3A_67 : vector<2048x128xf32>
    %mul3A_69 = arith.mulf %add3A_62, %logistic3A_68 : vector<2048x128xf32>
    %get3A_70 = arith.constant 0 : index
    %get3A_71 = arith.constant 0 : index
    %get3A_72 = vector.load %arg9[%get3A_70, %get3A_71] : memref<128x128xf32, #tpu.memory_space<vmem>>, vector<128x128xf32>
    %dot_general3A_73 = arith.constant dense<0.000000e+00> : vector<2048x128xf32>
    %dot_general3A_74 = tpu.matmul %mul3A_69, %get3A_72, %dot_general3A_73 {dimension_numbers = #tpu.dot_dimension_numbers<[1], [0], [0], [1], [0, 0, 1, 1], [], []>, transpose_lhs_hint = false} : vector<2048x128xf32>, vector<128x128xf32>, vector<2048x128xf32> -> vector<2048x128xf32>
    %get3A_75 = arith.constant 0 : index
    %get3A_76 = arith.constant 0 : index
    %get3A_77 = vector.load %arg10[%get3A_75, %get3A_76] : memref<1x128xf32, #tpu.memory_space<vmem>>, vector<1x128xf32>
    %add3A_78 = vector.broadcast %get3A_77 : vector<1x128xf32> to vector<2048x128xf32>
    %add3A_79 = arith.addf %dot_general3A_74, %add3A_78 : vector<2048x128xf32>
    %logistic3A_80 = arith.negf %add3A_79 : vector<2048x128xf32>
    %logistic3A_81 = math.exp %logistic3A_80 : vector<2048x128xf32>
    %logistic3A_82 = arith.constant 1.000000e+00 : f32
    %logistic3A_83 = vector.broadcast %logistic3A_82 : f32 to vector<2048x128xf32>
    %logistic3A_84 = arith.addf %logistic3A_83, %logistic3A_81 : vector<2048x128xf32>
    %logistic3A_85 = arith.divf %logistic3A_83, %logistic3A_84 : vector<2048x128xf32>
    %mul3A_86 = arith.mulf %add3A_79, %logistic3A_85 : vector<2048x128xf32>
    %get3A_87 = arith.constant 0 : index
    %get3A_88 = arith.constant 0 : index
    %get3A_89 = vector.load %arg11[%get3A_87, %get3A_88] : memref<1x128xf32, #tpu.memory_space<vmem>>, vector<1x128xf32>
    %mul3A_90 = vector.broadcast %get3A_89 : vector<1x128xf32> to vector<2048x128xf32>
    %mul3A_91 = arith.mulf %mul3A_86, %mul3A_90 : vector<2048x128xf32>
    %reduce_sum3A_92 = arith.constant dense<0.000000e+00> : vector<2048xf32>
    %reduce_sum3A_93 = vector.multi_reduction <add>, %mul3A_91, %reduce_sum3A_92 [1] : vector<2048x128xf32> to vector<2048xf32>
    %broadcast_in_dim3A_94 = vector.shape_cast %reduce_sum3A_93 : vector<2048xf32> to vector<2048x1xf32>
    %iota3A_95 = tpu.iota {dimensions = array<i32: 1>} : vector<1x16xi32>
    %eq3A = arith.constant 3 : i32
    %eq3A_96 = vector.broadcast %eq3A : i32 to vector<1x16xi32>
    %eq3A_97 = arith.cmpi eq, %iota3A_95, %eq3A_96 : vector<1x16xi32>
    %jit3A = arith.constant 1.000000e+00 : f32
    %jit3A_98 = arith.constant 0.000000e+00 : f32
    %broadcast_in_dim3A_99 = vector.broadcast %jit3A : f32 to vector<1x16xf32>
    %broadcast_in_dim3A_100 = vector.broadcast %jit3A_98 : f32 to vector<1x16xf32>
    %select_n3A = arith.select %eq3A_97, %broadcast_in_dim3A_99, %broadcast_in_dim3A_100 : vector<1x16xi1>, vector<1x16xf32>
    %mul3A_101 = vector.broadcast %convert_element_type3A_4 : vector<2048x1xf32> to vector<2048x128xf32>
    %mul3A_102 = arith.mulf %mul3A_69, %mul3A_101 : vector<2048x128xf32>
    %swap3A = arith.constant 0 : index
    %swap3A_103 = arith.constant 0 : index
    %swap3A_104 = vector.load %arg12[%swap3A, %swap3A_103] : memref<2048x128xf32, #tpu.memory_space<vmem>>, vector<2048x128xf32>
    tpu.vector_store %arg12[%swap3A, %swap3A_103], %mul3A_102 {strides = array<i32>} : memref<2048x128xf32, #tpu.memory_space<vmem>>, vector<2048x128xf32>,
    %mul3A_105 = vector.broadcast %broadcast_in_dim3A_94 : vector<2048x1xf32> to vector<2048x16xf32>
    %mul3A_106 = arith.mulf %mul3A_105, %sub3A : vector<2048x16xf32>
    %add3A_107 = vector.broadcast %select_n3A : vector<1x16xf32> to vector<2048x16xf32>
    %add3A_108 = arith.addf %mul3A_106, %add3A_107 : vector<2048x16xf32>
    %mul3A_109 = vector.broadcast %convert_element_type3A_4 : vector<2048x1xf32> to vector<2048x16xf32>
    %mul3A_110 = arith.mulf %add3A_108, %mul3A_109 : vector<2048x16xf32>
    %swap3A_111 = arith.constant 0 : index
    %swap3A_112 = arith.constant 0 : index
    %swap3A_113 = vector.load %arg13[%swap3A_111, %swap3A_112] : memref<2048x16xf32, #tpu.memory_space<vmem>>, vector<2048x16xf32>
    tpu.vector_store %arg13[%swap3A_111, %swap3A_112], %mul3A_110 {strides = array<i32>} : memref<2048x16xf32, #tpu.memory_space<vmem>>, vector<2048x16xf32>,
    return
  }
  func.func @transform_0(%arg0: i32) -> (i32, i32) {
    %c0_i32 = arith.constant 0 : i32
    %c0_i32_0 = arith.constant 0 : i32
    return %arg0, %c0_i32 : i32, i32
  }
  func.func @transform_1(%arg0: i32) -> (i32, i32) {
    %c0_i32 = arith.constant 0 : i32
    %c0_i32_0 = arith.constant 0 : i32
    return %arg0, %c0_i32 : i32, i32
  }
  func.func @transform_2(%arg0: i32) -> (i32, i32) {
    %c0_i32 = arith.constant 0 : i32
    %c0_i32_0 = arith.constant 0 : i32
    return %arg0, %c0_i32 : i32, i32
  }
  func.func @transform_3(%arg0: i32) -> (i32, i32) {
    %c0_i32 = arith.constant 0 : i32
    %c0_i32_0 = arith.constant 0 : i32
    %c0_i32_1 = arith.constant 0 : i32
    return %c0_i32, %c0_i32_0 : i32, i32
  }
  func.func @transform_4(%arg0: i32) -> (i32, i32) {
    %c0_i32 = arith.constant 0 : i32
    %c0_i32_0 = arith.constant 0 : i32
    %c0_i32_1 = arith.constant 0 : i32
    return %c0_i32, %c0_i32_0 : i32, i32
  }
  func.func @transform_5(%arg0: i32) -> (i32, i32) {
    %c0_i32 = arith.constant 0 : i32
    %c0_i32_0 = arith.constant 0 : i32
    %c0_i32_1 = arith.constant 0 : i32
    return %c0_i32, %c0_i32_0 : i32, i32
  }
  func.func @transform_6(%arg0: i32) -> (i32, i32) {
    %c0_i32 = arith.constant 0 : i32
    %c0_i32_0 = arith.constant 0 : i32
    %c0_i32_1 = arith.constant 0 : i32
    return %c0_i32, %c0_i32_0 : i32, i32
  }
  func.func @transform_7(%arg0: i32) -> (i32, i32) {
    %c0_i32 = arith.constant 0 : i32
    %c0_i32_0 = arith.constant 0 : i32
    %c0_i32_1 = arith.constant 0 : i32
    return %c0_i32, %c0_i32_0 : i32, i32
  }
  func.func @transform_8(%arg0: i32) -> (i32, i32) {
    %c0_i32 = arith.constant 0 : i32
    %c0_i32_0 = arith.constant 0 : i32
    %c0_i32_1 = arith.constant 0 : i32
    return %c0_i32, %c0_i32_0 : i32, i32
  }
  func.func @transform_9(%arg0: i32) -> (i32, i32) {
    %c0_i32 = arith.constant 0 : i32
    %c0_i32_0 = arith.constant 0 : i32
    %c0_i32_1 = arith.constant 0 : i32
    return %c0_i32, %c0_i32_0 : i32, i32
  }
  func.func @transform_10(%arg0: i32) -> (i32, i32) {
    %c0_i32 = arith.constant 0 : i32
    %c0_i32_0 = arith.constant 0 : i32
    %c0_i32_1 = arith.constant 0 : i32
    return %c0_i32, %c0_i32_0 : i32, i32
  }
  func.func @transform_11(%arg0: i32) -> (i32, i32) {
    %c0_i32 = arith.constant 0 : i32
    %c0_i32_0 = arith.constant 0 : i32
    return %arg0, %c0_i32 : i32, i32
  }
  func.func @transform_12(%arg0: i32) -> (i32, i32) {
    %c0_i32 = arith.constant 0 : i32
    %c0_i32_0 = arith.constant 0 : i32
    return %arg0, %c0_i32 : i32, i32
  }
}

module attributes {stable_mosaic.version = 14 : i64} {
  func.func @body(%arg0: i32, %arg1: memref<1000x128xf32, #tpu.memory_space<vmem>>, %arg2: memref<1x1000x128xf32, #tpu.memory_space<vmem>>, %arg3: memref<1x1000x16xf32, #tpu.memory_space<vmem>>, %arg4: memref<1000x16xf32, #tpu.memory_space<vmem>>, %arg5: memref<128x128xf32, #tpu.memory_space<vmem>>, %arg6: memref<128x128xf32, #tpu.memory_space<vmem>>, %arg7: memref<1x128xf32, #tpu.memory_space<vmem>>, %arg8: memref<128x128xf32, #tpu.memory_space<vmem>>, %arg9: memref<1x128xf32, #tpu.memory_space<vmem>>, %arg10: memref<1x128xf32, #tpu.memory_space<vmem>>, %arg11: memref<1x128xf32, #tpu.memory_space<vmem>>, %arg12: memref<128x128xf32, #tpu.memory_space<vmem>>, %arg13: memref<128x128xf32, #tpu.memory_space<vmem>>, %arg14: memref<1000x128xf32, #tpu.memory_space<vmem>>, %arg15: memref<1000x128xi32, #tpu.memory_space<vmem>>, %arg16: memref<1000x128xi32, #tpu.memory_space<vmem>>) attributes {dimension_semantics = [#tpu.dimension_semantics<arbitrary>], iteration_bounds = array<i64: 10>, scalar_prefetch = 0 : i64, scratch_operands = 0 : i64, tpu.core_type = #tpu.core_type<tc>, window_params = [{transform_indices = @transform_0, window_bounds = array<i64: 1000, 128>}, {transform_indices = @transform_1, window_bounds = array<i64: 1, 1000, 128>}, {transform_indices = @transform_2, window_bounds = array<i64: 1, 1000, 16>}, {transform_indices = @transform_3, window_bounds = array<i64: 1000, 16>}, {pipeline_mode = #tpu.pipeline_mode<synchronous>, transform_indices = @transform_4, window_bounds = array<i64: 128, 128>}, {pipeline_mode = #tpu.pipeline_mode<synchronous>, transform_indices = @transform_5, window_bounds = array<i64: 128, 128>}, {pipeline_mode = #tpu.pipeline_mode<synchronous>, transform_indices = @transform_6, window_bounds = array<i64: 1, 128>}, {pipeline_mode = #tpu.pipeline_mode<synchronous>, transform_indices = @transform_7, window_bounds = array<i64: 128, 128>}, {pipeline_mode = #tpu.pipeline_mode<synchronous>, transform_indices = @transform_8, window_bounds = array<i64: 1, 128>}, {pipeline_mode = #tpu.pipeline_mode<synchronous>, transform_indices = @transform_9, window_bounds = array<i64: 1, 128>}, {pipeline_mode = #tpu.pipeline_mode<synchronous>, transform_indices = @transform_10, window_bounds = array<i64: 1, 128>}, {pipeline_mode = #tpu.pipeline_mode<synchronous>, transform_indices = @transform_11, window_bounds = array<i64: 128, 128>}, {pipeline_mode = #tpu.pipeline_mode<synchronous>, transform_indices = @transform_12, window_bounds = array<i64: 128, 128>}, {transform_indices = @transform_13, window_bounds = array<i64: 1000, 128>}, {transform_indices = @transform_14, window_bounds = array<i64: 1000, 128>}, {transform_indices = @transform_15, window_bounds = array<i64: 1000, 128>}]} {
    %get3A = arith.constant 0 : index
    %get3A_0 = arith.constant 0 : index
    %get3A_1 = arith.constant 0 : index
    %get3A_2 = vector.load %arg2[%get3A, %get3A_0, %get3A_1] : memref<1x1000x128xf32, #tpu.memory_space<vmem>>, vector<1x1000x128xf32>
    %get3A_3 = vector.shape_cast %get3A_2 : vector<1x1000x128xf32> to vector<1000x128xf32>
    %get3A_4 = arith.constant 0 : index
    %get3A_5 = arith.constant 0 : index
    %get3A_6 = arith.constant 0 : index
    %get3A_7 = vector.load %arg3[%get3A_4, %get3A_5, %get3A_6] : memref<1x1000x16xf32, #tpu.memory_space<vmem>>, vector<1x1000x16xf32>
    %get3A_8 = vector.shape_cast %get3A_7 : vector<1x1000x16xf32> to vector<1000x16xf32>
    %slice3A = vector.extract_strided_slice %get3A_8 {offsets = [0, 3], sizes = [1000, 1], strides = [1, 1]} : vector<1000x16xf32> to vector<1000x1xf32>
    %max3A = arith.constant 1.000000e+00 : f32
    %max3A_9 = vector.broadcast %max3A : f32 to vector<1000x1xf32>
    %max3A_10 = arith.maximumf %slice3A, %max3A_9 : vector<1000x1xf32>
    %get3A_11 = arith.constant 0 : index
    %get3A_12 = arith.constant 0 : index
    %get3A_13 = vector.load %arg1[%get3A_11, %get3A_12] : memref<1000x128xf32, #tpu.memory_space<vmem>>, vector<1000x128xf32>
    %get3A_14 = arith.constant 0 : index
    %get3A_15 = arith.constant 0 : index
    %get3A_16 = vector.load %arg5[%get3A_14, %get3A_15] : memref<128x128xf32, #tpu.memory_space<vmem>>, vector<128x128xf32>
    %dot_general3A = arith.constant dense<0.000000e+00> : vector<1000x128xf32>
    %dot_general3A_17 = tpu.matmul %get3A_13, %get3A_16, %dot_general3A {dimension_numbers = #tpu.dot_dimension_numbers<[1], [0], [0], [1], [0, 0, 1, 1], [], []>, transpose_lhs_hint = false} : vector<1000x128xf32>, vector<128x128xf32>, vector<1000x128xf32> -> vector<1000x128xf32>
    %get3A_18 = arith.constant 0 : index
    %get3A_19 = arith.constant 0 : index
    %get3A_20 = vector.load %arg6[%get3A_18, %get3A_19] : memref<128x128xf32, #tpu.memory_space<vmem>>, vector<128x128xf32>
    %dot_general3A_21 = arith.constant dense<0.000000e+00> : vector<1000x128xf32>
    %dot_general3A_22 = tpu.matmul %get3A_3, %get3A_20, %dot_general3A_21 {dimension_numbers = #tpu.dot_dimension_numbers<[1], [0], [0], [1], [0, 0, 1, 1], [], []>, transpose_lhs_hint = false} : vector<1000x128xf32>, vector<128x128xf32>, vector<1000x128xf32> -> vector<1000x128xf32>
    %add3A = arith.addf %dot_general3A_17, %dot_general3A_22 : vector<1000x128xf32>
    %get3A_23 = arith.constant 0 : index
    %get3A_24 = arith.constant 0 : index
    %get3A_25 = vector.load %arg7[%get3A_23, %get3A_24] : memref<1x128xf32, #tpu.memory_space<vmem>>, vector<1x128xf32>
    %add3A_26 = vector.broadcast %get3A_25 : vector<1x128xf32> to vector<1000x128xf32>
    %add3A_27 = arith.addf %add3A, %add3A_26 : vector<1000x128xf32>
    %logistic3A = arith.negf %add3A_27 : vector<1000x128xf32>
    %logistic3A_28 = math.exp %logistic3A : vector<1000x128xf32>
    %logistic3A_29 = arith.constant 1.000000e+00 : f32
    %logistic3A_30 = vector.broadcast %logistic3A_29 : f32 to vector<1000x128xf32>
    %logistic3A_31 = arith.addf %logistic3A_30, %logistic3A_28 : vector<1000x128xf32>
    %logistic3A_32 = arith.divf %logistic3A_30, %logistic3A_31 : vector<1000x128xf32>
    %mul3A = arith.mulf %add3A_27, %logistic3A_32 : vector<1000x128xf32>
    %get3A_33 = arith.constant 0 : index
    %get3A_34 = arith.constant 0 : index
    %get3A_35 = vector.load %arg8[%get3A_33, %get3A_34] : memref<128x128xf32, #tpu.memory_space<vmem>>, vector<128x128xf32>
    %dot_general3A_36 = arith.constant dense<0.000000e+00> : vector<1000x128xf32>
    %dot_general3A_37 = tpu.matmul %mul3A, %get3A_35, %dot_general3A_36 {dimension_numbers = #tpu.dot_dimension_numbers<[1], [0], [0], [1], [0, 0, 1, 1], [], []>, transpose_lhs_hint = false} : vector<1000x128xf32>, vector<128x128xf32>, vector<1000x128xf32> -> vector<1000x128xf32>
    %get3A_38 = arith.constant 0 : index
    %get3A_39 = arith.constant 0 : index
    %get3A_40 = vector.load %arg9[%get3A_38, %get3A_39] : memref<1x128xf32, #tpu.memory_space<vmem>>, vector<1x128xf32>
    %add3A_41 = vector.broadcast %get3A_40 : vector<1x128xf32> to vector<1000x128xf32>
    %add3A_42 = arith.addf %dot_general3A_37, %add3A_41 : vector<1000x128xf32>
    %get3A_43 = arith.constant 0 : index
    %get3A_44 = arith.constant 0 : index
    %get3A_45 = vector.load %arg10[%get3A_43, %get3A_44] : memref<1x128xf32, #tpu.memory_space<vmem>>, vector<1x128xf32>
    %get3A_46 = arith.constant 0 : index
    %get3A_47 = arith.constant 0 : index
    %get3A_48 = vector.load %arg11[%get3A_46, %get3A_47] : memref<1x128xf32, #tpu.memory_space<vmem>>, vector<1x128xf32>
    %reduce_sum3A = arith.constant dense<0.000000e+00> : vector<1000xf32>
    %reduce_sum3A_49 = vector.multi_reduction <add>, %add3A_42, %reduce_sum3A [1] : vector<1000x128xf32> to vector<1000xf32>
    %broadcast_in_dim3A = vector.shape_cast %reduce_sum3A_49 : vector<1000xf32> to vector<1000x1xf32>
    %div3A = arith.constant 1.280000e+02 : f32
    %div3A_50 = vector.broadcast %div3A : f32 to vector<1000x1xf32>
    %div3A_51 = arith.divf %broadcast_in_dim3A, %div3A_50 : vector<1000x1xf32>
    %sub3A = vector.broadcast %div3A_51 : vector<1000x1xf32> to vector<1000x128xf32>
    %sub3A_52 = arith.subf %add3A_42, %sub3A : vector<1000x128xf32>
    %integer_pow3A = arith.mulf %sub3A_52, %sub3A_52 : vector<1000x128xf32>
    %reduce_sum3A_53 = arith.constant dense<0.000000e+00> : vector<1000xf32>
    %reduce_sum3A_54 = vector.multi_reduction <add>, %integer_pow3A, %reduce_sum3A_53 [1] : vector<1000x128xf32> to vector<1000xf32>
    %broadcast_in_dim3A_55 = vector.shape_cast %reduce_sum3A_54 : vector<1000xf32> to vector<1000x1xf32>
    %div3A_56 = arith.constant 1.280000e+02 : f32
    %div3A_57 = vector.broadcast %div3A_56 : f32 to vector<1000x1xf32>
    %div3A_58 = arith.divf %broadcast_in_dim3A_55, %div3A_57 : vector<1000x1xf32>
    %sub3A_59 = vector.broadcast %div3A_51 : vector<1000x1xf32> to vector<1000x128xf32>
    %sub3A_60 = arith.subf %add3A_42, %sub3A_59 : vector<1000x128xf32>
    %add3A_61 = arith.constant 9.99999974E-6 : f32
    %add3A_62 = vector.broadcast %add3A_61 : f32 to vector<1000x1xf32>
    %add3A_63 = arith.addf %div3A_58, %add3A_62 : vector<1000x1xf32>
    %sqrt3A = math.sqrt %add3A_63 : vector<1000x1xf32>
    %div3A_64 = vector.broadcast %sqrt3A : vector<1000x1xf32> to vector<1000x128xf32>
    %div3A_65 = arith.divf %sub3A_60, %div3A_64 : vector<1000x128xf32>
    %mul3A_66 = vector.broadcast %get3A_45 : vector<1x128xf32> to vector<1000x128xf32>
    %mul3A_67 = arith.mulf %div3A_65, %mul3A_66 : vector<1000x128xf32>
    %add3A_68 = vector.broadcast %get3A_48 : vector<1x128xf32> to vector<1000x128xf32>
    %add3A_69 = arith.addf %mul3A_67, %add3A_68 : vector<1000x128xf32>
    %iota3A = tpu.iota {dimensions = array<i32: 1>} : vector<1x16xi32>
    %lt3A = arith.constant 3 : i32
    %lt3A_70 = vector.broadcast %lt3A : i32 to vector<1x16xi32>
    %lt3A_71 = arith.cmpi slt, %iota3A, %lt3A_70 : vector<1x16xi32>
    %jit3A = arith.constant 1.000000e+00 : f32
    %jit3A_72 = arith.constant 0.000000e+00 : f32
    %broadcast_in_dim3A_73 = vector.broadcast %jit3A : f32 to vector<1x16xf32>
    %broadcast_in_dim3A_74 = vector.broadcast %jit3A_72 : f32 to vector<1x16xf32>
    %select_n3A = arith.select %lt3A_71, %broadcast_in_dim3A_73, %broadcast_in_dim3A_74 : vector<1x16xi1>, vector<1x16xf32>
    %get3A_75 = arith.constant 0 : index
    %get3A_76 = arith.constant 0 : index
    %get3A_77 = vector.load %arg4[%get3A_75, %get3A_76] : memref<1000x16xf32, #tpu.memory_space<vmem>>, vector<1000x16xf32>
    %mul3A_78 = vector.broadcast %select_n3A : vector<1x16xf32> to vector<1000x16xf32>
    %mul3A_79 = arith.mulf %get3A_8, %mul3A_78 : vector<1000x16xf32>
    %div3A_80 = vector.broadcast %max3A_10 : vector<1000x1xf32> to vector<1000x16xf32>
    %div3A_81 = arith.divf %mul3A_79, %div3A_80 : vector<1000x16xf32>
    %add3A_82 = arith.addf %get3A_77, %div3A_81 : vector<1000x16xf32>
    %swap3A = arith.constant 0 : index
    %swap3A_83 = arith.constant 0 : index
    %swap3A_84 = vector.load %arg14[%swap3A, %swap3A_83] : memref<1000x128xf32, #tpu.memory_space<vmem>>, vector<1000x128xf32>
    tpu.vector_store %arg14[%swap3A, %swap3A_83], %add3A_69 {strides = array<i32>} : memref<1000x128xf32, #tpu.memory_space<vmem>>, vector<1000x128xf32>,
    %get3A_85 = arith.constant 0 : index
    %get3A_86 = arith.constant 0 : index
    %get3A_87 = vector.load %arg12[%get3A_85, %get3A_86] : memref<128x128xf32, #tpu.memory_space<vmem>>, vector<128x128xf32>
    %dot_general3A_88 = arith.constant dense<0.000000e+00> : vector<1000x128xf32>
    %dot_general3A_89 = tpu.matmul %add3A_69, %get3A_87, %dot_general3A_88 {dimension_numbers = #tpu.dot_dimension_numbers<[1], [0], [0], [1], [0, 0, 1, 1], [], []>, transpose_lhs_hint = false} : vector<1000x128xf32>, vector<128x128xf32>, vector<1000x128xf32> -> vector<1000x128xf32>
    %broadcast_in_dim3A_90 = arith.constant 0.000000e+00 : f32
    %broadcast_in_dim3A_91 = vector.broadcast %broadcast_in_dim3A_90 : f32 to vector<1000x112xf32>
    %concatenate3A = tpu.concatenate %add3A_82, %broadcast_in_dim3A_91 in 1 : vector<1000x16xf32>, vector<1000x112xf32> -> vector<1000x128xf32>
    %bitcast_convert_type3A = tpu.bitcast %dot_general3A_89 : vector<1000x128xf32> -> vector<1000x128xi32>
    %bitcast_convert_type3A_92 = tpu.bitcast %concatenate3A : vector<1000x128xf32> -> vector<1000x128xi32>
    %add3A_93 = arith.constant 32768 : i32
    %add3A_94 = vector.broadcast %add3A_93 : i32 to vector<1000x128xi32>
    %add3A_95 = arith.addi %bitcast_convert_type3A_92, %add3A_94 : vector<1000x128xi32>
    %and3A = arith.constant -65536 : i32
    %and3A_96 = vector.broadcast %and3A : i32 to vector<1000x128xi32>
    %and3A_97 = arith.andi %add3A_95, %and3A_96 : vector<1000x128xi32>
    %add3A_98 = arith.constant 32768 : i32
    %add3A_99 = vector.broadcast %add3A_98 : i32 to vector<1000x128xi32>
    %add3A_100 = arith.addi %bitcast_convert_type3A, %add3A_99 : vector<1000x128xi32>
    %shift_right_logical3A = arith.constant 16 : i32
    %shift_right_logical3A_101 = vector.broadcast %shift_right_logical3A : i32 to vector<1000x128xi32>
    %shift_right_logical3A_102 = arith.shrui %add3A_100, %shift_right_logical3A_101 : vector<1000x128xi32>
    %or3A = arith.ori %and3A_97, %shift_right_logical3A_102 : vector<1000x128xi32>
    %swap3A_103 = arith.constant 0 : index
    %swap3A_104 = arith.constant 0 : index
    %swap3A_105 = vector.load %arg15[%swap3A_103, %swap3A_104] : memref<1000x128xi32, #tpu.memory_space<vmem>>, vector<1000x128xi32>
    tpu.vector_store %arg15[%swap3A_103, %swap3A_104], %or3A {strides = array<i32>} : memref<1000x128xi32, #tpu.memory_space<vmem>>, vector<1000x128xi32>,
    %get3A_106 = arith.constant 0 : index
    %get3A_107 = arith.constant 0 : index
    %get3A_108 = vector.load %arg13[%get3A_106, %get3A_107] : memref<128x128xf32, #tpu.memory_space<vmem>>, vector<128x128xf32>
    %dot_general3A_109 = arith.constant dense<0.000000e+00> : vector<1000x128xf32>
    %dot_general3A_110 = tpu.matmul %add3A_69, %get3A_108, %dot_general3A_109 {dimension_numbers = #tpu.dot_dimension_numbers<[1], [0], [0], [1], [0, 0, 1, 1], [], []>, transpose_lhs_hint = false} : vector<1000x128xf32>, vector<128x128xf32>, vector<1000x128xf32> -> vector<1000x128xf32>
    %broadcast_in_dim3A_111 = arith.constant 0.000000e+00 : f32
    %broadcast_in_dim3A_112 = vector.broadcast %broadcast_in_dim3A_111 : f32 to vector<1000x112xf32>
    %concatenate3A_113 = tpu.concatenate %add3A_82, %broadcast_in_dim3A_112 in 1 : vector<1000x16xf32>, vector<1000x112xf32> -> vector<1000x128xf32>
    %bitcast_convert_type3A_114 = tpu.bitcast %dot_general3A_110 : vector<1000x128xf32> -> vector<1000x128xi32>
    %bitcast_convert_type3A_115 = tpu.bitcast %concatenate3A_113 : vector<1000x128xf32> -> vector<1000x128xi32>
    %add3A_116 = arith.constant 32768 : i32
    %add3A_117 = vector.broadcast %add3A_116 : i32 to vector<1000x128xi32>
    %add3A_118 = arith.addi %bitcast_convert_type3A_115, %add3A_117 : vector<1000x128xi32>
    %and3A_119 = arith.constant -65536 : i32
    %and3A_120 = vector.broadcast %and3A_119 : i32 to vector<1000x128xi32>
    %and3A_121 = arith.andi %add3A_118, %and3A_120 : vector<1000x128xi32>
    %add3A_122 = arith.constant 32768 : i32
    %add3A_123 = vector.broadcast %add3A_122 : i32 to vector<1000x128xi32>
    %add3A_124 = arith.addi %bitcast_convert_type3A_114, %add3A_123 : vector<1000x128xi32>
    %shift_right_logical3A_125 = arith.constant 16 : i32
    %shift_right_logical3A_126 = vector.broadcast %shift_right_logical3A_125 : i32 to vector<1000x128xi32>
    %shift_right_logical3A_127 = arith.shrui %add3A_124, %shift_right_logical3A_126 : vector<1000x128xi32>
    %or3A_128 = arith.ori %and3A_121, %shift_right_logical3A_127 : vector<1000x128xi32>
    %swap3A_129 = arith.constant 0 : index
    %swap3A_130 = arith.constant 0 : index
    %swap3A_131 = vector.load %arg16[%swap3A_129, %swap3A_130] : memref<1000x128xi32, #tpu.memory_space<vmem>>, vector<1000x128xi32>
    tpu.vector_store %arg16[%swap3A_129, %swap3A_130], %or3A_128 {strides = array<i32>} : memref<1000x128xi32, #tpu.memory_space<vmem>>, vector<1000x128xi32>,
    return
  }
  func.func @transform_0(%arg0: i32) -> (i32, i32) {
    %c0_i32 = arith.constant 0 : i32
    %c0_i32_0 = arith.constant 0 : i32
    return %arg0, %c0_i32 : i32, i32
  }
  func.func @transform_1(%arg0: i32) -> (i32, i32, i32) {
    %c0_i32 = arith.constant 0 : i32
    %c0_i32_0 = arith.constant 0 : i32
    %c0_i32_1 = arith.constant 0 : i32
    return %c0_i32, %arg0, %c0_i32_0 : i32, i32, i32
  }
  func.func @transform_2(%arg0: i32) -> (i32, i32, i32) {
    %c0_i32 = arith.constant 0 : i32
    %c0_i32_0 = arith.constant 0 : i32
    %c0_i32_1 = arith.constant 0 : i32
    return %c0_i32, %arg0, %c0_i32_0 : i32, i32, i32
  }
  func.func @transform_3(%arg0: i32) -> (i32, i32) {
    %c0_i32 = arith.constant 0 : i32
    %c0_i32_0 = arith.constant 0 : i32
    return %arg0, %c0_i32 : i32, i32
  }
  func.func @transform_4(%arg0: i32) -> (i32, i32) {
    %c0_i32 = arith.constant 0 : i32
    %c0_i32_0 = arith.constant 0 : i32
    %c0_i32_1 = arith.constant 0 : i32
    return %c0_i32, %c0_i32_0 : i32, i32
  }
  func.func @transform_5(%arg0: i32) -> (i32, i32) {
    %c0_i32 = arith.constant 0 : i32
    %c0_i32_0 = arith.constant 0 : i32
    %c0_i32_1 = arith.constant 0 : i32
    return %c0_i32, %c0_i32_0 : i32, i32
  }
  func.func @transform_6(%arg0: i32) -> (i32, i32) {
    %c0_i32 = arith.constant 0 : i32
    %c0_i32_0 = arith.constant 0 : i32
    %c0_i32_1 = arith.constant 0 : i32
    return %c0_i32, %c0_i32_0 : i32, i32
  }
  func.func @transform_7(%arg0: i32) -> (i32, i32) {
    %c0_i32 = arith.constant 0 : i32
    %c0_i32_0 = arith.constant 0 : i32
    %c0_i32_1 = arith.constant 0 : i32
    return %c0_i32, %c0_i32_0 : i32, i32
  }
  func.func @transform_8(%arg0: i32) -> (i32, i32) {
    %c0_i32 = arith.constant 0 : i32
    %c0_i32_0 = arith.constant 0 : i32
    %c0_i32_1 = arith.constant 0 : i32
    return %c0_i32, %c0_i32_0 : i32, i32
  }
  func.func @transform_9(%arg0: i32) -> (i32, i32) {
    %c0_i32 = arith.constant 0 : i32
    %c0_i32_0 = arith.constant 0 : i32
    %c0_i32_1 = arith.constant 0 : i32
    return %c0_i32, %c0_i32_0 : i32, i32
  }
  func.func @transform_10(%arg0: i32) -> (i32, i32) {
    %c0_i32 = arith.constant 0 : i32
    %c0_i32_0 = arith.constant 0 : i32
    %c0_i32_1 = arith.constant 0 : i32
    return %c0_i32, %c0_i32_0 : i32, i32
  }
  func.func @transform_11(%arg0: i32) -> (i32, i32) {
    %c0_i32 = arith.constant 0 : i32
    %c0_i32_0 = arith.constant 0 : i32
    %c0_i32_1 = arith.constant 0 : i32
    return %c0_i32, %c0_i32_0 : i32, i32
  }
  func.func @transform_12(%arg0: i32) -> (i32, i32) {
    %c0_i32 = arith.constant 0 : i32
    %c0_i32_0 = arith.constant 0 : i32
    %c0_i32_1 = arith.constant 0 : i32
    return %c0_i32, %c0_i32_0 : i32, i32
  }
  func.func @transform_13(%arg0: i32) -> (i32, i32) {
    %c0_i32 = arith.constant 0 : i32
    %c0_i32_0 = arith.constant 0 : i32
    return %arg0, %c0_i32 : i32, i32
  }
  func.func @transform_14(%arg0: i32) -> (i32, i32) {
    %c0_i32 = arith.constant 0 : i32
    %c0_i32_0 = arith.constant 0 : i32
    return %arg0, %c0_i32 : i32, i32
  }
  func.func @transform_15(%arg0: i32) -> (i32, i32) {
    %c0_i32 = arith.constant 0 : i32
    %c0_i32_0 = arith.constant 0 : i32
    return %arg0, %c0_i32 : i32, i32
  }
}

module attributes {stable_mosaic.version = 14 : i64} {
  func.func @body(%arg0: i32, %arg1: memref<2048x128xi32, #tpu.memory_space<vmem>>, %arg2: memref<2048x128xi32, #tpu.memory_space<vmem>>, %arg3: memref<2048x16xf32, #tpu.memory_space<vmem>>, %arg4: memref<16x128xf32, #tpu.memory_space<vmem>>, %arg5: memref<1x128xf32, #tpu.memory_space<vmem>>, %arg6: memref<1x128xf32, #tpu.memory_space<vmem>>, %arg7: memref<128x128xf32, #tpu.memory_space<vmem>>, %arg8: memref<1x128xf32, #tpu.memory_space<vmem>>, %arg9: memref<2048x128xf32, #tpu.memory_space<vmem>>) attributes {dimension_semantics = [#tpu.dimension_semantics<arbitrary>], iteration_bounds = array<i64: 80>, scalar_prefetch = 0 : i64, scratch_operands = 0 : i64, tpu.core_type = #tpu.core_type<tc>, window_params = [{transform_indices = @transform_0, window_bounds = array<i64: 2048, 128>}, {transform_indices = @transform_1, window_bounds = array<i64: 2048, 128>}, {transform_indices = @transform_2, window_bounds = array<i64: 2048, 16>}, {pipeline_mode = #tpu.pipeline_mode<synchronous>, transform_indices = @transform_3, window_bounds = array<i64: 16, 128>}, {pipeline_mode = #tpu.pipeline_mode<synchronous>, transform_indices = @transform_4, window_bounds = array<i64: 1, 128>}, {pipeline_mode = #tpu.pipeline_mode<synchronous>, transform_indices = @transform_5, window_bounds = array<i64: 1, 128>}, {pipeline_mode = #tpu.pipeline_mode<synchronous>, transform_indices = @transform_6, window_bounds = array<i64: 128, 128>}, {pipeline_mode = #tpu.pipeline_mode<synchronous>, transform_indices = @transform_7, window_bounds = array<i64: 1, 128>}, {transform_indices = @transform_8, window_bounds = array<i64: 2048, 128>}]} {
    %mul3A = arith.constant 2048 : i32
    %mul3A_0 = arith.muli %arg0, %mul3A : i32
    %iota3A = tpu.iota {dimensions = array<i32: 0>} : vector<2048x1xi32>
    %add3A = vector.broadcast %mul3A_0 : i32 to vector<2048x1xi32>
    %add3A_1 = arith.addi %add3A, %iota3A : vector<2048x1xi32>
    %lt3A = arith.constant 160000 : i32
    %lt3A_2 = vector.broadcast %lt3A : i32 to vector<2048x1xi32>
    %lt3A_3 = arith.cmpi slt, %add3A_1, %lt3A_2 : vector<2048x1xi32>
    %convert_element_type3A = arith.extui %lt3A_3 : vector<2048x1xi1> to vector<2048x1xi32>
    %convert_element_type3A_4 = arith.sitofp %convert_element_type3A : vector<2048x1xi32> to vector<2048x1xf32>
    %get3A = arith.constant 0 : index
    %get3A_5 = arith.constant 0 : index
    %get3A_6 = vector.load %arg1[%get3A, %get3A_5] : memref<2048x128xi32, #tpu.memory_space<vmem>>, vector<2048x128xi32>
    %shift_left3A = arith.constant 16 : i32
    %shift_left3A_7 = vector.broadcast %shift_left3A : i32 to vector<2048x128xi32>
    %shift_left3A_8 = arith.shli %get3A_6, %shift_left3A_7 : vector<2048x128xi32>
    %bitcast_convert_type3A = tpu.bitcast %shift_left3A_8 : vector<2048x128xi32> -> vector<2048x128xf32>
    %and3A = arith.constant -65536 : i32
    %and3A_9 = vector.broadcast %and3A : i32 to vector<2048x128xi32>
    %and3A_10 = arith.andi %get3A_6, %and3A_9 : vector<2048x128xi32>
    %bitcast_convert_type3A_11 = tpu.bitcast %and3A_10 : vector<2048x128xi32> -> vector<2048x128xf32>
    %slice3A = vector.extract_strided_slice %bitcast_convert_type3A_11 {offsets = [0, 0], sizes = [2048, 16], strides = [1, 1]} : vector<2048x128xf32> to vector<2048x16xf32>
    %get3A_12 = arith.constant 0 : index
    %get3A_13 = arith.constant 0 : index
    %get3A_14 = vector.load %arg2[%get3A_12, %get3A_13] : memref<2048x128xi32, #tpu.memory_space<vmem>>, vector<2048x128xi32>
    %shift_left3A_15 = arith.constant 16 : i32
    %shift_left3A_16 = vector.broadcast %shift_left3A_15 : i32 to vector<2048x128xi32>
    %shift_left3A_17 = arith.shli %get3A_14, %shift_left3A_16 : vector<2048x128xi32>
    %bitcast_convert_type3A_18 = tpu.bitcast %shift_left3A_17 : vector<2048x128xi32> -> vector<2048x128xf32>
    %and3A_19 = arith.constant -65536 : i32
    %and3A_20 = vector.broadcast %and3A_19 : i32 to vector<2048x128xi32>
    %and3A_21 = arith.andi %get3A_14, %and3A_20 : vector<2048x128xi32>
    %bitcast_convert_type3A_22 = tpu.bitcast %and3A_21 : vector<2048x128xi32> -> vector<2048x128xf32>
    %slice3A_23 = vector.extract_strided_slice %bitcast_convert_type3A_22 {offsets = [0, 0], sizes = [2048, 16], strides = [1, 1]} : vector<2048x128xf32> to vector<2048x16xf32>
    %add3A_24 = arith.addf %bitcast_convert_type3A, %bitcast_convert_type3A_18 : vector<2048x128xf32>
    %sub3A = arith.subf %slice3A, %slice3A_23 : vector<2048x16xf32>
    %mul3A_25 = arith.mulf %sub3A, %sub3A : vector<2048x16xf32>
    %reduce_sum3A = arith.constant dense<0.000000e+00> : vector<2048xf32>
    %reduce_sum3A_26 = vector.multi_reduction <add>, %mul3A_25, %reduce_sum3A [1] : vector<2048x16xf32> to vector<2048xf32>
    %broadcast_in_dim3A = vector.shape_cast %reduce_sum3A_26 : vector<2048xf32> to vector<2048x1xf32>
    %get3A_27 = arith.constant 0 : index
    %get3A_28 = arith.constant 0 : index
    %get3A_29 = vector.load %arg5[%get3A_27, %get3A_28] : memref<1x128xf32, #tpu.memory_space<vmem>>, vector<1x128xf32>
    %mul3A_30 = vector.broadcast %broadcast_in_dim3A : vector<2048x1xf32> to vector<2048x128xf32>
    %mul3A_31 = vector.broadcast %get3A_29 : vector<1x128xf32> to vector<2048x128xf32>
    %mul3A_32 = arith.mulf %mul3A_30, %mul3A_31 : vector<2048x128xf32>
    %add3A_33 = arith.addf %add3A_24, %mul3A_32 : vector<2048x128xf32>
    %get3A_34 = arith.constant 0 : index
    %get3A_35 = arith.constant 0 : index
    %get3A_36 = vector.load %arg3[%get3A_34, %get3A_35] : memref<2048x16xf32, #tpu.memory_space<vmem>>, vector<2048x16xf32>
    %get3A_37 = arith.constant 0 : index
    %get3A_38 = arith.constant 0 : index
    %get3A_39 = vector.load %arg4[%get3A_37, %get3A_38] : memref<16x128xf32, #tpu.memory_space<vmem>>, vector<16x128xf32>
    %dot_general3A = arith.constant dense<0.000000e+00> : vector<2048x128xf32>
    %dot_general3A_40 = tpu.matmul %get3A_36, %get3A_39, %dot_general3A {dimension_numbers = #tpu.dot_dimension_numbers<[1], [0], [0], [1], [0, 0, 1, 1], [], []>, transpose_lhs_hint = false} : vector<2048x16xf32>, vector<16x128xf32>, vector<2048x128xf32> -> vector<2048x128xf32>
    %add3A_41 = arith.addf %add3A_33, %dot_general3A_40 : vector<2048x128xf32>
    %get3A_42 = arith.constant 0 : index
    %get3A_43 = arith.constant 0 : index
    %get3A_44 = vector.load %arg6[%get3A_42, %get3A_43] : memref<1x128xf32, #tpu.memory_space<vmem>>, vector<1x128xf32>
    %add3A_45 = vector.broadcast %get3A_44 : vector<1x128xf32> to vector<2048x128xf32>
    %add3A_46 = arith.addf %add3A_41, %add3A_45 : vector<2048x128xf32>
    %logistic3A = arith.negf %add3A_46 : vector<2048x128xf32>
    %logistic3A_47 = math.exp %logistic3A : vector<2048x128xf32>
    %logistic3A_48 = arith.constant 1.000000e+00 : f32
    %logistic3A_49 = vector.broadcast %logistic3A_48 : f32 to vector<2048x128xf32>
    %logistic3A_50 = arith.addf %logistic3A_49, %logistic3A_47 : vector<2048x128xf32>
    %logistic3A_51 = arith.divf %logistic3A_49, %logistic3A_50 : vector<2048x128xf32>
    %mul3A_52 = arith.mulf %add3A_46, %logistic3A_51 : vector<2048x128xf32>
    %get3A_53 = arith.constant 0 : index
    %get3A_54 = arith.constant 0 : index
    %get3A_55 = vector.load %arg7[%get3A_53, %get3A_54] : memref<128x128xf32, #tpu.memory_space<vmem>>, vector<128x128xf32>
    %dot_general3A_56 = arith.constant dense<0.000000e+00> : vector<2048x128xf32>
    %dot_general3A_57 = tpu.matmul %mul3A_52, %get3A_55, %dot_general3A_56 {dimension_numbers = #tpu.dot_dimension_numbers<[1], [0], [0], [1], [0, 0, 1, 1], [], []>, transpose_lhs_hint = false} : vector<2048x128xf32>, vector<128x128xf32>, vector<2048x128xf32> -> vector<2048x128xf32>
    %get3A_58 = arith.constant 0 : index
    %get3A_59 = arith.constant 0 : index
    %get3A_60 = vector.load %arg8[%get3A_58, %get3A_59] : memref<1x128xf32, #tpu.memory_space<vmem>>, vector<1x128xf32>
    %add3A_61 = vector.broadcast %get3A_60 : vector<1x128xf32> to vector<2048x128xf32>
    %add3A_62 = arith.addf %dot_general3A_57, %add3A_61 : vector<2048x128xf32>
    %logistic3A_63 = arith.negf %add3A_62 : vector<2048x128xf32>
    %logistic3A_64 = math.exp %logistic3A_63 : vector<2048x128xf32>
    %logistic3A_65 = arith.constant 1.000000e+00 : f32
    %logistic3A_66 = vector.broadcast %logistic3A_65 : f32 to vector<2048x128xf32>
    %logistic3A_67 = arith.addf %logistic3A_66, %logistic3A_64 : vector<2048x128xf32>
    %logistic3A_68 = arith.divf %logistic3A_66, %logistic3A_67 : vector<2048x128xf32>
    %mul3A_69 = arith.mulf %add3A_62, %logistic3A_68 : vector<2048x128xf32>
    %mul3A_70 = vector.broadcast %convert_element_type3A_4 : vector<2048x1xf32> to vector<2048x128xf32>
    %mul3A_71 = arith.mulf %mul3A_69, %mul3A_70 : vector<2048x128xf32>
    %swap3A = arith.constant 0 : index
    %swap3A_72 = arith.constant 0 : index
    %swap3A_73 = vector.load %arg9[%swap3A, %swap3A_72] : memref<2048x128xf32, #tpu.memory_space<vmem>>, vector<2048x128xf32>
    tpu.vector_store %arg9[%swap3A, %swap3A_72], %mul3A_71 {strides = array<i32>} : memref<2048x128xf32, #tpu.memory_space<vmem>>, vector<2048x128xf32>,
    return
  }
  func.func @transform_0(%arg0: i32) -> (i32, i32) {
    %c0_i32 = arith.constant 0 : i32
    %c0_i32_0 = arith.constant 0 : i32
    return %arg0, %c0_i32 : i32, i32
  }
  func.func @transform_1(%arg0: i32) -> (i32, i32) {
    %c0_i32 = arith.constant 0 : i32
    %c0_i32_0 = arith.constant 0 : i32
    return %arg0, %c0_i32 : i32, i32
  }
  func.func @transform_2(%arg0: i32) -> (i32, i32) {
    %c0_i32 = arith.constant 0 : i32
    %c0_i32_0 = arith.constant 0 : i32
    return %arg0, %c0_i32 : i32, i32
  }
  func.func @transform_3(%arg0: i32) -> (i32, i32) {
    %c0_i32 = arith.constant 0 : i32
    %c0_i32_0 = arith.constant 0 : i32
    %c0_i32_1 = arith.constant 0 : i32
    return %c0_i32, %c0_i32_0 : i32, i32
  }
  func.func @transform_4(%arg0: i32) -> (i32, i32) {
    %c0_i32 = arith.constant 0 : i32
    %c0_i32_0 = arith.constant 0 : i32
    %c0_i32_1 = arith.constant 0 : i32
    return %c0_i32, %c0_i32_0 : i32, i32
  }
  func.func @transform_5(%arg0: i32) -> (i32, i32) {
    %c0_i32 = arith.constant 0 : i32
    %c0_i32_0 = arith.constant 0 : i32
    %c0_i32_1 = arith.constant 0 : i32
    return %c0_i32, %c0_i32_0 : i32, i32
  }
  func.func @transform_6(%arg0: i32) -> (i32, i32) {
    %c0_i32 = arith.constant 0 : i32
    %c0_i32_0 = arith.constant 0 : i32
    %c0_i32_1 = arith.constant 0 : i32
    return %c0_i32, %c0_i32_0 : i32, i32
  }
  func.func @transform_7(%arg0: i32) -> (i32, i32) {
    %c0_i32 = arith.constant 0 : i32
    %c0_i32_0 = arith.constant 0 : i32
    %c0_i32_1 = arith.constant 0 : i32
    return %c0_i32, %c0_i32_0 : i32, i32
  }
  func.func @transform_8(%arg0: i32) -> (i32, i32) {
    %c0_i32 = arith.constant 0 : i32
    %c0_i32_0 = arith.constant 0 : i32
    return %arg0, %c0_i32 : i32, i32
  }
}

module attributes {stable_mosaic.version = 14 : i64} {
  func.func @body(%arg0: i32, %arg1: memref<1000x128xf32, #tpu.memory_space<vmem>>, %arg2: memref<1x1000x128xf32, #tpu.memory_space<vmem>>, %arg3: memref<128x128xf32, #tpu.memory_space<vmem>>, %arg4: memref<128x128xf32, #tpu.memory_space<vmem>>, %arg5: memref<1x128xf32, #tpu.memory_space<vmem>>, %arg6: memref<128x128xf32, #tpu.memory_space<vmem>>, %arg7: memref<1x128xf32, #tpu.memory_space<vmem>>, %arg8: memref<128x64xf32, #tpu.memory_space<vmem>>, %arg9: memref<1x64xf32, #tpu.memory_space<vmem>>, %arg10: memref<128x64xf32, #tpu.memory_space<vmem>>, %arg11: memref<1x64xf32, #tpu.memory_space<vmem>>, %arg12: memref<1000x64xf32, #tpu.memory_space<vmem>>, %arg13: memref<1000x64xf32, #tpu.memory_space<vmem>>, %arg14: memref<1000x64xf32, #tpu.memory_space<vmem>>, %arg15: memref<1000x64xf32, #tpu.memory_space<vmem>>, %arg16: memref<1000x128xf32, #tpu.memory_space<vmem>>) attributes {dimension_semantics = [#tpu.dimension_semantics<arbitrary>], iteration_bounds = array<i64: 10>, scalar_prefetch = 0 : i64, scratch_operands = 0 : i64, tpu.core_type = #tpu.core_type<tc>, window_params = [{transform_indices = @transform_0, window_bounds = array<i64: 1000, 128>}, {transform_indices = @transform_1, window_bounds = array<i64: 1, 1000, 128>}, {pipeline_mode = #tpu.pipeline_mode<synchronous>, transform_indices = @transform_2, window_bounds = array<i64: 128, 128>}, {pipeline_mode = #tpu.pipeline_mode<synchronous>, transform_indices = @transform_3, window_bounds = array<i64: 128, 128>}, {pipeline_mode = #tpu.pipeline_mode<synchronous>, transform_indices = @transform_4, window_bounds = array<i64: 1, 128>}, {pipeline_mode = #tpu.pipeline_mode<synchronous>, transform_indices = @transform_5, window_bounds = array<i64: 128, 128>}, {pipeline_mode = #tpu.pipeline_mode<synchronous>, transform_indices = @transform_6, window_bounds = array<i64: 1, 128>}, {pipeline_mode = #tpu.pipeline_mode<synchronous>, transform_indices = @transform_7, window_bounds = array<i64: 128, 64>}, {pipeline_mode = #tpu.pipeline_mode<synchronous>, transform_indices = @transform_8, window_bounds = array<i64: 1, 64>}, {pipeline_mode = #tpu.pipeline_mode<synchronous>, transform_indices = @transform_9, window_bounds = array<i64: 128, 64>}, {pipeline_mode = #tpu.pipeline_mode<synchronous>, transform_indices = @transform_10, window_bounds = array<i64: 1, 64>}, {transform_indices = @transform_11, window_bounds = array<i64: 1000, 64>}, {transform_indices = @transform_12, window_bounds = array<i64: 1000, 64>}, {transform_indices = @transform_13, window_bounds = array<i64: 1000, 64>}, {transform_indices = @transform_14, window_bounds = array<i64: 1000, 64>}, {transform_indices = @transform_15, window_bounds = array<i64: 1000, 128>}]} {
    %get3A = arith.constant 0 : index
    %get3A_0 = arith.constant 0 : index
    %get3A_1 = arith.constant 0 : index
    %get3A_2 = vector.load %arg2[%get3A, %get3A_0, %get3A_1] : memref<1x1000x128xf32, #tpu.memory_space<vmem>>, vector<1x1000x128xf32>
    %get3A_3 = vector.shape_cast %get3A_2 : vector<1x1000x128xf32> to vector<1000x128xf32>
    %get3A_4 = arith.constant 0 : index
    %get3A_5 = arith.constant 0 : index
    %get3A_6 = vector.load %arg1[%get3A_4, %get3A_5] : memref<1000x128xf32, #tpu.memory_space<vmem>>, vector<1000x128xf32>
    %get3A_7 = arith.constant 0 : index
    %get3A_8 = arith.constant 0 : index
    %get3A_9 = vector.load %arg3[%get3A_7, %get3A_8] : memref<128x128xf32, #tpu.memory_space<vmem>>, vector<128x128xf32>
    %dot_general3A = arith.constant dense<0.000000e+00> : vector<1000x128xf32>
    %dot_general3A_10 = tpu.matmul %get3A_6, %get3A_9, %dot_general3A {dimension_numbers = #tpu.dot_dimension_numbers<[1], [0], [0], [1], [0, 0, 1, 1], [], []>, transpose_lhs_hint = false} : vector<1000x128xf32>, vector<128x128xf32>, vector<1000x128xf32> -> vector<1000x128xf32>
    %get3A_11 = arith.constant 0 : index
    %get3A_12 = arith.constant 0 : index
    %get3A_13 = vector.load %arg4[%get3A_11, %get3A_12] : memref<128x128xf32, #tpu.memory_space<vmem>>, vector<128x128xf32>
    %dot_general3A_14 = arith.constant dense<0.000000e+00> : vector<1000x128xf32>
    %dot_general3A_15 = tpu.matmul %get3A_3, %get3A_13, %dot_general3A_14 {dimension_numbers = #tpu.dot_dimension_numbers<[1], [0], [0], [1], [0, 0, 1, 1], [], []>, transpose_lhs_hint = false} : vector<1000x128xf32>, vector<128x128xf32>, vector<1000x128xf32> -> vector<1000x128xf32>
    %add3A = arith.addf %dot_general3A_10, %dot_general3A_15 : vector<1000x128xf32>
    %get3A_16 = arith.constant 0 : index
    %get3A_17 = arith.constant 0 : index
    %get3A_18 = vector.load %arg5[%get3A_16, %get3A_17] : memref<1x128xf32, #tpu.memory_space<vmem>>, vector<1x128xf32>
    %add3A_19 = vector.broadcast %get3A_18 : vector<1x128xf32> to vector<1000x128xf32>
    %add3A_20 = arith.addf %add3A, %add3A_19 : vector<1000x128xf32>
    %logistic3A = arith.negf %add3A_20 : vector<1000x128xf32>
    %logistic3A_21 = math.exp %logistic3A : vector<1000x128xf32>
    %logistic3A_22 = arith.constant 1.000000e+00 : f32
    %logistic3A_23 = vector.broadcast %logistic3A_22 : f32 to vector<1000x128xf32>
    %logistic3A_24 = arith.addf %logistic3A_23, %logistic3A_21 : vector<1000x128xf32>
    %logistic3A_25 = arith.divf %logistic3A_23, %logistic3A_24 : vector<1000x128xf32>
    %mul3A = arith.mulf %add3A_20, %logistic3A_25 : vector<1000x128xf32>
    %get3A_26 = arith.constant 0 : index
    %get3A_27 = arith.constant 0 : index
    %get3A_28 = vector.load %arg6[%get3A_26, %get3A_27] : memref<128x128xf32, #tpu.memory_space<vmem>>, vector<128x128xf32>
    %dot_general3A_29 = arith.constant dense<0.000000e+00> : vector<1000x128xf32>
    %dot_general3A_30 = tpu.matmul %mul3A, %get3A_28, %dot_general3A_29 {dimension_numbers = #tpu.dot_dimension_numbers<[1], [0], [0], [1], [0, 0, 1, 1], [], []>, transpose_lhs_hint = false} : vector<1000x128xf32>, vector<128x128xf32>, vector<1000x128xf32> -> vector<1000x128xf32>
    %get3A_31 = arith.constant 0 : index
    %get3A_32 = arith.constant 0 : index
    %get3A_33 = vector.load %arg7[%get3A_31, %get3A_32] : memref<1x128xf32, #tpu.memory_space<vmem>>, vector<1x128xf32>
    %add3A_34 = vector.broadcast %get3A_33 : vector<1x128xf32> to vector<1000x128xf32>
    %add3A_35 = arith.addf %dot_general3A_30, %add3A_34 : vector<1000x128xf32>
    %get3A_36 = arith.constant 0 : index
    %get3A_37 = arith.constant 0 : index
    %get3A_38 = vector.load %arg8[%get3A_36, %get3A_37] : memref<128x64xf32, #tpu.memory_space<vmem>>, vector<128x64xf32>
    %dot_general3A_39 = arith.constant dense<0.000000e+00> : vector<1000x64xf32>
    %dot_general3A_40 = tpu.matmul %add3A_35, %get3A_38, %dot_general3A_39 {dimension_numbers = #tpu.dot_dimension_numbers<[1], [0], [0], [1], [0, 0, 1, 1], [], []>, transpose_lhs_hint = false} : vector<1000x128xf32>, vector<128x64xf32>, vector<1000x64xf32> -> vector<1000x64xf32>
    %get3A_41 = arith.constant 0 : index
    %get3A_42 = arith.constant 0 : index
    %get3A_43 = vector.load %arg9[%get3A_41, %get3A_42] : memref<1x64xf32, #tpu.memory_space<vmem>>, vector<1x64xf32>
    %add3A_44 = vector.broadcast %get3A_43 : vector<1x64xf32> to vector<1000x64xf32>
    %add3A_45 = arith.addf %dot_general3A_40, %add3A_44 : vector<1000x64xf32>
    %get3A_46 = arith.constant 0 : index
    %get3A_47 = arith.constant 0 : index
    %get3A_48 = vector.load %arg10[%get3A_46, %get3A_47] : memref<128x64xf32, #tpu.memory_space<vmem>>, vector<128x64xf32>
    %dot_general3A_49 = arith.constant dense<0.000000e+00> : vector<1000x64xf32>
    %dot_general3A_50 = tpu.matmul %add3A_35, %get3A_48, %dot_general3A_49 {dimension_numbers = #tpu.dot_dimension_numbers<[1], [0], [0], [1], [0, 0, 1, 1], [], []>, transpose_lhs_hint = false} : vector<1000x128xf32>, vector<128x64xf32>, vector<1000x64xf32> -> vector<1000x64xf32>
    %get3A_51 = arith.constant 0 : index
    %get3A_52 = arith.constant 0 : index
    %get3A_53 = vector.load %arg11[%get3A_51, %get3A_52] : memref<1x64xf32, #tpu.memory_space<vmem>>, vector<1x64xf32>
    %add3A_54 = vector.broadcast %get3A_53 : vector<1x64xf32> to vector<1000x64xf32>
    %add3A_55 = arith.addf %dot_general3A_50, %add3A_54 : vector<1000x64xf32>
    %get3A_56 = arith.constant 0 : index
    %get3A_57 = arith.constant 0 : index
    %get3A_58 = vector.load %arg12[%get3A_56, %get3A_57] : memref<1000x64xf32, #tpu.memory_space<vmem>>, vector<1000x64xf32>
    %exp3A = math.exp %add3A_55 : vector<1000x64xf32>
    %mul3A_59 = arith.mulf %get3A_58, %exp3A : vector<1000x64xf32>
    %add3A_60 = arith.addf %mul3A_59, %add3A_45 : vector<1000x64xf32>
    %swap3A = arith.constant 0 : index
    %swap3A_61 = arith.constant 0 : index
    %swap3A_62 = vector.load %arg13[%swap3A, %swap3A_61] : memref<1000x64xf32, #tpu.memory_space<vmem>>, vector<1000x64xf32>
    tpu.vector_store %arg13[%swap3A, %swap3A_61], %add3A_60 {strides = array<i32>} : memref<1000x64xf32, #tpu.memory_space<vmem>>, vector<1000x64xf32>,
    %swap3A_63 = arith.constant 0 : index
    %swap3A_64 = arith.constant 0 : index
    %swap3A_65 = vector.load %arg14[%swap3A_63, %swap3A_64] : memref<1000x64xf32, #tpu.memory_space<vmem>>, vector<1000x64xf32>
    tpu.vector_store %arg14[%swap3A_63, %swap3A_64], %add3A_45 {strides = array<i32>} : memref<1000x64xf32, #tpu.memory_space<vmem>>, vector<1000x64xf32>,
    %swap3A_66 = arith.constant 0 : index
    %swap3A_67 = arith.constant 0 : index
    %swap3A_68 = vector.load %arg15[%swap3A_66, %swap3A_67] : memref<1000x64xf32, #tpu.memory_space<vmem>>, vector<1000x64xf32>
    tpu.vector_store %arg15[%swap3A_66, %swap3A_67], %add3A_55 {strides = array<i32>} : memref<1000x64xf32, #tpu.memory_space<vmem>>, vector<1000x64xf32>,
    %broadcast_in_dim3A = arith.constant 0.000000e+00 : f32
    %broadcast_in_dim3A_69 = vector.broadcast %broadcast_in_dim3A : f32 to vector<1000x64xf32>
    %concatenate3A = tpu.concatenate %add3A_60, %broadcast_in_dim3A_69 in 1 : vector<1000x64xf32>, vector<1000x64xf32> -> vector<1000x128xf32>
    %swap3A_70 = arith.constant 0 : index
    %swap3A_71 = arith.constant 0 : index
    %swap3A_72 = vector.load %arg16[%swap3A_70, %swap3A_71] : memref<1000x128xf32, #tpu.memory_space<vmem>>, vector<1000x128xf32>
    tpu.vector_store %arg16[%swap3A_70, %swap3A_71], %concatenate3A {strides = array<i32>} : memref<1000x128xf32, #tpu.memory_space<vmem>>, vector<1000x128xf32>,
    return
  }
  func.func @transform_0(%arg0: i32) -> (i32, i32) {
    %c0_i32 = arith.constant 0 : i32
    %c0_i32_0 = arith.constant 0 : i32
    return %arg0, %c0_i32 : i32, i32
  }
  func.func @transform_1(%arg0: i32) -> (i32, i32, i32) {
    %c0_i32 = arith.constant 0 : i32
    %c0_i32_0 = arith.constant 0 : i32
    %c0_i32_1 = arith.constant 0 : i32
    return %c0_i32, %arg0, %c0_i32_0 : i32, i32, i32
  }
  func.func @transform_2(%arg0: i32) -> (i32, i32) {
    %c0_i32 = arith.constant 0 : i32
    %c0_i32_0 = arith.constant 0 : i32
    %c0_i32_1 = arith.constant 0 : i32
    return %c0_i32, %c0_i32_0 : i32, i32
  }
  func.func @transform_3(%arg0: i32) -> (i32, i32) {
    %c0_i32 = arith.constant 0 : i32
    %c0_i32_0 = arith.constant 0 : i32
    %c0_i32_1 = arith.constant 0 : i32
    return %c0_i32, %c0_i32_0 : i32, i32
  }
  func.func @transform_4(%arg0: i32) -> (i32, i32) {
    %c0_i32 = arith.constant 0 : i32
    %c0_i32_0 = arith.constant 0 : i32
    %c0_i32_1 = arith.constant 0 : i32
    return %c0_i32, %c0_i32_0 : i32, i32
  }
  func.func @transform_5(%arg0: i32) -> (i32, i32) {
    %c0_i32 = arith.constant 0 : i32
    %c0_i32_0 = arith.constant 0 : i32
    %c0_i32_1 = arith.constant 0 : i32
    return %c0_i32, %c0_i32_0 : i32, i32
  }
  func.func @transform_6(%arg0: i32) -> (i32, i32) {
    %c0_i32 = arith.constant 0 : i32
    %c0_i32_0 = arith.constant 0 : i32
    %c0_i32_1 = arith.constant 0 : i32
    return %c0_i32, %c0_i32_0 : i32, i32
  }
  func.func @transform_7(%arg0: i32) -> (i32, i32) {
    %c0_i32 = arith.constant 0 : i32
    %c0_i32_0 = arith.constant 0 : i32
    %c0_i32_1 = arith.constant 0 : i32
    return %c0_i32, %c0_i32_0 : i32, i32
  }
  func.func @transform_8(%arg0: i32) -> (i32, i32) {
    %c0_i32 = arith.constant 0 : i32
    %c0_i32_0 = arith.constant 0 : i32
    %c0_i32_1 = arith.constant 0 : i32
    return %c0_i32, %c0_i32_0 : i32, i32
  }
  func.func @transform_9(%arg0: i32) -> (i32, i32) {
    %c0_i32 = arith.constant 0 : i32
    %c0_i32_0 = arith.constant 0 : i32
    %c0_i32_1 = arith.constant 0 : i32
    return %c0_i32, %c0_i32_0 : i32, i32
  }
  func.func @transform_10(%arg0: i32) -> (i32, i32) {
    %c0_i32 = arith.constant 0 : i32
    %c0_i32_0 = arith.constant 0 : i32
    %c0_i32_1 = arith.constant 0 : i32
    return %c0_i32, %c0_i32_0 : i32, i32
  }
  func.func @transform_11(%arg0: i32) -> (i32, i32) {
    %c0_i32 = arith.constant 0 : i32
    %c0_i32_0 = arith.constant 0 : i32
    return %arg0, %c0_i32 : i32, i32
  }
  func.func @transform_12(%arg0: i32) -> (i32, i32) {
    %c0_i32 = arith.constant 0 : i32
    %c0_i32_0 = arith.constant 0 : i32
    return %arg0, %c0_i32 : i32, i32
  }
  func.func @transform_13(%arg0: i32) -> (i32, i32) {
    %c0_i32 = arith.constant 0 : i32
    %c0_i32_0 = arith.constant 0 : i32
    return %arg0, %c0_i32 : i32, i32
  }
  func.func @transform_14(%arg0: i32) -> (i32, i32) {
    %c0_i32 = arith.constant 0 : i32
    %c0_i32_0 = arith.constant 0 : i32
    return %arg0, %c0_i32 : i32, i32
  }
  func.func @transform_15(%arg0: i32) -> (i32, i32) {
    %c0_i32 = arith.constant 0 : i32
    %c0_i32_0 = arith.constant 0 : i32
    return %arg0, %c0_i32 : i32, i32
  }
}

module attributes {stable_mosaic.version = 14 : i64} {
  func.func @_dec_body(%arg0: i32, %arg1: memref<2048x128xf32, #tpu.memory_space<vmem>>, %arg2: memref<2048x128xf32, #tpu.memory_space<vmem>>, %arg3: memref<2048x128xf32, #tpu.memory_space<vmem>>, %arg4: memref<2048x128xf32, #tpu.memory_space<vmem>>, %arg5: memref<64x128xf32, #tpu.memory_space<vmem>>, %arg6: memref<1x128xf32, #tpu.memory_space<vmem>>, %arg7: memref<128x128xf32, #tpu.memory_space<vmem>>, %arg8: memref<1x128xf32, #tpu.memory_space<vmem>>, %arg9: memref<2048x128xf32, #tpu.memory_space<vmem>>, %arg10: memref<2048x128xf32, #tpu.memory_space<vmem>>) attributes {dimension_semantics = [#tpu.dimension_semantics<arbitrary>], iteration_bounds = array<i64: 55>, scalar_prefetch = 0 : i64, scratch_operands = 0 : i64, tpu.core_type = #tpu.core_type<tc>, window_params = [{transform_indices = @transform_0, window_bounds = array<i64: 2048, 128>}, {transform_indices = @transform_1, window_bounds = array<i64: 2048, 128>}, {transform_indices = @transform_2, window_bounds = array<i64: 2048, 128>}, {transform_indices = @transform_3, window_bounds = array<i64: 2048, 128>}, {pipeline_mode = #tpu.pipeline_mode<synchronous>, transform_indices = @transform_4, window_bounds = array<i64: 64, 128>}, {pipeline_mode = #tpu.pipeline_mode<synchronous>, transform_indices = @transform_5, window_bounds = array<i64: 1, 128>}, {pipeline_mode = #tpu.pipeline_mode<synchronous>, transform_indices = @transform_6, window_bounds = array<i64: 128, 128>}, {pipeline_mode = #tpu.pipeline_mode<synchronous>, transform_indices = @transform_7, window_bounds = array<i64: 1, 128>}, {transform_indices = @transform_8, window_bounds = array<i64: 2048, 128>}, {transform_indices = @transform_9, window_bounds = array<i64: 2048, 128>}]} {
    %get3A = arith.constant 0 : index
    %get3A_0 = arith.constant 0 : index
    %get3A_1 = vector.load %arg1[%get3A, %get3A_0] : memref<2048x128xf32, #tpu.memory_space<vmem>>, vector<2048x64xf32>
    %get3A_2 = arith.constant 0 : index
    %get3A_3 = arith.constant 0 : index
    %get3A_4 = vector.load %arg2[%get3A_2, %get3A_3] : memref<2048x128xf32, #tpu.memory_space<vmem>>, vector<2048x64xf32>
    %mul3A = arith.mulf %get3A_1, %get3A_4 : vector<2048x64xf32>
    %get3A_5 = arith.constant 0 : index
    %get3A_6 = arith.constant 0 : index
    %get3A_7 = vector.load %arg3[%get3A_5, %get3A_6] : memref<2048x128xf32, #tpu.memory_space<vmem>>, vector<2048x64xf32>
    %get3A_8 = arith.constant 0 : index
    %get3A_9 = arith.constant 0 : index
    %get3A_10 = vector.load %arg4[%get3A_8, %get3A_9] : memref<2048x128xf32, #tpu.memory_space<vmem>>, vector<2048x64xf32>
    %mul3A_11 = arith.mulf %get3A_7, %get3A_10 : vector<2048x64xf32>
    %get3A_12 = arith.constant 0 : index
    %get3A_13 = arith.constant 0 : index
    %get3A_14 = vector.load %arg5[%get3A_12, %get3A_13] : memref<64x128xf32, #tpu.memory_space<vmem>>, vector<64x128xf32>
    %dot_general3A = arith.constant dense<0.000000e+00> : vector<2048x128xf32>
    %dot_general3A_15 = tpu.matmul %mul3A, %get3A_14, %dot_general3A {dimension_numbers = #tpu.dot_dimension_numbers<[1], [0], [0], [1], [0, 0, 1, 1], [], []>, transpose_lhs_hint = false} : vector<2048x64xf32>, vector<64x128xf32>, vector<2048x128xf32> -> vector<2048x128xf32>
    %get3A_16 = arith.constant 0 : index
    %get3A_17 = arith.constant 0 : index
    %get3A_18 = vector.load %arg6[%get3A_16, %get3A_17] : memref<1x128xf32, #tpu.memory_space<vmem>>, vector<1x128xf32>
    %add3A = vector.broadcast %get3A_18 : vector<1x128xf32> to vector<2048x128xf32>
    %add3A_19 = arith.addf %dot_general3A_15, %add3A : vector<2048x128xf32>
    %max3A = arith.constant 0.000000e+00 : f32
    %max3A_20 = vector.broadcast %max3A : f32 to vector<2048x128xf32>
    %max3A_21 = arith.maximumf %add3A_19, %max3A_20 : vector<2048x128xf32>
    %get3A_22 = arith.constant 0 : index
    %get3A_23 = arith.constant 0 : index
    %get3A_24 = vector.load %arg5[%get3A_22, %get3A_23] : memref<64x128xf32, #tpu.memory_space<vmem>>, vector<64x128xf32>
    %dot_general3A_25 = arith.constant dense<0.000000e+00> : vector<2048x128xf32>
    %dot_general3A_26 = tpu.matmul %mul3A_11, %get3A_24, %dot_general3A_25 {dimension_numbers = #tpu.dot_dimension_numbers<[1], [0], [0], [1], [0, 0, 1, 1], [], []>, transpose_lhs_hint = false} : vector<2048x64xf32>, vector<64x128xf32>, vector<2048x128xf32> -> vector<2048x128xf32>
    %get3A_27 = arith.constant 0 : index
    %get3A_28 = arith.constant 0 : index
    %get3A_29 = vector.load %arg6[%get3A_27, %get3A_28] : memref<1x128xf32, #tpu.memory_space<vmem>>, vector<1x128xf32>
    %add3A_30 = vector.broadcast %get3A_29 : vector<1x128xf32> to vector<2048x128xf32>
    %add3A_31 = arith.addf %dot_general3A_26, %add3A_30 : vector<2048x128xf32>
    %max3A_32 = arith.constant 0.000000e+00 : f32
    %max3A_33 = vector.broadcast %max3A_32 : f32 to vector<2048x128xf32>
    %max3A_34 = arith.maximumf %add3A_31, %max3A_33 : vector<2048x128xf32>
    %get3A_35 = arith.constant 0 : index
    %get3A_36 = arith.constant 0 : index
    %get3A_37 = vector.load %arg7[%get3A_35, %get3A_36] : memref<128x128xf32, #tpu.memory_space<vmem>>, vector<128x128xf32>
    %dot_general3A_38 = arith.constant dense<0.000000e+00> : vector<2048x128xf32>
    %dot_general3A_39 = tpu.matmul %max3A_21, %get3A_37, %dot_general3A_38 {dimension_numbers = #tpu.dot_dimension_numbers<[1], [0], [0], [1], [0, 0, 1, 1], [], []>, transpose_lhs_hint = false} : vector<2048x128xf32>, vector<128x128xf32>, vector<2048x128xf32> -> vector<2048x128xf32>
    %get3A_40 = arith.constant 0 : index
    %get3A_41 = arith.constant 0 : index
    %get3A_42 = vector.load %arg8[%get3A_40, %get3A_41] : memref<1x128xf32, #tpu.memory_space<vmem>>, vector<1x128xf32>
    %add3A_43 = vector.broadcast %get3A_42 : vector<1x128xf32> to vector<2048x128xf32>
    %add3A_44 = arith.addf %dot_general3A_39, %add3A_43 : vector<2048x128xf32>
    %logistic3A = arith.negf %add3A_44 : vector<2048x128xf32>
    %logistic3A_45 = math.exp %logistic3A : vector<2048x128xf32>
    %logistic3A_46 = arith.constant 1.000000e+00 : f32
    %logistic3A_47 = vector.broadcast %logistic3A_46 : f32 to vector<2048x128xf32>
    %logistic3A_48 = arith.addf %logistic3A_47, %logistic3A_45 : vector<2048x128xf32>
    %logistic3A_49 = arith.divf %logistic3A_47, %logistic3A_48 : vector<2048x128xf32>
    %swap3A = arith.constant 0 : index
    %swap3A_50 = arith.constant 0 : index
    %swap3A_51 = vector.load %arg9[%swap3A, %swap3A_50] : memref<2048x128xf32, #tpu.memory_space<vmem>>, vector<2048x128xf32>
    tpu.vector_store %arg9[%swap3A, %swap3A_50], %logistic3A_49 {strides = array<i32>} : memref<2048x128xf32, #tpu.memory_space<vmem>>, vector<2048x128xf32>,
    %get3A_52 = arith.constant 0 : index
    %get3A_53 = arith.constant 0 : index
    %get3A_54 = vector.load %arg7[%get3A_52, %get3A_53] : memref<128x128xf32, #tpu.memory_space<vmem>>, vector<128x128xf32>
    %dot_general3A_55 = arith.constant dense<0.000000e+00> : vector<2048x128xf32>
    %dot_general3A_56 = tpu.matmul %max3A_34, %get3A_54, %dot_general3A_55 {dimension_numbers = #tpu.dot_dimension_numbers<[1], [0], [0], [1], [0, 0, 1, 1], [], []>, transpose_lhs_hint = false} : vector<2048x128xf32>, vector<128x128xf32>, vector<2048x128xf32> -> vector<2048x128xf32>
    %get3A_57 = arith.constant 0 : index
    %get3A_58 = arith.constant 0 : index
    %get3A_59 = vector.load %arg8[%get3A_57, %get3A_58] : memref<1x128xf32, #tpu.memory_space<vmem>>, vector<1x128xf32>
    %add3A_60 = vector.broadcast %get3A_59 : vector<1x128xf32> to vector<2048x128xf32>
    %add3A_61 = arith.addf %dot_general3A_56, %add3A_60 : vector<2048x128xf32>
    %logistic3A_62 = arith.negf %add3A_61 : vector<2048x128xf32>
    %logistic3A_63 = math.exp %logistic3A_62 : vector<2048x128xf32>
    %logistic3A_64 = arith.constant 1.000000e+00 : f32
    %logistic3A_65 = vector.broadcast %logistic3A_64 : f32 to vector<2048x128xf32>
    %logistic3A_66 = arith.addf %logistic3A_65, %logistic3A_63 : vector<2048x128xf32>
    %logistic3A_67 = arith.divf %logistic3A_65, %logistic3A_66 : vector<2048x128xf32>
    %swap3A_68 = arith.constant 0 : index
    %swap3A_69 = arith.constant 0 : index
    %swap3A_70 = vector.load %arg10[%swap3A_68, %swap3A_69] : memref<2048x128xf32, #tpu.memory_space<vmem>>, vector<2048x128xf32>
    tpu.vector_store %arg10[%swap3A_68, %swap3A_69], %logistic3A_67 {strides = array<i32>} : memref<2048x128xf32, #tpu.memory_space<vmem>>, vector<2048x128xf32>,
    return
  }
  func.func @transform_0(%arg0: i32) -> (i32, i32) {
    %c0_i32 = arith.constant 0 : i32
    %c0_i32_0 = arith.constant 0 : i32
    return %arg0, %c0_i32 : i32, i32
  }
  func.func @transform_1(%arg0: i32) -> (i32, i32) {
    %c0_i32 = arith.constant 0 : i32
    %c0_i32_0 = arith.constant 0 : i32
    return %arg0, %c0_i32 : i32, i32
  }
  func.func @transform_2(%arg0: i32) -> (i32, i32) {
    %c0_i32 = arith.constant 0 : i32
    %c0_i32_0 = arith.constant 0 : i32
    return %arg0, %c0_i32 : i32, i32
  }
  func.func @transform_3(%arg0: i32) -> (i32, i32) {
    %c0_i32 = arith.constant 0 : i32
    %c0_i32_0 = arith.constant 0 : i32
    return %arg0, %c0_i32 : i32, i32
  }
  func.func @transform_4(%arg0: i32) -> (i32, i32) {
    %c0_i32 = arith.constant 0 : i32
    %c0_i32_0 = arith.constant 0 : i32
    %c0_i32_1 = arith.constant 0 : i32
    return %c0_i32, %c0_i32_0 : i32, i32
  }
  func.func @transform_5(%arg0: i32) -> (i32, i32) {
    %c0_i32 = arith.constant 0 : i32
    %c0_i32_0 = arith.constant 0 : i32
    %c0_i32_1 = arith.constant 0 : i32
    return %c0_i32, %c0_i32_0 : i32, i32
  }
  func.func @transform_6(%arg0: i32) -> (i32, i32) {
    %c0_i32 = arith.constant 0 : i32
    %c0_i32_0 = arith.constant 0 : i32
    %c0_i32_1 = arith.constant 0 : i32
    return %c0_i32, %c0_i32_0 : i32, i32
  }
  func.func @transform_7(%arg0: i32) -> (i32, i32) {
    %c0_i32 = arith.constant 0 : i32
    %c0_i32_0 = arith.constant 0 : i32
    %c0_i32_1 = arith.constant 0 : i32
    return %c0_i32, %c0_i32_0 : i32, i32
  }
  func.func @transform_8(%arg0: i32) -> (i32, i32) {
    %c0_i32 = arith.constant 0 : i32
    %c0_i32_0 = arith.constant 0 : i32
    return %arg0, %c0_i32 : i32, i32
  }
  func.func @transform_9(%arg0: i32) -> (i32, i32) {
    %c0_i32 = arith.constant 0 : i32
    %c0_i32_0 = arith.constant 0 : i32
    return %arg0, %c0_i32 : i32, i32
  }
}

</mosaic_0001>

<sc_bundles>
// kernel: kernel.11.cloned.1.call-start
scs
__scs_entry_jumppad:
0x0: {  	(pc) =	sbr.rel $0x88, $3  }
0x1: {  	(tag) =	ssettag $0x0;
	lr =	simm.s32 $0x1  }
0x2: {  	[smem:$0x3F76] =	sst lr;
	_ =	strace $0xD0000000  }
0x3: {  	_ = 	snop  }
0x4: {  	_ = 	snop  }
0x5: {  	_ = 	snop  }
0x6: {  	_ = 	snop  }
0x7: {  	_ = 	snop  }
__scs_overlays_trampoline_lowered:
0x8: {  	[smem:$0x3F85] =	sst s0  }
0x9: {  	[smem:$0x3F86] =	sst s1  }
0xa: {  	[smem:$0x3F87] =	sst s2  }
0xb: {  	[smem:$0x3F88] =	sst s3  }
0xc: {  	[smem:$0x3F89] =	sst s4  }
0xd: {  	[smem:$0x3F8A] =	sst s5  }
0xe: {  	[smem:$0x3F8B] =	sst s6  }
0xf: {  	[smem:$0x3F8C] =	sst s7  }
0x10: {  	[smem:$0x3F8D] =	sst s8  }
0x11: {  	[smem:$0x3F8E] =	sst s9;
	s0 =	simm.s32 @!p0 $0x0  }
0x12: {  	s1 =	sld [smem:$0x3F74];
	s0 =	simm.s32 @p0 $0x1  }
0x13: {  	[smem:$0x3F8F] =	sst s0;
	s0 =	simm.s32 @!p1 $0x0  }
0x14: {  	s2 =	sld [smem:$0x3F73];
	s0 =	simm.s32 @p1 $0x1  }
0x15: {  	[smem:$0x3F90] =	sst s0;
	s0 =	simm.s32 @!p2 $0x0  }
0x16: {  	s3 =	sld [smem:$0x3FDB];
	s0 =	simm.s32 @p2 $0x1  }
0x17: {  	s4 =	simm.s32 $0x1BF5;
	[smem:$0x3F92] =	sst s0  }
0x18: {  	s0 =	sld [smem:$0x3F75];
	_ =	swait.ge [sflag:s4], $0x0  }
0x19: {  	s7 =	sld [smem:$0x3F76]  }
0x1a: {  	s8 =	sadd.s32 $0xFFFFE003, lr  }
0x1b: {  	s9 =	sadd.s32 $0xFFFFFEF7, lr;
	s5 =	simm.s32 $0xFFFFFFFF;
	p2 =	slt.u32 s8, $0xFFFFF086  }
0x1c: {  	p1 =	slt.u32 s9, $0xF7A;
	s5 =	simm.s32 @!p2 $0x0  }
0x1d: {  	s5 =	simm.s32 @p1 $0x1;
	p0 =	seq.s32 s7, s2  }
0x1e: {  	s7 =	smul.u32 @!p0 $0xF7A, s2;
	p2 =	seq.s32 @!p0 s5, $0x0  }
0x1f: {  	s9 =	smul.u32 $0xF7A, s1;
	s8 =	simm.s32 @!p0 $0x1BF5;
	p2 =	por !p2, p0  }
0x20: {  	[sflag:s8] =	ssyncset.s32 @!p0 $0xFFFFF086;
	s6 =	sadd.s32 @!p0 s3, s7;
	s7 =	simm.s32 @!p0 $0x108  }
0x21: {  	s3 =	sadd.s32 s3, s9;
	s6 =	sadd.s32 @!p0 $0x88, s6;
	s7 =	simm.s32 @p2 $0x1082  }
0x22: {  	[simem:s7], [sflag:s8] =	dma.local @!p0 [hbm:s6], $0xF7A  }
0x23: {  	s9 =	sor.u32 $0xD0000000, s2;
	s6 =	simm.s32 $0x108;
	_ =	swait.ge @!p0 [sflag:s8], $0x0  }
0x24: {  	s3 =	sadd.s32 $0x88, s3;
	s6 =	simm.s32 @!p1 $0x1082;
	[sflag:s4] =	ssyncset.s32 $0xFFFFF086  }
0x25: {  	[simem:s6], [sflag:s4] =	dma.local [hbm:s3], $0xF7A  }
0x26: {  	[smem:$0x3F76] =	sst s1;
	(tag) =	ssettag s2;
	_ =	strace s9  }
0x27: {  	s1 =	sld [smem:$0x3F86]  }
0x28: {  	s2 =	sld [smem:$0x3F87]  }
0x29: {  	s4 =	sld [smem:$0x3F89]  }
0x2a: {  	p0 =	seq.s32 s5, $0x0;
	s5 =	sld [smem:$0x3F8A]  }
0x2b: {  	s6 =	sld [smem:$0x3F8B]  }
0x2c: {  	s7 =	sld [smem:$0x3F8C]  }
0x2d: {  	s3 =	simm.s32 $0x108;
	s8 =	sld [smem:$0x3F8D]  }
0x2e: {  	s3 =	simm.s32 @!p0 $0x1082;
	s9 =	sld [smem:$0x3F8E]  }
0x2f: {  	lr =	sadd.s32 s0, s3;
	s0 =	sld [smem:$0x3F85]  }
0x30: {  	s3 =	sld [smem:$0x3F88]  }
0x31: {  	[smem:$0x3F91] =	sst s10  }
0x32: {  	s10 =	sld [smem:$0x3F8F];
	_ =	sdelay $0x3  }
0x33: {  	p0 =	seq.s32 s10, $0x1;
	s10 =	sld [smem:$0x3F91];
	_ =	sdelay $0x3  }
0x34: {  	[smem:$0x3F91] =	sst s10  }
0x35: {  	s10 =	sld [smem:$0x3F90];
	_ =	sdelay $0x3  }
0x36: {  	p1 =	seq.s32 s10, $0x1;
	s10 =	sld [smem:$0x3F91];
	_ =	sdelay $0x3  }
0x37: {  	[smem:$0x3F91] =	sst s10  }
0x38: {  	s10 =	sld [smem:$0x3F92]  }
0x39: {  	_ = 	snop;
	(pc) =	sbr.ind lr, $3  }
0x3a: {  	_ = 	snop  }
0x3b: {  	_ = 	snop  }
0x3c: {  	p2 =	seq.s32 s10, $0x1;
	s10 =	sld [smem:$0x3F91]  }
0x3d: {  	_ =	shalt  }
0x3e: {  	_ =	shalt  }
0x3f: {  	_ =	shalt  }
0x40: {  	_ =	shalt  }
0x41: {  	_ =	shalt  }
0x42: {  	_ =	shalt  }
0x43: {  	_ =	shalt  }
0x44: {  	_ =	shalt  }
0x45: {  	_ =	shalt  }
0x46: {  	_ =	shalt  }
0x47: {  	_ =	shalt  }
0x48: {  	_ =	shalt  }
0x49: {  	_ =	shalt  }
0x4a: {  	_ =	shalt  }
0x4b: {  	_ =	shalt  }
0x4c: {  	_ =	shalt  }
0x4d: {  	_ =	shalt  }
0x4e: {  	_ =	shalt  }
0x4f: {  	_ =	shalt  }
0x50: {  	_ =	shalt  }
0x51: {  	_ =	shalt  }
0x52: {  	_ =	shalt  }
0x53: {  	_ =	shalt  }
0x54: {  	_ =	shalt  }
0x55: {  	_ =	shalt  }
0x56: {  	_ =	shalt  }
0x57: {  	_ =	shalt  }
0x58: {  	_ =	shalt  }
0x59: {  	_ =	shalt  }
0x5a: {  	_ =	shalt  }
0x5b: {  	_ =	shalt  }
0x5c: {  	_ =	shalt  }
0x5d: {  	_ =	shalt  }
0x5e: {  	_ =	shalt  }
0x5f: {  	_ =	shalt  }
0x60: {  	_ =	shalt  }
0x61: {  	_ =	shalt  }
0x62: {  	_ =	shalt  }
0x63: {  	_ =	shalt  }
0x64: {  	_ =	shalt  }
0x65: {  	_ =	shalt  }
0x66: {  	_ =	shalt  }
0x67: {  	_ =	shalt  }
0x68: {  	_ =	shalt  }
0x69: {  	_ =	shalt  }
0x6a: {  	_ =	shalt  }
0x6b: {  	_ =	shalt  }
0x6c: {  	_ =	shalt  }
0x6d: {  	_ =	shalt  }
0x6e: {  	_ =	shalt  }
0x6f: {  	_ =	shalt  }
0x70: {  	_ =	shalt  }
0x71: {  	_ =	shalt  }
0x72: {  	_ =	shalt  }
0x73: {  	_ =	shalt  }
0x74: {  	_ =	shalt  }
0x75: {  	_ =	shalt  }
0x76: {  	_ =	shalt  }
0x77: {  	_ =	shalt  }
0x78: {  	_ =	shalt  }
0x79: {  	_ =	shalt  }
0x7a: {  	_ =	shalt  }
0x7b: {  	_ =	shalt  }
0x7c: {  	_ =	shalt  }
0x7d: {  	_ =	shalt  }
0x7e: {  	_ =	shalt  }
0x7f: {  	_ =	shalt  }
0x80: {  	_ =	shalt  }
0x81: {  	_ =	shalt  }
0x82: {  	_ =	shalt  }
0x83: {  	_ =	shalt  }
0x84: {  	_ =	shalt  }
0x85: {  	_ =	shalt  }
0x86: {  	_ =	shalt  }
0x87: {  	_ =	shalt  }
.Lfunc_end0:
.L_simem_size_0:
called_computation.2_lowered:
.L_overlay_start_0:
0x88: {  	s2 =	sld [smem:$0x3FD9]  }
0x89: {  	s3 =	sld [smem:$0x3FFE];
	_ =	sdelay $0x1  }
0x8a: {  	s1 =	srdreg.scid  }
0x8b: {  	s0 =	sand.u32 $0x1, s1  }
0x8c: {  	s14 =	sshll.u32 s0, $0xA;
	s2 =	sadd.s32 s3, s2  }
0x8d: {  	s2 =	sadd.s32 s2, s14  }
0x8e: {  	[smem:$0x3F9D] =	sst s2  }
0x8f: {  	_ = 	snop  }
0x90: {  	s2 =	sld [smem:$0x3FD0];
	_ =	sdelay $0x2  }
0x91: {  	s15 =	simm.s32 $0xA;
	s4 =	simm.s32 $0x10  }
0x92: {  	[smem:s4], [sflag:s15] =	dma.local [hbm:s2], $0x1  }
0x93: {  	_ =	swait.eq [sflag:s15], $0x1  }
0x94: {  	s16 =	sld [smem:$0x11];
	[sflag:s15] =	ssyncset.done $0x0  }
0x95: {  	s17 =	sld [smem:$0x12];
	[sflag:s15] =	ssyncadd.s32 $0xFFFFFFFF  }
0x96: {  	s18 =	sld [smem:$0x14];
	(tm) =	ssettm $0x1  }
0x97: {  	s5 =	sld [smem:$0x3FFB];
	_ =	sdelay $0x3  }
0x98: {  	_ =	strace s5  }
0x99: {  	s5 =	sld [smem:$0x3FFC];
	_ =	sdelay $0x3  }
0x9a: {  	_ =	strace s5  }
0x9b: {  	s5 =	sld [smem:$0x3FFD];
	_ =	sdelay $0x3  }
0x9c: {  	_ =	strace s5  }
0x9d: {  	_ =	strace $0x8FFFFFFF  }
0x9e: {  	s19 =	sld [smem:$0x3FDB];
	_ =	sdelay $0x1  }
0x9f: {  	s6 =	simm.s32 $_scs_section_size  }
0xa0: {  	s7 =	simm.s32 $_size__tile_overlayer_lowered;
	s8 =	simm.s32 $_tile_overlayer_lowered  }
0xa1: {  	s22 =	simm.s32 $0x1BFF;
	s21 =	sshll.u32 s8, $0x1;
	s5 =	sadd.s32 s6, s19  }
0xa2: {  	s9 =	simm.s32 $0x0;
	s20 =	sshll.u32 s7, $0x1;
	s7 =	sadd.s32 s21, s5  }
0xa3: {  	[timem:s9], [sflag:s22] =	dma.local [hbm:s7], s20  }
0xa4: {  	_ =	swait.ge [sflag:s22], s20  }
0xa5: {  	s6 =	ssub.s32 $0x0, s20;
	[sflag:s22] =	ssyncset.done $0x0  }
0xa6: {  	[sflag:s22] =	ssyncadd.s32 s6;
	_ =	sdelay $0x1  }
0xa7: {  	s23 =	simm.s32 $0x1B8B  }
0xa8: {  	_ =	swait.ge [sflag:s23], $0x1  }
0xa9: {  	[sflag:s23] =	ssyncset.done $0x0  }
0xaa: {  	s25 =	simm.s32 $0x1B8E;
	s24 =	sld [smem:$0x3FFE];
	[sflag:s23] =	ssyncadd.s32 $0xFFFFFFFF  }
0xab: {  	s26 =	simm.s32 $execute0_lowered;
	[smem:$0x3FD2] =	sst s25  }
0xac: {  	s7 =	sshll.u32 s26, $0x1;
	_ =	strace $0x80000046;
	[dreg:$0x1] =	wrdreg $0xFFFFFFFF  }
0xad: {  	s28 =	simm.s32 $_size_execute0_lowered;
	s5 =	sadd.s32 s5, s7;
	[dreg:$0x0] =	wrdreg $0x0  }
0xae: {  	s7 =	sshll.u32 s28, $0x1;
	[dreg:$0x2] =	wrdreg s5  }
0xaf: {  	[dreg:$0x3] =	wrdreg s7  }
0xb0: {  	[dreg:$0x4] =	wrdreg $0xC0  }
0xb1: {  	_ =	task [dreg:s9], $0x5FFFF  }
0xb2: {  	[dreg:$0x1] =	wrdreg $0xFFFFFFFF  }
0xb3: {  	[dreg:$0x0] =	wrdreg $0x60  }
0xb4: {  	[dreg:$0x2] =	wrdreg s18  }
0xb5: {  	[dreg:$0x3] =	wrdreg s24  }
0xb6: {  	[dreg:$0x4] =	wrdreg s17  }
0xb7: {  	[dreg:$0x5] =	wrdreg s16  }
0xb8: {  	[dreg:$0x6] =	wrdreg $0x9  }
0xb9: {  	_ =	task.clear_ibuf [dreg:s9], $0x7FFFF;
	_ =	strace $0x90000046  }
0xba: {  	s29 =	simm.s32 $0x9;
	_ =	strace $0x80000048  }
0xbb: {  	_ =	swait.ge [sflag:s29], $0x1  }
0xbc: {  	[sflag:s29] =	ssyncadd.s32 $0xFFFFFFFF  }
0xbd: {  	_ =	strace $0x90000048  }
0xbe: {  	_ =	sfence  }
0xbf: {  	s30 =	sld [smem:$0x0];
	_ =	sdelay $0x2  }
0xc0: {  	s31 =	sshll.u32 s1, $0xD;
	s1 =	sshrl.u32 s1, $0x2  }
0xc1: {  	s3 =	sand.u32 $0x4000, s31;
	s1 =	sadd.s32 s1, s30  }
0xc2: {  	s0 =	sor.u32 s3, s0;
	s1 =	sshll.u32 s1, $0x11  }
0xc3: {  	s0 =	sor.u32 s1, s0  }
0xc4: {  	s0 =	sadd.s32 $0x8F2B, s0  }
0xc5: {  	[sflag:s0] =	ssyncadd.remote.s32 $0x1  }
0xc6: {  	_ =	sfence.sel $0xFFFF  }
0xc7: {  	[dreg:$0x0] =	wrdreg $0xFFFFFFFF;
	(pc) =	sbr.abs _section_cstart, $3  }
0xc8: {  	[dreg:$0x1] =	wrdreg $0xFFFFFFFF  }
0xc9: {  	_ =	task.clear_ibuf [dreg:s9], $0x2FFFF;
	_ =	strace $0x9FFFFFFF  }
0xca: {  	(tm) =	ssettm $0x7FFFFFFF  }
0xcb: {  	_ =	shalt  }
tec
execute0_lowered:
.L_overlay_start_1:
0x0: {  	(tag) =	ssettag $0x1  }
0x1: {  	s1 =	rddreg [dreg:$0x0]  }
0x2: {  	s6 =	rddreg [dreg:$0x1]  }
0x3: {  	s7 =	rddreg [dreg:$0x2]  }
0x4: {  	s8 =	rddreg [dreg:$0x3];
	s2 =	srdreg.scid  }
0x5: {  	s0 =	rddreg [dreg:$0x4];
	s3 =	simm.s32 $0x0;
	s15 =	simm.s32 $0x5000  }
0x6: {  	s16 =	simm.s32 $0x7000;
	s17 =	simm.s32 $0x9000;
	s18 =	simm.s32 $0xB000  }
0x7: {  	s19 =	simm.s32 $0x1;
	s20 =	simm.s32 $0x2;
	s9 =	sand.u32 $0x1, s2  }
0x8: {  	s21 =	simm.s32 $0x0;
	s2 =	stileid.u32;
	s12 =	smul.u32 $0x500, s9  }
0x9: {  	[smem:$0x7FF] =	sst s3;
	s5 =	sadd.s32 $0x55C00, s6;
	s14 =	smul.u32 $0x50, s2  }
0xa: {  	s4 =	sshll.u32 s9, $0x4;
	_ =	strace $0x80000047;
	s29 =	smul.u32 $0x140000, s9  }
0xb: {  	s11 =	ssub.s32 $0x2, s9;
	s30 =	smul.u32 $0x14000, s2;
	s4 =	sor.u32 s2, s4  }
0xc: {  	s13 =	sshrl.u32 s11, $0x1;
	s10 =	smul.u32 $0x500, s4;
	s4 =	sadd.s32 $0x7800, s6  }
0xd: {  	s6 =	sadd.s32 $0x2D5C00, s6;
	s11 =	ssub.s32 s11, s13;
	s12 =	sadd.s32 s14, s12  }
0xe: {  	s13 =	simm.s32 $0x2800;
	s14 =	simm.s32 $0x40;
	s9 =	smax.u32 s11, $0x1  }
0xf: {  	s31 =	sshll.u32 s12, $0xA;
	s11 =	sadd.s32 s30, s29;
	s12 =	simm.s32 $0x3  }
0x10: {  	s7 =	sadd.s32 s7, s10;
	s8 =	sadd.s32 s8, s10;
	s10 =	sor.u32 $0x400, s31  }
.LBB2_1:
0x11: {  	[tilespmem:s3], [sflag:$0x3] =	stream.linear.gather [hbm4b:s7+s3], $0x2800, $0x38;
	[tilespmem:$0xD000] =	vst v63  }
0x12: {  	_ =	swait.ge [sflag:s12], $0x2800  }
0x13: {  	[sflag:s12] =	ssyncset.done $0x0  }
0x14: {  	[sflag:s12] =	ssyncadd.s32 $0xFFFFD800  }
0x15: {  	[tilespmem:s13], [sflag:$0x3] =	stream.linear.gather [hbm4b:s8+s3], $0x2800, $0x38;
	[tilespmem:$0xD000] =	vst v63  }
0x16: {  	_ =	swait.ge [sflag:s12], $0x2800  }
0x17: {  	[sflag:s12] =	ssyncset.done $0x0  }
0x18: {  	s22 =	simm.s32 $0x0;
	[sflag:s12] =	ssyncadd.s32 $0xFFFFD800  }
0x19: {  	[tilespmem:s15], [sflag:$0x1] =	stream.indirect.gather [hbm4b:s1+s14], $0x80, s22, s14, $0xb8;
	[tilespmem:$0xD000] =	vst v63  }
0x1a: {  	s24 =	simm.s32 $0x2800  }
0x1b: {  	[tilespmem:s16], [sflag:$0x1] =	stream.indirect.gather [hbm4b:s4+s14], $0x80, s24, s14, $0xb8;
	[tilespmem:$0xD000] =	vst v63  }
0x1c: {  	s25 =	simm.s32 $0x80  }
0x1d: {  	[tilespmem:s17], [sflag:$0x1] =	stream.indirect.gather [hbm4b:s1+s14], $0x80, s25, s14, $0xb8;
	[tilespmem:$0xD000] =	vst v63  }
0x1e: {  	s26 =	simm.s32 $0x2880  }
0x1f: {  	[tilespmem:s18], [sflag:$0x1] =	stream.indirect.gather [hbm4b:s4+s14], $0x80, s26, s14, $0xb8;
	[tilespmem:$0xD000] =	vst v63  }
0x20: {  	_ =	swait.ge [sflag:s19], $0x2000  }
0x21: {  	[sflag:s19] =	ssyncset.done $0x0  }
0x22: {  	[sflag:s19] =	ssyncadd.s32 $0xFFFFE000  }
0x23: {  	_ =	swait.ge [sflag:s19], $0x2000  }
0x24: {  	[sflag:s19] =	ssyncset.done $0x0  }
0x25: {  	[sflag:s19] =	ssyncadd.s32 $0xFFFFE000  }
0x26: {  	_ =	swait.ge [sflag:s19], $0x2000  }
0x27: {  	[sflag:s19] =	ssyncset.done $0x0  }
0x28: {  	[sflag:s19] =	ssyncadd.s32 $0xFFFFE000  }
0x29: {  	_ =	swait.ge [sflag:s19], $0x2000  }
0x2a: {  	[sflag:s19] =	ssyncset.done $0x0  }
0x2b: {  	s28 =	sadd.s32 s11, s5;
	[sflag:s19] =	ssyncadd.s32 $0xFFFFE000  }
0x2c: {  	[hbm4b:s28+s3] =	stream.linear.scatter [tilespmem:s15], [sflag:$0x2], $0x2000, $0x38;
	[tilespmem:$0xD000] =	vst v63  }
0x2d: {  	s29 =	sadd.s32 s11, s6  }
0x2e: {  	[hbm4b:s29+s3] =	stream.linear.scatter [tilespmem:s16], [sflag:$0x2], $0x2000, $0x38;
	[tilespmem:$0xD000] =	vst v63  }
0x2f: {  	s30 =	sadd.s32 s10, s5  }
0x30: {  	[hbm4b:s30+s3] =	stream.linear.scatter [tilespmem:s17], [sflag:$0x2], $0x2000, $0x38;
	[tilespmem:$0xD000] =	vst v63  }
0x31: {  	s31 =	sadd.s32 s10, s6  }
0x32: {  	[hbm4b:s31+s3] =	stream.linear.scatter [tilespmem:s18], [sflag:$0x2], $0x2000, $0x38;
	[tilespmem:$0xD000] =	vst v63  }
0x33: {  	_ =	swait.ge [sflag:s20], $0x2000  }
0x34: {  	[sflag:s20] =	ssyncset.done $0x0  }
0x35: {  	[sflag:s20] =	ssyncadd.s32 $0xFFFFE000  }
0x36: {  	_ =	swait.ge [sflag:s20], $0x2000  }
0x37: {  	[sflag:s20] =	ssyncset.done $0x0  }
0x38: {  	[sflag:s20] =	ssyncadd.s32 $0xFFFFE000  }
0x39: {  	_ =	swait.ge [sflag:s20], $0x2000  }
0x3a: {  	[sflag:s20] =	ssyncset.done $0x0  }
0x3b: {  	[sflag:s20] =	ssyncadd.s32 $0xFFFFE000  }
0x3c: {  	s23 =	sadd.s32 $0x800, s11;
	s22 =	sadd.s32 $0x800, s10;
	_ =	swait.ge [sflag:s20], $0x2000  }
0x3d: {  	s24 =	simm.s32 $0x400;
	s26 =	simm.s32 $0x800;
	[sflag:s20] =	ssyncset.done $0x0  }
.LBB2_2:
0x3e: {  	s28 =	sshra.s32 s24, $0x2  }
0x3f: {  	[sflag:s20] =	ssyncadd.s32 $0xFFFFE000;
	s24 =	smov.u32 s26;
	s25 =	sadd.s32 $0x400, s26  }
0x40: {  	[tilespmem:s15], [sflag:$0x1] =	stream.indirect.gather [hbm4b:s1+s14], $0x80, s28, s14, $0xb8;
	[tilespmem:$0xD000] =	vst v63  }
0x41: {  	p0 =	sne.s32 s26, $0x9C00;
	s26 =	sadd.s32 $0x2800, s28  }
0x42: {  	[tilespmem:s16], [sflag:$0x1] =	stream.indirect.gather [hbm4b:s4+s14], $0x80, s26, s14, $0xb8;
	[tilespmem:$0xD000] =	vst v63  }
0x43: {  	s26 =	sadd.s32 $0x80, s28  }
0x44: {  	[tilespmem:s17], [sflag:$0x1] =	stream.indirect.gather [hbm4b:s1+s14], $0x80, s26, s14, $0xb8;
	[tilespmem:$0xD000] =	vst v63  }
0x45: {  	s26 =	sadd.s32 $0x2880, s28  }
0x46: {  	[tilespmem:s18], [sflag:$0x1] =	stream.indirect.gather [hbm4b:s4+s14], $0x80, s26, s14, $0xb8;
	[tilespmem:$0xD000] =	vst v63  }
0x47: {  	_ =	swait.ge [sflag:s19], $0x2000  }
0x48: {  	[sflag:s19] =	ssyncset.done $0x0  }
0x49: {  	[sflag:s19] =	ssyncadd.s32 $0xFFFFE000  }
0x4a: {  	_ =	swait.ge [sflag:s19], $0x2000  }
0x4b: {  	[sflag:s19] =	ssyncset.done $0x0  }
0x4c: {  	[sflag:s19] =	ssyncadd.s32 $0xFFFFE000  }
0x4d: {  	_ =	swait.ge [sflag:s19], $0x2000  }
0x4e: {  	[sflag:s19] =	ssyncset.done $0x0  }
0x4f: {  	[sflag:s19] =	ssyncadd.s32 $0xFFFFE000  }
0x50: {  	_ =	swait.ge [sflag:s19], $0x2000  }
0x51: {  	[sflag:s19] =	ssyncset.done $0x0  }
0x52: {  	s26 =	sadd.s32 s23, s5;
	[sflag:s19] =	ssyncadd.s32 $0xFFFFE000  }
0x53: {  	[hbm4b:s26+s3] =	stream.linear.scatter [tilespmem:s15], [sflag:$0x2], $0x2000, $0x38;
	[tilespmem:$0xD000] =	vst v63  }
0x54: {  	s26 =	sadd.s32 s23, s6  }
0x55: {  	[hbm4b:s26+s3] =	stream.linear.scatter [tilespmem:s16], [sflag:$0x2], $0x2000, $0x38;
	[tilespmem:$0xD000] =	vst v63  }
0x56: {  	s26 =	sadd.s32 s22, s5  }
0x57: {  	[hbm4b:s26+s3] =	stream.linear.scatter [tilespmem:s17], [sflag:$0x2], $0x2000, $0x38;
	[tilespmem:$0xD000] =	vst v63  }
0x58: {  	s26 =	sadd.s32 s22, s6  }
0x59: {  	[hbm4b:s26+s3] =	stream.linear.scatter [tilespmem:s18], [sflag:$0x2], $0x2000, $0x38;
	[tilespmem:$0xD000] =	vst v63  }
0x5a: {  	_ =	swait.ge [sflag:s20], $0x2000  }
0x5b: {  	[sflag:s20] =	ssyncset.done $0x0  }
0x5c: {  	[sflag:s20] =	ssyncadd.s32 $0xFFFFE000  }
0x5d: {  	_ =	swait.ge [sflag:s20], $0x2000  }
0x5e: {  	[sflag:s20] =	ssyncset.done $0x0  }
0x5f: {  	[sflag:s20] =	ssyncadd.s32 $0xFFFFE000  }
.Ltmp0:
0x60: {  	_ =	swait.ge [sflag:s20], $0x2000;
	(pc) =	sbr.rel @p0 .LBB2_2-.Ltmp0, $4  }
0x61: {  	[sflag:s20] =	ssyncset.done $0x0  }
0x62: {  	[sflag:s20] =	ssyncadd.s32 $0xFFFFE000  }
0x63: {  	s23 =	sadd.s32 $0x800, s23;
	_ =	swait.ge [sflag:s20], $0x2000  }
0x64: {  	s22 =	sadd.s32 $0x800, s22;
	s26 =	smov.u32 s25;
	[sflag:s20] =	ssyncset.done $0x0  }
0x65: {  	s24 =	sshra.s32 s24, $0x2;
	[sflag:s20] =	ssyncadd.s32 $0xFFFFE000  }
0x66: {  	[tilespmem:s15], [sflag:$0x1] =	stream.indirect.gather [hbm4b:s1+s14], $0x80, s24, s14, $0xb8;
	[tilespmem:$0xD000] =	vst v63  }
0x67: {  	s25 =	sadd.s32 $0x2800, s24  }
0x68: {  	[tilespmem:s16], [sflag:$0x1] =	stream.indirect.gather [hbm4b:s4+s14], $0x80, s25, s14, $0xb8;
	[tilespmem:$0xD000] =	vst v63  }
0x69: {  	s26 =	sadd.s32 $0x80, s24  }
0x6a: {  	[tilespmem:s17], [sflag:$0x1] =	stream.indirect.gather [hbm4b:s1+s14], $0x80, s26, s14, $0xb8;
	[tilespmem:$0xD000] =	vst v63  }
0x6b: {  	s24 =	sadd.s32 $0x2880, s24  }
0x6c: {  	[tilespmem:s18], [sflag:$0x1] =	stream.indirect.gather [hbm4b:s4+s14], $0x80, s24, s14, $0xb8;
	[tilespmem:$0xD000] =	vst v63  }
0x6d: {  	_ =	swait.ge [sflag:s19], $0x2000  }
0x6e: {  	[sflag:s19] =	ssyncset.done $0x0  }
0x6f: {  	[sflag:s19] =	ssyncadd.s32 $0xFFFFE000  }
0x70: {  	_ =	swait.ge [sflag:s19], $0x2000  }
0x71: {  	[sflag:s19] =	ssyncset.done $0x0  }
0x72: {  	[sflag:s19] =	ssyncadd.s32 $0xFFFFE000  }
0x73: {  	_ =	swait.ge [sflag:s19], $0x2000  }
0x74: {  	[sflag:s19] =	ssyncset.done $0x0  }
0x75: {  	[sflag:s19] =	ssyncadd.s32 $0xFFFFE000  }
0x76: {  	_ =	swait.ge [sflag:s19], $0x2000  }
0x77: {  	[sflag:s19] =	ssyncset.done $0x0  }
0x78: {  	s28 =	sadd.s32 s23, s5;
	[sflag:s19] =	ssyncadd.s32 $0xFFFFE000  }
0x79: {  	[hbm4b:s28+s3] =	stream.linear.scatter [tilespmem:s15], [sflag:$0x2], $0x2000, $0x38;
	[tilespmem:$0xD000] =	vst v63  }
0x7a: {  	s29 =	sadd.s32 s23, s6  }
0x7b: {  	[hbm4b:s29+s3] =	stream.linear.scatter [tilespmem:s16], [sflag:$0x2], $0x2000, $0x38;
	[tilespmem:$0xD000] =	vst v63  }
0x7c: {  	s30 =	sadd.s32 s22, s5  }
0x7d: {  	[hbm4b:s30+s3] =	stream.linear.scatter [tilespmem:s17], [sflag:$0x2], $0x2000, $0x38;
	[tilespmem:$0xD000] =	vst v63  }
0x7e: {  	s31 =	sadd.s32 s22, s6  }
0x7f: {  	[hbm4b:s31+s3] =	stream.linear.scatter [tilespmem:s18], [sflag:$0x2], $0x2000, $0x38;
	[tilespmem:$0xD000] =	vst v63  }
0x80: {  	_ =	swait.ge [sflag:s20], $0x2000  }
0x81: {  	[sflag:s20] =	ssyncset.done $0x0  }
0x82: {  	[sflag:s20] =	ssyncadd.s32 $0xFFFFE000  }
0x83: {  	_ =	swait.ge [sflag:s20], $0x2000  }
0x84: {  	[sflag:s20] =	ssyncset.done $0x0  }
0x85: {  	s21 =	sadd.s32 $0x1, s21;
	[sflag:s20] =	ssyncadd.s32 $0xFFFFE000  }
0x86: {  	p0 =	sne.s32 s21, s9;
	_ =	swait.ge [sflag:s20], $0x2000  }
.Ltmp1:
0x87: {  	[sflag:s20] =	ssyncset.done $0x0;
	(pc) =	sbr.rel @p0 .LBB2_1-.Ltmp1, $4  }
0x88: {  	[sflag:s20] =	ssyncadd.s32 $0xFFFFE000  }
0x89: {  	_ =	swait.ge [sflag:s20], $0x2000  }
0x8a: {  	[sflag:s20] =	ssyncset.done $0x0  }
0x8b: {  	[sflag:s20] =	ssyncadd.s32 $0xFFFFE000  }
0x8c: {  	_ =	sfence.sel $0x180000  }
0x8d: {  	[bflag:$0x0] =	sbarrier.arrive $0xFFFF  }
0x8e: {  	p0 =	sne.s32 s2, $0x0;
	_ =	strace $0x90000047  }
0x8f: {  	s0 =	sadd.s32 @!p0 $0x100000, s0;
	[bflag:$0x2] =	sbarrier.arrive $0xFFFF  }
0x90: {  	[sflag:s0] =	ssyncadd.tile.s32 @!p0 $0x1;
	_ =	shalt  }
.Lfunc_end2:
_tile_overlayer_lowered:
.L_overlay_start_2:
0x91: {  	(tag) =	ssettag $0x2  }
0x92: {  	s0 =	rddreg [dreg:$0x0];
	s2 =	stileid.u32  }
0x93: {  	s1 =	rddreg [dreg:$0x1];
	p0 =	sne.s32 s2, $0x0  }
0x94: {  	s3 =	rddreg [dreg:$0x2];
	[bflag:$0x3] =	sbarrier.arrive $0xFFFF;
	s2 =	simm.s32 @!p0 $0x1C03  }
0x95: {  	[timem:s3], [sflag:s2] =	dma.local @!p0 [hbm:s0], s1  }
0x96: {  	s0 =	simm.s32 @!p0 $0x3  }
0x97: {  	_ =	swait.ge @!p0 [sflag:s0], s1  }
0x98: {  	s1 =	ssub.s32 @!p0 $0x0, s1;
	[sflag:s0] =	ssyncset.done @!p0 $0x0  }
0x99: {  	[sflag:s0] =	ssyncadd.s32 @!p0 s1  }
0x9a: {  	[bflag:$0x3] =	sbarrier.arrive $0xFFFF  }
0x9b: {  	_ =	shalt  }

// kernel: kernel.14.cloned.1.call-start
scs
__scs_entry_jumppad:
0x0: {  	(pc) =	sbr.rel $0x88, $3  }
0x1: {  	(tag) =	ssettag $0x0;
	lr =	simm.s32 $0x1  }
0x2: {  	[smem:$0x3F76] =	sst lr;
	_ =	strace $0xD0000000  }
0x3: {  	_ = 	snop  }
0x4: {  	_ = 	snop  }
0x5: {  	_ = 	snop  }
0x6: {  	_ = 	snop  }
0x7: {  	_ = 	snop  }
__scs_overlays_trampoline_lowered:
0x8: {  	[smem:$0x3F85] =	sst s0  }
0x9: {  	[smem:$0x3F86] =	sst s1  }
0xa: {  	[smem:$0x3F87] =	sst s2  }
0xb: {  	[smem:$0x3F88] =	sst s3  }
0xc: {  	[smem:$0x3F89] =	sst s4  }
0xd: {  	[smem:$0x3F8A] =	sst s5  }
0xe: {  	[smem:$0x3F8B] =	sst s6  }
0xf: {  	[smem:$0x3F8C] =	sst s7  }
0x10: {  	[smem:$0x3F8D] =	sst s8  }
0x11: {  	[smem:$0x3F8E] =	sst s9;
	s0 =	simm.s32 @!p0 $0x0  }
0x12: {  	s1 =	sld [smem:$0x3F74];
	s0 =	simm.s32 @p0 $0x1  }
0x13: {  	[smem:$0x3F8F] =	sst s0;
	s0 =	simm.s32 @!p1 $0x0  }
0x14: {  	s2 =	sld [smem:$0x3F73];
	s0 =	simm.s32 @p1 $0x1  }
0x15: {  	[smem:$0x3F90] =	sst s0;
	s0 =	simm.s32 @!p2 $0x0  }
0x16: {  	s3 =	sld [smem:$0x3FDB];
	s0 =	simm.s32 @p2 $0x1  }
0x17: {  	s4 =	simm.s32 $0x1BF5;
	[smem:$0x3F92] =	sst s0  }
0x18: {  	s0 =	sld [smem:$0x3F75];
	_ =	swait.ge [sflag:s4], $0x0  }
0x19: {  	s7 =	sld [smem:$0x3F76]  }
0x1a: {  	s8 =	sadd.s32 $0xFFFFE003, lr  }
0x1b: {  	s9 =	sadd.s32 $0xFFFFFEF7, lr;
	s5 =	simm.s32 $0xFFFFFFFF;
	p2 =	slt.u32 s8, $0xFFFFF086  }
0x1c: {  	p1 =	slt.u32 s9, $0xF7A;
	s5 =	simm.s32 @!p2 $0x0  }
0x1d: {  	s5 =	simm.s32 @p1 $0x1;
	p0 =	seq.s32 s7, s2  }
0x1e: {  	s7 =	smul.u32 @!p0 $0xF7A, s2;
	p2 =	seq.s32 @!p0 s5, $0x0  }
0x1f: {  	s9 =	smul.u32 $0xF7A, s1;
	s8 =	simm.s32 @!p0 $0x1BF5;
	p2 =	por !p2, p0  }
0x20: {  	[sflag:s8] =	ssyncset.s32 @!p0 $0xFFFFF086;
	s6 =	sadd.s32 @!p0 s3, s7;
	s7 =	simm.s32 @!p0 $0x108  }
0x21: {  	s3 =	sadd.s32 s3, s9;
	s6 =	sadd.s32 @!p0 $0x88, s6;
	s7 =	simm.s32 @p2 $0x1082  }
0x22: {  	[simem:s7], [sflag:s8] =	dma.local @!p0 [hbm:s6], $0xF7A  }
0x23: {  	s9 =	sor.u32 $0xD0000000, s2;
	s6 =	simm.s32 $0x108;
	_ =	swait.ge @!p0 [sflag:s8], $0x0  }
0x24: {  	s3 =	sadd.s32 $0x88, s3;
	s6 =	simm.s32 @!p1 $0x1082;
	[sflag:s4] =	ssyncset.s32 $0xFFFFF086  }
0x25: {  	[simem:s6], [sflag:s4] =	dma.local [hbm:s3], $0xF7A  }
0x26: {  	[smem:$0x3F76] =	sst s1;
	(tag) =	ssettag s2;
	_ =	strace s9  }
0x27: {  	s1 =	sld [smem:$0x3F86]  }
0x28: {  	s2 =	sld [smem:$0x3F87]  }
0x29: {  	s4 =	sld [smem:$0x3F89]  }
0x2a: {  	p0 =	seq.s32 s5, $0x0;
	s5 =	sld [smem:$0x3F8A]  }
0x2b: {  	s6 =	sld [smem:$0x3F8B]  }
0x2c: {  	s7 =	sld [smem:$0x3F8C]  }
0x2d: {  	s3 =	simm.s32 $0x108;
	s8 =	sld [smem:$0x3F8D]  }
0x2e: {  	s3 =	simm.s32 @!p0 $0x1082;
	s9 =	sld [smem:$0x3F8E]  }
0x2f: {  	lr =	sadd.s32 s0, s3;
	s0 =	sld [smem:$0x3F85]  }
0x30: {  	s3 =	sld [smem:$0x3F88]  }
0x31: {  	[smem:$0x3F91] =	sst s10  }
0x32: {  	s10 =	sld [smem:$0x3F8F];
	_ =	sdelay $0x3  }
0x33: {  	p0 =	seq.s32 s10, $0x1;
	s10 =	sld [smem:$0x3F91];
	_ =	sdelay $0x3  }
0x34: {  	[smem:$0x3F91] =	sst s10  }
0x35: {  	s10 =	sld [smem:$0x3F90];
	_ =	sdelay $0x3  }
0x36: {  	p1 =	seq.s32 s10, $0x1;
	s10 =	sld [smem:$0x3F91];
	_ =	sdelay $0x3  }
0x37: {  	[smem:$0x3F91] =	sst s10  }
0x38: {  	s10 =	sld [smem:$0x3F92]  }
0x39: {  	_ = 	snop;
	(pc) =	sbr.ind lr, $3  }
0x3a: {  	_ = 	snop  }
0x3b: {  	_ = 	snop  }
0x3c: {  	p2 =	seq.s32 s10, $0x1;
	s10 =	sld [smem:$0x3F91]  }
0x3d: {  	_ =	shalt  }
0x3e: {  	_ =	shalt  }
0x3f: {  	_ =	shalt  }
0x40: {  	_ =	shalt  }
0x41: {  	_ =	shalt  }
0x42: {  	_ =	shalt  }
0x43: {  	_ =	shalt  }
0x44: {  	_ =	shalt  }
0x45: {  	_ =	shalt  }
0x46: {  	_ =	shalt  }
0x47: {  	_ =	shalt  }
0x48: {  	_ =	shalt  }
0x49: {  	_ =	shalt  }
0x4a: {  	_ =	shalt  }
0x4b: {  	_ =	shalt  }
0x4c: {  	_ =	shalt  }
0x4d: {  	_ =	shalt  }
0x4e: {  	_ =	shalt  }
0x4f: {  	_ =	shalt  }
0x50: {  	_ =	shalt  }
0x51: {  	_ =	shalt  }
0x52: {  	_ =	shalt  }
0x53: {  	_ =	shalt  }
0x54: {  	_ =	shalt  }
0x55: {  	_ =	shalt  }
0x56: {  	_ =	shalt  }
0x57: {  	_ =	shalt  }
0x58: {  	_ =	shalt  }
0x59: {  	_ =	shalt  }
0x5a: {  	_ =	shalt  }
0x5b: {  	_ =	shalt  }
0x5c: {  	_ =	shalt  }
0x5d: {  	_ =	shalt  }
0x5e: {  	_ =	shalt  }
0x5f: {  	_ =	shalt  }
0x60: {  	_ =	shalt  }
0x61: {  	_ =	shalt  }
0x62: {  	_ =	shalt  }
0x63: {  	_ =	shalt  }
0x64: {  	_ =	shalt  }
0x65: {  	_ =	shalt  }
0x66: {  	_ =	shalt  }
0x67: {  	_ =	shalt  }
0x68: {  	_ =	shalt  }
0x69: {  	_ =	shalt  }
0x6a: {  	_ =	shalt  }
0x6b: {  	_ =	shalt  }
0x6c: {  	_ =	shalt  }
0x6d: {  	_ =	shalt  }
0x6e: {  	_ =	shalt  }
0x6f: {  	_ =	shalt  }
0x70: {  	_ =	shalt  }
0x71: {  	_ =	shalt  }
0x72: {  	_ =	shalt  }
0x73: {  	_ =	shalt  }
0x74: {  	_ =	shalt  }
0x75: {  	_ =	shalt  }
0x76: {  	_ =	shalt  }
0x77: {  	_ =	shalt  }
0x78: {  	_ =	shalt  }
0x79: {  	_ =	shalt  }
0x7a: {  	_ =	shalt  }
0x7b: {  	_ =	shalt  }
0x7c: {  	_ =	shalt  }
0x7d: {  	_ =	shalt  }
0x7e: {  	_ =	shalt  }
0x7f: {  	_ =	shalt  }
0x80: {  	_ =	shalt  }
0x81: {  	_ =	shalt  }
0x82: {  	_ =	shalt  }
0x83: {  	_ =	shalt  }
0x84: {  	_ =	shalt  }
0x85: {  	_ =	shalt  }
0x86: {  	_ =	shalt  }
0x87: {  	_ =	shalt  }
.Lfunc_end0:
.L_simem_size_0:
called_computation.3_lowered:
.L_overlay_start_0:
0x88: {  	s2 =	sld [smem:$0x3FD9]  }
0x89: {  	s3 =	sld [smem:$0x3FFE];
	_ =	sdelay $0x1  }
0x8a: {  	s1 =	srdreg.scid  }
0x8b: {  	s0 =	sand.u32 $0x1, s1  }
0x8c: {  	s14 =	sshll.u32 s0, $0xA;
	s2 =	sadd.s32 s3, s2  }
0x8d: {  	s2 =	sadd.s32 s2, s14  }
0x8e: {  	[smem:$0x3F9D] =	sst s2  }
0x8f: {  	_ = 	snop  }
0x90: {  	s2 =	sld [smem:$0x3FD0];
	_ =	sdelay $0x2  }
0x91: {  	s15 =	simm.s32 $0xA;
	s4 =	simm.s32 $0x10  }
0x92: {  	[smem:s4], [sflag:s15] =	dma.local [hbm:s2], $0x1  }
0x93: {  	_ =	swait.eq [sflag:s15], $0x1  }
0x94: {  	s16 =	sld [smem:$0x11];
	[sflag:s15] =	ssyncset.done $0x0  }
0x95: {  	s17 =	sld [smem:$0x12];
	[sflag:s15] =	ssyncadd.s32 $0xFFFFFFFF  }
0x96: {  	s18 =	sld [smem:$0x13];
	(tm) =	ssettm $0x1  }
0x97: {  	s5 =	sld [smem:$0x3FFB];
	_ =	sdelay $0x3  }
0x98: {  	_ =	strace s5  }
0x99: {  	s5 =	sld [smem:$0x3FFC];
	_ =	sdelay $0x3  }
0x9a: {  	_ =	strace s5  }
0x9b: {  	s5 =	sld [smem:$0x3FFD];
	_ =	sdelay $0x3  }
0x9c: {  	_ =	strace s5  }
0x9d: {  	_ =	strace $0x8FFFFFFF  }
0x9e: {  	s19 =	sld [smem:$0x3FDB];
	_ =	sdelay $0x1  }
0x9f: {  	s6 =	simm.s32 $_scs_section_size  }
0xa0: {  	s7 =	simm.s32 $_size__tile_overlayer_lowered;
	s8 =	simm.s32 $_tile_overlayer_lowered  }
0xa1: {  	s22 =	simm.s32 $0x1BFF;
	s21 =	sshll.u32 s8, $0x1;
	s5 =	sadd.s32 s6, s19  }
0xa2: {  	s9 =	simm.s32 $0x0;
	s20 =	sshll.u32 s7, $0x1;
	s7 =	sadd.s32 s21, s5  }
0xa3: {  	[timem:s9], [sflag:s22] =	dma.local [hbm:s7], s20  }
0xa4: {  	_ =	swait.ge [sflag:s22], s20  }
0xa5: {  	s6 =	ssub.s32 $0x0, s20;
	[sflag:s22] =	ssyncset.done $0x0  }
0xa6: {  	[sflag:s22] =	ssyncadd.s32 s6;
	_ =	sdelay $0x1  }
0xa7: {  	s23 =	simm.s32 $0x1B8B  }
0xa8: {  	_ =	swait.ge [sflag:s23], $0x1  }
0xa9: {  	[sflag:s23] =	ssyncset.done $0x0  }
0xaa: {  	s25 =	simm.s32 $0x1B8E;
	s24 =	sld [smem:$0x3FFE];
	[sflag:s23] =	ssyncadd.s32 $0xFFFFFFFF  }
0xab: {  	s26 =	simm.s32 $execute0_lowered;
	[smem:$0x3FD2] =	sst s25  }
0xac: {  	s7 =	sshll.u32 s26, $0x1;
	_ =	strace $0x8000004C;
	[dreg:$0x1] =	wrdreg $0xFFFFFFFF  }
0xad: {  	s28 =	simm.s32 $_size_execute0_lowered;
	s5 =	sadd.s32 s5, s7;
	[dreg:$0x0] =	wrdreg $0x0  }
0xae: {  	s7 =	sshll.u32 s28, $0x1;
	[dreg:$0x2] =	wrdreg s5  }
0xaf: {  	[dreg:$0x3] =	wrdreg s7  }
0xb0: {  	[dreg:$0x4] =	wrdreg $0xC0  }
0xb1: {  	_ =	task [dreg:s9], $0x5FFFF  }
0xb2: {  	[dreg:$0x1] =	wrdreg $0xFFFFFFFF  }
0xb3: {  	[dreg:$0x0] =	wrdreg $0x60  }
0xb4: {  	[dreg:$0x2] =	wrdreg s18  }
0xb5: {  	[dreg:$0x3] =	wrdreg s24  }
0xb6: {  	[dreg:$0x4] =	wrdreg s17  }
0xb7: {  	[dreg:$0x5] =	wrdreg s16  }
0xb8: {  	[dreg:$0x6] =	wrdreg $0x9  }
0xb9: {  	_ =	task.clear_ibuf [dreg:s9], $0x7FFFF;
	_ =	strace $0x9000004C  }
0xba: {  	s29 =	simm.s32 $0x9;
	_ =	strace $0x8000004E  }
0xbb: {  	_ =	swait.ge [sflag:s29], $0x1  }
0xbc: {  	[sflag:s29] =	ssyncadd.s32 $0xFFFFFFFF  }
0xbd: {  	_ =	strace $0x9000004E  }
0xbe: {  	_ =	sfence  }
0xbf: {  	s30 =	sld [smem:$0x0];
	_ =	sdelay $0x2  }
0xc0: {  	s31 =	sshll.u32 s1, $0xD;
	s1 =	sshrl.u32 s1, $0x2  }
0xc1: {  	s3 =	sand.u32 $0x4000, s31;
	s1 =	sadd.s32 s1, s30  }
0xc2: {  	s0 =	sor.u32 s3, s0;
	s1 =	sshll.u32 s1, $0x11  }
0xc3: {  	s0 =	sor.u32 s1, s0  }
0xc4: {  	s0 =	sadd.s32 $0x8F2B, s0  }
0xc5: {  	[sflag:s0] =	ssyncadd.remote.s32 $0x1  }
0xc6: {  	_ =	sfence.sel $0xFFFF  }
0xc7: {  	[dreg:$0x0] =	wrdreg $0xFFFFFFFF;
	(pc) =	sbr.abs _section_cstart, $3  }
0xc8: {  	[dreg:$0x1] =	wrdreg $0xFFFFFFFF  }
0xc9: {  	_ =	task.clear_ibuf [dreg:s9], $0x2FFFF;
	_ =	strace $0x9FFFFFFF  }
0xca: {  	(tm) =	ssettm $0x7FFFFFFF  }
0xcb: {  	_ =	shalt  }
tec
execute0_lowered:
.L_overlay_start_1:
0x0: {  	(tag) =	ssettag $0x1  }
0x1: {  	s1 =	rddreg [dreg:$0x0]  }
0x2: {  	s6 =	rddreg [dreg:$0x1]  }
0x3: {  	s7 =	rddreg [dreg:$0x2]  }
0x4: {  	s8 =	rddreg [dreg:$0x3];
	s2 =	srdreg.scid  }
0x5: {  	s0 =	rddreg [dreg:$0x4];
	s3 =	simm.s32 $0x0;
	s15 =	simm.s32 $0x5000  }
0x6: {  	s16 =	simm.s32 $0x7000;
	s17 =	simm.s32 $0x9000;
	s18 =	simm.s32 $0xB000  }
0x7: {  	s19 =	simm.s32 $0x1;
	s20 =	simm.s32 $0x2;
	s9 =	sand.u32 $0x1, s2  }
0x8: {  	s21 =	simm.s32 $0x0;
	s2 =	stileid.u32;
	s12 =	smul.u32 $0x500, s9  }
0x9: {  	[smem:$0x7FF] =	sst s3;
	s5 =	sadd.s32 $0x7800, s6;
	s14 =	smul.u32 $0x50, s2  }
0xa: {  	s4 =	sshll.u32 s9, $0x4;
	_ =	strace $0x8000004D;
	s29 =	smul.u32 $0x140000, s9  }
0xb: {  	s11 =	ssub.s32 $0x2, s9;
	s30 =	smul.u32 $0x14000, s2;
	s4 =	sor.u32 s2, s4  }
0xc: {  	s13 =	sshrl.u32 s11, $0x1;
	s10 =	smul.u32 $0x500, s4;
	s4 =	sadd.s32 $0x55AC00, s6  }
0xd: {  	s6 =	sadd.s32 $0x287800, s6;
	s11 =	ssub.s32 s11, s13;
	s12 =	sadd.s32 s14, s12  }
0xe: {  	s13 =	simm.s32 $0x2800;
	s14 =	simm.s32 $0x40;
	s9 =	smax.u32 s11, $0x1  }
0xf: {  	s31 =	sshll.u32 s12, $0xA;
	s11 =	sadd.s32 s30, s29;
	s12 =	simm.s32 $0x3  }
0x10: {  	s7 =	sadd.s32 s7, s10;
	s8 =	sadd.s32 s8, s10;
	s10 =	sor.u32 $0x400, s31  }
.LBB2_1:
0x11: {  	[tilespmem:s3], [sflag:$0x3] =	stream.linear.gather [hbm4b:s7+s3], $0x2800, $0x38;
	[tilespmem:$0xD000] =	vst v63  }
0x12: {  	_ =	swait.ge [sflag:s12], $0x2800  }
0x13: {  	[sflag:s12] =	ssyncset.done $0x0  }
0x14: {  	[sflag:s12] =	ssyncadd.s32 $0xFFFFD800  }
0x15: {  	[tilespmem:s13], [sflag:$0x3] =	stream.linear.gather [hbm4b:s8+s3], $0x2800, $0x38;
	[tilespmem:$0xD000] =	vst v63  }
0x16: {  	_ =	swait.ge [sflag:s12], $0x2800  }
0x17: {  	[sflag:s12] =	ssyncset.done $0x0  }
0x18: {  	s22 =	simm.s32 $0x0;
	[sflag:s12] =	ssyncadd.s32 $0xFFFFD800  }
0x19: {  	[tilespmem:s15], [sflag:$0x1] =	stream.indirect.gather [hbm4b:s1+s14], $0x80, s22, s14, $0xb8;
	[tilespmem:$0xD000] =	vst v63  }
0x1a: {  	s24 =	simm.s32 $0x2800  }
0x1b: {  	[tilespmem:s16], [sflag:$0x1] =	stream.indirect.gather [hbm4b:s4+s14], $0x80, s24, s14, $0xb8;
	[tilespmem:$0xD000] =	vst v63  }
0x1c: {  	s25 =	simm.s32 $0x80  }
0x1d: {  	[tilespmem:s17], [sflag:$0x1] =	stream.indirect.gather [hbm4b:s1+s14], $0x80, s25, s14, $0xb8;
	[tilespmem:$0xD000] =	vst v63  }
0x1e: {  	s26 =	simm.s32 $0x2880  }
0x1f: {  	[tilespmem:s18], [sflag:$0x1] =	stream.indirect.gather [hbm4b:s4+s14], $0x80, s26, s14, $0xb8;
	[tilespmem:$0xD000] =	vst v63  }
0x20: {  	_ =	swait.ge [sflag:s19], $0x2000  }
0x21: {  	[sflag:s19] =	ssyncset.done $0x0  }
0x22: {  	[sflag:s19] =	ssyncadd.s32 $0xFFFFE000  }
0x23: {  	_ =	swait.ge [sflag:s19], $0x2000  }
0x24: {  	[sflag:s19] =	ssyncset.done $0x0  }
0x25: {  	[sflag:s19] =	ssyncadd.s32 $0xFFFFE000  }
0x26: {  	_ =	swait.ge [sflag:s19], $0x2000  }
0x27: {  	[sflag:s19] =	ssyncset.done $0x0  }
0x28: {  	[sflag:s19] =	ssyncadd.s32 $0xFFFFE000  }
0x29: {  	_ =	swait.ge [sflag:s19], $0x2000  }
0x2a: {  	[sflag:s19] =	ssyncset.done $0x0  }
0x2b: {  	s28 =	sadd.s32 s11, s5;
	[sflag:s19] =	ssyncadd.s32 $0xFFFFE000  }
0x2c: {  	[hbm4b:s28+s3] =	stream.linear.scatter [tilespmem:s15], [sflag:$0x2], $0x2000, $0x38;
	[tilespmem:$0xD000] =	vst v63  }
0x2d: {  	s29 =	sadd.s32 s11, s6  }
0x2e: {  	[hbm4b:s29+s3] =	stream.linear.scatter [tilespmem:s16], [sflag:$0x2], $0x2000, $0x38;
	[tilespmem:$0xD000] =	vst v63  }
0x2f: {  	s30 =	sadd.s32 s10, s5  }
0x30: {  	[hbm4b:s30+s3] =	stream.linear.scatter [tilespmem:s17], [sflag:$0x2], $0x2000, $0x38;
	[tilespmem:$0xD000] =	vst v63  }
0x31: {  	s31 =	sadd.s32 s10, s6  }
0x32: {  	[hbm4b:s31+s3] =	stream.linear.scatter [tilespmem:s18], [sflag:$0x2], $0x2000, $0x38;
	[tilespmem:$0xD000] =	vst v63  }
0x33: {  	_ =	swait.ge [sflag:s20], $0x2000  }
0x34: {  	[sflag:s20] =	ssyncset.done $0x0  }
0x35: {  	[sflag:s20] =	ssyncadd.s32 $0xFFFFE000  }
0x36: {  	_ =	swait.ge [sflag:s20], $0x2000  }
0x37: {  	[sflag:s20] =	ssyncset.done $0x0  }
0x38: {  	[sflag:s20] =	ssyncadd.s32 $0xFFFFE000  }
0x39: {  	_ =	swait.ge [sflag:s20], $0x2000  }
0x3a: {  	[sflag:s20] =	ssyncset.done $0x0  }
0x3b: {  	[sflag:s20] =	ssyncadd.s32 $0xFFFFE000  }
0x3c: {  	s23 =	sadd.s32 $0x800, s11;
	s22 =	sadd.s32 $0x800, s10;
	_ =	swait.ge [sflag:s20], $0x2000  }
0x3d: {  	s24 =	simm.s32 $0x400;
	s26 =	simm.s32 $0x800;
	[sflag:s20] =	ssyncset.done $0x0  }
.LBB2_2:
0x3e: {  	s28 =	sshra.s32 s24, $0x2  }
0x3f: {  	[sflag:s20] =	ssyncadd.s32 $0xFFFFE000;
	s24 =	smov.u32 s26;
	s25 =	sadd.s32 $0x400, s26  }
0x40: {  	[tilespmem:s15], [sflag:$0x1] =	stream.indirect.gather [hbm4b:s1+s14], $0x80, s28, s14, $0xb8;
	[tilespmem:$0xD000] =	vst v63  }
0x41: {  	p0 =	sne.s32 s26, $0x9C00;
	s26 =	sadd.s32 $0x2800, s28  }
0x42: {  	[tilespmem:s16], [sflag:$0x1] =	stream.indirect.gather [hbm4b:s4+s14], $0x80, s26, s14, $0xb8;
	[tilespmem:$0xD000] =	vst v63  }
0x43: {  	s26 =	sadd.s32 $0x80, s28  }
0x44: {  	[tilespmem:s17], [sflag:$0x1] =	stream.indirect.gather [hbm4b:s1+s14], $0x80, s26, s14, $0xb8;
	[tilespmem:$0xD000] =	vst v63  }
0x45: {  	s26 =	sadd.s32 $0x2880, s28  }
0x46: {  	[tilespmem:s18], [sflag:$0x1] =	stream.indirect.gather [hbm4b:s4+s14], $0x80, s26, s14, $0xb8;
	[tilespmem:$0xD000] =	vst v63  }
0x47: {  	_ =	swait.ge [sflag:s19], $0x2000  }
0x48: {  	[sflag:s19] =	ssyncset.done $0x0  }
0x49: {  	[sflag:s19] =	ssyncadd.s32 $0xFFFFE000  }
0x4a: {  	_ =	swait.ge [sflag:s19], $0x2000  }
0x4b: {  	[sflag:s19] =	ssyncset.done $0x0  }
0x4c: {  	[sflag:s19] =	ssyncadd.s32 $0xFFFFE000  }
0x4d: {  	_ =	swait.ge [sflag:s19], $0x2000  }
0x4e: {  	[sflag:s19] =	ssyncset.done $0x0  }
0x4f: {  	[sflag:s19] =	ssyncadd.s32 $0xFFFFE000  }
0x50: {  	_ =	swait.ge [sflag:s19], $0x2000  }
0x51: {  	[sflag:s19] =	ssyncset.done $0x0  }
0x52: {  	s26 =	sadd.s32 s23, s5;
	[sflag:s19] =	ssyncadd.s32 $0xFFFFE000  }
0x53: {  	[hbm4b:s26+s3] =	stream.linear.scatter [tilespmem:s15], [sflag:$0x2], $0x2000, $0x38;
	[tilespmem:$0xD000] =	vst v63  }
0x54: {  	s26 =	sadd.s32 s23, s6  }
0x55: {  	[hbm4b:s26+s3] =	stream.linear.scatter [tilespmem:s16], [sflag:$0x2], $0x2000, $0x38;
	[tilespmem:$0xD000] =	vst v63  }
0x56: {  	s26 =	sadd.s32 s22, s5  }
0x57: {  	[hbm4b:s26+s3] =	stream.linear.scatter [tilespmem:s17], [sflag:$0x2], $0x2000, $0x38;
	[tilespmem:$0xD000] =	vst v63  }
0x58: {  	s26 =	sadd.s32 s22, s6  }
0x59: {  	[hbm4b:s26+s3] =	stream.linear.scatter [tilespmem:s18], [sflag:$0x2], $0x2000, $0x38;
	[tilespmem:$0xD000] =	vst v63  }
0x5a: {  	_ =	swait.ge [sflag:s20], $0x2000  }
0x5b: {  	[sflag:s20] =	ssyncset.done $0x0  }
0x5c: {  	[sflag:s20] =	ssyncadd.s32 $0xFFFFE000  }
0x5d: {  	_ =	swait.ge [sflag:s20], $0x2000  }
0x5e: {  	[sflag:s20] =	ssyncset.done $0x0  }
0x5f: {  	[sflag:s20] =	ssyncadd.s32 $0xFFFFE000  }
.Ltmp0:
0x60: {  	_ =	swait.ge [sflag:s20], $0x2000;
	(pc) =	sbr.rel @p0 .LBB2_2-.Ltmp0, $4  }
0x61: {  	[sflag:s20] =	ssyncset.done $0x0  }
0x62: {  	[sflag:s20] =	ssyncadd.s32 $0xFFFFE000  }
0x63: {  	s23 =	sadd.s32 $0x800, s23;
	_ =	swait.ge [sflag:s20], $0x2000  }
0x64: {  	s22 =	sadd.s32 $0x800, s22;
	s26 =	smov.u32 s25;
	[sflag:s20] =	ssyncset.done $0x0  }
0x65: {  	s24 =	sshra.s32 s24, $0x2;
	[sflag:s20] =	ssyncadd.s32 $0xFFFFE000  }
0x66: {  	[tilespmem:s15], [sflag:$0x1] =	stream.indirect.gather [hbm4b:s1+s14], $0x80, s24, s14, $0xb8;
	[tilespmem:$0xD000] =	vst v63  }
0x67: {  	s25 =	sadd.s32 $0x2800, s24  }
0x68: {  	[tilespmem:s16], [sflag:$0x1] =	stream.indirect.gather [hbm4b:s4+s14], $0x80, s25, s14, $0xb8;
	[tilespmem:$0xD000] =	vst v63  }
0x69: {  	s26 =	sadd.s32 $0x80, s24  }
0x6a: {  	[tilespmem:s17], [sflag:$0x1] =	stream.indirect.gather [hbm4b:s1+s14], $0x80, s26, s14, $0xb8;
	[tilespmem:$0xD000] =	vst v63  }
0x6b: {  	s24 =	sadd.s32 $0x2880, s24  }
0x6c: {  	[tilespmem:s18], [sflag:$0x1] =	stream.indirect.gather [hbm4b:s4+s14], $0x80, s24, s14, $0xb8;
	[tilespmem:$0xD000] =	vst v63  }
0x6d: {  	_ =	swait.ge [sflag:s19], $0x2000  }
0x6e: {  	[sflag:s19] =	ssyncset.done $0x0  }
0x6f: {  	[sflag:s19] =	ssyncadd.s32 $0xFFFFE000  }
0x70: {  	_ =	swait.ge [sflag:s19], $0x2000  }
0x71: {  	[sflag:s19] =	ssyncset.done $0x0  }
0x72: {  	[sflag:s19] =	ssyncadd.s32 $0xFFFFE000  }
0x73: {  	_ =	swait.ge [sflag:s19], $0x2000  }
0x74: {  	[sflag:s19] =	ssyncset.done $0x0  }
0x75: {  	[sflag:s19] =	ssyncadd.s32 $0xFFFFE000  }
0x76: {  	_ =	swait.ge [sflag:s19], $0x2000  }
0x77: {  	[sflag:s19] =	ssyncset.done $0x0  }
0x78: {  	s28 =	sadd.s32 s23, s5;
	[sflag:s19] =	ssyncadd.s32 $0xFFFFE000  }
0x79: {  	[hbm4b:s28+s3] =	stream.linear.scatter [tilespmem:s15], [sflag:$0x2], $0x2000, $0x38;
	[tilespmem:$0xD000] =	vst v63  }
0x7a: {  	s29 =	sadd.s32 s23, s6  }
0x7b: {  	[hbm4b:s29+s3] =	stream.linear.scatter [tilespmem:s16], [sflag:$0x2], $0x2000, $0x38;
	[tilespmem:$0xD000] =	vst v63  }
0x7c: {  	s30 =	sadd.s32 s22, s5  }
0x7d: {  	[hbm4b:s30+s3] =	stream.linear.scatter [tilespmem:s17], [sflag:$0x2], $0x2000, $0x38;
	[tilespmem:$0xD000] =	vst v63  }
0x7e: {  	s31 =	sadd.s32 s22, s6  }
0x7f: {  	[hbm4b:s31+s3] =	stream.linear.scatter [tilespmem:s18], [sflag:$0x2], $0x2000, $0x38;
	[tilespmem:$0xD000] =	vst v63  }
0x80: {  	_ =	swait.ge [sflag:s20], $0x2000  }
0x81: {  	[sflag:s20] =	ssyncset.done $0x0  }
0x82: {  	[sflag:s20] =	ssyncadd.s32 $0xFFFFE000  }
0x83: {  	_ =	swait.ge [sflag:s20], $0x2000  }
0x84: {  	[sflag:s20] =	ssyncset.done $0x0  }
0x85: {  	s21 =	sadd.s32 $0x1, s21;
	[sflag:s20] =	ssyncadd.s32 $0xFFFFE000  }
0x86: {  	p0 =	sne.s32 s21, s9;
	_ =	swait.ge [sflag:s20], $0x2000  }
.Ltmp1:
0x87: {  	[sflag:s20] =	ssyncset.done $0x0;
	(pc) =	sbr.rel @p0 .LBB2_1-.Ltmp1, $4  }
0x88: {  	[sflag:s20] =	ssyncadd.s32 $0xFFFFE000  }
0x89: {  	_ =	swait.ge [sflag:s20], $0x2000  }
0x8a: {  	[sflag:s20] =	ssyncset.done $0x0  }
0x8b: {  	[sflag:s20] =	ssyncadd.s32 $0xFFFFE000  }
0x8c: {  	_ =	sfence.sel $0x180000  }
0x8d: {  	[bflag:$0x0] =	sbarrier.arrive $0xFFFF  }
0x8e: {  	p0 =	sne.s32 s2, $0x0;
	_ =	strace $0x9000004D  }
0x8f: {  	s0 =	sadd.s32 @!p0 $0x100000, s0;
	[bflag:$0x2] =	sbarrier.arrive $0xFFFF  }
0x90: {  	[sflag:s0] =	ssyncadd.tile.s32 @!p0 $0x1;
	_ =	shalt  }
.Lfunc_end2:
_tile_overlayer_lowered:
.L_overlay_start_2:
0x91: {  	(tag) =	ssettag $0x2  }
0x92: {  	s0 =	rddreg [dreg:$0x0];
	s2 =	stileid.u32  }
0x93: {  	s1 =	rddreg [dreg:$0x1];
	p0 =	sne.s32 s2, $0x0  }
0x94: {  	s3 =	rddreg [dreg:$0x2];
	[bflag:$0x3] =	sbarrier.arrive $0xFFFF;
	s2 =	simm.s32 @!p0 $0x1C03  }
0x95: {  	[timem:s3], [sflag:s2] =	dma.local @!p0 [hbm:s0], s1  }
0x96: {  	s0 =	simm.s32 @!p0 $0x3  }
0x97: {  	_ =	swait.ge @!p0 [sflag:s0], s1  }
0x98: {  	s1 =	ssub.s32 @!p0 $0x0, s1;
	[sflag:s0] =	ssyncset.done @!p0 $0x0  }
0x99: {  	[sflag:s0] =	ssyncadd.s32 @!p0 s1  }
0x9a: {  	[bflag:$0x3] =	sbarrier.arrive $0xFFFF  }
0x9b: {  	_ =	shalt  }

// kernel: kernel.17.cloned.1.call-start
scs
__scs_entry_jumppad:
0x0: {  	(pc) =	sbr.rel $0x88, $3  }
0x1: {  	(tag) =	ssettag $0x0;
	lr =	simm.s32 $0x1  }
0x2: {  	[smem:$0x3F76] =	sst lr;
	_ =	strace $0xD0000000  }
0x3: {  	_ = 	snop  }
0x4: {  	_ = 	snop  }
0x5: {  	_ = 	snop  }
0x6: {  	_ = 	snop  }
0x7: {  	_ = 	snop  }
__scs_overlays_trampoline_lowered:
0x8: {  	[smem:$0x3F85] =	sst s0  }
0x9: {  	[smem:$0x3F86] =	sst s1  }
0xa: {  	[smem:$0x3F87] =	sst s2  }
0xb: {  	[smem:$0x3F88] =	sst s3  }
0xc: {  	[smem:$0x3F89] =	sst s4  }
0xd: {  	[smem:$0x3F8A] =	sst s5  }
0xe: {  	[smem:$0x3F8B] =	sst s6  }
0xf: {  	[smem:$0x3F8C] =	sst s7  }
0x10: {  	[smem:$0x3F8D] =	sst s8  }
0x11: {  	[smem:$0x3F8E] =	sst s9;
	s0 =	simm.s32 @!p0 $0x0  }
0x12: {  	s1 =	sld [smem:$0x3F74];
	s0 =	simm.s32 @p0 $0x1  }
0x13: {  	[smem:$0x3F8F] =	sst s0;
	s0 =	simm.s32 @!p1 $0x0  }
0x14: {  	s2 =	sld [smem:$0x3F73];
	s0 =	simm.s32 @p1 $0x1  }
0x15: {  	[smem:$0x3F90] =	sst s0;
	s0 =	simm.s32 @!p2 $0x0  }
0x16: {  	s3 =	sld [smem:$0x3FDB];
	s0 =	simm.s32 @p2 $0x1  }
0x17: {  	s4 =	simm.s32 $0x1BF5;
	[smem:$0x3F92] =	sst s0  }
0x18: {  	s0 =	sld [smem:$0x3F75];
	_ =	swait.ge [sflag:s4], $0x0  }
0x19: {  	s7 =	sld [smem:$0x3F76]  }
0x1a: {  	s8 =	sadd.s32 $0xFFFFE003, lr  }
0x1b: {  	s9 =	sadd.s32 $0xFFFFFEF7, lr;
	s5 =	simm.s32 $0xFFFFFFFF;
	p2 =	slt.u32 s8, $0xFFFFF086  }
0x1c: {  	p1 =	slt.u32 s9, $0xF7A;
	s5 =	simm.s32 @!p2 $0x0  }
0x1d: {  	s5 =	simm.s32 @p1 $0x1;
	p0 =	seq.s32 s7, s2  }
0x1e: {  	s7 =	smul.u32 @!p0 $0xF7A, s2;
	p2 =	seq.s32 @!p0 s5, $0x0  }
0x1f: {  	s9 =	smul.u32 $0xF7A, s1;
	s8 =	simm.s32 @!p0 $0x1BF5;
	p2 =	por !p2, p0  }
0x20: {  	[sflag:s8] =	ssyncset.s32 @!p0 $0xFFFFF086;
	s6 =	sadd.s32 @!p0 s3, s7;
	s7 =	simm.s32 @!p0 $0x108  }
0x21: {  	s3 =	sadd.s32 s3, s9;
	s6 =	sadd.s32 @!p0 $0x88, s6;
	s7 =	simm.s32 @p2 $0x1082  }
0x22: {  	[simem:s7], [sflag:s8] =	dma.local @!p0 [hbm:s6], $0xF7A  }
0x23: {  	s9 =	sor.u32 $0xD0000000, s2;
	s6 =	simm.s32 $0x108;
	_ =	swait.ge @!p0 [sflag:s8], $0x0  }
0x24: {  	s3 =	sadd.s32 $0x88, s3;
	s6 =	simm.s32 @!p1 $0x1082;
	[sflag:s4] =	ssyncset.s32 $0xFFFFF086  }
0x25: {  	[simem:s6], [sflag:s4] =	dma.local [hbm:s3], $0xF7A  }
0x26: {  	[smem:$0x3F76] =	sst s1;
	(tag) =	ssettag s2;
	_ =	strace s9  }
0x27: {  	s1 =	sld [smem:$0x3F86]  }
0x28: {  	s2 =	sld [smem:$0x3F87]  }
0x29: {  	s4 =	sld [smem:$0x3F89]  }
0x2a: {  	p0 =	seq.s32 s5, $0x0;
	s5 =	sld [smem:$0x3F8A]  }
0x2b: {  	s6 =	sld [smem:$0x3F8B]  }
0x2c: {  	s7 =	sld [smem:$0x3F8C]  }
0x2d: {  	s3 =	simm.s32 $0x108;
	s8 =	sld [smem:$0x3F8D]  }
0x2e: {  	s3 =	simm.s32 @!p0 $0x1082;
	s9 =	sld [smem:$0x3F8E]  }
0x2f: {  	lr =	sadd.s32 s0, s3;
	s0 =	sld [smem:$0x3F85]  }
0x30: {  	s3 =	sld [smem:$0x3F88]  }
0x31: {  	[smem:$0x3F91] =	sst s10  }
0x32: {  	s10 =	sld [smem:$0x3F8F];
	_ =	sdelay $0x3  }
0x33: {  	p0 =	seq.s32 s10, $0x1;
	s10 =	sld [smem:$0x3F91];
	_ =	sdelay $0x3  }
0x34: {  	[smem:$0x3F91] =	sst s10  }
0x35: {  	s10 =	sld [smem:$0x3F90];
	_ =	sdelay $0x3  }
0x36: {  	p1 =	seq.s32 s10, $0x1;
	s10 =	sld [smem:$0x3F91];
	_ =	sdelay $0x3  }
0x37: {  	[smem:$0x3F91] =	sst s10  }
0x38: {  	s10 =	sld [smem:$0x3F92]  }
0x39: {  	_ = 	snop;
	(pc) =	sbr.ind lr, $3  }
0x3a: {  	_ = 	snop  }
0x3b: {  	_ = 	snop  }
0x3c: {  	p2 =	seq.s32 s10, $0x1;
	s10 =	sld [smem:$0x3F91]  }
0x3d: {  	_ =	shalt  }
0x3e: {  	_ =	shalt  }
0x3f: {  	_ =	shalt  }
0x40: {  	_ =	shalt  }
0x41: {  	_ =	shalt  }
0x42: {  	_ =	shalt  }
0x43: {  	_ =	shalt  }
0x44: {  	_ =	shalt  }
0x45: {  	_ =	shalt  }
0x46: {  	_ =	shalt  }
0x47: {  	_ =	shalt  }
0x48: {  	_ =	shalt  }
0x49: {  	_ =	shalt  }
0x4a: {  	_ =	shalt  }
0x4b: {  	_ =	shalt  }
0x4c: {  	_ =	shalt  }
0x4d: {  	_ =	shalt  }
0x4e: {  	_ =	shalt  }
0x4f: {  	_ =	shalt  }
0x50: {  	_ =	shalt  }
0x51: {  	_ =	shalt  }
0x52: {  	_ =	shalt  }
0x53: {  	_ =	shalt  }
0x54: {  	_ =	shalt  }
0x55: {  	_ =	shalt  }
0x56: {  	_ =	shalt  }
0x57: {  	_ =	shalt  }
0x58: {  	_ =	shalt  }
0x59: {  	_ =	shalt  }
0x5a: {  	_ =	shalt  }
0x5b: {  	_ =	shalt  }
0x5c: {  	_ =	shalt  }
0x5d: {  	_ =	shalt  }
0x5e: {  	_ =	shalt  }
0x5f: {  	_ =	shalt  }
0x60: {  	_ =	shalt  }
0x61: {  	_ =	shalt  }
0x62: {  	_ =	shalt  }
0x63: {  	_ =	shalt  }
0x64: {  	_ =	shalt  }
0x65: {  	_ =	shalt  }
0x66: {  	_ =	shalt  }
0x67: {  	_ =	shalt  }
0x68: {  	_ =	shalt  }
0x69: {  	_ =	shalt  }
0x6a: {  	_ =	shalt  }
0x6b: {  	_ =	shalt  }
0x6c: {  	_ =	shalt  }
0x6d: {  	_ =	shalt  }
0x6e: {  	_ =	shalt  }
0x6f: {  	_ =	shalt  }
0x70: {  	_ =	shalt  }
0x71: {  	_ =	shalt  }
0x72: {  	_ =	shalt  }
0x73: {  	_ =	shalt  }
0x74: {  	_ =	shalt  }
0x75: {  	_ =	shalt  }
0x76: {  	_ =	shalt  }
0x77: {  	_ =	shalt  }
0x78: {  	_ =	shalt  }
0x79: {  	_ =	shalt  }
0x7a: {  	_ =	shalt  }
0x7b: {  	_ =	shalt  }
0x7c: {  	_ =	shalt  }
0x7d: {  	_ =	shalt  }
0x7e: {  	_ =	shalt  }
0x7f: {  	_ =	shalt  }
0x80: {  	_ =	shalt  }
0x81: {  	_ =	shalt  }
0x82: {  	_ =	shalt  }
0x83: {  	_ =	shalt  }
0x84: {  	_ =	shalt  }
0x85: {  	_ =	shalt  }
0x86: {  	_ =	shalt  }
0x87: {  	_ =	shalt  }
.Lfunc_end0:
.L_simem_size_0:
called_computation.4_lowered:
.L_overlay_start_0:
0x88: {  	s2 =	sld [smem:$0x3FD9]  }
0x89: {  	s3 =	sld [smem:$0x3FFE];
	_ =	sdelay $0x1  }
0x8a: {  	s1 =	srdreg.scid  }
0x8b: {  	s0 =	sand.u32 $0x1, s1  }
0x8c: {  	s14 =	sshll.u32 s0, $0xA;
	s2 =	sadd.s32 s3, s2  }
0x8d: {  	s2 =	sadd.s32 s2, s14  }
0x8e: {  	[smem:$0x3F9D] =	sst s2  }
0x8f: {  	_ = 	snop  }
0x90: {  	s2 =	sld [smem:$0x3FD0];
	_ =	sdelay $0x2  }
0x91: {  	s15 =	simm.s32 $0xA;
	s4 =	simm.s32 $0x10  }
0x92: {  	[smem:s4], [sflag:s15] =	dma.local [hbm:s2], $0x1  }
0x93: {  	_ =	swait.eq [sflag:s15], $0x1  }
0x94: {  	[sflag:s15] =	ssyncset.done $0x0  }
0x95: {  	[sflag:s15] =	ssyncadd.s32 $0xFFFFFFFF  }
0x96: {  	s16 =	sld [smem:$0x14];
	(tm) =	ssettm $0x1  }
0x97: {  	s17 =	sld [smem:$0x3FFB];
	_ =	sdelay $0x3  }
0x98: {  	_ =	strace s17  }
0x99: {  	s3 =	sld [smem:$0x3FFC];
	_ =	sdelay $0x3  }
0x9a: {  	_ =	strace s3  }
0x9b: {  	s3 =	sld [smem:$0x3FFD];
	_ =	sdelay $0x3  }
0x9c: {  	_ =	strace s3  }
0x9d: {  	_ =	strace $0x8FFFFFFF  }
0x9e: {  	s18 =	sld [smem:$0x3FDB];
	_ =	sdelay $0x1  }
0x9f: {  	s19 =	simm.s32 $_scs_section_size  }
0xa0: {  	s5 =	simm.s32 $_size__tile_overlayer_lowered;
	s6 =	simm.s32 $_tile_overlayer_lowered  }
0xa1: {  	s22 =	simm.s32 $0x1BFF;
	s21 =	sshll.u32 s6, $0x1;
	s3 =	sadd.s32 s19, s18  }
0xa2: {  	s7 =	simm.s32 $0x0;
	s20 =	sshll.u32 s5, $0x1;
	s5 =	sadd.s32 s21, s3  }
0xa3: {  	[timem:s7], [sflag:s22] =	dma.local [hbm:s5], s20  }
0xa4: {  	_ =	swait.ge [sflag:s22], s20  }
0xa5: {  	s4 =	ssub.s32 $0x0, s20;
	[sflag:s22] =	ssyncset.done $0x0  }
0xa6: {  	[sflag:s22] =	ssyncadd.s32 s4;
	_ =	sdelay $0x1  }
0xa7: {  	s23 =	simm.s32 $0x1B8B  }
0xa8: {  	_ =	swait.ge [sflag:s23], $0x1  }
0xa9: {  	[sflag:s23] =	ssyncset.done $0x0  }
0xaa: {  	s25 =	simm.s32 $0x1B8E;
	s24 =	sld [smem:$0x3FFE];
	[sflag:s23] =	ssyncadd.s32 $0xFFFFFFFF  }
0xab: {  	s26 =	simm.s32 $execute0_lowered;
	[smem:$0x3FD2] =	sst s25  }
0xac: {  	s5 =	sshll.u32 s26, $0x1;
	_ =	strace $0x80000052;
	[dreg:$0x1] =	wrdreg $0xFFFFFFFF  }
0xad: {  	s28 =	simm.s32 $_size_execute0_lowered;
	s3 =	sadd.s32 s3, s5;
	[dreg:$0x0] =	wrdreg $0x0  }
0xae: {  	s5 =	sshll.u32 s28, $0x1;
	[dreg:$0x2] =	wrdreg s3  }
0xaf: {  	[dreg:$0x3] =	wrdreg s5  }
0xb0: {  	[dreg:$0x4] =	wrdreg $0xC0  }
0xb1: {  	_ =	task [dreg:s7], $0x5FFFF  }
0xb2: {  	[dreg:$0x1] =	wrdreg $0xFFFFFFFF  }
0xb3: {  	[dreg:$0x0] =	wrdreg $0x60  }
0xb4: {  	[dreg:$0x2] =	wrdreg s16  }
0xb5: {  	[dreg:$0x3] =	wrdreg s24  }
0xb6: {  	[dreg:$0x4] =	wrdreg $0x9  }
0xb7: {  	_ =	task.clear_ibuf [dreg:s7], $0x5FFFF;
	_ =	strace $0x90000052  }
0xb8: {  	s29 =	simm.s32 $0x9;
	_ =	strace $0x80000054  }
0xb9: {  	_ =	swait.ge [sflag:s29], $0x1  }
0xba: {  	[sflag:s29] =	ssyncadd.s32 $0xFFFFFFFF  }
0xbb: {  	_ =	strace $0x90000054  }
0xbc: {  	_ =	sfence  }
0xbd: {  	s30 =	sld [smem:$0x0];
	_ =	sdelay $0x2  }
0xbe: {  	s31 =	sshll.u32 s1, $0xD;
	s1 =	sshrl.u32 s1, $0x2  }
0xbf: {  	s3 =	sand.u32 $0x4000, s31;
	s1 =	sadd.s32 s1, s30  }
0xc0: {  	s0 =	sor.u32 s3, s0;
	s1 =	sshll.u32 s1, $0x11  }
0xc1: {  	s0 =	sor.u32 s1, s0  }
0xc2: {  	s0 =	sadd.s32 $0x8F2B, s0  }
0xc3: {  	[sflag:s0] =	ssyncadd.remote.s32 $0x1  }
0xc4: {  	_ =	sfence.sel $0xFFFF  }
0xc5: {  	[dreg:$0x0] =	wrdreg $0xFFFFFFFF;
	(pc) =	sbr.abs _section_cstart, $3  }
0xc6: {  	[dreg:$0x1] =	wrdreg $0xFFFFFFFF  }
0xc7: {  	_ =	task.clear_ibuf [dreg:s7], $0x2FFFF;
	_ =	strace $0x9FFFFFFF  }
0xc8: {  	(tm) =	ssettm $0x7FFFFFFF  }
0xc9: {  	_ =	shalt  }
tec
execute0_lowered:
.L_overlay_start_1:
0x0: {  	(tag) =	ssettag $0x1  }
0x1: {  	s1 =	rddreg [dreg:$0x0]  }
0x2: {  	s0 =	rddreg [dreg:$0x1];
	s3 =	simm.s32 $0x0;
	s4 =	srdreg.scid  }
0x3: {  	s2 =	stileid.u32;
	s13 =	simm.s32 $0x3;
	s14 =	simm.s32 $0x1000  }
0x4: {  	s15 =	simm.s32 $0x2000;
	s16 =	simm.s32 $0x3000;
	s17 =	simm.s32 $0x80  }
0x5: {  	s18 =	simm.s32 $0x4000;
	s19 =	simm.s32 $0x8000;
	s20 =	simm.s32 $0xC000  }
0x6: {  	s21 =	simm.s32 $0x10000;
	s22 =	simm.s32 $0x1;
	s23 =	simm.s32 $0x2  }
0x7: {  	s24 =	simm.s32 $0x0;
	[smem:$0x7FF] =	sst s3;
	s4 =	sand.u32 $0x1, s4  }
0x8: {  	s5 =	sshll.u32 s2, $0x9;
	s8 =	smul.u32 $0xE000, s2;
	s6 =	sshll.u32 s4, $0xD  }
0x9: {  	s30 =	smul.u32 $0xE0000, s4;
	s4 =	ssub.s32 $0x2, s4;
	s5 =	sor.u32 s5, s6  }
0xa: {  	_ =	strace $0x80000053;
	s31 =	sshrl.u32 s4, $0x1;
	s7 =	sadd.s32 s5, s0  }
0xb: {  	s0 =	sadd.s32 s30, s0;
	s10 =	ssub.s32 s4, s31;
	s4 =	sadd.s32 $0xB800, s7  }
0xc: {  	s5 =	sadd.s32 $0xF800, s7;
	s6 =	sadd.s32 $0x13800, s7;
	s0 =	sadd.s32 s8, s0  }
0xd: {  	s7 =	sadd.s32 $0x7800, s7;
	s8 =	sadd.s32 $0x557800, s0;
	s9 =	sadd.s32 $0x397800, s0  }
0xe: {  	s10 =	smax.u32 s10, $0x1;
	s11 =	sadd.s32 $0x1D7800, s0;
	s12 =	sadd.s32 $0x17800, s0  }
.LBB2_1:
0xf: {  	[tilespmem:s3], [sflag:$0x3] =	stream.linear.gather [hbm4b:s7+s3], $0xE00, $0x38;
	[tilespmem:$0x14000] =	vst v63  }
0x10: {  	_ =	swait.ge [sflag:s13], $0xE00  }
0x11: {  	[sflag:s13] =	ssyncset.done $0x0  }
0x12: {  	[sflag:s13] =	ssyncadd.s32 $0xFFFFF200  }
0x13: {  	[tilespmem:s14], [sflag:$0x3] =	stream.linear.gather [hbm4b:s4+s3], $0xE00, $0x38;
	[tilespmem:$0x14000] =	vst v63  }
0x14: {  	_ =	swait.ge [sflag:s13], $0xE00  }
0x15: {  	[sflag:s13] =	ssyncset.done $0x0  }
0x16: {  	[sflag:s13] =	ssyncadd.s32 $0xFFFFF200  }
0x17: {  	[tilespmem:s15], [sflag:$0x3] =	stream.linear.gather [hbm4b:s5+s3], $0xE00, $0x38;
	[tilespmem:$0x14000] =	vst v63  }
0x18: {  	_ =	swait.ge [sflag:s13], $0xE00  }
0x19: {  	[sflag:s13] =	ssyncset.done $0x0  }
0x1a: {  	[sflag:s13] =	ssyncadd.s32 $0xFFFFF200  }
0x1b: {  	[tilespmem:s16], [sflag:$0x3] =	stream.linear.gather [hbm4b:s6+s3], $0xE00, $0x38;
	[tilespmem:$0x14000] =	vst v63  }
0x1c: {  	_ =	swait.ge [sflag:s13], $0xE00  }
0x1d: {  	[sflag:s13] =	ssyncset.done $0x0  }
0x1e: {  	s0 =	simm.s32 $0x0;
	[sflag:s13] =	ssyncadd.s32 $0xFFFFF200  }
0x1f: {  	[tilespmem:s18], [sflag:$0x1] =	stream.indirect.gather [hbm4b:s1+s17], $0x80, s0, s17, $0xb8;
	[tilespmem:$0x14000] =	vst v63  }
0x20: {  	s2 =	simm.s32 $0x1000  }
0x21: {  	[tilespmem:s19], [sflag:$0x1] =	stream.indirect.gather [hbm4b:s1+s17], $0x80, s2, s17, $0xb8;
	[tilespmem:$0x14000] =	vst v63  }
0x22: {  	s25 =	simm.s32 $0x2000  }
0x23: {  	[tilespmem:s20], [sflag:$0x1] =	stream.indirect.gather [hbm4b:s1+s17], $0x80, s25, s17, $0xb8;
	[tilespmem:$0x14000] =	vst v63  }
0x24: {  	s26 =	simm.s32 $0x3000  }
0x25: {  	[tilespmem:s21], [sflag:$0x1] =	stream.indirect.gather [hbm4b:s1+s17], $0x80, s26, s17, $0xb8;
	[tilespmem:$0x14000] =	vst v63  }
0x26: {  	_ =	swait.ge [sflag:s22], $0x4000  }
0x27: {  	[sflag:s22] =	ssyncset.done $0x0  }
0x28: {  	[sflag:s22] =	ssyncadd.s32 $0xFFFFC000  }
0x29: {  	_ =	swait.ge [sflag:s22], $0x4000  }
0x2a: {  	[sflag:s22] =	ssyncset.done $0x0  }
0x2b: {  	[sflag:s22] =	ssyncadd.s32 $0xFFFFC000  }
0x2c: {  	_ =	swait.ge [sflag:s22], $0x4000  }
0x2d: {  	[sflag:s22] =	ssyncset.done $0x0  }
0x2e: {  	[sflag:s22] =	ssyncadd.s32 $0xFFFFC000  }
0x2f: {  	_ =	swait.ge [sflag:s22], $0x4000  }
0x30: {  	[sflag:s22] =	ssyncset.done $0x0  }
0x31: {  	[sflag:s22] =	ssyncadd.s32 $0xFFFFC000  }
0x32: {  	[hbm4b:s12+s3] =	stream.linear.scatter [tilespmem:s18], [sflag:$0x2], $0x4000, $0x38;
	[tilespmem:$0x14000] =	vst v63  }
0x33: {  	_ = 	snop  }
0x34: {  	[hbm4b:s11+s3] =	stream.linear.scatter [tilespmem:s19], [sflag:$0x2], $0x4000, $0x38;
	[tilespmem:$0x14000] =	vst v63  }
0x35: {  	_ = 	snop  }
0x36: {  	[hbm4b:s9+s3] =	stream.linear.scatter [tilespmem:s20], [sflag:$0x2], $0x4000, $0x38;
	[tilespmem:$0x14000] =	vst v63  }
0x37: {  	_ = 	snop  }
0x38: {  	[hbm4b:s8+s3] =	stream.linear.scatter [tilespmem:s21], [sflag:$0x2], $0x4000, $0x38;
	[tilespmem:$0x14000] =	vst v63  }
0x39: {  	_ =	swait.ge [sflag:s23], $0x4000  }
0x3a: {  	[sflag:s23] =	ssyncset.done $0x0  }
0x3b: {  	[sflag:s23] =	ssyncadd.s32 $0xFFFFC000  }
0x3c: {  	_ =	swait.ge [sflag:s23], $0x4000  }
0x3d: {  	[sflag:s23] =	ssyncset.done $0x0  }
0x3e: {  	[sflag:s23] =	ssyncadd.s32 $0xFFFFC000  }
0x3f: {  	_ =	swait.ge [sflag:s23], $0x4000  }
0x40: {  	[sflag:s23] =	ssyncset.done $0x0  }
0x41: {  	s30 =	simm.s32 $0x200;
	s31 =	simm.s32 $0x400;
	[sflag:s23] =	ssyncadd.s32 $0xFFFFC000  }
0x42: {  	s28 =	sadd.s32 $0x800, s12;
	s29 =	sadd.s32 $0x800, s9;
	_ =	swait.ge [sflag:s23], $0x4000  }
0x43: {  	s25 =	sadd.s32 $0x800, s11;
	s26 =	sadd.s32 $0x800, s8;
	[sflag:s23] =	ssyncset.done $0x0  }
.LBB2_2:
0x44: {  	s2 =	sshra.s32 s30, $0x2  }
0x45: {  	[sflag:s23] =	ssyncadd.s32 $0xFFFFC000;
	s30 =	smov.u32 s31;
	s0 =	sadd.s32 $0x200, s31  }
0x46: {  	[tilespmem:s18], [sflag:$0x1] =	stream.indirect.gather [hbm4b:s1+s17], $0x80, s2, s17, $0xb8;
	[tilespmem:$0x14000] =	vst v63  }
0x47: {  	p0 =	sne.s32 s31, $0x3600;
	s31 =	sadd.s32 $0x1000, s2  }
0x48: {  	[tilespmem:s19], [sflag:$0x1] =	stream.indirect.gather [hbm4b:s1+s17], $0x80, s31, s17, $0xb8;
	[tilespmem:$0x14000] =	vst v63  }
0x49: {  	s31 =	sadd.s32 $0x2000, s2  }
0x4a: {  	[tilespmem:s20], [sflag:$0x1] =	stream.indirect.gather [hbm4b:s1+s17], $0x80, s31, s17, $0xb8;
	[tilespmem:$0x14000] =	vst v63  }
0x4b: {  	s2 =	sadd.s32 $0x3000, s2  }
0x4c: {  	[tilespmem:s21], [sflag:$0x1] =	stream.indirect.gather [hbm4b:s1+s17], $0x80, s2, s17, $0xb8;
	[tilespmem:$0x14000] =	vst v63  }
0x4d: {  	_ =	swait.ge [sflag:s22], $0x4000  }
0x4e: {  	[sflag:s22] =	ssyncset.done $0x0  }
0x4f: {  	[sflag:s22] =	ssyncadd.s32 $0xFFFFC000  }
0x50: {  	_ =	swait.ge [sflag:s22], $0x4000  }
0x51: {  	[sflag:s22] =	ssyncset.done $0x0  }
0x52: {  	[sflag:s22] =	ssyncadd.s32 $0xFFFFC000  }
0x53: {  	_ =	swait.ge [sflag:s22], $0x4000  }
0x54: {  	[sflag:s22] =	ssyncset.done $0x0  }
0x55: {  	[sflag:s22] =	ssyncadd.s32 $0xFFFFC000  }
0x56: {  	_ =	swait.ge [sflag:s22], $0x4000  }
0x57: {  	[sflag:s22] =	ssyncset.done $0x0  }
0x58: {  	[sflag:s22] =	ssyncadd.s32 $0xFFFFC000  }
0x59: {  	[hbm4b:s28+s3] =	stream.linear.scatter [tilespmem:s18], [sflag:$0x2], $0x4000, $0x38;
	[tilespmem:$0x14000] =	vst v63  }
0x5a: {  	_ = 	snop  }
0x5b: {  	[hbm4b:s25+s3] =	stream.linear.scatter [tilespmem:s19], [sflag:$0x2], $0x4000, $0x38;
	[tilespmem:$0x14000] =	vst v63  }
0x5c: {  	_ = 	snop  }
0x5d: {  	[hbm4b:s29+s3] =	stream.linear.scatter [tilespmem:s20], [sflag:$0x2], $0x4000, $0x38;
	[tilespmem:$0x14000] =	vst v63  }
0x5e: {  	_ = 	snop  }
0x5f: {  	[hbm4b:s26+s3] =	stream.linear.scatter [tilespmem:s21], [sflag:$0x2], $0x4000, $0x38;
	[tilespmem:$0x14000] =	vst v63  }
0x60: {  	_ =	swait.ge [sflag:s23], $0x4000  }
0x61: {  	[sflag:s23] =	ssyncset.done $0x0  }
0x62: {  	[sflag:s23] =	ssyncadd.s32 $0xFFFFC000  }
0x63: {  	_ =	swait.ge [sflag:s23], $0x4000  }
0x64: {  	[sflag:s23] =	ssyncset.done $0x0  }
0x65: {  	[sflag:s23] =	ssyncadd.s32 $0xFFFFC000  }
.Ltmp0:
0x66: {  	_ =	swait.ge [sflag:s23], $0x4000;
	(pc) =	sbr.rel @p0 .LBB2_2-.Ltmp0, $4  }
0x67: {  	[sflag:s23] =	ssyncset.done $0x0  }
0x68: {  	s31 =	smov.u32 s0;
	[sflag:s23] =	ssyncadd.s32 $0xFFFFC000  }
0x69: {  	s28 =	sadd.s32 $0x800, s28;
	s25 =	sadd.s32 $0x800, s25;
	_ =	swait.ge [sflag:s23], $0x4000  }
0x6a: {  	s29 =	sadd.s32 $0x800, s29;
	s26 =	sadd.s32 $0x800, s26;
	[sflag:s23] =	ssyncset.done $0x0  }
0x6b: {  	s0 =	sshra.s32 s30, $0x2;
	[sflag:s23] =	ssyncadd.s32 $0xFFFFC000  }
0x6c: {  	[tilespmem:s18], [sflag:$0x1] =	stream.indirect.gather [hbm4b:s1+s17], $0x80, s0, s17, $0xb8;
	[tilespmem:$0x14000] =	vst v63  }
0x6d: {  	s2 =	sadd.s32 $0x1000, s0  }
0x6e: {  	[tilespmem:s19], [sflag:$0x1] =	stream.indirect.gather [hbm4b:s1+s17], $0x80, s2, s17, $0xb8;
	[tilespmem:$0x14000] =	vst v63  }
0x6f: {  	s31 =	sadd.s32 $0x2000, s0  }
0x70: {  	[tilespmem:s20], [sflag:$0x1] =	stream.indirect.gather [hbm4b:s1+s17], $0x80, s31, s17, $0xb8;
	[tilespmem:$0x14000] =	vst v63  }
0x71: {  	s0 =	sadd.s32 $0x3000, s0  }
0x72: {  	[tilespmem:s21], [sflag:$0x1] =	stream.indirect.gather [hbm4b:s1+s17], $0x80, s0, s17, $0xb8;
	[tilespmem:$0x14000] =	vst v63  }
0x73: {  	_ =	swait.ge [sflag:s22], $0x4000  }
0x74: {  	[sflag:s22] =	ssyncset.done $0x0  }
0x75: {  	[sflag:s22] =	ssyncadd.s32 $0xFFFFC000  }
0x76: {  	_ =	swait.ge [sflag:s22], $0x4000  }
0x77: {  	[sflag:s22] =	ssyncset.done $0x0  }
0x78: {  	[sflag:s22] =	ssyncadd.s32 $0xFFFFC000  }
0x79: {  	_ =	swait.ge [sflag:s22], $0x4000  }
0x7a: {  	[sflag:s22] =	ssyncset.done $0x0  }
0x7b: {  	[sflag:s22] =	ssyncadd.s32 $0xFFFFC000  }
0x7c: {  	_ =	swait.ge [sflag:s22], $0x4000  }
0x7d: {  	[sflag:s22] =	ssyncset.done $0x0  }
0x7e: {  	[sflag:s22] =	ssyncadd.s32 $0xFFFFC000  }
0x7f: {  	[hbm4b:s28+s3] =	stream.linear.scatter [tilespmem:s18], [sflag:$0x2], $0x4000, $0x38;
	[tilespmem:$0x14000] =	vst v63  }
0x80: {  	_ = 	snop  }
0x81: {  	[hbm4b:s25+s3] =	stream.linear.scatter [tilespmem:s19], [sflag:$0x2], $0x4000, $0x38;
	[tilespmem:$0x14000] =	vst v63  }
0x82: {  	_ = 	snop  }
0x83: {  	[hbm4b:s29+s3] =	stream.linear.scatter [tilespmem:s20], [sflag:$0x2], $0x4000, $0x38;
	[tilespmem:$0x14000] =	vst v63  }
0x84: {  	_ = 	snop  }
0x85: {  	[hbm4b:s26+s3] =	stream.linear.scatter [tilespmem:s21], [sflag:$0x2], $0x4000, $0x38;
	[tilespmem:$0x14000] =	vst v63  }
0x86: {  	_ =	swait.ge [sflag:s23], $0x4000  }
0x87: {  	[sflag:s23] =	ssyncset.done $0x0  }
0x88: {  	[sflag:s23] =	ssyncadd.s32 $0xFFFFC000  }
0x89: {  	_ =	swait.ge [sflag:s23], $0x4000  }
0x8a: {  	[sflag:s23] =	ssyncset.done $0x0  }
0x8b: {  	s24 =	sadd.s32 $0x1, s24;
	[sflag:s23] =	ssyncadd.s32 $0xFFFFC000  }
0x8c: {  	p0 =	sne.s32 s24, s10;
	_ =	swait.ge [sflag:s23], $0x4000  }
.Ltmp1:
0x8d: {  	[sflag:s23] =	ssyncset.done $0x0;
	(pc) =	sbr.rel @p0 .LBB2_1-.Ltmp1, $4  }
0x8e: {  	[sflag:s23] =	ssyncadd.s32 $0xFFFFC000  }
0x8f: {  	_ =	swait.ge [sflag:s23], $0x4000  }
0x90: {  	[sflag:s23] =	ssyncset.done $0x0  }
0x91: {  	[sflag:s23] =	ssyncadd.s32 $0xFFFFC000  }
0x92: {  	_ =	sfence.sel $0x180000  }
0x93: {  	[bflag:$0x0] =	sbarrier.arrive $0xFFFF  }
0x94: {  	_ =	strace $0x90000053  }
0x95: {  	s0 =	stileid.u32;
	[bflag:$0x2] =	sbarrier.arrive $0xFFFF  }
0x96: {  	p0 =	sne.s32 s0, $0x0;
	s0 =	rddreg [dreg:$0x2]  }
0x97: {  	s0 =	sadd.s32 @!p0 $0x100000, s0  }
0x98: {  	[sflag:s0] =	ssyncadd.tile.s32 @!p0 $0x1;
	_ =	shalt  }
.Lfunc_end2:
_tile_overlayer_lowered:
.L_overlay_start_2:
0x99: {  	(tag) =	ssettag $0x2  }
0x9a: {  	s0 =	rddreg [dreg:$0x0];
	s2 =	stileid.u32  }
0x9b: {  	s1 =	rddreg [dreg:$0x1];
	p0 =	sne.s32 s2, $0x0  }
0x9c: {  	s3 =	rddreg [dreg:$0x2];
	[bflag:$0x3] =	sbarrier.arrive $0xFFFF;
	s2 =	simm.s32 @!p0 $0x1C03  }
0x9d: {  	[timem:s3], [sflag:s2] =	dma.local @!p0 [hbm:s0], s1  }
0x9e: {  	s0 =	simm.s32 @!p0 $0x3  }
0x9f: {  	_ =	swait.ge @!p0 [sflag:s0], s1  }
0xa0: {  	s1 =	ssub.s32 @!p0 $0x0, s1;
	[sflag:s0] =	ssyncset.done @!p0 $0x0  }
0xa1: {  	[sflag:s0] =	ssyncadd.s32 @!p0 s1  }
0xa2: {  	[bflag:$0x3] =	sbarrier.arrive $0xFFFF  }
0xa3: {  	_ =	shalt  }

// kernel: scatter_offload_async_start.1
scs
__scs_entry_jumppad:
0x0: {  	(pc) =	sbr.rel $0x88, $3  }
0x1: {  	(tag) =	ssettag $0x0;
	lr =	simm.s32 $0x1  }
0x2: {  	[smem:$0x3F76] =	sst lr;
	_ =	strace $0xD0000000  }
0x3: {  	_ = 	snop  }
0x4: {  	_ = 	snop  }
0x5: {  	_ = 	snop  }
0x6: {  	_ = 	snop  }
0x7: {  	_ = 	snop  }
__scs_overlays_trampoline_lowered:
0x8: {  	[smem:$0x3F85] =	sst s0  }
0x9: {  	[smem:$0x3F86] =	sst s1  }
0xa: {  	[smem:$0x3F87] =	sst s2  }
0xb: {  	[smem:$0x3F88] =	sst s3  }
0xc: {  	[smem:$0x3F89] =	sst s4  }
0xd: {  	[smem:$0x3F8A] =	sst s5  }
0xe: {  	[smem:$0x3F8B] =	sst s6  }
0xf: {  	[smem:$0x3F8C] =	sst s7  }
0x10: {  	[smem:$0x3F8D] =	sst s8  }
0x11: {  	[smem:$0x3F8E] =	sst s9;
	s0 =	simm.s32 @!p0 $0x0  }
0x12: {  	s1 =	sld [smem:$0x3F74];
	s0 =	simm.s32 @p0 $0x1  }
0x13: {  	[smem:$0x3F8F] =	sst s0;
	s0 =	simm.s32 @!p1 $0x0  }
0x14: {  	s2 =	sld [smem:$0x3F73];
	s0 =	simm.s32 @p1 $0x1  }
0x15: {  	[smem:$0x3F90] =	sst s0;
	s0 =	simm.s32 @!p2 $0x0  }
0x16: {  	s3 =	sld [smem:$0x3FDB];
	s0 =	simm.s32 @p2 $0x1  }
0x17: {  	s4 =	simm.s32 $0x1BF5;
	[smem:$0x3F92] =	sst s0  }
0x18: {  	s0 =	sld [smem:$0x3F75];
	_ =	swait.ge [sflag:s4], $0x0  }
0x19: {  	s7 =	sld [smem:$0x3F76]  }
0x1a: {  	s8 =	sadd.s32 $0xFFFFE003, lr  }
0x1b: {  	s9 =	sadd.s32 $0xFFFFFEF7, lr;
	s5 =	simm.s32 $0xFFFFFFFF;
	p2 =	slt.u32 s8, $0xFFFFF086  }
0x1c: {  	p1 =	slt.u32 s9, $0xF7A;
	s5 =	simm.s32 @!p2 $0x0  }
0x1d: {  	s5 =	simm.s32 @p1 $0x1;
	p0 =	seq.s32 s7, s2  }
0x1e: {  	s7 =	smul.u32 @!p0 $0xF7A, s2;
	p2 =	seq.s32 @!p0 s5, $0x0  }
0x1f: {  	s9 =	smul.u32 $0xF7A, s1;
	s8 =	simm.s32 @!p0 $0x1BF5;
	p2 =	por !p2, p0  }
0x20: {  	[sflag:s8] =	ssyncset.s32 @!p0 $0xFFFFF086;
	s6 =	sadd.s32 @!p0 s3, s7;
	s7 =	simm.s32 @!p0 $0x108  }
0x21: {  	s3 =	sadd.s32 s3, s9;
	s6 =	sadd.s32 @!p0 $0x88, s6;
	s7 =	simm.s32 @p2 $0x1082  }
0x22: {  	[simem:s7], [sflag:s8] =	dma.local @!p0 [hbm:s6], $0xF7A  }
0x23: {  	s9 =	sor.u32 $0xD0000000, s2;
	s6 =	simm.s32 $0x108;
	_ =	swait.ge @!p0 [sflag:s8], $0x0  }
0x24: {  	s3 =	sadd.s32 $0x88, s3;
	s6 =	simm.s32 @!p1 $0x1082;
	[sflag:s4] =	ssyncset.s32 $0xFFFFF086  }
0x25: {  	[simem:s6], [sflag:s4] =	dma.local [hbm:s3], $0xF7A  }
0x26: {  	[smem:$0x3F76] =	sst s1;
	(tag) =	ssettag s2;
	_ =	strace s9  }
0x27: {  	s1 =	sld [smem:$0x3F86]  }
0x28: {  	s2 =	sld [smem:$0x3F87]  }
0x29: {  	s4 =	sld [smem:$0x3F89]  }
0x2a: {  	p0 =	seq.s32 s5, $0x0;
	s5 =	sld [smem:$0x3F8A]  }
0x2b: {  	s6 =	sld [smem:$0x3F8B]  }
0x2c: {  	s7 =	sld [smem:$0x3F8C]  }
0x2d: {  	s3 =	simm.s32 $0x108;
	s8 =	sld [smem:$0x3F8D]  }
0x2e: {  	s3 =	simm.s32 @!p0 $0x1082;
	s9 =	sld [smem:$0x3F8E]  }
0x2f: {  	lr =	sadd.s32 s0, s3;
	s0 =	sld [smem:$0x3F85]  }
0x30: {  	s3 =	sld [smem:$0x3F88]  }
0x31: {  	[smem:$0x3F91] =	sst s10  }
0x32: {  	s10 =	sld [smem:$0x3F8F];
	_ =	sdelay $0x3  }
0x33: {  	p0 =	seq.s32 s10, $0x1;
	s10 =	sld [smem:$0x3F91];
	_ =	sdelay $0x3  }
0x34: {  	[smem:$0x3F91] =	sst s10  }
0x35: {  	s10 =	sld [smem:$0x3F90];
	_ =	sdelay $0x3  }
0x36: {  	p1 =	seq.s32 s10, $0x1;
	s10 =	sld [smem:$0x3F91];
	_ =	sdelay $0x3  }
0x37: {  	[smem:$0x3F91] =	sst s10  }
0x38: {  	s10 =	sld [smem:$0x3F92]  }
0x39: {  	_ = 	snop;
	(pc) =	sbr.ind lr, $3  }
0x3a: {  	_ = 	snop  }
0x3b: {  	_ = 	snop  }
0x3c: {  	p2 =	seq.s32 s10, $0x1;
	s10 =	sld [smem:$0x3F91]  }
0x3d: {  	_ =	shalt  }
0x3e: {  	_ =	shalt  }
0x3f: {  	_ =	shalt  }
0x40: {  	_ =	shalt  }
0x41: {  	_ =	shalt  }
0x42: {  	_ =	shalt  }
0x43: {  	_ =	shalt  }
0x44: {  	_ =	shalt  }
0x45: {  	_ =	shalt  }
0x46: {  	_ =	shalt  }
0x47: {  	_ =	shalt  }
0x48: {  	_ =	shalt  }
0x49: {  	_ =	shalt  }
0x4a: {  	_ =	shalt  }
0x4b: {  	_ =	shalt  }
0x4c: {  	_ =	shalt  }
0x4d: {  	_ =	shalt  }
0x4e: {  	_ =	shalt  }
0x4f: {  	_ =	shalt  }
0x50: {  	_ =	shalt  }
0x51: {  	_ =	shalt  }
0x52: {  	_ =	shalt  }
0x53: {  	_ =	shalt  }
0x54: {  	_ =	shalt  }
0x55: {  	_ =	shalt  }
0x56: {  	_ =	shalt  }
0x57: {  	_ =	shalt  }
0x58: {  	_ =	shalt  }
0x59: {  	_ =	shalt  }
0x5a: {  	_ =	shalt  }
0x5b: {  	_ =	shalt  }
0x5c: {  	_ =	shalt  }
0x5d: {  	_ =	shalt  }
0x5e: {  	_ =	shalt  }
0x5f: {  	_ =	shalt  }
0x60: {  	_ =	shalt  }
0x61: {  	_ =	shalt  }
0x62: {  	_ =	shalt  }
0x63: {  	_ =	shalt  }
0x64: {  	_ =	shalt  }
0x65: {  	_ =	shalt  }
0x66: {  	_ =	shalt  }
0x67: {  	_ =	shalt  }
0x68: {  	_ =	shalt  }
0x69: {  	_ =	shalt  }
0x6a: {  	_ =	shalt  }
0x6b: {  	_ =	shalt  }
0x6c: {  	_ =	shalt  }
0x6d: {  	_ =	shalt  }
0x6e: {  	_ =	shalt  }
0x6f: {  	_ =	shalt  }
0x70: {  	_ =	shalt  }
0x71: {  	_ =	shalt  }
0x72: {  	_ =	shalt  }
0x73: {  	_ =	shalt  }
0x74: {  	_ =	shalt  }
0x75: {  	_ =	shalt  }
0x76: {  	_ =	shalt  }
0x77: {  	_ =	shalt  }
0x78: {  	_ =	shalt  }
0x79: {  	_ =	shalt  }
0x7a: {  	_ =	shalt  }
0x7b: {  	_ =	shalt  }
0x7c: {  	_ =	shalt  }
0x7d: {  	_ =	shalt  }
0x7e: {  	_ =	shalt  }
0x7f: {  	_ =	shalt  }
0x80: {  	_ =	shalt  }
0x81: {  	_ =	shalt  }
0x82: {  	_ =	shalt  }
0x83: {  	_ =	shalt  }
0x84: {  	_ =	shalt  }
0x85: {  	_ =	shalt  }
0x86: {  	_ =	shalt  }
0x87: {  	_ =	shalt  }
.Lfunc_end0:
.L_simem_size_0:
called_computation.1_lowered:
.L_overlay_start_0:
0x88: {  	s2 =	sld [smem:$0x3FD9]  }
0x89: {  	s3 =	sld [smem:$0x3FFE];
	_ =	sdelay $0x1  }
0x8a: {  	s1 =	srdreg.scid  }
0x8b: {  	s0 =	sand.u32 $0x1, s1  }
0x8c: {  	s13 =	sshll.u32 s0, $0xA;
	s2 =	sadd.s32 s3, s2  }
0x8d: {  	s2 =	sadd.s32 s2, s13  }
0x8e: {  	[smem:$0x3F9D] =	sst s2  }
0x8f: {  	_ = 	snop  }
0x90: {  	s2 =	sld [smem:$0x3FD0];
	_ =	sdelay $0x2  }
0x91: {  	s14 =	simm.s32 $0xA;
	s4 =	simm.s32 $0x10  }
0x92: {  	[smem:s4], [sflag:s14] =	dma.local [hbm:s2], $0x1  }
0x93: {  	_ =	swait.eq [sflag:s14], $0x1  }
0x94: {  	[sflag:s14] =	ssyncset.done $0x0  }
0x95: {  	s15 =	sld [smem:$0x10];
	[sflag:s14] =	ssyncadd.s32 $0xFFFFFFFF  }
0x96: {  	s16 =	sld [smem:$0x13];
	(tm) =	ssettm $0x1  }
0x97: {  	s17 =	sld [smem:$0x3FFB];
	_ =	sdelay $0x3  }
0x98: {  	_ =	strace s17  }
0x99: {  	s4 =	sld [smem:$0x3FFC];
	_ =	sdelay $0x3  }
0x9a: {  	_ =	strace s4  }
0x9b: {  	s4 =	sld [smem:$0x3FFD];
	_ =	sdelay $0x3  }
0x9c: {  	_ =	strace s4  }
0x9d: {  	_ =	strace $0x8FFFFFFF  }
0x9e: {  	s18 =	sld [smem:$0x3FDB];
	_ =	sdelay $0x1  }
0x9f: {  	s5 =	simm.s32 $_scs_section_size  }
0xa0: {  	s6 =	simm.s32 $_size__tile_overlayer_lowered;
	s7 =	simm.s32 $_tile_overlayer_lowered  }
0xa1: {  	s21 =	simm.s32 $0x1BFF;
	s20 =	sshll.u32 s7, $0x1;
	s4 =	sadd.s32 s5, s18  }
0xa2: {  	s8 =	simm.s32 $0x0;
	s19 =	sshll.u32 s6, $0x1;
	s6 =	sadd.s32 s20, s4  }
0xa3: {  	[timem:s8], [sflag:s21] =	dma.local [hbm:s6], s19  }
0xa4: {  	_ =	swait.ge [sflag:s21], s19  }
0xa5: {  	s5 =	ssub.s32 $0x0, s19;
	[sflag:s21] =	ssyncset.done $0x0  }
0xa6: {  	[sflag:s21] =	ssyncadd.s32 s5;
	_ =	sdelay $0x1  }
0xa7: {  	s22 =	simm.s32 $0x1B8B  }
0xa8: {  	_ =	swait.ge [sflag:s22], $0x1  }
0xa9: {  	[sflag:s22] =	ssyncset.done $0x0  }
0xaa: {  	s23 =	sld [smem:$0x3FFE];
	[sflag:s22] =	ssyncadd.s32 $0xFFFFFFFF  }
0xab: {  	s25 =	simm.s32 $0x1B8E;
	s24 =	sld [smem:$0x0]  }
0xac: {  	s26 =	simm.s32 $execute0_lowered;
	[smem:$0x3FD2] =	sst s25  }
0xad: {  	s7 =	sshll.u32 s26, $0x1;
	_ =	strace $0x8000004F;
	[dreg:$0x1] =	wrdreg $0xFFFFFFFF  }
0xae: {  	s28 =	simm.s32 $_size_execute0_lowered;
	s4 =	sadd.s32 s4, s7;
	[dreg:$0x0] =	wrdreg $0x0  }
0xaf: {  	s7 =	sshll.u32 s28, $0x1;
	[dreg:$0x2] =	wrdreg s4  }
0xb0: {  	[dreg:$0x3] =	wrdreg s7  }
0xb1: {  	[dreg:$0x4] =	wrdreg $0xC0  }
0xb2: {  	_ =	task [dreg:s8], $0x5FFFF  }
0xb3: {  	[dreg:$0x1] =	wrdreg $0xFFFFFFFF  }
0xb4: {  	[dreg:$0x0] =	wrdreg $0x60  }
0xb5: {  	[dreg:$0x2] =	wrdreg s16  }
0xb6: {  	[dreg:$0x3] =	wrdreg s15  }
0xb7: {  	[dreg:$0x4] =	wrdreg s23  }
0xb8: {  	[dreg:$0x5] =	wrdreg s1  }
0xb9: {  	[dreg:$0x6] =	wrdreg s24  }
0xba: {  	[dreg:$0x7] =	wrdreg $0x9  }
0xbb: {  	_ =	task.clear_ibuf [dreg:s8], $0x8FFFF;
	_ =	strace $0x9000004F  }
0xbc: {  	s29 =	simm.s32 $0x9;
	_ =	strace $0x80000051  }
0xbd: {  	_ =	swait.ge [sflag:s29], $0x1  }
0xbe: {  	[sflag:s29] =	ssyncadd.s32 $0xFFFFFFFF  }
0xbf: {  	_ =	strace $0x90000051  }
0xc0: {  	_ =	sfence  }
0xc1: {  	s30 =	sld [smem:$0x0];
	_ =	sdelay $0x2  }
0xc2: {  	s31 =	sshll.u32 s1, $0xD;
	s1 =	sshrl.u32 s1, $0x2  }
0xc3: {  	s3 =	sand.u32 $0x4000, s31;
	s1 =	sadd.s32 s1, s30  }
0xc4: {  	s0 =	sor.u32 s3, s0;
	s1 =	sshll.u32 s1, $0x11  }
0xc5: {  	s0 =	sor.u32 s1, s0  }
0xc6: {  	s0 =	sadd.s32 $0x8F2B, s0  }
0xc7: {  	[sflag:s0] =	ssyncadd.remote.s32 $0x1  }
0xc8: {  	_ =	sfence.sel $0xFFFF  }
0xc9: {  	[dreg:$0x0] =	wrdreg $0xFFFFFFFF;
	(pc) =	sbr.abs _section_cstart, $3  }
0xca: {  	[dreg:$0x1] =	wrdreg $0xFFFFFFFF  }
0xcb: {  	_ =	task.clear_ibuf [dreg:s8], $0x2FFFF;
	_ =	strace $0x9FFFFFFF  }
0xcc: {  	(tm) =	ssettm $0x7FFFFFFF  }
0xcd: {  	_ =	shalt  }
tec
execute0_lowered:
.L_overlay_start_1:
0x0: {  	(tag) =	ssettag $0x1  }
0x1: {  	s1 =	rddreg [dreg:$0x0]  }
0x2: {  	s15 =	rddreg [dreg:$0x1]  }
0x3: {  	s2 =	rddreg [dreg:$0x2]  }
0x4: {  	s3 =	rddreg [dreg:$0x3];
	_ =	strace $0x80000050;
	s0 =	simm.s32 $0x1  }
0x5: {  	v0 =	vimm.s32 $0x0;
	[sflag:s0] =	ssyncpa.u1 $0x0;
	s0 =	simm.s32 $0x108  }
0x6: {  	[tilespmem:s0+$0x70] =	vst v0  }
0x7: {  	[tilespmem:s0+$0x60] =	vst v0  }
0x8: {  	[tilespmem:s0+$0x50] =	vst v0  }
0x9: {  	[tilespmem:s0+$0x40] =	vst v0  }
0xa: {  	[tilespmem:s0+$0x30] =	vst v0  }
0xb: {  	s6 =	sadd.s32 $0x55AC00, s2;
	[tilespmem:s0+$0x20] =	vst v0  }
0xc: {  	s14 =	sadd.s32 $0x555C00, s2;
	s5 =	sand.u32 $0x1, s3;
	s3 =	simm.s32 $0x40;
	[tilespmem:s0+$0x10] =	vst v0  }
.LBB2_1:
0xd: {  	s3 =	sadd.s32 $0x40, s3;
	[tilespmem:s0+$0x0] =	vst v0;
	s0 =	sadd.s32 $0x80, s0  }
0xe: {  	p0 =	slt.u32 s3, $0x3C40;
	[tilespmem:s0+$0x70] =	vst v0  }
0xf: {  	[tilespmem:s0+$0x60] =	vst v0  }
.Ltmp0:
0x10: {  	[tilespmem:s0+$0x50] =	vst v0;
	(pc) =	sbr.rel @p0 .LBB2_1-.Ltmp0, $4  }
0x11: {  	[tilespmem:s0+$0x40] =	vst v0  }
0x12: {  	[tilespmem:s0+$0x30] =	vst v0  }
0x13: {  	[tilespmem:s0+$0x20] =	vst v0  }
0x14: {  	[tilespmem:s0+$0x10] =	vst v0  }
0x15: {  	s9 =	stileid.u32  }
0x16: {  	s2 =	smul.u32 $0x14, s9  }
0x17: {  	s3 =	smin.u32 s9, $0xE  }
0x18: {  	s2 =	sadd.s32 s3, s2  }
0x19: {  	p0 =	slt.u32 s9, $0xE;
	s7 =	smul.u32 $0xF0, s2;
	s2 =	simm.s32 $0x13B0  }
0x1a: {  	s2 =	simm.s32 @!p0 $0x12C0  }
0x1b: {  	s2 =	sadd.s32 s2, s7  }
0x1c: {  	s8 =	smin.u32 s2, $0x13880  }
0x1d: {  	s2 =	ssub.s32 s8, s7  }
0x1e: {  	p0 =	sgt.s32 s2, $0x0  }
0x1f: {  	s29 =	simm.s32 $0x2;
	s10 =	simm.s32 $0x9;
	s2 =	simm.s32 @!p0 $0x0  }
0x20: {  	s4 =	simm.s32 $0xA;
	s11 =	simm.s32 $0xB;
	s28 =	smulhi.u32 $0x88888889, s2  }
0x21: {  	[dreg:$0x6] =	wrdreg s5;
	s31 =	smul.u32 $0x2710, s5;
	s12 =	simm.s32 $0x1  }
0x22: {  	s22 =	simm.s32 $0x0;
	s18 =	simm.s32 $0xC;
	s30 =	sshrl.u32 s28, $0x7  }
0x23: {  	s20 =	simm.s32 $0x0;
	s21 =	simm.s32 $0x0;
	s3 =	smul.u32 $0xF0, s30  }
.Ltmp1:
0x24: {  	[tilespmem:s0+$0x0] =	vst v0;
	v0 =	vimm.s32 $0xFFFFFFFF;
	[sflag:s29] =	ssyncpa.u1 $0x0;
	s16 =	sshll.u32 s9, $0x8;
	(pc) =	sbr.rel .LBB2_3-.Ltmp1, $4  }
0x25: {  	[tilespmem:$0xF208] =	vst v0;
	[sflag:s10] =	ssyncpa.u1 $0x0;
	p0 =	sne.s32 s2, s3;
	s2 =	simm.s32 $0x1  }
0x26: {  	s14 =	sadd.s32 s31, s14;
	[sflag:s4] =	ssyncpa.u1 $0x0;
	s2 =	simm.s32 @!p0 $0x0  }
0x27: {  	s15 =	sadd.s32 s31, s15;
	[sflag:s11] =	ssyncpa.u1 $0x0;
	s13 =	sadd.s32 s2, s30  }
0x28: {  	v0 =	vlaneseq.u32;
	s19 =	smov.u32 s7;
	p0 =	por $0x0, $0x0;
	s17 =	sadd.s32 $0x1, s13  }
.LBB2_18:
0x29: {  	s0 =	sshrl.u32 s31, $0x2  }
.LBB2_20:
0x2a: {  	_ =	swait.ge [sflag:s18], s0  }
0x2b: {  	s31 =	ssub.s32 $0x0, s0;
	v1 =	vmov s24;
	vm0 =	veq.s32 v0, $0x0;
	[sflag:s18] =	ssyncset.done $0x0  }
0x2c: {  	vm15 =	veq.s32 v0, $0x2;
	v1 =	vsel vm0, s30, v1;
	[sflag:s18] =	ssyncadd.s32 s31  }
0x2d: {  	v1 =	vsel vm15, s22, v1;
	[sflag:s18] =	ssyncpa.u1 $0x1  }
0x2e: {  	[tilespmem:$0xF208] =	vst v1  }
.LBB2_21:
0x2f: {  	s0 =	sadd.s32 $0xF0, s19  }
0x30: {  	s2 =	smov.u32 s7;
	p1 =	slt.s32 s0, s8  }
0x31: {  	s2 =	smov.u32 @p1 s0;
	p1 =	sne.s32 s21, s17  }
.Ltmp2:
0x32: {  	_ = 	snop;
	(pc) =	sbr.rel @!p1 .LBB2_22-.Ltmp2, $3  }
0x33: {  	_ =	sdelay $0x1  }
0x34: {  	s22 =	smov.u32 s20;
	s31 =	sadd.s32 $0x1, s21;
	s20 =	smov.u32 s19  }
0x35: {  	p0 =	por !p0, !p0;
	s21 =	smov.u32 s31;
	s19 =	smov.u32 s2  }
.LBB2_3:
0x36: {  	p1 =	sge.u32 s21, s13  }
0x37: {  	s0 =	smulhi.u32 @!p1 $0xAAAAAAAB, s21  }
0x38: {  	s2 =	smov.u32 s19;
	p2 =	sgt.s32 @!p1 s19, $0x13790  }
0x39: {  	s3 =	sshra.s32 @!p1 s19, $0x1F;
	p2 =	por !p2, p1;
	s0 =	sshrl.u32 @!p1 s0, $0x1  }
0x3a: {  	s3 =	sand.u32 @!p1 s3, s19;
	s2 =	simm.s32 @p2 $0x13790;
	s0 =	smul.u32 @!p1 $0x3, s0  }
0x3b: {  	s2 =	ssub.s32 @!p1 s2, s3  }
0x3c: {  	s2 =	sadd.s32 @!p1 $0xFFFEC870, s2;
	s0 =	ssub.s32 @!p1 s21, s0  }
0x3d: {  	s3 =	sshll.u32 @!p1 s2, $0x2;
	p2 =	sgt.s32 @!p1 s2, $0xEF;
	s0 =	smul.u32 @!p1 $0x3C0, s0  }
0x3e: {  	s4 =	sand.u32 @!p1 $0x7, s19;
	s2 =	ssub.s32 @!p1 $0x3C0, s3;
	p2 =	por !p2, p1  }
0x3f: {  	s3 =	sshrl.u32 @!p1 s19, $0x3;
	s2 =	sshrl.u32 @!p1 s2, $0x2;
	s0 =	sshrl.u32 @!p1 s0, $0x2  }
0x40: {  	s3 =	sadd.s32 @!p1 s3, s14;
	s2 =	simm.s32 @!p2 $0x0;
	s0 =	sadd.s32 @!p1 $0x10248, s0  }
0x41: {  	[tilespmem:s0], [sflag:$0xA] =	stream.linear.gather @!p1 [hbm4b:s3+s4], s2, $0x38;
	[tilespmem:$0x1F6F8] =	vst v63  }
0x42: {  	s0 =	sadd.s32 $0xFFFFFFFF, s21  }
0x43: {  	p1 =	sge.u32 s0, s13  }
0x44: {  	p2 =	sgt.s32 @!p1 s20, $0x13790  }
0x45: {  	s2 =	smov.u32 s20;
	s3 =	sshra.s32 @!p1 s20, $0x1F;
	p2 =	por !p2, p1  }
0x46: {  	s3 =	sand.u32 @!p1 s3, s20;
	s2 =	simm.s32 @p2 $0x13790  }
0x47: {  	s2 =	ssub.s32 @!p1 s2, s3  }
0x48: {  	s2 =	sadd.s32 @!p1 $0xFFFEC870, s2  }
0x49: {  	s4 =	sand.u32 @!p1 $0x1, s0;
	s3 =	sshll.u32 @!p1 s2, $0x2  }
0x4a: {  	p2 =	sgt.s32 @!p1 s2, $0xEF;
	s2 =	ssub.s32 @!p1 $0x3C0, s3;
	s3 =	smulhi.u32 @!p1 $0xAAAAAAAB, s0  }
0x4b: {  	s23 =	smul.u32 @!p1 $0x3C0, s4;
	p2 =	por !p2, p1;
	s2 =	sshrl.u32 @!p1 s2, $0x2  }
0x4c: {  	s5 =	simm.s32 @!p1 $0xA;
	s2 =	simm.s32 @!p2 $0x0;
	s3 =	sshrl.u32 @!p1 s3, $0x1  }
0x4d: {  	s23 =	sshrl.u32 @!p1 s23, $0x2;
	_ =	swait.ge @!p1 [sflag:s5], s2;
	s3 =	smul.u32 @!p1 $0x3, s3  }
0x4e: {  	s23 =	sadd.s32 @!p1 $0x10518, s23;
	s24 =	ssub.s32 @!p1 $0x0, s2;
	[sflag:s5] =	ssyncset.done @!p1 $0x0  }
0x4f: {  	[sflag:s5] =	ssyncadd.s32 @!p1 s24;
	s5 =	sshrl.u32 @!p1 s20, $0x3;
	s0 =	ssub.s32 @!p1 s0, s3  }
0x50: {  	s24 =	sand.u32 @!p1 $0x7, s20;
	s5 =	sadd.s32 @!p1 s5, s15;
	s0 =	smul.u32 @!p1 $0x3C0, s0  }
0x51: {  	[tilespmem:s23], [sflag:$0xB] =	stream.linear.gather @!p1 [hbm4b:s5+s24], s2, $0x38;
	[tilespmem:$0x1F6F8] =	vst v63  }
0x52: {  	s3 =	ssub.s32 @!p1 $0x13880, s20;
	s2 =	smul.u32 @!p1 $0x1E000, s4  }
0x53: {  	p2 =	slt.s32 @!p1 s3, $0xF0  }
0x54: {  	p2 =	por !p2, p1;
	s0 =	sshrl.u32 @!p1 s0, $0x2;
	s2 =	sshrl.u32 @!p1 s2, $0x2  }
0x55: {  	s3 =	simm.s32 @p2 $0xF0;
	s0 =	sadd.s32 @!p1 $0x10248, s0;
	s2 =	sor.u32 @!p1 $0x106F8, s2  }
0x56: {  	[tilespmem:s2], [sflag:$0x9] =	stream.indirect.gather @!p1 [hbm4b:s6+s3], $0x80, s0, s3, $0xb8;
	[tilespmem:$0x1F6F8] =	vst v63  }
0x57: {  	p1 =	slt.u32 s21, $0x2  }
.Ltmp3:
0x58: {  	_ = 	snop;
	(pc) =	sbr.rel @p1 .LBB2_21-.Ltmp3, $1  }
0x59: {  	_ =	sdelay $0x3  }
0x5a: {  	p1 =	sgt.s32 s22, $0x13790  }
0x5b: {  	s0 =	smov.u32 s22;
	s2 =	sshra.s32 s22, $0x1F;
	s3 =	ssub.s32 $0x13880, s22  }
0x5c: {  	s0 =	simm.s32 @!p1 $0x13790;
	s2 =	sand.u32 s2, s22;
	p1 =	slt.s32 s3, $0xF0  }
0x5d: {  	s0 =	ssub.s32 s0, s2;
	s3 =	simm.s32 @!p1 $0xF0  }
0x5e: {  	s0 =	sadd.s32 $0xFFFEC870, s0;
	s25 =	sshll.u32 s3, $0x7  }
0x5f: {  	s26 =	sshll.u32 s0, $0x2;
	s2 =	sand.u32 $0x3FFFFF80, s25  }
0x60: {  	p1 =	sgt.s32 s0, $0xEF;
	s29 =	ssub.s32 $0x3C0, s26;
	_ =	swait.ge [sflag:s10], s2  }
0x61: {  	s2 =	ssub.s32 $0x0, s2;
	[sflag:s10] =	ssyncset.done $0x0;
	s0 =	sshrl.u32 s29, $0x2  }
0x62: {  	[sflag:s10] =	ssyncadd.s32 s2;
	s0 =	simm.s32 @p1 $0x0  }
0x63: {  	_ =	swait.ge [sflag:s11], s0  }
0x64: {  	s0 =	ssub.s32 $0x0, s0;
	[sflag:s11] =	ssyncset.done $0x0  }
0x65: {  	[sflag:s11] =	ssyncadd.s32 s0  }
0x66: {  	v1 =	vld [tilespmem:$0xF208];
	_ =	sdelay $0x4  }
0x67: {  	(v2sf) =	vpush v1, $0x0  }
0x68: {  	(v2sf) =	vpush v1, $0x1  }
0x69: {  	(v2sf) =	vpush v1, $0x2;
	_ =	sdelay $0x3  }
0x6a: {  	s0 =	sadd.s32 $0xF0, s22  }
0x6b: {  	s2 =	ssub.s32 $0x27100, s22;
	p1 =	slt.s32 s8, s0  }
0x6c: {  	s0 =	smov.u32 @p1 s8;
	p1 =	sgt.s32 s2, $0x0  }
0x6d: {  	s26 =	ssub.s32 s0, s22;
	s2 =	simm.s32 @!p1 $0x0  }
0x6e: {  	p1 =	slt.s32 s2, s26  }
0x6f: {  	s26 =	smov.u32 @p1 s2  }
0x70: {  	s25 =	simm.s32 $0x1;
	p1 =	slt.s32 s26, $0x1  }
.Ltmp4:
0x71: {  	s25 =	simm.s32 @!p0 $0x0;
	(pc) =	sbr.rel @p1 .LBB2_8-.Ltmp4, $4  }
0x72: {  	s31 =	smul.u32 $0x3C0, s25  }
0x73: {  	s28 =	spop (v2sf)  }
0x74: {  	s0 =	sshrl.u32 s31, $0x2;
	s30 =	spop (v2sf)  }
0x75: {  	s23 =	sadd.s32 $0x10518, s0;
	s22 =	spop (v2sf)  }
0x76: {  	s0 =	smin.u32 s26, $0x10  }
0x77: {  	v1 =	vmov s0  }
0x78: {  	p2 =	sgt.s32 s26, $0x10;
	vm1 =	vgt.u32 v1, v0  }
.Ltmp5:
0x79: {  	_ = 	snop;
	(pc) =	sbr.rel @!p2 .LBB2_7-.Ltmp5, $2  }
0x7a: {  	_ =	sdelay $0x2  }
0x7b: {  	s4 =	simm.s32 $0x10;
	s24 =	sadd.s32 $0xFFFFFFF0, s26;
	s0 =	smov.u32 s23;
	vm0 =	vmmov vm1  }
.LBB2_6:
0x7c: {  	s2 =	smin.u32 s24, $0x10;
	s4 =	sadd.s32 $0x10, s4;
	v1 =	vld.msk [tilespmem:s0+$0x0 ss:$0x1], vm1  }
0x7d: {  	v2 =	vmov s2;
	p2 =	slt.s32 s4, s26  }
0x7e: {  	vm1 =	vgt.u32 v2, v0  }
.Ltmp6:
0x7f: {  	(pc) =	sbr.rel @p2 .LBB2_6-.Ltmp6, $3  }
0x80: {  	_ =	sdelay $0x1  }
0x81: {  	v1 =	vshll.u32 v1, $0x4  }
0x82: {  	s24 =	sadd.s32 $0xFFFFFFF0, s24;
	[tilespmem:s0+$0x0] =	vst.msk vm0, v1;
	s0 =	sadd.s32 $0x10, s0;
	vm0 =	vmmov vm1  }
.LBB2_7:
0x83: {  	_ =	sdelay $0x4  }
0x84: {  	v1 =	vld.msk [tilespmem:s0+$0x0 ss:$0x1], vm1;
	_ =	sdelay $0x4  }
0x85: {  	v1 =	vshll.u32 v1, $0x4  }
0x86: {  	[tilespmem:s0+$0x0] =	vst.msk vm0, v1  }
.LBB2_8:
0x87: {  	s0 =	sand.u32 $0x1, s21  }
0x88: {  	s0 =	smul.u32 $0xF0, s0  }
0x89: {  	p2 =	sne.s32 s30, $0xFFFFFFFF  }
0x8a: {  	v1 =	vld.msk @!p2 [tilespmem:s0+$0x10518], $0x1;
	_ =	sdelay $0x4  }
0x8b: {  	(v2sf) =	vpush @!p2 v1, $0x0;
	_ =	sdelay $0xc  }
.Ltmp7:
0x8c: {  	_ = 	snop;
	(pc) =	sbr.rel @p1 .LBB2_19-.Ltmp7, $4  }
0x8d: {  	_ = 	snop  }
0x8e: {  	s29 =	spop @!p2 (v2sf)  }
0x8f: {  	s22 =	simm.s32 @!p2 $0x0;
	s24 =	smov.u32 s29  }
0x90: {  	[sflag:s18] =	ssyncpa.u1 $0x0;
	s29 =	smov.u32 @p2 s28;
	s24 =	smov.u32 @p2 s30  }
0x91: {  	v1 =	vld.msk [tilespmem:s23+$0x0], $0x1;
	_ =	sdelay $0x4  }
0x92: {  	(v2sf) =	vpush v1, $0x0;
	_ =	sdelay $0xe  }
0x93: {  	s2 =	smul.u32 $0x1E000, s25;
	s0 =	spop (v2sf)  }
0x94: {  	s26 =	ssub.s32 $0x0, s26;
	p1 =	seq.s32 s29, s0  }
0x95: {  	s30 =	sadd.s32 $0x1, s26;
	s2 =	sshrl.u32 s2, $0x2;
	p2 =	sgt.s32 @!p1 s29, $0x0  }
0x96: {  	s25 =	sor.u32 $0x10738, s2;
	s2 =	smov.u32 s29;
	p2 =	por !p2, p1  }
0x97: {  	s2 =	simm.s32 @p2 $0x0;
	p2 =	seq.s32 s30, $0x0  }
.Ltmp8:
0x98: {  	_ = 	snop;
	(pc) =	sbr.rel @p2 .LBB2_11-.Ltmp8, $4  }
0x99: {  	_ = 	snop  }
0x9a: {  	s28 =	simm.s32 $0x0;
	s31 =	sadd.s32 $0x1, s23;
	s2 =	smin.u32 @!p1 s2, $0x270F0  }
0x9b: {  	s4 =	simm.s32 @!p1 $0x1;
	s5 =	simm.s32 @!p1 $0x7988;
	s3 =	sand.u32 @!p1 $0x3FFF8, s2  }
0x9c: {  	s4 =	smov.u32 @p1 s28;
	s2 =	sand.u32 @!p1 $0x7, s2;
	s3 =	sadd.s32 @!p1 s1, s3  }
.LBB2_10:
0x9d: {  	s9 =	smov.u32 s4  }
0x9e: {  	[tilespmem:s5], [sflag:$0x2] =	stream.linear.gather @!p1 [hbm4b:s3+s2], $0x80, $0x38;
	[tilespmem:$0x1F6F8] =	vst v63  }
0x9f: {  	s30 =	sadd.s32 $0x1, s30;
	s2 =	smov.u32 s0;
	v1 =	vld.msk [tilespmem:s31+$0x0], $0x1  }
0xa0: {  	p2 =	seq.s32 s30, $0x0;
	_ =	sdelay $0x3  }
0xa1: {  	(v2sf) =	vpush v1, $0x0;
	_ =	sdelay $0xe  }
0xa2: {  	s0 =	spop (v2sf)  }
0xa3: {  	p1 =	seq.s32 s2, s0  }
0xa4: {  	p3 =	sgt.s32 @!p1 s2, $0x0;
	s3 =	sshll.u32 @!p1 s4, $0x9;
	s4 =	sadd.s32 @!p1 $0x1, s4  }
.Ltmp9:
0xa5: {  	p3 =	por !p3, p1;
	s3 =	sshra.s32 @!p1 s3, $0x2;
	(pc) =	sbr.rel @!p2 .LBB2_10-.Ltmp9, $4  }
0xa6: {  	s4 =	smov.u32 @p1 s9;
	s2 =	simm.s32 @p3 $0x0;
	s5 =	sadd.s32 @!p1 $0x7988, s3  }
0xa7: {  	s2 =	smin.u32 @!p1 s2, $0x270F0  }
0xa8: {  	s3 =	sand.u32 @!p1 $0x3FFF8, s2;
	s2 =	sand.u32 @!p1 $0x7, s2  }
0xa9: {  	s31 =	sadd.s32 $0x1, s31;
	s3 =	sadd.s32 @!p1 s1, s3  }
.LBB2_11:
0xaa: {  	[tilespmem:s5], [sflag:$0x2] =	stream.linear.gather @!p1 [hbm4b:s3+s2], $0x80, $0x38;
	[tilespmem:$0x1F6F8] =	vst v63  }
.Ltmp10:
0xab: {  	s0 =	sshll.u32 s4, $0x7;
	(pc) =	sbr.rel .LBB2_12-.Ltmp10, $4  }
0xac: {  	s30 =	simm.s32 $0x2;
	s0 =	sand.u32 $0x3FFFFF80, s0  }
0xad: {  	_ =	swait.ge [sflag:s30], s0  }
0xae: {  	s0 =	ssub.s32 $0x0, s0;
	[sflag:s30] =	ssyncset.done $0x0  }
0xaf: {  	s31 =	simm.s32 $0x0;
	[sflag:s30] =	ssyncadd.s32 s0  }
.LBB2_13:
0xb0: {  	v1 =	vld [tilespmem:s25+$0xFFFFFFC0];
	_ =	sdelay $0x3  }
0xb1: {  	s0 =	sshra.s32 s0, $0x2  }
0xb2: {  	[tilespmem:s0+$0x108] =	vst.add.f32.msk $0xffff, v1  }
0xb3: {  	v1 =	vld [tilespmem:s25+$0xFFFFFFD0];
	_ =	sdelay $0x4  }
0xb4: {  	[tilespmem:s0+$0x118] =	vst.add.f32.msk $0xffff, v1  }
0xb5: {  	v1 =	vld [tilespmem:s25+$0xFFFFFFE0];
	_ =	sdelay $0x4  }
0xb6: {  	[tilespmem:s0+$0x128] =	vst.add.f32.msk $0xffff, v1  }
0xb7: {  	v1 =	vld [tilespmem:s25+$0xFFFFFFF0];
	_ =	sdelay $0x4  }
0xb8: {  	[tilespmem:s0+$0x138] =	vst.add.f32.msk $0xffff, v1  }
0xb9: {  	v1 =	vld [tilespmem:s25+$0x0];
	_ =	sdelay $0x4  }
0xba: {  	[tilespmem:s0+$0x148] =	vst.add.f32.msk $0xffff, v1  }
0xbb: {  	v1 =	vld [tilespmem:s25+$0x10];
	_ =	sdelay $0x4  }
0xbc: {  	[tilespmem:s0+$0x158] =	vst.add.f32.msk $0xffff, v1  }
0xbd: {  	v1 =	vld [tilespmem:s25+$0x20];
	_ =	sdelay $0x4  }
0xbe: {  	[tilespmem:s0+$0x168] =	vst.add.f32.msk $0xffff, v1  }
0xbf: {  	v1 =	vld [tilespmem:s25+$0x30];
	_ =	sdelay $0x4  }
0xc0: {  	[tilespmem:s0+$0x178] =	vst.add.f32.msk $0xffff, v1  }
.LBB2_17:
0xc1: {  	s26 =	sadd.s32 $0x1, s26  }
0xc2: {  	p1 =	seq.s32 s26, $0x0  }
.Ltmp11:
0xc3: {  	_ = 	snop;
	(pc) =	sbr.rel @p1 .LBB2_18-.Ltmp11, $2  }
0xc4: {  	_ =	sdelay $0x2  }
0xc5: {  	s23 =	sadd.s32 $0x1, s23;
	s25 =	sadd.s32 $0x80, s25;
	s29 =	smov.u32 s30  }
.LBB2_12:
0xc6: {  	v1 =	vld.msk [tilespmem:s23+$0x0], $0x1;
	_ =	sdelay $0x4  }
0xc7: {  	(v2sf) =	vpush v1, $0x0;
	_ =	sdelay $0xe  }
0xc8: {  	s30 =	spop (v2sf)  }
0xc9: {  	p1 =	sne.s32 s29, s30  }
.Ltmp12:
0xca: {  	_ = 	snop;
	(pc) =	sbr.rel @!p1 .LBB2_13-.Ltmp12, $2  }
0xcb: {  	_ =	sdelay $0x2  }
0xcc: {  	s0 =	sshll.u32 s22, $0x9  }
0xcd: {  	p1 =	seq.s32 s29, s24  }
.Ltmp13:
0xce: {  	_ = 	snop;
	(pc) =	sbr.rel @!p1 .LBB2_15-.Ltmp13, $1  }
0xcf: {  	_ =	sdelay $0x3  }
0xd0: {  	s0 =	sshra.s32 s0, $0x2  }
.Ltmp14:
0xd1: {  	s0 =	sadd.s32 $0x108, s0;
	(pc) =	sbr.rel .LBB2_16-.Ltmp14, $4  }
0xd2: {  	[spmem:s16] =	stream.linear.scatter [tilespmem:s0], [sflag:$0x1], $0x80, $0x38;
	[tilespmem:$0x1F6F8] =	vst v63  }
0xd3: {  	_ =	swait.ge [sflag:s12], $0x80  }
0xd4: {  	[sflag:s12] =	ssyncset.done $0x0  }
0xd5: {  	[sflag:s12] =	ssyncadd.s32 $0xFFFFFF80  }
.LBB2_15:
0xd6: {  	s2 =	sshll.u32 s28, $0x9  }
0xd7: {  	s2 =	sshra.s32 s2, $0x2  }
0xd8: {  	v1 =	vld [tilespmem:s2+$0x7988];
	_ =	sdelay $0x3  }
0xd9: {  	s0 =	sshra.s32 s0, $0x2  }
0xda: {  	[tilespmem:s0+$0x108] =	vst.add.f32.msk $0xffff, v1  }
0xdb: {  	v1 =	vld [tilespmem:s2+$0x7998];
	_ =	sdelay $0x4  }
0xdc: {  	[tilespmem:s0+$0x118] =	vst.add.f32.msk $0xffff, v1  }
0xdd: {  	v1 =	vld [tilespmem:s2+$0x79A8];
	_ =	sdelay $0x4  }
0xde: {  	[tilespmem:s0+$0x128] =	vst.add.f32.msk $0xffff, v1  }
0xdf: {  	v1 =	vld [tilespmem:s2+$0x79B8];
	_ =	sdelay $0x4  }
0xe0: {  	[tilespmem:s0+$0x138] =	vst.add.f32.msk $0xffff, v1  }
0xe1: {  	v1 =	vld [tilespmem:s2+$0x79C8];
	_ =	sdelay $0x4  }
0xe2: {  	[tilespmem:s0+$0x148] =	vst.add.f32.msk $0xffff, v1  }
0xe3: {  	v1 =	vld [tilespmem:s2+$0x79D8];
	_ =	sdelay $0x4  }
0xe4: {  	[tilespmem:s0+$0x158] =	vst.add.f32.msk $0xffff, v1  }
0xe5: {  	v1 =	vld [tilespmem:s2+$0x79E8];
	_ =	sdelay $0x4  }
0xe6: {  	[tilespmem:s0+$0x168] =	vst.add.f32.msk $0xffff, v1  }
0xe7: {  	v1 =	vld [tilespmem:s2+$0x79F8];
	_ =	sdelay $0x2  }
0xe8: {  	p1 =	sgt.u32 s29, $0x270F0  }
0xe9: {  	s2 =	sand.u32 @!p1 $0x3FFF8, s29  }
0xea: {  	s3 =	sadd.s32 $0x108, s0;
	[tilespmem:s0+$0x178] =	vst.add.f32.msk $0xffff, v1;
	s0 =	sadd.s32 @!p1 s1, s2;
	s2 =	sand.u32 @!p1 $0x7, s29  }
0xeb: {  	[hbm4b:s0+s2] =	stream.linear.scatter @!p1 [tilespmem:s3], [sflag:$0xC], $0x80, $0x38;
	[tilespmem:$0x1F6F8] =	vst v63  }
0xec: {  	s0 =	simm.s32 $0x0  }
0xed: {  	s0 =	simm.s32 @!p1 $0x200  }
0xee: {  	s31 =	sadd.s32 s0, s31  }
.LBB2_16:
0xef: {  	s0 =	sadd.s32 $0x1, s22  }
0xf0: {  	s2 =	smulhi.u32 $0x88888889, s0;
	_ =	sdelay $0x1  }
0xf1: {  	v1 =	vld [tilespmem:s25+$0xFFFFFFC0];
	s2 =	sshrl.u32 s2, $0x7  }
0xf2: {  	s2 =	smul.u32 $0xF0, s2;
	_ =	sdelay $0x1  }
0xf3: {  	s22 =	ssub.s32 s0, s2  }
0xf4: {  	s0 =	sshll.u32 s22, $0x7  }
0xf5: {  	[tilespmem:s0+$0x108] =	vst v1  }
0xf6: {  	v1 =	vld [tilespmem:s25+$0xFFFFFFD0];
	_ =	sdelay $0x4  }
0xf7: {  	[tilespmem:s0+$0x118] =	vst v1  }
0xf8: {  	v1 =	vld [tilespmem:s25+$0xFFFFFFE0];
	_ =	sdelay $0x4  }
0xf9: {  	[tilespmem:s0+$0x128] =	vst v1  }
0xfa: {  	v1 =	vld [tilespmem:s25+$0xFFFFFFF0];
	_ =	sdelay $0x4  }
0xfb: {  	[tilespmem:s0+$0x138] =	vst v1  }
0xfc: {  	v1 =	vld [tilespmem:s25+$0x0];
	_ =	sdelay $0x4  }
0xfd: {  	[tilespmem:s0+$0x148] =	vst v1  }
0xfe: {  	v1 =	vld [tilespmem:s25+$0x10];
	_ =	sdelay $0x4  }
0xff: {  	[tilespmem:s0+$0x158] =	vst v1  }
0x100: {  	v1 =	vld [tilespmem:s25+$0x20];
	_ =	sdelay $0x4  }
0x101: {  	[tilespmem:s0+$0x168] =	vst v1  }
0x102: {  	v1 =	vld [tilespmem:s25+$0x30]  }
.Ltmp15:
0x103: {  	_ = 	snop;
	(pc) =	sbr.rel .LBB2_17-.Ltmp15, $2  }
0x104: {  	_ =	sdelay $0x2  }
0x105: {  	s28 =	sadd.s32 $0x1, s28;
	[tilespmem:s0+$0x178] =	vst v1  }
.LBB2_19:
.Ltmp16:
0x106: {  	(pc) =	sbr.rel .LBB2_20-.Ltmp16, $4  }
0x107: {  	_ = 	snop  }
0x108: {  	s0 =	simm.s32 $0x2  }
0x109: {  	_ =	swait.ge [sflag:s0], $0x0  }
0x10a: {  	s30 =	smov.u32 s29;
	[sflag:s0] =	ssyncset.done $0x0;
	s0 =	simm.s32 $0x0  }
.LBB2_22:
0x10b: {  	_ =	sfence.sel $0x180000  }
0x10c: {  	s0 =	simm.s32 $0x9;
	[bflag:$0x0] =	sbarrier.arrive $0xFFFF  }
0x10d: {  	s24 =	simm.s32 $0xA;
	[sflag:s0] =	ssyncpa.u1 $0x1  }
0x10e: {  	s25 =	simm.s32 $0xB;
	[sflag:s24] =	ssyncpa.u1 $0x1  }
0x10f: {  	s26 =	simm.s32 $0x2;
	[sflag:s25] =	ssyncpa.u1 $0x1  }
0x110: {  	[sflag:s26] =	ssyncpa.u1 $0x1  }
0x111: {  	v0 =	vld [tilespmem:$0xF208];
	_ =	sdelay $0x4  }
0x112: {  	(v2sf) =	vpush v0, $0x0  }
0x113: {  	(v2sf) =	vpush v0, $0x1;
	_ =	sdelay $0x1  }
0x114: {  	(v2sf) =	vpush v0, $0x2;
	_ =	sdelay $0xb  }
0x115: {  	s0 =	spop (v2sf)  }
0x116: {  	s2 =	spop (v2sf)  }
0x117: {  	s3 =	smov.u32 s0;
	p0 =	sne.s32 s0, s2  }
0x118: {  	s4 =	spop (v2sf);
	s3 =	simm.s32 @!p0 $0xFFFFFFFF  }
0x119: {  	v2 =	vimm.s32 $0x1;
	v3 =	vlaneseq.u32;
	p0 =	seq.s32 s4, $0xFFFFFFFF;
	v1 =	vmov s3  }
0x11a: {  	s16 =	stileid.u32;
	v0 =	vperm.xlane v0, v2;
	p1 =	sne.s32 @!p0 s0, s2;
	v1 =	vperm.xlane v1, v3  }
0x11b: {  	vm0 =	vcmask $0x3F04;
	s6 =	simm.s32 $0xF208;
	s0 =	simm.s32 @!p0 $0x1;
	p1 =	por !p1, p0  }
0x11c: {  	s3 =	sshll.u32 s16, $0x1;
	s2 =	sshll.u32 @!p0 s4, $0x9;
	s0 =	simm.s32 @p1 $0x0;
	v0 =	vsel vm0, v1, v0  }
0x11d: {  	s5 =	sor.u32 $0x1000, s3;
	s2 =	sshra.s32 @!p0 s2, $0x2;
	s0 =	sor.u32 @!p0 s0, s3;
	[tilespmem:$0xF208] =	vst v0  }
0x11e: {  	[spmem:s5] =	stream.linear.scatter [tilespmem:s6], [sflag:$0x1], $0x2, $0x38;
	[tilespmem:$0x1F6F8] =	vst v63  }
0x11f: {  	s2 =	sadd.s32 @!p0 $0x108, s2;
	s0 =	sshll.u32 @!p0 s0, $0x7  }
0x120: {  	[spmem:s0] =	stream.linear.scatter @!p0 [tilespmem:s2], [sflag:$0x1], $0x80, $0x38;
	[tilespmem:$0x1F6F8] =	vst v63  }
0x121: {  	s0 =	simm.s32 @!p0 $0x82  }
0x122: {  	s28 =	simm.s32 $0x1;
	s0 =	simm.s32 @p0 $0x2  }
0x123: {  	_ =	swait.ge [sflag:s28], s0  }
0x124: {  	s0 =	ssub.s32 $0x0, s0;
	[sflag:s28] =	ssyncset.done $0x0  }
0x125: {  	p0 =	sne.s32 s16, $0x0;
	[sflag:s28] =	ssyncadd.s32 s0  }
.Ltmp17:
0x126: {  	_ =	sfence.stream.spmem;
	(pc) =	sbr.rel @p0 .LBB2_39-.Ltmp17, $4  }
0x127: {  	s29 =	simm.s32 $0x3;
	[bflag:$0x0] =	sbarrier.arrive $0xFFFF  }
0x128: {  	s30 =	simm.s32 $0x4;
	[sflag:s29] =	ssyncpa.u1 $0x1  }
0x129: {  	s31 =	simm.s32 $0x3C;
	[sflag:s30] =	ssyncpa.u1 $0x1  }
0x12a: {  	s15 =	rddreg [dreg:$0x6];
	[sflag:s31] =	ssyncpa.u1 $0x1  }
0x12b: {  	_ =	sfence.stream.spmem;
	s0 =	simm.s32 $0x5  }
0x12c: {  	s2 =	simm.s32 $0x1000;
	s3 =	simm.s32 $0xF218;
	[sflag:s0] =	ssyncpa.u1 $0x0  }
0x12d: {  	[tilespmem:s3], [sflag:$0x5] =	stream.linear.gather [spmem:s2], $0x20, $0x38;
	[tilespmem:$0x1F6F8] =	vst v63  }
0x12e: {  	s26 =	simm.s32 $0x0;
	s28 =	simm.s32 $0xF238  }
0x12f: {  	[tilespmem:s28], [sflag:$0x5] =	stream.linear.gather [spmem:s26], $0x1000, $0x38;
	[tilespmem:$0x1F6F8] =	vst v63  }
0x130: {  	_ =	swait.ge [sflag:s0], $0x1020  }
0x131: {  	[sflag:s0] =	ssyncset.done $0x0  }
0x132: {  	s29 =	simm.s32 $0x0;
	[sflag:s0] =	ssyncadd.s32 $0xFFFFEFE0  }
0x133: {  	v0 =	vld.msk [tilespmem:s29+$0xF218], $0x1;
	_ =	sdelay $0x1  }
0x134: {  	s30 =	simm.s32 $0x1  }
0x135: {  	v1 =	vld.msk [tilespmem:s30+$0xF218], $0x1;
	_ =	sdelay $0x1  }
0x136: {  	(v2sf) =	vpush v0, $0x0;
	_ =	sdelay $0x2  }
0x137: {  	(v2sf) =	vpush v1, $0x0;
	_ =	sdelay $0x2  }
0x138: {  	s31 =	simm.s32 $0x2  }
0x139: {  	v0 =	vld.msk [tilespmem:s31+$0xF218], $0x1;
	_ =	sdelay $0x2  }
0x13a: {  	s4 =	simm.s32 $0xFFFFFFFF;
	s5 =	simm.s32 $0xFFFFFFFF;
	s0 =	simm.s32 $0xC  }
.LBB2_24:
0x13b: {  	s2 =	smov.u32 s5;
	s3 =	smov.u32 s4  }
0x13c: {  	s4 =	sshra.s32 s0, $0x2;
	p1 =	sne.s32 s0, $0x7C;
	s0 =	sadd.s32 $0x4, s0;
	(v2sf) =	vpush v0, $0x0  }
0x13d: {  	v0 =	vld.msk [tilespmem:s4+$0xF218], $0x1  }
.Ltmp18:
0x13e: {  	(pc) =	sbr.rel @p1 .LBB2_24-.Ltmp18, $4  }
0x13f: {  	s5 =	spop (v2sf)  }
0x140: {  	p2 =	sne.s32 s3, $0xFFFFFFFF;
	s4 =	smov.u32 s5  }
0x141: {  	p3 =	seq.s32 s5, $0xFFFFFFFF;
	s4 =	smov.u32 @p2 s3  }
0x142: {  	s5 =	smov.u32 @p3 s2;
	s4 =	smov.u32 @p3 s3  }
0x143: {  	(v2sf) =	vpush v0, $0x0;
	_ =	sdelay $0x8  }
0x144: {  	s0 =	spop (v2sf)  }
0x145: {  	p1 =	sne.s32 s4, $0xFFFFFFFF;
	s2 =	smov.u32 s0  }
0x146: {  	s9 =	simm.s32 $0x6;
	p2 =	seq.s32 s0, $0xFFFFFFFF;
	s2 =	smov.u32 @p1 s4  }
0x147: {  	s6 =	simm.s32 $0x0;
	s2 =	smov.u32 @p2 s4;
	s3 =	spop (v2sf)  }
0x148: {  	s0 =	smov.u32 @p2 s5;
	p1 =	sne.s32 s2, $0xFFFFFFFF;
	s4 =	smov.u32 s3  }
.Ltmp19:
0x149: {  	p2 =	seq.s32 s3, $0xFFFFFFFF;
	s4 =	smov.u32 @p1 s2;
	(pc) =	sbr.rel .LBB2_26-.Ltmp19, $4  }
0x14a: {  	s10 =	simm.s32 $0xF188;
	s4 =	smov.u32 @p2 s2;
	s7 =	spop (v2sf)  }
0x14b: {  	s11 =	simm.s32 $0x0;
	p1 =	sne.s32 s4, $0xFFFFFFFF;
	s8 =	smov.u32 s7  }
0x14c: {  	s3 =	smov.u32 @p2 s0;
	p2 =	seq.s32 s7, $0xFFFFFFFF;
	s8 =	smov.u32 @p1 s4  }
0x14d: {  	[sflag:s9] =	ssyncpa.u1 $0x0;
	s7 =	smov.u32 @p2 s3;
	s8 =	smov.u32 @p2 s4  }
.LBB2_32:
0x14e: {  	p1 =	sgt.u32 s12, $0x270F0  }
0x14f: {  	p2 =	seq.s32 @!p1 s12, s8  }
0x150: {  	p1 =	por p1, p2  }
0x151: {  	p2 =	sne.s32 @!p1 s12, s7  }
0x152: {  	p1 =	por p1, !p2  }
0x153: {  	s0 =	sshll.u32 @p1 s11, $0x9  }
0x154: {  	s0 =	sand.u32 @!p1 $0x3FFF8, s12  }
0x155: {  	s2 =	sand.u32 @!p1 $0x7, s12;
	s0 =	sadd.s32 @!p1 s1, s0  }
0x156: {  	[tilespmem:s10], [sflag:$0x6] =	stream.linear.gather @!p1 [hbm4b:s0+s2], $0x80, $0x38;
	[tilespmem:$0x1F6F8] =	vst v63  }
0x157: {  	_ =	swait.ge @!p1 [sflag:s9], $0x80  }
0x158: {  	[sflag:s9] =	ssyncset.done @!p1 $0x0  }
0x159: {  	[sflag:s9] =	ssyncadd.s32 @!p1 $0xFFFFFF80  }
0x15a: {  	v1 =	vld @!p1 [tilespmem:$0xF188];
	_ =	sdelay $0x2  }
0x15b: {  	s0 =	sshll.u32 @!p1 s11, $0x9  }
0x15c: {  	s2 =	sshrl.u32 @!p1 s0, $0x2  }
0x15d: {  	[tilespmem:s2+$0xF238] =	vst.add.f32.msk @!p1 $0xffff, v1  }
0x15e: {  	v1 =	vld @!p1 [tilespmem:$0xF198];
	_ =	sdelay $0x4  }
0x15f: {  	[tilespmem:s2+$0xF248] =	vst.add.f32.msk @!p1 $0xffff, v1  }
0x160: {  	v1 =	vld @!p1 [tilespmem:$0xF1A8];
	_ =	sdelay $0x4  }
0x161: {  	[tilespmem:s2+$0xF258] =	vst.add.f32.msk @!p1 $0xffff, v1  }
0x162: {  	v1 =	vld @!p1 [tilespmem:$0xF1B8];
	_ =	sdelay $0x4  }
0x163: {  	[tilespmem:s2+$0xF268] =	vst.add.f32.msk @!p1 $0xffff, v1  }
0x164: {  	v1 =	vld @!p1 [tilespmem:$0xF1C8];
	_ =	sdelay $0x4  }
0x165: {  	[tilespmem:s2+$0xF278] =	vst.add.f32.msk @!p1 $0xffff, v1  }
0x166: {  	v1 =	vld @!p1 [tilespmem:$0xF1D8];
	_ =	sdelay $0x4  }
0x167: {  	[tilespmem:s2+$0xF288] =	vst.add.f32.msk @!p1 $0xffff, v1  }
0x168: {  	v1 =	vld @!p1 [tilespmem:$0xF1E8];
	_ =	sdelay $0x4  }
0x169: {  	[tilespmem:s2+$0xF298] =	vst.add.f32.msk @!p1 $0xffff, v1  }
0x16a: {  	v1 =	vld @!p1 [tilespmem:$0xF1F8];
	_ =	sdelay $0x4  }
0x16b: {  	[tilespmem:s2+$0xF2A8] =	vst.add.f32.msk @!p1 $0xffff, v1  }
0x16c: {  	s0 =	sshrl.u32 s0, $0x2;
	[tilespmem:s6+$0xF218] =	vst.msk $0x1, v0  }
0x16d: {  	v0 =	vld [tilespmem:s0+$0xF238];
	_ =	sdelay $0x2  }
0x16e: {  	s31 =	sshll.u32 s6, $0x9  }
0x16f: {  	s2 =	sshra.s32 s31, $0x2  }
0x170: {  	[tilespmem:s2+$0xF238] =	vst v0  }
0x171: {  	v0 =	vld [tilespmem:s0+$0xF248];
	_ =	sdelay $0x4  }
0x172: {  	[tilespmem:s2+$0xF248] =	vst v0  }
0x173: {  	v0 =	vld [tilespmem:s0+$0xF258];
	_ =	sdelay $0x4  }
0x174: {  	[tilespmem:s2+$0xF258] =	vst v0  }
0x175: {  	v0 =	vld [tilespmem:s0+$0xF268];
	_ =	sdelay $0x4  }
0x176: {  	[tilespmem:s2+$0xF268] =	vst v0  }
0x177: {  	v0 =	vld [tilespmem:s0+$0xF278];
	_ =	sdelay $0x4  }
0x178: {  	[tilespmem:s2+$0xF278] =	vst v0  }
0x179: {  	v0 =	vld [tilespmem:s0+$0xF288];
	_ =	sdelay $0x4  }
0x17a: {  	[tilespmem:s2+$0xF288] =	vst v0  }
0x17b: {  	v0 =	vld [tilespmem:s0+$0xF298];
	_ =	sdelay $0x4  }
0x17c: {  	[tilespmem:s2+$0xF298] =	vst v0  }
0x17d: {  	v0 =	vld [tilespmem:s0+$0xF2A8];
	_ =	sdelay $0x4  }
0x17e: {  	s6 =	sadd.s32 $0x1, s6;
	[tilespmem:s2+$0xF2A8] =	vst v0  }
.LBB2_33:
0x17f: {  	s11 =	sadd.s32 $0x1, s11  }
0x180: {  	p1 =	sne.s32 s11, $0x20  }
.Ltmp20:
0x181: {  	_ = 	snop;
	(pc) =	sbr.rel @!p1 .LBB2_34-.Ltmp20, $1  }
0x182: {  	_ =	sdelay $0x3  }
.LBB2_26:
0x183: {  	v0 =	vld.msk [tilespmem:s11+$0xF218], $0x1;
	_ =	sdelay $0x4  }
0x184: {  	(v2sf) =	vpush v0, $0x0;
	_ =	sdelay $0xe  }
0x185: {  	s12 =	spop (v2sf)  }
0x186: {  	p1 =	seq.s32 s12, $0xFFFFFFFF  }
.Ltmp21:
0x187: {  	_ = 	snop;
	(pc) =	sbr.rel @p1 .LBB2_33-.Ltmp21, $1  }
0x188: {  	_ =	sdelay $0x3  }
0x189: {  	p1 =	slt.s32 s6, $0x1  }
.Ltmp22:
0x18a: {  	_ = 	snop;
	(pc) =	sbr.rel @p1 .LBB2_32-.Ltmp22, $1  }
0x18b: {  	_ =	sdelay $0x3  }
0x18c: {  	s13 =	simm.s32 $0xF218;
	p1 =	por $0x0, $0x0  }
0x18d: {  	v1 =	vld.msk @!p1 [tilespmem:s13+$0x0], $0x1;
	_ =	sdelay $0x4  }
0x18e: {  	(v2sf) =	vpush @!p1 v1, $0x0;
	_ =	sdelay $0xd  }
0x18f: {  	p3 =	sne.s32 s6, $0x1  }
.Ltmp23:
0x190: {  	s0 =	spop @!p1 (v2sf);
	(pc) =	sbr.rel @!p3 .LBB2_30-.Ltmp23, $4  }
0x191: {  	p2 =	seq.s32 @!p1 s12, s0  }
0x192: {  	s14 =	simm.s32 $0x0;
	p2 =	por !p2, p1  }
0x193: {  	s2 =	simm.s32 $0xFFFFFFFF;
	s14 =	simm.s32 @p2 $0xFFFFFFFF  }
0x194: {  	s0 =	simm.s32 $0x1;
	s14 =	smov.u32 @p1 s2  }
.LBB2_29:
0x195: {  	s2 =	smov.u32 s14;
	p1 =	sne.s32 s14, $0xFFFFFFFF  }
0x196: {  	s13 =	sadd.s32 $0x1, s13;
	s14 =	smov.u32 s0;
	s0 =	sadd.s32 $0x1, s0  }
0x197: {  	p2 =	sne.s32 s6, s0;
	v1 =	vld.msk @!p1 [tilespmem:s13+$0x0], $0x1;
	_ =	sdelay $0x4  }
0x198: {  	(v2sf) =	vpush @!p1 v1, $0x0;
	_ =	sdelay $0xe  }
.Ltmp24:
0x199: {  	s3 =	spop @!p1 (v2sf);
	(pc) =	sbr.rel @p2 .LBB2_29-.Ltmp24, $4  }
0x19a: {  	p3 =	seq.s32 @!p1 s12, s3  }
0x19b: {  	p3 =	por !p3, p1  }
0x19c: {  	s14 =	simm.s32 @p3 $0xFFFFFFFF  }
0x19d: {  	s14 =	smov.u32 @p1 s2  }
.LBB2_30:
0x19e: {  	p1 =	seq.s32 s14, $0xFFFFFFFF  }
.Ltmp25:
0x19f: {  	_ = 	snop;
	(pc) =	sbr.rel @p1 .LBB2_32-.Ltmp25, $1  }
0x1a0: {  	_ =	sdelay $0x3  }
0x1a1: {  	s0 =	sshll.u32 s11, $0x7  }
0x1a2: {  	s0 =	sand.u32 $0x3FFFFF80, s0  }
0x1a3: {  	v0 =	vld [tilespmem:s0+$0xF238];
	_ =	sdelay $0x2  }
0x1a4: {  	s2 =	sshll.u32 s14, $0x9  }
0x1a5: {  	s2 =	sshra.s32 s2, $0x2  }
0x1a6: {  	[tilespmem:s2+$0xF238] =	vst.add.f32.msk $0xffff, v0  }
0x1a7: {  	v0 =	vld [tilespmem:s0+$0xF248];
	_ =	sdelay $0x4  }
0x1a8: {  	[tilespmem:s2+$0xF248] =	vst.add.f32.msk $0xffff, v0  }
0x1a9: {  	v0 =	vld [tilespmem:s0+$0xF258];
	_ =	sdelay $0x4  }
0x1aa: {  	[tilespmem:s2+$0xF258] =	vst.add.f32.msk $0xffff, v0  }
0x1ab: {  	v0 =	vld [tilespmem:s0+$0xF268];
	_ =	sdelay $0x4  }
0x1ac: {  	[tilespmem:s2+$0xF268] =	vst.add.f32.msk $0xffff, v0  }
0x1ad: {  	v0 =	vld [tilespmem:s0+$0xF278];
	_ =	sdelay $0x4  }
0x1ae: {  	[tilespmem:s2+$0xF278] =	vst.add.f32.msk $0xffff, v0  }
0x1af: {  	v0 =	vld [tilespmem:s0+$0xF288];
	_ =	sdelay $0x4  }
0x1b0: {  	[tilespmem:s2+$0xF288] =	vst.add.f32.msk $0xffff, v0  }
0x1b1: {  	v0 =	vld [tilespmem:s0+$0xF298];
	_ =	sdelay $0x4  }
0x1b2: {  	[tilespmem:s2+$0xF298] =	vst.add.f32.msk $0xffff, v0  }
0x1b3: {  	v0 =	vld [tilespmem:s0+$0xF2A8]  }
.Ltmp26:
0x1b4: {  	_ = 	snop;
	(pc) =	sbr.rel .LBB2_33-.Ltmp26, $2  }
0x1b5: {  	_ =	sdelay $0x2  }
0x1b6: {  	[tilespmem:s2+$0xF2A8] =	vst.add.f32.msk $0xffff, v0  }
.LBB2_34:
0x1b7: {  	s0 =	simm.s32 $0x6;
	p1 =	seq.s32 s6, $0x0  }
0x1b8: {  	[sflag:s0] =	ssyncpa.u1 $0x1;
	v0 =	vimm.s32 @p1 $0xFFFFFFFF  }
0x1b9: {  	s9 =	sadd.s32 $0xFFFFFFFF, s6;
	[tilespmem:$0x10238] =	vst @p1 v0  }
0x1ba: {  	v0 =	vld.msk @!p1 [tilespmem:s9+$0xF218], $0x1;
	_ =	sdelay $0x1  }
0x1bb: {  	v1 =	vld.msk @!p1 [tilespmem:$0xF218], $0x1;
	_ =	sdelay $0x2  }
0x1bc: {  	p2 =	seq.s32 @!p1 s9, $0x0;
	v0 =	vbroadcast @!p1 v0, $0x0  }
0x1bd: {  	vm0 =	vmmov @!p1 $0x1;
	p2 =	por !p2, p1  }
0x1be: {  	v1 =	vnsel @!p1 vm0, $0xFFFFFFFF, v1;
	vm0 =	vcmask @!p1 $0x308;
	v0 =	vpsel !p2, $0xFFFFFFFF, v0  }
0x1bf: {  	p2 =	sne.s32 @!p1 s8, s7;
	v0 =	vsel @!p1 vm0, v1, v0  }
0x1c0: {  	s0 =	simm.s32 @!p1 $0xF238;
	s2 =	simm.s32 @!p1 $0x0;
	p3 =	por !p2, p1;
	[tilespmem:$0x10238] =	vst @!p1 v0  }
0x1c1: {  	[spmem:s2] =	stream.linear.scatter @!p1 [tilespmem:s0], [sflag:$0x1], $0x80, $0x38;
	[tilespmem:$0x1F6F8] =	vst v63  }
0x1c2: {  	s0 =	sshll.u32 @!p3 s9, $0x9  }
0x1c3: {  	s0 =	sshra.s32 @!p3 s0, $0x2  }
0x1c4: {  	s2 =	simm.s32 @!p3 $0x80;
	s0 =	sadd.s32 @!p3 $0xF238, s0  }
0x1c5: {  	[spmem:s2] =	stream.linear.scatter @!p3 [tilespmem:s0], [sflag:$0x1], $0x80, $0x38;
	[tilespmem:$0x1F6F8] =	vst v63  }
0x1c6: {  	s0 =	simm.s32 @!p3 $0x1  }
0x1c7: {  	_ =	swait.ge @!p3 [sflag:s0], $0x100  }
0x1c8: {  	p1 =	por p2, p1;
	[sflag:s0] =	ssyncset.done @!p3 $0x0  }
0x1c9: {  	[sflag:s0] =	ssyncadd.s32 @!p3 $0xFFFFFF00;
	s0 =	simm.s32 @!p1 $0x1  }
0x1ca: {  	_ =	swait.ge @!p1 [sflag:s0], $0x80  }
0x1cb: {  	s29 =	simm.s32 $0x10238;
	[sflag:s0] =	ssyncset.done @!p1 $0x0  }
0x1cc: {  	s30 =	simm.s32 $0x1000;
	s31 =	simm.s32 $0x1;
	[sflag:s0] =	ssyncadd.s32 @!p1 $0xFFFFFF80  }
0x1cd: {  	[spmem:s30] =	stream.linear.scatter [tilespmem:s29], [sflag:$0x1], $0x10, $0x38;
	[tilespmem:$0x1F6F8] =	vst v63  }
0x1ce: {  	_ =	swait.ge [sflag:s31], $0x10  }
0x1cf: {  	[sflag:s31] =	ssyncset.done $0x0  }
0x1d0: {  	p1 =	seq.s32 s15, $0x0;
	s8 =	rddreg [dreg:$0x3];
	[sflag:s31] =	ssyncadd.s32 $0xFFFFFFF0  }
0x1d1: {  	s2 =	sshll.u32 @p1 s8, $0xE;
	s7 =	rddreg [dreg:$0x4]  }
0x1d2: {  	s0 =	sadd.s32 @p1 $0x15C3C, s2;
	s2 =	sshll.u32 @p1 s7, $0x11  }
0x1d3: {  	_ =	sfence.stream.spmem;
	s0 =	sor.u32 @p1 s2, s0  }
0x1d4: {  	[sflag:s0] =	ssyncadd.remote.s32 @p1 $0x1;
	s0 =	simm.s32 @p1 $0x4  }
0x1d5: {  	s3 =	simm.s32 @!p1 $0x3C;
	s2 =	sand.u32 $0xFFFFFFFE, s8;
	_ =	swait.ge @p1 [sflag:s0], $0x22  }
0x1d6: {  	s4 =	simm.s32 @!p1 $0x0;
	s2 =	sadd.s32 @!p1 $0x4, s2;
	[sflag:s0] =	ssyncset.done @p1 $0x0  }
0x1d7: {  	s5 =	simm.s32 @!p1 $0x100;
	[sflag:s0] =	ssyncadd.s32 @p1 $0xFFFFFFDE;
	s0 =	sshll.u32 @!p1 s2, $0x1A  }
0x1d8: {  	s2 =	sshll.u32 @!p1 s2, $0xD;
	s0 =	sor.u32 @!p1 s0, s7;
	_ =	swait.eq @!p1 [sflag:s3], $0x1  }
0x1d9: {  	s2 =	sor.u32 @!p1 $0x1C04, s2;
	s3 =	simm.s32 @!p1 $0x1C03;
	s0 =	sor.u32 @!p1 $0x80004000, s0  }
0x1da: {  	[spmem:s5], [sflag:s2] =	dma.general @!p1 [spmem:s4], [sflag:s3], length:$0x20, [dreg:$0x0], stride_count:$0x0, ici_dest:s0, dma_misc:DstOpCode:WRITE  }
0x1db: {  	p2 =	slt.s32 s9, $0x2;
	s4 =	simm.s32 @!p1 $0x200;
	s5 =	simm.s32 @!p1 $0x202  }
0x1dc: {  	[spmem:s5], [sflag:s2] =	dma.general @!p1 [spmem:s4], [sflag:s3], length:$0x2, [dreg:$0x0], stride_count:$0x0, ici_dest:s0, dma_misc:DstOpCode:WRITE  }
.Ltmp27:
0x1dd: {  	s0 =	simm.s32 @!p1 $0x3;
	(pc) =	sbr.rel @p2 .LBB2_38-.Ltmp27, $4  }
0x1de: {  	s2 =	sshll.u32 @!p1 s8, $0xE;
	_ =	swait.ge @!p1 [sflag:s0], $0x22  }
0x1df: {  	s3 =	sshll.u32 @!p1 s7, $0x11;
	s2 =	sadd.s32 @!p1 $0x11C3C, s2;
	[sflag:s0] =	ssyncset.done @!p1 $0x0  }
0x1e0: {  	[sflag:s0] =	ssyncadd.s32 @!p1 $0xFFFFFFDE;
	s0 =	sor.u32 @!p1 s3, s2  }
0x1e1: {  	[sflag:s0] =	ssyncadd.remote.s32 @!p1 $0xFFFFFFFF;
	s0 =	simm.s32 $0x0  }
0x1e2: {  	s0 =	simm.s32 $0xF219  }
0x1e3: {  	v0 =	vld.msk [tilespmem:s0+$0x0], $0x1;
	_ =	sdelay $0x4  }
0x1e4: {  	(v2sf) =	vpush v0, $0x0;
	_ =	sdelay $0xb  }
0x1e5: {  	s31 =	sadd.s32 $0xFFFFFFFE, s6  }
0x1e6: {  	s0 =	sadd.s32 $0xFFFFFFFF, s31  }
0x1e7: {  	p2 =	sne.s32 s0, $0x0  }
.Ltmp28:
0x1e8: {  	s2 =	spop (v2sf);
	(pc) =	sbr.rel @!p2 .LBB2_37-.Ltmp28, $4  }
0x1e9: {  	s4 =	simm.s32 $0xF2B8;
	s7 =	simm.s32 $0x0;
	p1 =	sgt.u32 s2, $0x270F0  }
0x1ea: {  	s5 =	simm.s32 $0x0;
	s6 =	simm.s32 $0xF21A;
	s3 =	sand.u32 @!p1 $0x3FFF8, s2  }
0x1eb: {  	s2 =	sand.u32 @!p1 $0x7, s2;
	s7 =	simm.s32 @!p1 $0x200;
	s3 =	sadd.s32 @!p1 s1, s3  }
0x1ec: {  	[hbm4b:s3+s2] =	stream.linear.scatter @!p1 [tilespmem:s4], [sflag:$0x5], $0x80, $0x38;
	[tilespmem:$0x1F6F8] =	vst v63  }
.LBB2_36:
0x1ed: {  	v0 =	vld.msk [tilespmem:s6+$0x0], $0x1;
	s0 =	sadd.s32 $0xFFFFFFFF, s0;
	s5 =	sadd.s32 s5, s7  }
0x1ee: {  	p1 =	sne.s32 s0, $0x0;
	_ =	sdelay $0x3  }
0x1ef: {  	(v2sf) =	vpush v0, $0x0;
	_ =	sdelay $0xe  }
.Ltmp29:
0x1f0: {  	s2 =	spop (v2sf);
	(pc) =	sbr.rel @p1 .LBB2_36-.Ltmp29, $4  }
0x1f1: {  	s7 =	simm.s32 $0x0;
	p2 =	sgt.u32 s2, $0x270F0  }
0x1f2: {  	s4 =	sadd.s32 $0x80, s4;
	s7 =	simm.s32 @!p2 $0x200;
	s3 =	sand.u32 @!p2 $0x3FFF8, s2  }
0x1f3: {  	s6 =	sadd.s32 $0x1, s6;
	s2 =	sand.u32 @!p2 $0x7, s2;
	s3 =	sadd.s32 @!p2 s1, s3  }
0x1f4: {  	[hbm4b:s3+s2] =	stream.linear.scatter @!p2 [tilespmem:s4], [sflag:$0x5], $0x80, $0x38;
	[tilespmem:$0x1F6F8] =	vst v63  }
.LBB2_37:
0x1f5: {  	s0 =	sadd.s32 s5, s7  }
0x1f6: {  	s0 =	sshrl.u32 s0, $0x2  }
.LBB2_38:
0x1f7: {  	s2 =	simm.s32 $0x5  }
0x1f8: {  	_ =	swait.ge [sflag:s2], s0  }
0x1f9: {  	s31 =	ssub.s32 $0x0, s0;
	[sflag:s2] =	ssyncset.done $0x0  }
0x1fa: {  	[sflag:s2] =	ssyncadd.s32 s31  }
0x1fb: {  	[sflag:s2] =	ssyncpa.u1 $0x1  }
.LBB2_39:
0x1fc: {  	s0 =	sor.u32 s15, s16  }
0x1fd: {  	p1 =	sne.s32 s0, $0x0  }
.Ltmp30:
0x1fe: {  	_ = 	snop;
	(pc) =	sbr.rel @p1 .LBB2_54-.Ltmp30, $3  }
0x1ff: {  	_ =	sdelay $0x1  }
0x200: {  	[bflag:$0x0] =	sbarrier.arrive $0xFFFF  }
0x201: {  	_ =	sfence  }
0x202: {  	s0 =	simm.s32 $0x7  }
0x203: {  	s2 =	simm.s32 $0x1000;
	s3 =	simm.s32 $0xF218;
	[sflag:s0] =	ssyncpa.u1 $0x0  }
0x204: {  	[tilespmem:s3], [sflag:$0x7] =	stream.linear.gather [spmem:s2], $0x20, $0x38;
	[tilespmem:$0x1F6F8] =	vst v63  }
0x205: {  	s30 =	simm.s32 $0xF238;
	s2 =	simm.s32 $0x0  }
0x206: {  	[tilespmem:s30], [sflag:$0x7] =	stream.linear.gather [spmem:s2], $0x1000, $0x38;
	[tilespmem:$0x1F6F8] =	vst v63  }
.Ltmp31:
0x207: {  	_ = 	snop;
	(pc) =	sbr.rel .LBB2_41-.Ltmp31, $4  }
0x208: {  	_ =	swait.ge [sflag:s0], $0x1020  }
0x209: {  	[sflag:s0] =	ssyncset.done $0x0  }
0x20a: {  	s31 =	simm.s32 $0x8;
	[sflag:s0] =	ssyncadd.s32 $0xFFFFEFE0  }
0x20b: {  	s3 =	simm.s32 $0x0;
	[sflag:s31] =	ssyncpa.u1 $0x0  }
.LBB2_47:
0x20c: {  	p1 =	slt.u32 s4, $0x270F1  }
0x20d: {  	s0 =	sand.u32 @p1 $0x3FFF8, s4  }
0x20e: {  	s4 =	sand.u32 @p1 $0x7, s4;
	s5 =	simm.s32 @p1 $0xF188;
	s0 =	sadd.s32 @p1 s1, s0  }
0x20f: {  	[tilespmem:s5], [sflag:$0x8] =	stream.linear.gather @p1 [hbm4b:s0+s4], $0x80, $0x38;
	[tilespmem:$0x1F6F8] =	vst v63  }
0x210: {  	s0 =	simm.s32 @p1 $0x8  }
0x211: {  	_ =	swait.ge @p1 [sflag:s0], $0x80  }
0x212: {  	[sflag:s0] =	ssyncset.done @p1 $0x0  }
0x213: {  	[sflag:s0] =	ssyncadd.s32 @p1 $0xFFFFFF80  }
0x214: {  	v1 =	vld @p1 [tilespmem:$0xF188];
	_ =	sdelay $0x2  }
0x215: {  	s0 =	sshll.u32 @p1 s3, $0x9  }
0x216: {  	s4 =	sshrl.u32 @p1 s0, $0x2  }
0x217: {  	[tilespmem:s4+$0xF238] =	vst.add.f32.msk @p1 $0xffff, v1  }
0x218: {  	v1 =	vld @p1 [tilespmem:$0xF198];
	_ =	sdelay $0x4  }
0x219: {  	[tilespmem:s4+$0xF248] =	vst.add.f32.msk @p1 $0xffff, v1  }
0x21a: {  	v1 =	vld @p1 [tilespmem:$0xF1A8];
	_ =	sdelay $0x4  }
0x21b: {  	[tilespmem:s4+$0xF258] =	vst.add.f32.msk @p1 $0xffff, v1  }
0x21c: {  	v1 =	vld @p1 [tilespmem:$0xF1B8];
	_ =	sdelay $0x4  }
0x21d: {  	[tilespmem:s4+$0xF268] =	vst.add.f32.msk @p1 $0xffff, v1  }
0x21e: {  	v1 =	vld @p1 [tilespmem:$0xF1C8];
	_ =	sdelay $0x4  }
0x21f: {  	[tilespmem:s4+$0xF278] =	vst.add.f32.msk @p1 $0xffff, v1  }
0x220: {  	v1 =	vld @p1 [tilespmem:$0xF1D8];
	_ =	sdelay $0x4  }
0x221: {  	[tilespmem:s4+$0xF288] =	vst.add.f32.msk @p1 $0xffff, v1  }
0x222: {  	v1 =	vld @p1 [tilespmem:$0xF1E8];
	_ =	sdelay $0x4  }
0x223: {  	[tilespmem:s4+$0xF298] =	vst.add.f32.msk @p1 $0xffff, v1  }
0x224: {  	v1 =	vld @p1 [tilespmem:$0xF1F8];
	_ =	sdelay $0x3  }
0x225: {  	s5 =	sshll.u32 @!p1 s3, $0x9  }
0x226: {  	s5 =	smov.u32 @p1 s0;
	[tilespmem:s4+$0xF2A8] =	vst.add.f32.msk @p1 $0xffff, v1  }
0x227: {  	s0 =	sshrl.u32 s5, $0x2;
	[tilespmem:s2+$0xF218] =	vst.msk $0x1, v0  }
0x228: {  	v0 =	vld [tilespmem:s0+$0xF238];
	_ =	sdelay $0x2  }
0x229: {  	s31 =	sshll.u32 s2, $0x9  }
0x22a: {  	s4 =	sshra.s32 s31, $0x2  }
0x22b: {  	[tilespmem:s4+$0xF238] =	vst v0  }
0x22c: {  	v0 =	vld [tilespmem:s0+$0xF248];
	_ =	sdelay $0x4  }
0x22d: {  	[tilespmem:s4+$0xF248] =	vst v0  }
0x22e: {  	v0 =	vld [tilespmem:s0+$0xF258];
	_ =	sdelay $0x4  }
0x22f: {  	[tilespmem:s4+$0xF258] =	vst v0  }
0x230: {  	v0 =	vld [tilespmem:s0+$0xF268];
	_ =	sdelay $0x4  }
0x231: {  	[tilespmem:s4+$0xF268] =	vst v0  }
0x232: {  	v0 =	vld [tilespmem:s0+$0xF278];
	_ =	sdelay $0x4  }
0x233: {  	[tilespmem:s4+$0xF278] =	vst v0  }
0x234: {  	v0 =	vld [tilespmem:s0+$0xF288];
	_ =	sdelay $0x4  }
0x235: {  	[tilespmem:s4+$0xF288] =	vst v0  }
0x236: {  	v0 =	vld [tilespmem:s0+$0xF298];
	_ =	sdelay $0x4  }
0x237: {  	[tilespmem:s4+$0xF298] =	vst v0  }
0x238: {  	v0 =	vld [tilespmem:s0+$0xF2A8];
	_ =	sdelay $0x4  }
0x239: {  	s2 =	sadd.s32 $0x1, s2;
	[tilespmem:s4+$0xF2A8] =	vst v0  }
.LBB2_48:
0x23a: {  	s3 =	sadd.s32 $0x1, s3  }
0x23b: {  	p1 =	sne.s32 s3, $0x20  }
.Ltmp32:
0x23c: {  	_ = 	snop;
	(pc) =	sbr.rel @!p1 .LBB2_49-.Ltmp32, $1  }
0x23d: {  	_ =	sdelay $0x3  }
.LBB2_41:
0x23e: {  	v0 =	vld.msk [tilespmem:s3+$0xF218], $0x1;
	_ =	sdelay $0x4  }
0x23f: {  	(v2sf) =	vpush v0, $0x0;
	_ =	sdelay $0xe  }
0x240: {  	s4 =	spop (v2sf)  }
0x241: {  	p1 =	seq.s32 s4, $0xFFFFFFFF  }
.Ltmp33:
0x242: {  	_ = 	snop;
	(pc) =	sbr.rel @p1 .LBB2_48-.Ltmp33, $1  }
0x243: {  	_ =	sdelay $0x3  }
0x244: {  	p1 =	slt.s32 s2, $0x1  }
.Ltmp34:
0x245: {  	_ = 	snop;
	(pc) =	sbr.rel @p1 .LBB2_47-.Ltmp34, $1  }
0x246: {  	_ =	sdelay $0x3  }
0x247: {  	s5 =	simm.s32 $0xF218;
	p1 =	por $0x0, $0x0  }
0x248: {  	v1 =	vld.msk @!p1 [tilespmem:s5+$0x0], $0x1;
	_ =	sdelay $0x4  }
0x249: {  	(v2sf) =	vpush @!p1 v1, $0x0;
	_ =	sdelay $0xd  }
0x24a: {  	p3 =	sne.s32 s2, $0x1  }
.Ltmp35:
0x24b: {  	s0 =	spop @!p1 (v2sf);
	(pc) =	sbr.rel @!p3 .LBB2_45-.Ltmp35, $4  }
0x24c: {  	p2 =	seq.s32 @!p1 s4, s0  }
0x24d: {  	s6 =	simm.s32 $0x0;
	p2 =	por !p2, p1  }
0x24e: {  	s7 =	simm.s32 $0xFFFFFFFF;
	s6 =	simm.s32 @p2 $0xFFFFFFFF  }
0x24f: {  	s0 =	simm.s32 $0x1;
	s6 =	smov.u32 @p1 s7  }
.LBB2_44:
0x250: {  	s7 =	smov.u32 s6;
	p1 =	sne.s32 s6, $0xFFFFFFFF  }
0x251: {  	s5 =	sadd.s32 $0x1, s5;
	s6 =	smov.u32 s0;
	s0 =	sadd.s32 $0x1, s0  }
0x252: {  	p2 =	sne.s32 s2, s0;
	v1 =	vld.msk @!p1 [tilespmem:s5+$0x0], $0x1;
	_ =	sdelay $0x4  }
0x253: {  	(v2sf) =	vpush @!p1 v1, $0x0;
	_ =	sdelay $0xe  }
.Ltmp36:
0x254: {  	s8 =	spop @!p1 (v2sf);
	(pc) =	sbr.rel @p2 .LBB2_44-.Ltmp36, $4  }
0x255: {  	p3 =	seq.s32 @!p1 s4, s8  }
0x256: {  	p3 =	por !p3, p1  }
0x257: {  	s6 =	simm.s32 @p3 $0xFFFFFFFF  }
0x258: {  	s6 =	smov.u32 @p1 s7  }
.LBB2_45:
0x259: {  	p1 =	seq.s32 s6, $0xFFFFFFFF  }
.Ltmp37:
0x25a: {  	_ = 	snop;
	(pc) =	sbr.rel @p1 .LBB2_47-.Ltmp37, $1  }
0x25b: {  	_ =	sdelay $0x3  }
0x25c: {  	s0 =	sshll.u32 s3, $0x7  }
0x25d: {  	s0 =	sand.u32 $0x3FFFFF80, s0  }
0x25e: {  	v0 =	vld [tilespmem:s0+$0xF238];
	_ =	sdelay $0x2  }
0x25f: {  	s4 =	sshll.u32 s6, $0x9  }
0x260: {  	s4 =	sshra.s32 s4, $0x2  }
0x261: {  	[tilespmem:s4+$0xF238] =	vst.add.f32.msk $0xffff, v0  }
0x262: {  	v0 =	vld [tilespmem:s0+$0xF248];
	_ =	sdelay $0x4  }
0x263: {  	[tilespmem:s4+$0xF248] =	vst.add.f32.msk $0xffff, v0  }
0x264: {  	v0 =	vld [tilespmem:s0+$0xF258];
	_ =	sdelay $0x4  }
0x265: {  	[tilespmem:s4+$0xF258] =	vst.add.f32.msk $0xffff, v0  }
0x266: {  	v0 =	vld [tilespmem:s0+$0xF268];
	_ =	sdelay $0x4  }
0x267: {  	[tilespmem:s4+$0xF268] =	vst.add.f32.msk $0xffff, v0  }
0x268: {  	v0 =	vld [tilespmem:s0+$0xF278];
	_ =	sdelay $0x4  }
0x269: {  	[tilespmem:s4+$0xF278] =	vst.add.f32.msk $0xffff, v0  }
0x26a: {  	v0 =	vld [tilespmem:s0+$0xF288];
	_ =	sdelay $0x4  }
0x26b: {  	[tilespmem:s4+$0xF288] =	vst.add.f32.msk $0xffff, v0  }
0x26c: {  	v0 =	vld [tilespmem:s0+$0xF298];
	_ =	sdelay $0x4  }
0x26d: {  	[tilespmem:s4+$0xF298] =	vst.add.f32.msk $0xffff, v0  }
0x26e: {  	v0 =	vld [tilespmem:s0+$0xF2A8]  }
.Ltmp38:
0x26f: {  	_ = 	snop;
	(pc) =	sbr.rel .LBB2_48-.Ltmp38, $2  }
0x270: {  	_ =	sdelay $0x2  }
0x271: {  	[tilespmem:s4+$0xF2A8] =	vst.add.f32.msk $0xffff, v0  }
.LBB2_49:
0x272: {  	p1 =	slt.s32 s2, $0x1  }
.Ltmp39:
0x273: {  	_ = 	snop;
	(pc) =	sbr.rel @p1 .LBB2_53-.Ltmp39, $3  }
0x274: {  	_ =	sdelay $0x1  }
0x275: {  	s0 =	simm.s32 $0x8  }
0x276: {  	s3 =	simm.s32 $0x0;
	[sflag:s0] =	ssyncpa.u1 $0x1  }
0x277: {  	s0 =	simm.s32 $0xF218  }
0x278: {  	v0 =	vld.msk [tilespmem:s0+$0x0], $0x1;
	_ =	sdelay $0x4  }
0x279: {  	(v2sf) =	vpush v0, $0x0;
	_ =	sdelay $0xe  }
0x27a: {  	s0 =	sadd.s32 $0xFFFFFFFF, s2;
	s5 =	spop (v2sf)  }
0x27b: {  	p2 =	sne.s32 s0, $0x0;
	p1 =	sgt.u32 s5, $0x270F0  }
.Ltmp40:
0x27c: {  	s6 =	sand.u32 @!p1 $0x3FFF8, s5;
	(pc) =	sbr.rel @!p2 .LBB2_52-.Ltmp40, $4  }
0x27d: {  	s4 =	simm.s32 $0xF238;
	s5 =	sand.u32 @!p1 $0x7, s5;
	s2 =	sadd.s32 @!p1 s1, s6  }
0x27e: {  	[hbm4b:s2+s5] =	stream.linear.scatter @!p1 [tilespmem:s4], [sflag:$0x7], $0x80, $0x38;
	[tilespmem:$0x1F6F8] =	vst v63  }
0x27f: {  	s5 =	simm.s32 $0x0  }
0x280: {  	s2 =	simm.s32 $0xF219;
	s5 =	simm.s32 @!p1 $0x200  }
.LBB2_51:
0x281: {  	v0 =	vld.msk [tilespmem:s2+$0x0], $0x1;
	s0 =	sadd.s32 $0xFFFFFFFF, s0;
	s3 =	sadd.s32 s3, s5  }
0x282: {  	p1 =	sne.s32 s0, $0x0;
	_ =	sdelay $0x3  }
0x283: {  	(v2sf) =	vpush v0, $0x0;
	_ =	sdelay $0xe  }
.Ltmp41:
0x284: {  	s6 =	spop (v2sf);
	(pc) =	sbr.rel @p1 .LBB2_51-.Ltmp41, $4  }
0x285: {  	s5 =	simm.s32 $0x0;
	p2 =	sgt.u32 s6, $0x270F0  }
0x286: {  	s4 =	sadd.s32 $0x80, s4;
	s5 =	simm.s32 @!p2 $0x200;
	s7 =	sand.u32 @!p2 $0x3FFF8, s6  }
0x287: {  	s2 =	sadd.s32 $0x1, s2;
	s6 =	sand.u32 @!p2 $0x7, s6;
	s7 =	sadd.s32 @!p2 s1, s7  }
0x288: {  	[hbm4b:s7+s6] =	stream.linear.scatter @!p2 [tilespmem:s4], [sflag:$0x7], $0x80, $0x38;
	[tilespmem:$0x1F6F8] =	vst v63  }
.LBB2_52:
0x289: {  	s0 =	sadd.s32 s3, s5  }
0x28a: {  	s3 =	sshrl.u32 s0, $0x2  }
.LBB2_53:
0x28b: {  	s0 =	simm.s32 $0x7  }
0x28c: {  	_ =	swait.ge [sflag:s0], s3  }
0x28d: {  	s1 =	ssub.s32 $0x0, s3;
	[sflag:s0] =	ssyncset.done $0x0  }
0x28e: {  	[sflag:s0] =	ssyncadd.s32 s1  }
0x28f: {  	[sflag:s0] =	ssyncpa.u1 $0x1  }
.LBB2_54:
0x290: {  	_ =	sfence;
	s0 =	simm.s32 $0x1  }
0x291: {  	[sflag:s0] =	ssyncpa.u1 $0x1  }
0x292: {  	_ =	strace $0x90000050  }
0x293: {  	[bflag:$0x2] =	sbarrier.arrive $0xFFFF  }
0x294: {  	s0 =	rddreg [dreg:$0x5]  }
0x295: {  	s0 =	sadd.s32 @!p0 $0x100000, s0  }
0x296: {  	[sflag:s0] =	ssyncadd.tile.s32 @!p0 $0x1;
	_ =	shalt  }
.Lfunc_end2:
_tile_overlayer_lowered:
.L_overlay_start_2:
0x297: {  	(tag) =	ssettag $0x2  }
0x298: {  	s0 =	rddreg [dreg:$0x0];
	s2 =	stileid.u32  }
0x299: {  	s1 =	rddreg [dreg:$0x1];
	p0 =	sne.s32 s2, $0x0  }
0x29a: {  	s3 =	rddreg [dreg:$0x2];
	[bflag:$0x3] =	sbarrier.arrive $0xFFFF;
	s2 =	simm.s32 @!p0 $0x1C01  }
0x29b: {  	[timem:s3], [sflag:s2] =	dma.local @!p0 [hbm:s0], s1  }
0x29c: {  	s0 =	simm.s32 @!p0 $0x1  }
0x29d: {  	_ =	swait.ge @!p0 [sflag:s0], s1  }
0x29e: {  	s1 =	ssub.s32 @!p0 $0x0, s1;
	[sflag:s0] =	ssyncset.done @!p0 $0x0  }
0x29f: {  	[sflag:s0] =	ssyncadd.s32 @!p0 s1  }
0x2a0: {  	[bflag:$0x3] =	sbarrier.arrive $0xFFFF  }
0x2a1: {  	_ =	shalt  }

// kernel: scatter_offload_async_start
scs
__scs_entry_jumppad:
0x0: {  	(pc) =	sbr.rel $0x88, $3  }
0x1: {  	(tag) =	ssettag $0x0;
	lr =	simm.s32 $0x1  }
0x2: {  	[smem:$0x3F76] =	sst lr;
	_ =	strace $0xD0000000  }
0x3: {  	_ = 	snop  }
0x4: {  	_ = 	snop  }
0x5: {  	_ = 	snop  }
0x6: {  	_ = 	snop  }
0x7: {  	_ = 	snop  }
__scs_overlays_trampoline_lowered:
0x8: {  	[smem:$0x3F85] =	sst s0  }
0x9: {  	[smem:$0x3F86] =	sst s1  }
0xa: {  	[smem:$0x3F87] =	sst s2  }
0xb: {  	[smem:$0x3F88] =	sst s3  }
0xc: {  	[smem:$0x3F89] =	sst s4  }
0xd: {  	[smem:$0x3F8A] =	sst s5  }
0xe: {  	[smem:$0x3F8B] =	sst s6  }
0xf: {  	[smem:$0x3F8C] =	sst s7  }
0x10: {  	[smem:$0x3F8D] =	sst s8  }
0x11: {  	[smem:$0x3F8E] =	sst s9;
	s0 =	simm.s32 @!p0 $0x0  }
0x12: {  	s1 =	sld [smem:$0x3F74];
	s0 =	simm.s32 @p0 $0x1  }
0x13: {  	[smem:$0x3F8F] =	sst s0;
	s0 =	simm.s32 @!p1 $0x0  }
0x14: {  	s2 =	sld [smem:$0x3F73];
	s0 =	simm.s32 @p1 $0x1  }
0x15: {  	[smem:$0x3F90] =	sst s0;
	s0 =	simm.s32 @!p2 $0x0  }
0x16: {  	s3 =	sld [smem:$0x3FDB];
	s0 =	simm.s32 @p2 $0x1  }
0x17: {  	s4 =	simm.s32 $0x1BF5;
	[smem:$0x3F92] =	sst s0  }
0x18: {  	s0 =	sld [smem:$0x3F75];
	_ =	swait.ge [sflag:s4], $0x0  }
0x19: {  	s7 =	sld [smem:$0x3F76]  }
0x1a: {  	s8 =	sadd.s32 $0xFFFFE003, lr  }
0x1b: {  	s9 =	sadd.s32 $0xFFFFFEF7, lr;
	s5 =	simm.s32 $0xFFFFFFFF;
	p2 =	slt.u32 s8, $0xFFFFF086  }
0x1c: {  	p1 =	slt.u32 s9, $0xF7A;
	s5 =	simm.s32 @!p2 $0x0  }
0x1d: {  	s5 =	simm.s32 @p1 $0x1;
	p0 =	seq.s32 s7, s2  }
0x1e: {  	s7 =	smul.u32 @!p0 $0xF7A, s2;
	p2 =	seq.s32 @!p0 s5, $0x0  }
0x1f: {  	s9 =	smul.u32 $0xF7A, s1;
	s8 =	simm.s32 @!p0 $0x1BF5;
	p2 =	por !p2, p0  }
0x20: {  	[sflag:s8] =	ssyncset.s32 @!p0 $0xFFFFF086;
	s6 =	sadd.s32 @!p0 s3, s7;
	s7 =	simm.s32 @!p0 $0x108  }
0x21: {  	s3 =	sadd.s32 s3, s9;
	s6 =	sadd.s32 @!p0 $0x88, s6;
	s7 =	simm.s32 @p2 $0x1082  }
0x22: {  	[simem:s7], [sflag:s8] =	dma.local @!p0 [hbm:s6], $0xF7A  }
0x23: {  	s9 =	sor.u32 $0xD0000000, s2;
	s6 =	simm.s32 $0x108;
	_ =	swait.ge @!p0 [sflag:s8], $0x0  }
0x24: {  	s3 =	sadd.s32 $0x88, s3;
	s6 =	simm.s32 @!p1 $0x1082;
	[sflag:s4] =	ssyncset.s32 $0xFFFFF086  }
0x25: {  	[simem:s6], [sflag:s4] =	dma.local [hbm:s3], $0xF7A  }
0x26: {  	[smem:$0x3F76] =	sst s1;
	(tag) =	ssettag s2;
	_ =	strace s9  }
0x27: {  	s1 =	sld [smem:$0x3F86]  }
0x28: {  	s2 =	sld [smem:$0x3F87]  }
0x29: {  	s4 =	sld [smem:$0x3F89]  }
0x2a: {  	p0 =	seq.s32 s5, $0x0;
	s5 =	sld [smem:$0x3F8A]  }
0x2b: {  	s6 =	sld [smem:$0x3F8B]  }
0x2c: {  	s7 =	sld [smem:$0x3F8C]  }
0x2d: {  	s3 =	simm.s32 $0x108;
	s8 =	sld [smem:$0x3F8D]  }
0x2e: {  	s3 =	simm.s32 @!p0 $0x1082;
	s9 =	sld [smem:$0x3F8E]  }
0x2f: {  	lr =	sadd.s32 s0, s3;
	s0 =	sld [smem:$0x3F85]  }
0x30: {  	s3 =	sld [smem:$0x3F88]  }
0x31: {  	[smem:$0x3F91] =	sst s10  }
0x32: {  	s10 =	sld [smem:$0x3F8F];
	_ =	sdelay $0x3  }
0x33: {  	p0 =	seq.s32 s10, $0x1;
	s10 =	sld [smem:$0x3F91];
	_ =	sdelay $0x3  }
0x34: {  	[smem:$0x3F91] =	sst s10  }
0x35: {  	s10 =	sld [smem:$0x3F90];
	_ =	sdelay $0x3  }
0x36: {  	p1 =	seq.s32 s10, $0x1;
	s10 =	sld [smem:$0x3F91];
	_ =	sdelay $0x3  }
0x37: {  	[smem:$0x3F91] =	sst s10  }
0x38: {  	s10 =	sld [smem:$0x3F92]  }
0x39: {  	_ = 	snop;
	(pc) =	sbr.ind lr, $3  }
0x3a: {  	_ = 	snop  }
0x3b: {  	_ = 	snop  }
0x3c: {  	p2 =	seq.s32 s10, $0x1;
	s10 =	sld [smem:$0x3F91]  }
0x3d: {  	_ =	shalt  }
0x3e: {  	_ =	shalt  }
0x3f: {  	_ =	shalt  }
0x40: {  	_ =	shalt  }
0x41: {  	_ =	shalt  }
0x42: {  	_ =	shalt  }
0x43: {  	_ =	shalt  }
0x44: {  	_ =	shalt  }
0x45: {  	_ =	shalt  }
0x46: {  	_ =	shalt  }
0x47: {  	_ =	shalt  }
0x48: {  	_ =	shalt  }
0x49: {  	_ =	shalt  }
0x4a: {  	_ =	shalt  }
0x4b: {  	_ =	shalt  }
0x4c: {  	_ =	shalt  }
0x4d: {  	_ =	shalt  }
0x4e: {  	_ =	shalt  }
0x4f: {  	_ =	shalt  }
0x50: {  	_ =	shalt  }
0x51: {  	_ =	shalt  }
0x52: {  	_ =	shalt  }
0x53: {  	_ =	shalt  }
0x54: {  	_ =	shalt  }
0x55: {  	_ =	shalt  }
0x56: {  	_ =	shalt  }
0x57: {  	_ =	shalt  }
0x58: {  	_ =	shalt  }
0x59: {  	_ =	shalt  }
0x5a: {  	_ =	shalt  }
0x5b: {  	_ =	shalt  }
0x5c: {  	_ =	shalt  }
0x5d: {  	_ =	shalt  }
0x5e: {  	_ =	shalt  }
0x5f: {  	_ =	shalt  }
0x60: {  	_ =	shalt  }
0x61: {  	_ =	shalt  }
0x62: {  	_ =	shalt  }
0x63: {  	_ =	shalt  }
0x64: {  	_ =	shalt  }
0x65: {  	_ =	shalt  }
0x66: {  	_ =	shalt  }
0x67: {  	_ =	shalt  }
0x68: {  	_ =	shalt  }
0x69: {  	_ =	shalt  }
0x6a: {  	_ =	shalt  }
0x6b: {  	_ =	shalt  }
0x6c: {  	_ =	shalt  }
0x6d: {  	_ =	shalt  }
0x6e: {  	_ =	shalt  }
0x6f: {  	_ =	shalt  }
0x70: {  	_ =	shalt  }
0x71: {  	_ =	shalt  }
0x72: {  	_ =	shalt  }
0x73: {  	_ =	shalt  }
0x74: {  	_ =	shalt  }
0x75: {  	_ =	shalt  }
0x76: {  	_ =	shalt  }
0x77: {  	_ =	shalt  }
0x78: {  	_ =	shalt  }
0x79: {  	_ =	shalt  }
0x7a: {  	_ =	shalt  }
0x7b: {  	_ =	shalt  }
0x7c: {  	_ =	shalt  }
0x7d: {  	_ =	shalt  }
0x7e: {  	_ =	shalt  }
0x7f: {  	_ =	shalt  }
0x80: {  	_ =	shalt  }
0x81: {  	_ =	shalt  }
0x82: {  	_ =	shalt  }
0x83: {  	_ =	shalt  }
0x84: {  	_ =	shalt  }
0x85: {  	_ =	shalt  }
0x86: {  	_ =	shalt  }
0x87: {  	_ =	shalt  }
.Lfunc_end0:
.L_simem_size_0:
called_computation_lowered:
.L_overlay_start_0:
0x88: {  	s2 =	sld [smem:$0x3FD9]  }
0x89: {  	s3 =	sld [smem:$0x3FFE];
	_ =	sdelay $0x1  }
0x8a: {  	s1 =	srdreg.scid  }
0x8b: {  	s0 =	sand.u32 $0x1, s1  }
0x8c: {  	s13 =	sshll.u32 s0, $0xA;
	s2 =	sadd.s32 s3, s2  }
0x8d: {  	s2 =	sadd.s32 s2, s13  }
0x8e: {  	[smem:$0x3F9D] =	sst s2  }
0x8f: {  	_ = 	snop  }
0x90: {  	s2 =	sld [smem:$0x3FD0];
	_ =	sdelay $0x2  }
0x91: {  	s14 =	simm.s32 $0xA;
	s4 =	simm.s32 $0x10  }
0x92: {  	[smem:s4], [sflag:s14] =	dma.local [hbm:s2], $0x1  }
0x93: {  	_ =	swait.eq [sflag:s14], $0x1  }
0x94: {  	[sflag:s14] =	ssyncset.done $0x0  }
0x95: {  	s15 =	sld [smem:$0x10];
	[sflag:s14] =	ssyncadd.s32 $0xFFFFFFFF  }
0x96: {  	s16 =	sld [smem:$0x14];
	(tm) =	ssettm $0x1  }
0x97: {  	s17 =	sld [smem:$0x3FFB];
	_ =	sdelay $0x3  }
0x98: {  	_ =	strace s17  }
0x99: {  	s4 =	sld [smem:$0x3FFC];
	_ =	sdelay $0x3  }
0x9a: {  	_ =	strace s4  }
0x9b: {  	s4 =	sld [smem:$0x3FFD];
	_ =	sdelay $0x3  }
0x9c: {  	_ =	strace s4  }
0x9d: {  	_ =	strace $0x8FFFFFFF  }
0x9e: {  	s18 =	sld [smem:$0x3FDB];
	_ =	sdelay $0x1  }
0x9f: {  	s5 =	simm.s32 $_scs_section_size  }
0xa0: {  	s6 =	simm.s32 $_size__tile_overlayer_lowered;
	s7 =	simm.s32 $_tile_overlayer_lowered  }
0xa1: {  	s21 =	simm.s32 $0x1BFF;
	s20 =	sshll.u32 s7, $0x1;
	s4 =	sadd.s32 s5, s18  }
0xa2: {  	s8 =	simm.s32 $0x0;
	s19 =	sshll.u32 s6, $0x1;
	s6 =	sadd.s32 s20, s4  }
0xa3: {  	[timem:s8], [sflag:s21] =	dma.local [hbm:s6], s19  }
0xa4: {  	_ =	swait.ge [sflag:s21], s19  }
0xa5: {  	s5 =	ssub.s32 $0x0, s19;
	[sflag:s21] =	ssyncset.done $0x0  }
0xa6: {  	[sflag:s21] =	ssyncadd.s32 s5;
	_ =	sdelay $0x1  }
0xa7: {  	s22 =	simm.s32 $0x1B8B  }
0xa8: {  	_ =	swait.ge [sflag:s22], $0x1  }
0xa9: {  	[sflag:s22] =	ssyncset.done $0x0  }
0xaa: {  	s23 =	sld [smem:$0x3FFE];
	[sflag:s22] =	ssyncadd.s32 $0xFFFFFFFF  }
0xab: {  	s25 =	simm.s32 $0x1B8E;
	s24 =	sld [smem:$0x0]  }
0xac: {  	s26 =	simm.s32 $execute0_lowered;
	[smem:$0x3FD2] =	sst s25  }
0xad: {  	s7 =	sshll.u32 s26, $0x1;
	_ =	strace $0x80000049;
	[dreg:$0x1] =	wrdreg $0xFFFFFFFF  }
0xae: {  	s28 =	simm.s32 $_size_execute0_lowered;
	s4 =	sadd.s32 s4, s7;
	[dreg:$0x0] =	wrdreg $0x0  }
0xaf: {  	s7 =	sshll.u32 s28, $0x1;
	[dreg:$0x2] =	wrdreg s4  }
0xb0: {  	[dreg:$0x3] =	wrdreg s7  }
0xb1: {  	[dreg:$0x4] =	wrdreg $0xC0  }
0xb2: {  	_ =	task [dreg:s8], $0x5FFFF  }
0xb3: {  	[dreg:$0x1] =	wrdreg $0xFFFFFFFF  }
0xb4: {  	[dreg:$0x0] =	wrdreg $0x60  }
0xb5: {  	[dreg:$0x2] =	wrdreg s16  }
0xb6: {  	[dreg:$0x3] =	wrdreg s15  }
0xb7: {  	[dreg:$0x4] =	wrdreg s23  }
0xb8: {  	[dreg:$0x5] =	wrdreg s1  }
0xb9: {  	[dreg:$0x6] =	wrdreg s24  }
0xba: {  	[dreg:$0x7] =	wrdreg $0x9  }
0xbb: {  	_ =	task.clear_ibuf [dreg:s8], $0x8FFFF;
	_ =	strace $0x90000049  }
0xbc: {  	s29 =	simm.s32 $0x9;
	_ =	strace $0x8000004B  }
0xbd: {  	_ =	swait.ge [sflag:s29], $0x1  }
0xbe: {  	[sflag:s29] =	ssyncadd.s32 $0xFFFFFFFF  }
0xbf: {  	_ =	strace $0x9000004B  }
0xc0: {  	_ =	sfence  }
0xc1: {  	s30 =	sld [smem:$0x0];
	_ =	sdelay $0x2  }
0xc2: {  	s31 =	sshll.u32 s1, $0xD;
	s1 =	sshrl.u32 s1, $0x2  }
0xc3: {  	s3 =	sand.u32 $0x4000, s31;
	s1 =	sadd.s32 s1, s30  }
0xc4: {  	s0 =	sor.u32 s3, s0;
	s1 =	sshll.u32 s1, $0x11  }
0xc5: {  	s0 =	sor.u32 s1, s0  }
0xc6: {  	s0 =	sadd.s32 $0x8F2B, s0  }
0xc7: {  	[sflag:s0] =	ssyncadd.remote.s32 $0x1  }
0xc8: {  	_ =	sfence.sel $0xFFFF  }
0xc9: {  	[dreg:$0x0] =	wrdreg $0xFFFFFFFF;
	(pc) =	sbr.abs _section_cstart, $3  }
0xca: {  	[dreg:$0x1] =	wrdreg $0xFFFFFFFF  }
0xcb: {  	_ =	task.clear_ibuf [dreg:s8], $0x2FFFF;
	_ =	strace $0x9FFFFFFF  }
0xcc: {  	(tm) =	ssettm $0x7FFFFFFF  }
0xcd: {  	_ =	shalt  }
tec
execute0_lowered:
.L_overlay_start_1:
0x0: {  	(tag) =	ssettag $0x1  }
0x1: {  	s1 =	rddreg [dreg:$0x0]  }
0x2: {  	s5 =	rddreg [dreg:$0x1]  }
0x3: {  	s6 =	rddreg [dreg:$0x2]  }
0x4: {  	s3 =	rddreg [dreg:$0x3];
	_ =	strace $0x8000004A;
	s0 =	simm.s32 $0x1  }
0x5: {  	v0 =	vimm.s32 $0x0;
	[sflag:s0] =	ssyncpa.u1 $0x0  }
0x6: {  	[tilespmem:$0x128] =	vst v0  }
0x7: {  	[tilespmem:$0x138] =	vst v0  }
0x8: {  	[tilespmem:$0x148] =	vst v0  }
0x9: {  	[tilespmem:$0x158] =	vst v0  }
0xa: {  	[tilespmem:$0x168] =	vst v0  }
0xb: {  	[tilespmem:$0x178] =	vst v0  }
0xc: {  	[tilespmem:$0x188] =	vst v0  }
0xd: {  	[tilespmem:$0x198] =	vst v0  }
0xe: {  	[tilespmem:$0x1A8] =	vst v0  }
0xf: {  	[tilespmem:$0x1B8] =	vst v0  }
0x10: {  	[tilespmem:$0x1C8] =	vst v0  }
0x11: {  	[tilespmem:$0x1D8] =	vst v0  }
0x12: {  	[tilespmem:$0x1E8] =	vst v0  }
0x13: {  	[tilespmem:$0x1F8] =	vst v0  }
0x14: {  	[tilespmem:$0x208] =	vst v0  }
0x15: {  	[tilespmem:$0x218] =	vst v0  }
0x16: {  	[tilespmem:$0x228] =	vst v0  }
0x17: {  	[tilespmem:$0x238] =	vst v0  }
0x18: {  	[tilespmem:$0x248] =	vst v0  }
0x19: {  	[tilespmem:$0x258] =	vst v0  }
0x1a: {  	[tilespmem:$0x268] =	vst v0  }
0x1b: {  	[tilespmem:$0x278] =	vst v0  }
0x1c: {  	[tilespmem:$0x288] =	vst v0  }
0x1d: {  	[tilespmem:$0x298] =	vst v0  }
0x1e: {  	[tilespmem:$0x2A8] =	vst v0  }
0x1f: {  	[tilespmem:$0x2B8] =	vst v0  }
0x20: {  	[tilespmem:$0x2C8] =	vst v0  }
0x21: {  	[tilespmem:$0x2D8] =	vst v0  }
0x22: {  	[tilespmem:$0x2E8] =	vst v0  }
0x23: {  	[tilespmem:$0x2F8] =	vst v0  }
0x24: {  	[tilespmem:$0x308] =	vst v0  }
0x25: {  	[tilespmem:$0x318] =	vst v0  }
0x26: {  	[tilespmem:$0x328] =	vst v0  }
0x27: {  	[tilespmem:$0x338] =	vst v0  }
0x28: {  	[tilespmem:$0x348] =	vst v0  }
0x29: {  	[tilespmem:$0x358] =	vst v0  }
0x2a: {  	[tilespmem:$0x368] =	vst v0  }
0x2b: {  	[tilespmem:$0x378] =	vst v0  }
0x2c: {  	[tilespmem:$0x388] =	vst v0  }
0x2d: {  	[tilespmem:$0x398] =	vst v0  }
0x2e: {  	[tilespmem:$0x3A8] =	vst v0  }
0x2f: {  	[tilespmem:$0x3B8] =	vst v0  }
0x30: {  	[tilespmem:$0x3C8] =	vst v0  }
0x31: {  	[tilespmem:$0x3D8] =	vst v0  }
0x32: {  	[tilespmem:$0x3E8] =	vst v0  }
0x33: {  	[tilespmem:$0x3F8] =	vst v0  }
0x34: {  	[tilespmem:$0x408] =	vst v0  }
0x35: {  	[tilespmem:$0x418] =	vst v0  }
0x36: {  	[tilespmem:$0x428] =	vst v0  }
0x37: {  	[tilespmem:$0x438] =	vst v0  }
0x38: {  	[tilespmem:$0x448] =	vst v0  }
0x39: {  	[tilespmem:$0x458] =	vst v0  }
0x3a: {  	[tilespmem:$0x468] =	vst v0  }
0x3b: {  	[tilespmem:$0x478] =	vst v0  }
0x3c: {  	[tilespmem:$0x488] =	vst v0  }
0x3d: {  	[tilespmem:$0x498] =	vst v0  }
0x3e: {  	[tilespmem:$0x4A8] =	vst v0  }
0x3f: {  	[tilespmem:$0x4B8] =	vst v0  }
0x40: {  	[tilespmem:$0x4C8] =	vst v0  }
0x41: {  	[tilespmem:$0x4D8] =	vst v0  }
0x42: {  	[tilespmem:$0x4E8] =	vst v0  }
0x43: {  	[tilespmem:$0x4F8] =	vst v0  }
0x44: {  	[tilespmem:$0x508] =	vst v0  }
0x45: {  	[tilespmem:$0x518] =	vst v0  }
0x46: {  	[tilespmem:$0x528] =	vst v0  }
0x47: {  	[tilespmem:$0x538] =	vst v0  }
0x48: {  	[tilespmem:$0x548] =	vst v0  }
0x49: {  	[tilespmem:$0x558] =	vst v0  }
0x4a: {  	[tilespmem:$0x568] =	vst v0  }
0x4b: {  	[tilespmem:$0x578] =	vst v0  }
0x4c: {  	[tilespmem:$0x588] =	vst v0  }
0x4d: {  	[tilespmem:$0x598] =	vst v0  }
0x4e: {  	[tilespmem:$0x5A8] =	vst v0  }
0x4f: {  	[tilespmem:$0x5B8] =	vst v0  }
0x50: {  	[tilespmem:$0x5C8] =	vst v0  }
0x51: {  	[tilespmem:$0x5D8] =	vst v0  }
0x52: {  	[tilespmem:$0x5E8] =	vst v0  }
0x53: {  	[tilespmem:$0x5F8] =	vst v0  }
0x54: {  	[tilespmem:$0x608] =	vst v0  }
0x55: {  	[tilespmem:$0x618] =	vst v0  }
0x56: {  	[tilespmem:$0x628] =	vst v0  }
0x57: {  	[tilespmem:$0x638] =	vst v0  }
0x58: {  	[tilespmem:$0x648] =	vst v0  }
0x59: {  	[tilespmem:$0x658] =	vst v0  }
0x5a: {  	[tilespmem:$0x668] =	vst v0  }
0x5b: {  	[tilespmem:$0x678] =	vst v0  }
0x5c: {  	[tilespmem:$0x688] =	vst v0  }
0x5d: {  	[tilespmem:$0x698] =	vst v0  }
0x5e: {  	[tilespmem:$0x6A8] =	vst v0  }
0x5f: {  	[tilespmem:$0x6B8] =	vst v0  }
0x60: {  	[tilespmem:$0x6C8] =	vst v0  }
0x61: {  	[tilespmem:$0x6D8] =	vst v0  }
0x62: {  	[tilespmem:$0x6E8] =	vst v0  }
0x63: {  	[tilespmem:$0x6F8] =	vst v0  }
0x64: {  	[tilespmem:$0x708] =	vst v0  }
0x65: {  	[tilespmem:$0x718] =	vst v0  }
0x66: {  	[tilespmem:$0x728] =	vst v0  }
0x67: {  	[tilespmem:$0x738] =	vst v0  }
0x68: {  	[tilespmem:$0x748] =	vst v0  }
0x69: {  	[tilespmem:$0x758] =	vst v0  }
0x6a: {  	[tilespmem:$0x768] =	vst v0  }
0x6b: {  	[tilespmem:$0x778] =	vst v0  }
0x6c: {  	[tilespmem:$0x788] =	vst v0  }
0x6d: {  	[tilespmem:$0x798] =	vst v0  }
0x6e: {  	[tilespmem:$0x7A8] =	vst v0  }
0x6f: {  	[tilespmem:$0x7B8] =	vst v0  }
0x70: {  	[tilespmem:$0x7C8] =	vst v0  }
0x71: {  	[tilespmem:$0x7D8] =	vst v0  }
0x72: {  	[tilespmem:$0x7E8] =	vst v0  }
0x73: {  	[tilespmem:$0x7F8] =	vst v0  }
0x74: {  	[tilespmem:$0x808] =	vst v0  }
0x75: {  	[tilespmem:$0x818] =	vst v0  }
0x76: {  	[tilespmem:$0x828] =	vst v0  }
0x77: {  	[tilespmem:$0x838] =	vst v0  }
0x78: {  	[tilespmem:$0x848] =	vst v0  }
0x79: {  	[tilespmem:$0x858] =	vst v0  }
0x7a: {  	[tilespmem:$0x868] =	vst v0  }
0x7b: {  	[tilespmem:$0x878] =	vst v0  }
0x7c: {  	[tilespmem:$0x888] =	vst v0  }
0x7d: {  	[tilespmem:$0x898] =	vst v0  }
0x7e: {  	[tilespmem:$0x8A8] =	vst v0  }
0x7f: {  	[tilespmem:$0x8B8] =	vst v0  }
0x80: {  	[tilespmem:$0x8C8] =	vst v0  }
0x81: {  	[tilespmem:$0x8D8] =	vst v0  }
0x82: {  	[tilespmem:$0x8E8] =	vst v0  }
0x83: {  	[tilespmem:$0x8F8] =	vst v0  }
0x84: {  	[tilespmem:$0x908] =	vst v0  }
0x85: {  	[tilespmem:$0x918] =	vst v0  }
0x86: {  	[tilespmem:$0x928] =	vst v0  }
0x87: {  	[tilespmem:$0x938] =	vst v0  }
0x88: {  	[tilespmem:$0x948] =	vst v0  }
0x89: {  	[tilespmem:$0x958] =	vst v0  }
0x8a: {  	[tilespmem:$0x968] =	vst v0  }
0x8b: {  	[tilespmem:$0x978] =	vst v0  }
0x8c: {  	[tilespmem:$0x988] =	vst v0  }
0x8d: {  	[tilespmem:$0x998] =	vst v0  }
0x8e: {  	[tilespmem:$0x9A8] =	vst v0  }
0x8f: {  	[tilespmem:$0x9B8] =	vst v0  }
0x90: {  	[tilespmem:$0x9C8] =	vst v0  }
0x91: {  	[tilespmem:$0x9D8] =	vst v0  }
0x92: {  	[tilespmem:$0x9E8] =	vst v0  }
0x93: {  	[tilespmem:$0x9F8] =	vst v0  }
0x94: {  	[tilespmem:$0xA08] =	vst v0  }
0x95: {  	[tilespmem:$0xA18] =	vst v0  }
0x96: {  	[tilespmem:$0xA28] =	vst v0  }
0x97: {  	[tilespmem:$0xA38] =	vst v0  }
0x98: {  	[tilespmem:$0xA48] =	vst v0  }
0x99: {  	[tilespmem:$0xA58] =	vst v0  }
0x9a: {  	[tilespmem:$0xA68] =	vst v0  }
0x9b: {  	[tilespmem:$0xA78] =	vst v0  }
0x9c: {  	[tilespmem:$0xA88] =	vst v0  }
0x9d: {  	[tilespmem:$0xA98] =	vst v0  }
0x9e: {  	[tilespmem:$0xAA8] =	vst v0  }
0x9f: {  	[tilespmem:$0xAB8] =	vst v0  }
0xa0: {  	[tilespmem:$0xAC8] =	vst v0  }
0xa1: {  	[tilespmem:$0xAD8] =	vst v0  }
0xa2: {  	[tilespmem:$0xAE8] =	vst v0  }
0xa3: {  	[tilespmem:$0xAF8] =	vst v0  }
0xa4: {  	[tilespmem:$0xB08] =	vst v0  }
0xa5: {  	[tilespmem:$0xB18] =	vst v0  }
0xa6: {  	[tilespmem:$0xB28] =	vst v0  }
0xa7: {  	[tilespmem:$0xB38] =	vst v0  }
0xa8: {  	[tilespmem:$0xB48] =	vst v0  }
0xa9: {  	[tilespmem:$0xB58] =	vst v0  }
0xaa: {  	[tilespmem:$0xB68] =	vst v0  }
0xab: {  	[tilespmem:$0xB78] =	vst v0  }
0xac: {  	[tilespmem:$0xB88] =	vst v0  }
0xad: {  	[tilespmem:$0xB98] =	vst v0  }
0xae: {  	[tilespmem:$0xBA8] =	vst v0  }
0xaf: {  	[tilespmem:$0xBB8] =	vst v0  }
0xb0: {  	[tilespmem:$0xBC8] =	vst v0  }
0xb1: {  	[tilespmem:$0xBD8] =	vst v0  }
0xb2: {  	[tilespmem:$0xBE8] =	vst v0  }
0xb3: {  	[tilespmem:$0xBF8] =	vst v0  }
0xb4: {  	[tilespmem:$0xC08] =	vst v0  }
0xb5: {  	[tilespmem:$0xC18] =	vst v0  }
0xb6: {  	[tilespmem:$0xC28] =	vst v0  }
0xb7: {  	[tilespmem:$0xC38] =	vst v0  }
0xb8: {  	[tilespmem:$0xC48] =	vst v0  }
0xb9: {  	[tilespmem:$0xC58] =	vst v0  }
0xba: {  	[tilespmem:$0xC68] =	vst v0  }
0xbb: {  	[tilespmem:$0xC78] =	vst v0  }
0xbc: {  	[tilespmem:$0xC88] =	vst v0  }
0xbd: {  	[tilespmem:$0xC98] =	vst v0  }
0xbe: {  	[tilespmem:$0xCA8] =	vst v0  }
0xbf: {  	[tilespmem:$0xCB8] =	vst v0  }
0xc0: {  	[tilespmem:$0xCC8] =	vst v0  }
0xc1: {  	[tilespmem:$0xCD8] =	vst v0  }
0xc2: {  	[tilespmem:$0xCE8] =	vst v0  }
0xc3: {  	[tilespmem:$0xCF8] =	vst v0  }
0xc4: {  	[tilespmem:$0xD08] =	vst v0  }
0xc5: {  	[tilespmem:$0xD18] =	vst v0  }
0xc6: {  	[tilespmem:$0xD28] =	vst v0  }
0xc7: {  	[tilespmem:$0xD38] =	vst v0  }
0xc8: {  	[tilespmem:$0xD48] =	vst v0  }
0xc9: {  	[tilespmem:$0xD58] =	vst v0  }
0xca: {  	[tilespmem:$0xD68] =	vst v0  }
0xcb: {  	[tilespmem:$0xD78] =	vst v0  }
0xcc: {  	[tilespmem:$0xD88] =	vst v0  }
0xcd: {  	[tilespmem:$0xD98] =	vst v0  }
0xce: {  	[tilespmem:$0xDA8] =	vst v0  }
0xcf: {  	[tilespmem:$0xDB8] =	vst v0  }
0xd0: {  	[tilespmem:$0xDC8] =	vst v0  }
0xd1: {  	[tilespmem:$0xDD8] =	vst v0  }
0xd2: {  	[tilespmem:$0xDE8] =	vst v0  }
0xd3: {  	[tilespmem:$0xDF8] =	vst v0  }
0xd4: {  	[tilespmem:$0xE08] =	vst v0  }
0xd5: {  	[tilespmem:$0xE18] =	vst v0  }
0xd6: {  	[tilespmem:$0xE28] =	vst v0  }
0xd7: {  	[tilespmem:$0xE38] =	vst v0  }
0xd8: {  	[tilespmem:$0xE48] =	vst v0  }
0xd9: {  	[tilespmem:$0xE58] =	vst v0  }
0xda: {  	[tilespmem:$0xE68] =	vst v0  }
0xdb: {  	[tilespmem:$0xE78] =	vst v0  }
0xdc: {  	[tilespmem:$0xE88] =	vst v0  }
0xdd: {  	[tilespmem:$0xE98] =	vst v0  }
0xde: {  	[tilespmem:$0xEA8] =	vst v0  }
0xdf: {  	[tilespmem:$0xEB8] =	vst v0  }
0xe0: {  	[tilespmem:$0xEC8] =	vst v0  }
0xe1: {  	[tilespmem:$0xED8] =	vst v0  }
0xe2: {  	[tilespmem:$0xEE8] =	vst v0  }
0xe3: {  	[tilespmem:$0xEF8] =	vst v0  }
0xe4: {  	[tilespmem:$0xF08] =	vst v0  }
0xe5: {  	[tilespmem:$0xF18] =	vst v0  }
0xe6: {  	[tilespmem:$0xF28] =	vst v0  }
0xe7: {  	[tilespmem:$0xF38] =	vst v0  }
0xe8: {  	[tilespmem:$0xF48] =	vst v0  }
0xe9: {  	[tilespmem:$0xF58] =	vst v0  }
0xea: {  	[tilespmem:$0xF68] =	vst v0  }
0xeb: {  	[tilespmem:$0xF78] =	vst v0  }
0xec: {  	[tilespmem:$0xF88] =	vst v0  }
0xed: {  	[tilespmem:$0xF98] =	vst v0  }
0xee: {  	[tilespmem:$0xFA8] =	vst v0  }
0xef: {  	[tilespmem:$0xFB8] =	vst v0  }
0xf0: {  	[tilespmem:$0xFC8] =	vst v0  }
0xf1: {  	[tilespmem:$0xFD8] =	vst v0  }
0xf2: {  	[tilespmem:$0xFE8] =	vst v0  }
0xf3: {  	[tilespmem:$0xFF8] =	vst v0  }
0xf4: {  	[tilespmem:$0x1008] =	vst v0  }
0xf5: {  	[tilespmem:$0x1018] =	vst v0  }
0xf6: {  	[tilespmem:$0x1028] =	vst v0  }
0xf7: {  	[tilespmem:$0x1038] =	vst v0  }
0xf8: {  	[tilespmem:$0x1048] =	vst v0  }
0xf9: {  	[tilespmem:$0x1058] =	vst v0  }
0xfa: {  	[tilespmem:$0x1068] =	vst v0  }
0xfb: {  	[tilespmem:$0x1078] =	vst v0  }
0xfc: {  	[tilespmem:$0x1088] =	vst v0  }
0xfd: {  	[tilespmem:$0x1098] =	vst v0  }
0xfe: {  	[tilespmem:$0x10A8] =	vst v0  }
0xff: {  	[tilespmem:$0x10B8] =	vst v0  }
0x100: {  	[tilespmem:$0x10C8] =	vst v0  }
0x101: {  	[tilespmem:$0x10D8] =	vst v0  }
0x102: {  	[tilespmem:$0x10E8] =	vst v0  }
0x103: {  	[tilespmem:$0x10F8] =	vst v0  }
0x104: {  	[tilespmem:$0x1108] =	vst v0  }
0x105: {  	[tilespmem:$0x1478] =	vst v0  }
0x106: {  	[tilespmem:$0x1118] =	vst v0  }
0x107: {  	[tilespmem:$0x1128] =	vst v0  }
0x108: {  	[tilespmem:$0x1138] =	vst v0  }
0x109: {  	[tilespmem:$0x1148] =	vst v0  }
0x10a: {  	[tilespmem:$0x1158] =	vst v0  }
0x10b: {  	[tilespmem:$0x1168] =	vst v0  }
0x10c: {  	[tilespmem:$0x1178] =	vst v0  }
0x10d: {  	[tilespmem:$0x1188] =	vst v0  }
0x10e: {  	[tilespmem:$0x1198] =	vst v0  }
0x10f: {  	[tilespmem:$0x11A8] =	vst v0  }
0x110: {  	[tilespmem:$0x11B8] =	vst v0  }
0x111: {  	[tilespmem:$0x11C8] =	vst v0  }
0x112: {  	[tilespmem:$0x11D8] =	vst v0  }
0x113: {  	[tilespmem:$0x11E8] =	vst v0  }
0x114: {  	[tilespmem:$0x11F8] =	vst v0  }
0x115: {  	[tilespmem:$0x1208] =	vst v0  }
0x116: {  	[tilespmem:$0x1218] =	vst v0  }
0x117: {  	[tilespmem:$0x1228] =	vst v0  }
0x118: {  	[tilespmem:$0x1238] =	vst v0  }
0x119: {  	[tilespmem:$0x1248] =	vst v0  }
0x11a: {  	[tilespmem:$0x1258] =	vst v0  }
0x11b: {  	[tilespmem:$0x1268] =	vst v0  }
0x11c: {  	[tilespmem:$0x1278] =	vst v0  }
0x11d: {  	[tilespmem:$0x1288] =	vst v0  }
0x11e: {  	[tilespmem:$0x1298] =	vst v0  }
0x11f: {  	[tilespmem:$0x12A8] =	vst v0  }
0x120: {  	[tilespmem:$0x12B8] =	vst v0  }
0x121: {  	[tilespmem:$0x12C8] =	vst v0  }
0x122: {  	[tilespmem:$0x12D8] =	vst v0  }
0x123: {  	[tilespmem:$0x12E8] =	vst v0  }
0x124: {  	[tilespmem:$0x12F8] =	vst v0  }
0x125: {  	[tilespmem:$0x1308] =	vst v0  }
0x126: {  	[tilespmem:$0x1318] =	vst v0  }
0x127: {  	[tilespmem:$0x1328] =	vst v0  }
0x128: {  	[tilespmem:$0x1338] =	vst v0  }
0x129: {  	[tilespmem:$0x1348] =	vst v0  }
0x12a: {  	[tilespmem:$0x1358] =	vst v0  }
0x12b: {  	[tilespmem:$0x1368] =	vst v0  }
0x12c: {  	[tilespmem:$0x1378] =	vst v0  }
0x12d: {  	[tilespmem:$0x1388] =	vst v0  }
0x12e: {  	[tilespmem:$0x1398] =	vst v0  }
0x12f: {  	[tilespmem:$0x13A8] =	vst v0  }
0x130: {  	[tilespmem:$0x13B8] =	vst v0  }
0x131: {  	[tilespmem:$0x13C8] =	vst v0  }
0x132: {  	[tilespmem:$0x13D8] =	vst v0  }
0x133: {  	[tilespmem:$0x13E8] =	vst v0  }
0x134: {  	[tilespmem:$0x13F8] =	vst v0  }
0x135: {  	[tilespmem:$0x1408] =	vst v0  }
0x136: {  	[tilespmem:$0x1418] =	vst v0  }
0x137: {  	[tilespmem:$0x1428] =	vst v0  }
0x138: {  	[tilespmem:$0x1438] =	vst v0  }
0x139: {  	[tilespmem:$0x1448] =	vst v0  }
0x13a: {  	[tilespmem:$0x1458] =	vst v0  }
0x13b: {  	[tilespmem:$0x1468] =	vst v0  }
0x13c: {  	[tilespmem:$0x1488] =	vst v0  }
0x13d: {  	[tilespmem:$0x1498] =	vst v0  }
0x13e: {  	[tilespmem:$0x14A8] =	vst v0  }
0x13f: {  	[tilespmem:$0x14B8] =	vst v0  }
0x140: {  	[tilespmem:$0x14C8] =	vst v0  }
0x141: {  	[tilespmem:$0x14D8] =	vst v0  }
0x142: {  	[tilespmem:$0x14E8] =	vst v0  }
0x143: {  	[tilespmem:$0x14F8] =	vst v0  }
0x144: {  	[tilespmem:$0x1508] =	vst v0  }
0x145: {  	[tilespmem:$0x1518] =	vst v0  }
0x146: {  	[tilespmem:$0x1528] =	vst v0  }
0x147: {  	[tilespmem:$0x1538] =	vst v0  }
0x148: {  	[tilespmem:$0x1548] =	vst v0  }
0x149: {  	[tilespmem:$0x1558] =	vst v0  }
0x14a: {  	[tilespmem:$0x1568] =	vst v0  }
0x14b: {  	[tilespmem:$0x1578] =	vst v0  }
0x14c: {  	[tilespmem:$0x1588] =	vst v0  }
0x14d: {  	[tilespmem:$0x1598] =	vst v0  }
0x14e: {  	[tilespmem:$0x15A8] =	vst v0  }
0x14f: {  	[tilespmem:$0x15B8] =	vst v0  }
0x150: {  	[tilespmem:$0x15C8] =	vst v0  }
0x151: {  	[tilespmem:$0x15D8] =	vst v0  }
0x152: {  	[tilespmem:$0x15E8] =	vst v0  }
0x153: {  	[tilespmem:$0x15F8] =	vst v0  }
0x154: {  	[tilespmem:$0x1608] =	vst v0  }
0x155: {  	[tilespmem:$0x1618] =	vst v0  }
0x156: {  	[tilespmem:$0x1628] =	vst v0  }
0x157: {  	[tilespmem:$0x1638] =	vst v0  }
0x158: {  	[tilespmem:$0x1648] =	vst v0  }
0x159: {  	[tilespmem:$0x1658] =	vst v0  }
0x15a: {  	[tilespmem:$0x1668] =	vst v0  }
0x15b: {  	[tilespmem:$0x1678] =	vst v0  }
0x15c: {  	[tilespmem:$0x1688] =	vst v0  }
0x15d: {  	[tilespmem:$0x1698] =	vst v0  }
0x15e: {  	[tilespmem:$0x16A8] =	vst v0  }
0x15f: {  	[tilespmem:$0x16B8] =	vst v0  }
0x160: {  	[tilespmem:$0x16C8] =	vst v0  }
0x161: {  	[tilespmem:$0x16D8] =	vst v0  }
0x162: {  	[tilespmem:$0x16E8] =	vst v0  }
0x163: {  	[tilespmem:$0x16F8] =	vst v0  }
0x164: {  	[tilespmem:$0x1708] =	vst v0  }
0x165: {  	[tilespmem:$0x1718] =	vst v0  }
0x166: {  	[tilespmem:$0x1728] =	vst v0  }
0x167: {  	[tilespmem:$0x1738] =	vst v0  }
0x168: {  	[tilespmem:$0x1748] =	vst v0  }
0x169: {  	[tilespmem:$0x1758] =	vst v0  }
0x16a: {  	[tilespmem:$0x1768] =	vst v0  }
0x16b: {  	[tilespmem:$0x1778] =	vst v0  }
0x16c: {  	[tilespmem:$0x1788] =	vst v0  }
0x16d: {  	[tilespmem:$0x1798] =	vst v0  }
0x16e: {  	[tilespmem:$0x17A8] =	vst v0  }
0x16f: {  	[tilespmem:$0x17B8] =	vst v0  }
0x170: {  	[tilespmem:$0x17C8] =	vst v0  }
0x171: {  	[tilespmem:$0x17D8] =	vst v0  }
0x172: {  	[tilespmem:$0x17E8] =	vst v0  }
0x173: {  	[tilespmem:$0x17F8] =	vst v0  }
0x174: {  	[tilespmem:$0x1808] =	vst v0  }
0x175: {  	[tilespmem:$0x1818] =	vst v0  }
0x176: {  	[tilespmem:$0x1828] =	vst v0  }
0x177: {  	[tilespmem:$0x1838] =	vst v0  }
0x178: {  	[tilespmem:$0x1848] =	vst v0  }
0x179: {  	[tilespmem:$0x1858] =	vst v0  }
0x17a: {  	[tilespmem:$0x1868] =	vst v0  }
0x17b: {  	[tilespmem:$0x1878] =	vst v0  }
0x17c: {  	[tilespmem:$0x1888] =	vst v0  }
0x17d: {  	[tilespmem:$0x1898] =	vst v0  }
0x17e: {  	[tilespmem:$0x18A8] =	vst v0  }
0x17f: {  	[tilespmem:$0x18B8] =	vst v0  }
0x180: {  	[tilespmem:$0x18C8] =	vst v0  }
0x181: {  	[tilespmem:$0x18D8] =	vst v0  }
0x182: {  	[tilespmem:$0x18E8] =	vst v0  }
0x183: {  	[tilespmem:$0x18F8] =	vst v0  }
0x184: {  	[tilespmem:$0x1908] =	vst v0  }
0x185: {  	[tilespmem:$0x1918] =	vst v0  }
0x186: {  	[tilespmem:$0x1928] =	vst v0  }
0x187: {  	[tilespmem:$0x1938] =	vst v0  }
0x188: {  	[tilespmem:$0x1948] =	vst v0  }
0x189: {  	[tilespmem:$0x1958] =	vst v0  }
0x18a: {  	[tilespmem:$0x1968] =	vst v0  }
0x18b: {  	[tilespmem:$0x1978] =	vst v0  }
0x18c: {  	[tilespmem:$0x1988] =	vst v0  }
0x18d: {  	[tilespmem:$0x1998] =	vst v0  }
0x18e: {  	[tilespmem:$0x19A8] =	vst v0  }
0x18f: {  	[tilespmem:$0x19B8] =	vst v0  }
0x190: {  	[tilespmem:$0x19C8] =	vst v0  }
0x191: {  	[tilespmem:$0x19D8] =	vst v0  }
0x192: {  	[tilespmem:$0x19E8] =	vst v0  }
0x193: {  	[tilespmem:$0x19F8] =	vst v0  }
0x194: {  	[tilespmem:$0x1A08] =	vst v0  }
0x195: {  	[tilespmem:$0x1A18] =	vst v0  }
0x196: {  	[tilespmem:$0x1A28] =	vst v0  }
0x197: {  	[tilespmem:$0x1A38] =	vst v0  }
0x198: {  	[tilespmem:$0x1A48] =	vst v0  }
0x199: {  	[tilespmem:$0x1A58] =	vst v0  }
0x19a: {  	[tilespmem:$0x1A68] =	vst v0  }
0x19b: {  	[tilespmem:$0x1A78] =	vst v0  }
0x19c: {  	[tilespmem:$0x1A88] =	vst v0  }
0x19d: {  	[tilespmem:$0x1A98] =	vst v0  }
0x19e: {  	[tilespmem:$0x1AA8] =	vst v0  }
0x19f: {  	[tilespmem:$0x1AB8] =	vst v0  }
0x1a0: {  	[tilespmem:$0x1AC8] =	vst v0  }
0x1a1: {  	[tilespmem:$0x1AD8] =	vst v0  }
0x1a2: {  	[tilespmem:$0x1AE8] =	vst v0  }
0x1a3: {  	[tilespmem:$0x1AF8] =	vst v0  }
0x1a4: {  	[tilespmem:$0x1B08] =	vst v0  }
0x1a5: {  	[tilespmem:$0x1B18] =	vst v0  }
0x1a6: {  	[tilespmem:$0x1B28] =	vst v0  }
0x1a7: {  	[tilespmem:$0x1B38] =	vst v0  }
0x1a8: {  	[tilespmem:$0x1B48] =	vst v0  }
0x1a9: {  	[tilespmem:$0x1B58] =	vst v0  }
0x1aa: {  	[tilespmem:$0x1B68] =	vst v0  }
0x1ab: {  	[tilespmem:$0x1B78] =	vst v0  }
0x1ac: {  	[tilespmem:$0x1B88] =	vst v0  }
0x1ad: {  	[tilespmem:$0x1B98] =	vst v0  }
0x1ae: {  	[tilespmem:$0x1BA8] =	vst v0  }
0x1af: {  	[tilespmem:$0x1BB8] =	vst v0  }
0x1b0: {  	[tilespmem:$0x1BC8] =	vst v0  }
0x1b1: {  	[tilespmem:$0x1BD8] =	vst v0  }
0x1b2: {  	[tilespmem:$0x1BE8] =	vst v0  }
0x1b3: {  	[tilespmem:$0x1BF8] =	vst v0  }
0x1b4: {  	[tilespmem:$0x1C08] =	vst v0  }
0x1b5: {  	[tilespmem:$0x1C18] =	vst v0  }
0x1b6: {  	[tilespmem:$0x1C28] =	vst v0  }
0x1b7: {  	[tilespmem:$0x1C38] =	vst v0  }
0x1b8: {  	[tilespmem:$0x1C48] =	vst v0  }
0x1b9: {  	[tilespmem:$0x1C58] =	vst v0  }
0x1ba: {  	[tilespmem:$0x1C68] =	vst v0  }
0x1bb: {  	[tilespmem:$0x1C78] =	vst v0  }
0x1bc: {  	[tilespmem:$0x1C88] =	vst v0  }
0x1bd: {  	[tilespmem:$0x1C98] =	vst v0  }
0x1be: {  	[tilespmem:$0x1CA8] =	vst v0  }
0x1bf: {  	[tilespmem:$0x1CB8] =	vst v0  }
0x1c0: {  	[tilespmem:$0x1CC8] =	vst v0  }
0x1c1: {  	[tilespmem:$0x1CD8] =	vst v0  }
0x1c2: {  	[tilespmem:$0x1CE8] =	vst v0  }
0x1c3: {  	[tilespmem:$0x1CF8] =	vst v0  }
0x1c4: {  	[tilespmem:$0x1D08] =	vst v0  }
0x1c5: {  	[tilespmem:$0x1D18] =	vst v0  }
0x1c6: {  	[tilespmem:$0x1D28] =	vst v0  }
0x1c7: {  	[tilespmem:$0x1D38] =	vst v0  }
0x1c8: {  	[tilespmem:$0x1D48] =	vst v0  }
0x1c9: {  	[tilespmem:$0x1D58] =	vst v0  }
0x1ca: {  	[tilespmem:$0x1D68] =	vst v0  }
0x1cb: {  	[tilespmem:$0x1D78] =	vst v0  }
0x1cc: {  	[tilespmem:$0x1D88] =	vst v0  }
0x1cd: {  	[tilespmem:$0x1D98] =	vst v0  }
0x1ce: {  	[tilespmem:$0x1DA8] =	vst v0  }
0x1cf: {  	[tilespmem:$0x1DB8] =	vst v0  }
0x1d0: {  	[tilespmem:$0x1DC8] =	vst v0  }
0x1d1: {  	[tilespmem:$0x1DD8] =	vst v0  }
0x1d2: {  	[tilespmem:$0x1DE8] =	vst v0  }
0x1d3: {  	[tilespmem:$0x1DF8] =	vst v0  }
0x1d4: {  	[tilespmem:$0x1E08] =	vst v0  }
0x1d5: {  	[tilespmem:$0x1E18] =	vst v0  }
0x1d6: {  	[tilespmem:$0x1E28] =	vst v0  }
0x1d7: {  	[tilespmem:$0x1E38] =	vst v0  }
0x1d8: {  	[tilespmem:$0x1E48] =	vst v0  }
0x1d9: {  	[tilespmem:$0x1E58] =	vst v0  }
0x1da: {  	[tilespmem:$0x1E68] =	vst v0  }
0x1db: {  	[tilespmem:$0x1E78] =	vst v0  }
0x1dc: {  	[tilespmem:$0x1E88] =	vst v0  }
0x1dd: {  	[tilespmem:$0x1E98] =	vst v0  }
0x1de: {  	[tilespmem:$0x1EA8] =	vst v0  }
0x1df: {  	[tilespmem:$0x1EB8] =	vst v0  }
0x1e0: {  	[tilespmem:$0x1EC8] =	vst v0  }
0x1e1: {  	[tilespmem:$0x1ED8] =	vst v0  }
0x1e2: {  	[tilespmem:$0x1EE8] =	vst v0  }
0x1e3: {  	[tilespmem:$0x1EF8] =	vst v0  }
0x1e4: {  	[tilespmem:$0x1F08] =	vst v0  }
0x1e5: {  	[tilespmem:$0x1F18] =	vst v0  }
0x1e6: {  	[tilespmem:$0x1F28] =	vst v0  }
0x1e7: {  	[tilespmem:$0x1F38] =	vst v0  }
0x1e8: {  	[tilespmem:$0x1F48] =	vst v0  }
0x1e9: {  	[tilespmem:$0x1F58] =	vst v0  }
0x1ea: {  	[tilespmem:$0x1F68] =	vst v0  }
0x1eb: {  	[tilespmem:$0x1F78] =	vst v0  }
0x1ec: {  	[tilespmem:$0x1F88] =	vst v0  }
0x1ed: {  	[tilespmem:$0x1F98] =	vst v0  }
0x1ee: {  	[tilespmem:$0x1FA8] =	vst v0  }
0x1ef: {  	[tilespmem:$0x1FB8] =	vst v0  }
0x1f0: {  	[tilespmem:$0x1FC8] =	vst v0  }
0x1f1: {  	[tilespmem:$0x1FD8] =	vst v0  }
0x1f2: {  	[tilespmem:$0x1FE8] =	vst v0  }
0x1f3: {  	[tilespmem:$0x1FF8] =	vst v0  }
0x1f4: {  	[tilespmem:$0x2008] =	vst v0  }
0x1f5: {  	[tilespmem:$0x2018] =	vst v0  }
0x1f6: {  	[tilespmem:$0x2028] =	vst v0  }
0x1f7: {  	[tilespmem:$0x2038] =	vst v0  }
0x1f8: {  	[tilespmem:$0x2048] =	vst v0  }
0x1f9: {  	[tilespmem:$0x2058] =	vst v0  }
0x1fa: {  	[tilespmem:$0x2068] =	vst v0  }
0x1fb: {  	[tilespmem:$0x2078] =	vst v0  }
0x1fc: {  	[tilespmem:$0x2088] =	vst v0  }
0x1fd: {  	[tilespmem:$0x2098] =	vst v0  }
0x1fe: {  	[tilespmem:$0x20A8] =	vst v0  }
0x1ff: {  	[tilespmem:$0x20B8] =	vst v0  }
0x200: {  	[tilespmem:$0x20C8] =	vst v0  }
0x201: {  	[tilespmem:$0x20D8] =	vst v0  }
0x202: {  	[tilespmem:$0x20E8] =	vst v0  }
0x203: {  	[tilespmem:$0x20F8] =	vst v0  }
0x204: {  	[tilespmem:$0x2108] =	vst v0  }
0x205: {  	[tilespmem:$0x2118] =	vst v0  }
0x206: {  	[tilespmem:$0x2128] =	vst v0  }
0x207: {  	[tilespmem:$0x2138] =	vst v0  }
0x208: {  	[tilespmem:$0x2148] =	vst v0  }
0x209: {  	[tilespmem:$0x2158] =	vst v0  }
0x20a: {  	[tilespmem:$0x2168] =	vst v0  }
0x20b: {  	[tilespmem:$0x2178] =	vst v0  }
0x20c: {  	[tilespmem:$0x2188] =	vst v0  }
0x20d: {  	[tilespmem:$0x2198] =	vst v0  }
0x20e: {  	[tilespmem:$0x21A8] =	vst v0  }
0x20f: {  	[tilespmem:$0x21B8] =	vst v0  }
0x210: {  	[tilespmem:$0x21C8] =	vst v0  }
0x211: {  	[tilespmem:$0x21D8] =	vst v0  }
0x212: {  	[tilespmem:$0x21E8] =	vst v0  }
0x213: {  	[tilespmem:$0x21F8] =	vst v0  }
0x214: {  	[tilespmem:$0x2208] =	vst v0  }
0x215: {  	[tilespmem:$0x2218] =	vst v0  }
0x216: {  	[tilespmem:$0x2228] =	vst v0  }
0x217: {  	[tilespmem:$0x2238] =	vst v0  }
0x218: {  	[tilespmem:$0x2248] =	vst v0  }
0x219: {  	[tilespmem:$0x2258] =	vst v0  }
0x21a: {  	[tilespmem:$0x2268] =	vst v0  }
0x21b: {  	[tilespmem:$0x2278] =	vst v0  }
0x21c: {  	[tilespmem:$0x2288] =	vst v0  }
0x21d: {  	[tilespmem:$0x2298] =	vst v0  }
0x21e: {  	[tilespmem:$0x22A8] =	vst v0  }
0x21f: {  	[tilespmem:$0x22B8] =	vst v0  }
0x220: {  	[tilespmem:$0x22C8] =	vst v0  }
0x221: {  	[tilespmem:$0x22D8] =	vst v0  }
0x222: {  	[tilespmem:$0x22E8] =	vst v0  }
0x223: {  	[tilespmem:$0x22F8] =	vst v0  }
0x224: {  	[tilespmem:$0x2308] =	vst v0  }
0x225: {  	[tilespmem:$0x2318] =	vst v0  }
0x226: {  	[tilespmem:$0x2328] =	vst v0  }
0x227: {  	[tilespmem:$0x2338] =	vst v0  }
0x228: {  	[tilespmem:$0x2348] =	vst v0  }
0x229: {  	[tilespmem:$0x2358] =	vst v0  }
0x22a: {  	[tilespmem:$0x2368] =	vst v0  }
0x22b: {  	[tilespmem:$0x2378] =	vst v0  }
0x22c: {  	[tilespmem:$0x2388] =	vst v0  }
0x22d: {  	[tilespmem:$0x2398] =	vst v0  }
0x22e: {  	[tilespmem:$0x23A8] =	vst v0  }
0x22f: {  	[tilespmem:$0x23B8] =	vst v0  }
0x230: {  	[tilespmem:$0x23C8] =	vst v0  }
0x231: {  	[tilespmem:$0x23D8] =	vst v0  }
0x232: {  	[tilespmem:$0x23E8] =	vst v0  }
0x233: {  	[tilespmem:$0x23F8] =	vst v0  }
0x234: {  	[tilespmem:$0x2408] =	vst v0  }
0x235: {  	[tilespmem:$0x2418] =	vst v0  }
0x236: {  	[tilespmem:$0x2428] =	vst v0  }
0x237: {  	[tilespmem:$0x2438] =	vst v0  }
0x238: {  	[tilespmem:$0x2448] =	vst v0  }
0x239: {  	[tilespmem:$0x2458] =	vst v0  }
0x23a: {  	[tilespmem:$0x2468] =	vst v0  }
0x23b: {  	[tilespmem:$0x2478] =	vst v0  }
0x23c: {  	[tilespmem:$0x33A8] =	vst v0  }
0x23d: {  	[tilespmem:$0x33B8] =	vst v0  }
0x23e: {  	[tilespmem:$0x2488] =	vst v0  }
0x23f: {  	[tilespmem:$0x2498] =	vst v0  }
0x240: {  	[tilespmem:$0x24A8] =	vst v0  }
0x241: {  	[tilespmem:$0x24B8] =	vst v0  }
0x242: {  	[tilespmem:$0x24C8] =	vst v0  }
0x243: {  	[tilespmem:$0x24D8] =	vst v0  }
0x244: {  	[tilespmem:$0x24E8] =	vst v0  }
0x245: {  	[tilespmem:$0x24F8] =	vst v0  }
0x246: {  	[tilespmem:$0x2508] =	vst v0  }
0x247: {  	[tilespmem:$0x2518] =	vst v0  }
0x248: {  	[tilespmem:$0x2528] =	vst v0  }
0x249: {  	[tilespmem:$0x2538] =	vst v0  }
0x24a: {  	[tilespmem:$0x2548] =	vst v0  }
0x24b: {  	[tilespmem:$0x2558] =	vst v0  }
0x24c: {  	[tilespmem:$0x2568] =	vst v0  }
0x24d: {  	[tilespmem:$0x2578] =	vst v0  }
0x24e: {  	[tilespmem:$0x2588] =	vst v0  }
0x24f: {  	[tilespmem:$0x2598] =	vst v0  }
0x250: {  	[tilespmem:$0x25A8] =	vst v0  }
0x251: {  	[tilespmem:$0x25B8] =	vst v0  }
0x252: {  	[tilespmem:$0x25C8] =	vst v0  }
0x253: {  	[tilespmem:$0x25D8] =	vst v0  }
0x254: {  	[tilespmem:$0x25E8] =	vst v0  }
0x255: {  	[tilespmem:$0x25F8] =	vst v0  }
0x256: {  	[tilespmem:$0x2608] =	vst v0  }
0x257: {  	[tilespmem:$0x2618] =	vst v0  }
0x258: {  	[tilespmem:$0x2628] =	vst v0  }
0x259: {  	[tilespmem:$0x2638] =	vst v0  }
0x25a: {  	[tilespmem:$0x2648] =	vst v0  }
0x25b: {  	[tilespmem:$0x2658] =	vst v0  }
0x25c: {  	[tilespmem:$0x2668] =	vst v0  }
0x25d: {  	[tilespmem:$0x2678] =	vst v0  }
0x25e: {  	[tilespmem:$0x2688] =	vst v0  }
0x25f: {  	[tilespmem:$0x2698] =	vst v0  }
0x260: {  	[tilespmem:$0x26A8] =	vst v0  }
0x261: {  	[tilespmem:$0x26B8] =	vst v0  }
0x262: {  	[tilespmem:$0x26C8] =	vst v0  }
0x263: {  	[tilespmem:$0x26D8] =	vst v0  }
0x264: {  	[tilespmem:$0x26E8] =	vst v0  }
0x265: {  	[tilespmem:$0x26F8] =	vst v0  }
0x266: {  	[tilespmem:$0x2708] =	vst v0  }
0x267: {  	[tilespmem:$0x2718] =	vst v0  }
0x268: {  	[tilespmem:$0x2728] =	vst v0  }
0x269: {  	[tilespmem:$0x2738] =	vst v0  }
0x26a: {  	[tilespmem:$0x2748] =	vst v0  }
0x26b: {  	[tilespmem:$0x2758] =	vst v0  }
0x26c: {  	[tilespmem:$0x2768] =	vst v0  }
0x26d: {  	[tilespmem:$0x2778] =	vst v0  }
0x26e: {  	[tilespmem:$0x2788] =	vst v0  }
0x26f: {  	[tilespmem:$0x2798] =	vst v0  }
0x270: {  	[tilespmem:$0x27A8] =	vst v0  }
0x271: {  	[tilespmem:$0x27B8] =	vst v0  }
0x272: {  	[tilespmem:$0x27C8] =	vst v0  }
0x273: {  	[tilespmem:$0x27D8] =	vst v0  }
0x274: {  	[tilespmem:$0x27E8] =	vst v0  }
0x275: {  	[tilespmem:$0x27F8] =	vst v0  }
0x276: {  	[tilespmem:$0x2808] =	vst v0  }
0x277: {  	[tilespmem:$0x2818] =	vst v0  }
0x278: {  	[tilespmem:$0x2828] =	vst v0  }
0x279: {  	[tilespmem:$0x2838] =	vst v0  }
0x27a: {  	[tilespmem:$0x2848] =	vst v0  }
0x27b: {  	[tilespmem:$0x2858] =	vst v0  }
0x27c: {  	[tilespmem:$0x2868] =	vst v0  }
0x27d: {  	[tilespmem:$0x2878] =	vst v0  }
0x27e: {  	[tilespmem:$0x2888] =	vst v0  }
0x27f: {  	[tilespmem:$0x2898] =	vst v0  }
0x280: {  	[tilespmem:$0x28A8] =	vst v0  }
0x281: {  	[tilespmem:$0x28B8] =	vst v0  }
0x282: {  	[tilespmem:$0x28C8] =	vst v0  }
0x283: {  	[tilespmem:$0x28D8] =	vst v0  }
0x284: {  	[tilespmem:$0x28E8] =	vst v0  }
0x285: {  	[tilespmem:$0x28F8] =	vst v0  }
0x286: {  	[tilespmem:$0x2908] =	vst v0  }
0x287: {  	[tilespmem:$0x2918] =	vst v0  }
0x288: {  	[tilespmem:$0x2928] =	vst v0  }
0x289: {  	[tilespmem:$0x2938] =	vst v0  }
0x28a: {  	[tilespmem:$0x2948] =	vst v0  }
0x28b: {  	[tilespmem:$0x2958] =	vst v0  }
0x28c: {  	[tilespmem:$0x2968] =	vst v0  }
0x28d: {  	[tilespmem:$0x2978] =	vst v0  }
0x28e: {  	[tilespmem:$0x2988] =	vst v0  }
0x28f: {  	[tilespmem:$0x2998] =	vst v0  }
0x290: {  	[tilespmem:$0x29A8] =	vst v0  }
0x291: {  	[tilespmem:$0x29B8] =	vst v0  }
0x292: {  	[tilespmem:$0x29C8] =	vst v0  }
0x293: {  	[tilespmem:$0x29D8] =	vst v0  }
0x294: {  	[tilespmem:$0x29E8] =	vst v0  }
0x295: {  	[tilespmem:$0x29F8] =	vst v0  }
0x296: {  	[tilespmem:$0x2A08] =	vst v0  }
0x297: {  	[tilespmem:$0x2A18] =	vst v0  }
0x298: {  	[tilespmem:$0x2A28] =	vst v0  }
0x299: {  	[tilespmem:$0x2A38] =	vst v0  }
0x29a: {  	[tilespmem:$0x2A48] =	vst v0  }
0x29b: {  	[tilespmem:$0x2A58] =	vst v0  }
0x29c: {  	[tilespmem:$0x2A68] =	vst v0  }
0x29d: {  	[tilespmem:$0x2A78] =	vst v0  }
0x29e: {  	[tilespmem:$0x2A88] =	vst v0  }
0x29f: {  	[tilespmem:$0x2A98] =	vst v0  }
0x2a0: {  	[tilespmem:$0x2AA8] =	vst v0  }
0x2a1: {  	[tilespmem:$0x2AB8] =	vst v0  }
0x2a2: {  	[tilespmem:$0x2AC8] =	vst v0  }
0x2a3: {  	[tilespmem:$0x2AD8] =	vst v0  }
0x2a4: {  	[tilespmem:$0x2AE8] =	vst v0  }
0x2a5: {  	[tilespmem:$0x2AF8] =	vst v0  }
0x2a6: {  	[tilespmem:$0x2B08] =	vst v0  }
0x2a7: {  	[tilespmem:$0x2B18] =	vst v0  }
0x2a8: {  	[tilespmem:$0x2B28] =	vst v0  }
0x2a9: {  	[tilespmem:$0x2B38] =	vst v0  }
0x2aa: {  	[tilespmem:$0x2B48] =	vst v0  }
0x2ab: {  	[tilespmem:$0x2B58] =	vst v0  }
0x2ac: {  	[tilespmem:$0x2B68] =	vst v0  }
0x2ad: {  	[tilespmem:$0x2B78] =	vst v0  }
0x2ae: {  	[tilespmem:$0x2B88] =	vst v0  }
0x2af: {  	[tilespmem:$0x2B98] =	vst v0  }
0x2b0: {  	[tilespmem:$0x2BA8] =	vst v0  }
0x2b1: {  	[tilespmem:$0x2BB8] =	vst v0  }
0x2b2: {  	[tilespmem:$0x2BC8] =	vst v0  }
0x2b3: {  	[tilespmem:$0x2BD8] =	vst v0  }
0x2b4: {  	[tilespmem:$0x2BE8] =	vst v0  }
0x2b5: {  	[tilespmem:$0x2BF8] =	vst v0  }
0x2b6: {  	[tilespmem:$0x2C08] =	vst v0  }
0x2b7: {  	[tilespmem:$0x2C18] =	vst v0  }
0x2b8: {  	[tilespmem:$0x2C28] =	vst v0  }
0x2b9: {  	[tilespmem:$0x2C38] =	vst v0  }
0x2ba: {  	[tilespmem:$0x2C48] =	vst v0  }
0x2bb: {  	[tilespmem:$0x2C58] =	vst v0  }
0x2bc: {  	[tilespmem:$0x2C68] =	vst v0  }
0x2bd: {  	[tilespmem:$0x2C78] =	vst v0  }
0x2be: {  	[tilespmem:$0x2C88] =	vst v0  }
0x2bf: {  	[tilespmem:$0x2C98] =	vst v0  }
0x2c0: {  	[tilespmem:$0x2CA8] =	vst v0  }
0x2c1: {  	[tilespmem:$0x2CB8] =	vst v0  }
0x2c2: {  	[tilespmem:$0x2CC8] =	vst v0  }
0x2c3: {  	[tilespmem:$0x2CD8] =	vst v0  }
0x2c4: {  	[tilespmem:$0x2CE8] =	vst v0  }
0x2c5: {  	[tilespmem:$0x2CF8] =	vst v0  }
0x2c6: {  	[tilespmem:$0x2D08] =	vst v0  }
0x2c7: {  	[tilespmem:$0x2D18] =	vst v0  }
0x2c8: {  	[tilespmem:$0x2D28] =	vst v0  }
0x2c9: {  	[tilespmem:$0x2D38] =	vst v0  }
0x2ca: {  	[tilespmem:$0x2D48] =	vst v0  }
0x2cb: {  	[tilespmem:$0x2D58] =	vst v0  }
0x2cc: {  	[tilespmem:$0x2D68] =	vst v0  }
0x2cd: {  	[tilespmem:$0x2D78] =	vst v0  }
0x2ce: {  	[tilespmem:$0x2D88] =	vst v0  }
0x2cf: {  	[tilespmem:$0x2D98] =	vst v0  }
0x2d0: {  	[tilespmem:$0x2DA8] =	vst v0  }
0x2d1: {  	[tilespmem:$0x2DB8] =	vst v0  }
0x2d2: {  	[tilespmem:$0x2DC8] =	vst v0  }
0x2d3: {  	[tilespmem:$0x2DD8] =	vst v0  }
0x2d4: {  	[tilespmem:$0x2DE8] =	vst v0  }
0x2d5: {  	[tilespmem:$0x2DF8] =	vst v0  }
0x2d6: {  	[tilespmem:$0x2E08] =	vst v0  }
0x2d7: {  	[tilespmem:$0x2E18] =	vst v0  }
0x2d8: {  	[tilespmem:$0x2E28] =	vst v0  }
0x2d9: {  	[tilespmem:$0x2E38] =	vst v0  }
0x2da: {  	[tilespmem:$0x2E48] =	vst v0  }
0x2db: {  	[tilespmem:$0x2E58] =	vst v0  }
0x2dc: {  	[tilespmem:$0x2E68] =	vst v0  }
0x2dd: {  	[tilespmem:$0x2E78] =	vst v0  }
0x2de: {  	[tilespmem:$0x2E88] =	vst v0  }
0x2df: {  	[tilespmem:$0x2E98] =	vst v0  }
0x2e0: {  	[tilespmem:$0x2EA8] =	vst v0  }
0x2e1: {  	[tilespmem:$0x2EB8] =	vst v0  }
0x2e2: {  	[tilespmem:$0x2EC8] =	vst v0  }
0x2e3: {  	[tilespmem:$0x2ED8] =	vst v0  }
0x2e4: {  	[tilespmem:$0x2EE8] =	vst v0  }
0x2e5: {  	[tilespmem:$0x2EF8] =	vst v0  }
0x2e6: {  	[tilespmem:$0x2F08] =	vst v0  }
0x2e7: {  	[tilespmem:$0x2F18] =	vst v0  }
0x2e8: {  	[tilespmem:$0x2F28] =	vst v0  }
0x2e9: {  	[tilespmem:$0x2F38] =	vst v0  }
0x2ea: {  	[tilespmem:$0x2F48] =	vst v0  }
0x2eb: {  	[tilespmem:$0x2F58] =	vst v0  }
0x2ec: {  	[tilespmem:$0x2F68] =	vst v0  }
0x2ed: {  	[tilespmem:$0x2F78] =	vst v0  }
0x2ee: {  	[tilespmem:$0x2F88] =	vst v0  }
0x2ef: {  	[tilespmem:$0x2F98] =	vst v0  }
0x2f0: {  	[tilespmem:$0x2FA8] =	vst v0  }
0x2f1: {  	[tilespmem:$0x2FB8] =	vst v0  }
0x2f2: {  	[tilespmem:$0x2FC8] =	vst v0  }
0x2f3: {  	[tilespmem:$0x2FD8] =	vst v0  }
0x2f4: {  	[tilespmem:$0x2FE8] =	vst v0  }
0x2f5: {  	[tilespmem:$0x2FF8] =	vst v0  }
0x2f6: {  	[tilespmem:$0x3008] =	vst v0  }
0x2f7: {  	[tilespmem:$0x3018] =	vst v0  }
0x2f8: {  	[tilespmem:$0x3028] =	vst v0  }
0x2f9: {  	[tilespmem:$0x3038] =	vst v0  }
0x2fa: {  	[tilespmem:$0x3048] =	vst v0  }
0x2fb: {  	[tilespmem:$0x3058] =	vst v0  }
0x2fc: {  	[tilespmem:$0x3068] =	vst v0  }
0x2fd: {  	[tilespmem:$0x3078] =	vst v0  }
0x2fe: {  	[tilespmem:$0x3088] =	vst v0  }
0x2ff: {  	[tilespmem:$0x3098] =	vst v0  }
0x300: {  	[tilespmem:$0x30A8] =	vst v0  }
0x301: {  	[tilespmem:$0x30B8] =	vst v0  }
0x302: {  	[tilespmem:$0x30C8] =	vst v0  }
0x303: {  	[tilespmem:$0x30D8] =	vst v0  }
0x304: {  	[tilespmem:$0x30E8] =	vst v0  }
0x305: {  	[tilespmem:$0x30F8] =	vst v0  }
0x306: {  	[tilespmem:$0x3108] =	vst v0  }
0x307: {  	[tilespmem:$0x3118] =	vst v0  }
0x308: {  	[tilespmem:$0x3128] =	vst v0  }
0x309: {  	[tilespmem:$0x3138] =	vst v0  }
0x30a: {  	[tilespmem:$0x3148] =	vst v0  }
0x30b: {  	[tilespmem:$0x3158] =	vst v0  }
0x30c: {  	[tilespmem:$0x3168] =	vst v0  }
0x30d: {  	[tilespmem:$0x3178] =	vst v0  }
0x30e: {  	[tilespmem:$0x3188] =	vst v0  }
0x30f: {  	[tilespmem:$0x3198] =	vst v0  }
0x310: {  	[tilespmem:$0x31A8] =	vst v0  }
0x311: {  	[tilespmem:$0x31B8] =	vst v0  }
0x312: {  	[tilespmem:$0x31C8] =	vst v0  }
0x313: {  	[tilespmem:$0x31D8] =	vst v0  }
0x314: {  	[tilespmem:$0x31E8] =	vst v0  }
0x315: {  	[tilespmem:$0x31F8] =	vst v0  }
0x316: {  	[tilespmem:$0x3208] =	vst v0  }
0x317: {  	[tilespmem:$0x3218] =	vst v0  }
0x318: {  	[tilespmem:$0x3228] =	vst v0  }
0x319: {  	[tilespmem:$0x3238] =	vst v0  }
0x31a: {  	[tilespmem:$0x3248] =	vst v0  }
0x31b: {  	[tilespmem:$0x3258] =	vst v0  }
0x31c: {  	[tilespmem:$0x3268] =	vst v0  }
0x31d: {  	[tilespmem:$0x3278] =	vst v0  }
0x31e: {  	[tilespmem:$0x3288] =	vst v0  }
0x31f: {  	[tilespmem:$0x3298] =	vst v0  }
0x320: {  	[tilespmem:$0x32A8] =	vst v0  }
0x321: {  	[tilespmem:$0x32B8] =	vst v0  }
0x322: {  	[tilespmem:$0x32C8] =	vst v0  }
0x323: {  	[tilespmem:$0x32D8] =	vst v0  }
0x324: {  	[tilespmem:$0x32E8] =	vst v0  }
0x325: {  	[tilespmem:$0x32F8] =	vst v0  }
0x326: {  	[tilespmem:$0x3308] =	vst v0  }
0x327: {  	[tilespmem:$0x3318] =	vst v0  }
0x328: {  	[tilespmem:$0x3328] =	vst v0  }
0x329: {  	[tilespmem:$0x3338] =	vst v0  }
0x32a: {  	[tilespmem:$0x3348] =	vst v0  }
0x32b: {  	[tilespmem:$0x3358] =	vst v0  }
0x32c: {  	[tilespmem:$0x3368] =	vst v0  }
0x32d: {  	[tilespmem:$0x3378] =	vst v0  }
0x32e: {  	[tilespmem:$0x3388] =	vst v0  }
0x32f: {  	[tilespmem:$0x3398] =	vst v0  }
0x330: {  	[tilespmem:$0x33C8] =	vst v0  }
0x331: {  	[tilespmem:$0x33D8] =	vst v0  }
0x332: {  	[tilespmem:$0x33E8] =	vst v0  }
0x333: {  	[tilespmem:$0x33F8] =	vst v0  }
0x334: {  	[tilespmem:$0x3408] =	vst v0  }
0x335: {  	[tilespmem:$0x3418] =	vst v0  }
0x336: {  	[tilespmem:$0x3428] =	vst v0  }
0x337: {  	[tilespmem:$0x3438] =	vst v0  }
0x338: {  	[tilespmem:$0x3448] =	vst v0  }
0x339: {  	[tilespmem:$0x3458] =	vst v0  }
0x33a: {  	[tilespmem:$0x3468] =	vst v0  }
0x33b: {  	[tilespmem:$0x3478] =	vst v0  }
0x33c: {  	[tilespmem:$0x3488] =	vst v0  }
0x33d: {  	[tilespmem:$0x3498] =	vst v0  }
0x33e: {  	[tilespmem:$0x34A8] =	vst v0  }
0x33f: {  	[tilespmem:$0x34B8] =	vst v0  }
0x340: {  	[tilespmem:$0x34C8] =	vst v0  }
0x341: {  	[tilespmem:$0x34D8] =	vst v0  }
0x342: {  	[tilespmem:$0x34E8] =	vst v0  }
0x343: {  	[tilespmem:$0x34F8] =	vst v0  }
0x344: {  	[tilespmem:$0x3508] =	vst v0  }
0x345: {  	[tilespmem:$0x3518] =	vst v0  }
0x346: {  	[tilespmem:$0x3528] =	vst v0  }
0x347: {  	[tilespmem:$0x3538] =	vst v0  }
0x348: {  	[tilespmem:$0x3548] =	vst v0  }
0x349: {  	[tilespmem:$0x3558] =	vst v0  }
0x34a: {  	[tilespmem:$0x3568] =	vst v0  }
0x34b: {  	[tilespmem:$0x3578] =	vst v0  }
0x34c: {  	[tilespmem:$0x3588] =	vst v0  }
0x34d: {  	[tilespmem:$0x3598] =	vst v0  }
0x34e: {  	[tilespmem:$0x35A8] =	vst v0  }
0x34f: {  	[tilespmem:$0x35B8] =	vst v0  }
0x350: {  	[tilespmem:$0x35C8] =	vst v0  }
0x351: {  	[tilespmem:$0x35D8] =	vst v0  }
0x352: {  	[tilespmem:$0x35E8] =	vst v0  }
0x353: {  	[tilespmem:$0x35F8] =	vst v0  }
0x354: {  	[tilespmem:$0x3608] =	vst v0  }
0x355: {  	[tilespmem:$0x3618] =	vst v0  }
0x356: {  	[tilespmem:$0x3628] =	vst v0  }
0x357: {  	[tilespmem:$0x3638] =	vst v0  }
0x358: {  	[tilespmem:$0x3648] =	vst v0  }
0x359: {  	[tilespmem:$0x3658] =	vst v0  }
0x35a: {  	[tilespmem:$0x3668] =	vst v0  }
0x35b: {  	[tilespmem:$0x3678] =	vst v0  }
0x35c: {  	[tilespmem:$0x3688] =	vst v0  }
0x35d: {  	[tilespmem:$0x3698] =	vst v0  }
0x35e: {  	[tilespmem:$0x36A8] =	vst v0  }
0x35f: {  	[tilespmem:$0x36B8] =	vst v0  }
0x360: {  	[tilespmem:$0x36C8] =	vst v0  }
0x361: {  	[tilespmem:$0x36D8] =	vst v0  }
0x362: {  	[tilespmem:$0x36E8] =	vst v0  }
0x363: {  	[tilespmem:$0x36F8] =	vst v0  }
0x364: {  	[tilespmem:$0x3708] =	vst v0  }
0x365: {  	[tilespmem:$0x3718] =	vst v0  }
0x366: {  	[tilespmem:$0x3728] =	vst v0  }
0x367: {  	[tilespmem:$0x3738] =	vst v0  }
0x368: {  	[tilespmem:$0x3748] =	vst v0  }
0x369: {  	[tilespmem:$0x3758] =	vst v0  }
0x36a: {  	[tilespmem:$0x3768] =	vst v0  }
0x36b: {  	[tilespmem:$0x3778] =	vst v0  }
0x36c: {  	[tilespmem:$0x3788] =	vst v0  }
0x36d: {  	[tilespmem:$0x3798] =	vst v0  }
0x36e: {  	[tilespmem:$0x37A8] =	vst v0  }
0x36f: {  	[tilespmem:$0x37B8] =	vst v0  }
0x370: {  	[tilespmem:$0x37C8] =	vst v0  }
0x371: {  	[tilespmem:$0x37D8] =	vst v0  }
0x372: {  	[tilespmem:$0x37E8] =	vst v0  }
0x373: {  	[tilespmem:$0x37F8] =	vst v0  }
0x374: {  	[tilespmem:$0x3808] =	vst v0  }
0x375: {  	[tilespmem:$0x3818] =	vst v0  }
0x376: {  	[tilespmem:$0x3828] =	vst v0  }
0x377: {  	[tilespmem:$0x3838] =	vst v0  }
0x378: {  	[tilespmem:$0x3848] =	vst v0  }
0x379: {  	[tilespmem:$0x3858] =	vst v0  }
0x37a: {  	[tilespmem:$0x3868] =	vst v0  }
0x37b: {  	[tilespmem:$0x3878] =	vst v0  }
0x37c: {  	[tilespmem:$0x3888] =	vst v0  }
0x37d: {  	[tilespmem:$0x3898] =	vst v0  }
0x37e: {  	[tilespmem:$0x38A8] =	vst v0  }
0x37f: {  	[tilespmem:$0x38B8] =	vst v0  }
0x380: {  	[tilespmem:$0x38C8] =	vst v0  }
0x381: {  	[tilespmem:$0x38D8] =	vst v0  }
0x382: {  	[tilespmem:$0x38E8] =	vst v0  }
0x383: {  	[tilespmem:$0x38F8] =	vst v0  }
0x384: {  	[tilespmem:$0x3908] =	vst v0  }
0x385: {  	[tilespmem:$0x3918] =	vst v0  }
0x386: {  	[tilespmem:$0x3928] =	vst v0  }
0x387: {  	[tilespmem:$0x3938] =	vst v0  }
0x388: {  	[tilespmem:$0x3948] =	vst v0  }
0x389: {  	[tilespmem:$0x3958] =	vst v0  }
0x38a: {  	[tilespmem:$0x3968] =	vst v0  }
0x38b: {  	[tilespmem:$0x3978] =	vst v0  }
0x38c: {  	[tilespmem:$0x3988] =	vst v0  }
0x38d: {  	[tilespmem:$0x3998] =	vst v0  }
0x38e: {  	[tilespmem:$0x39A8] =	vst v0  }
0x38f: {  	[tilespmem:$0x39B8] =	vst v0  }
0x390: {  	[tilespmem:$0x39C8] =	vst v0  }
0x391: {  	[tilespmem:$0x39D8] =	vst v0  }
0x392: {  	[tilespmem:$0x39E8] =	vst v0  }
0x393: {  	[tilespmem:$0x39F8] =	vst v0  }
0x394: {  	[tilespmem:$0x3A08] =	vst v0  }
0x395: {  	[tilespmem:$0x3A18] =	vst v0  }
0x396: {  	[tilespmem:$0x3A28] =	vst v0  }
0x397: {  	[tilespmem:$0x3A38] =	vst v0  }
0x398: {  	[tilespmem:$0x3A48] =	vst v0  }
0x399: {  	[tilespmem:$0x3A58] =	vst v0  }
0x39a: {  	[tilespmem:$0x3A68] =	vst v0  }
0x39b: {  	[tilespmem:$0x3A78] =	vst v0  }
0x39c: {  	[tilespmem:$0x3A88] =	vst v0  }
0x39d: {  	[tilespmem:$0x3A98] =	vst v0  }
0x39e: {  	[tilespmem:$0x3AA8] =	vst v0  }
0x39f: {  	[tilespmem:$0x3AB8] =	vst v0  }
0x3a0: {  	[tilespmem:$0x3AC8] =	vst v0  }
0x3a1: {  	[tilespmem:$0x3AD8] =	vst v0  }
0x3a2: {  	[tilespmem:$0x3AE8] =	vst v0  }
0x3a3: {  	[tilespmem:$0x3AF8] =	vst v0  }
0x3a4: {  	[tilespmem:$0x3B08] =	vst v0  }
0x3a5: {  	[tilespmem:$0x3B18] =	vst v0  }
0x3a6: {  	[tilespmem:$0x3B28] =	vst v0  }
0x3a7: {  	[tilespmem:$0x3B38] =	vst v0  }
0x3a8: {  	[tilespmem:$0x3B48] =	vst v0  }
0x3a9: {  	[tilespmem:$0x3B58] =	vst v0  }
0x3aa: {  	[tilespmem:$0x3B68] =	vst v0  }
0x3ab: {  	[tilespmem:$0x3B78] =	vst v0  }
0x3ac: {  	[tilespmem:$0x3B88] =	vst v0  }
0x3ad: {  	[tilespmem:$0x3B98] =	vst v0  }
0x3ae: {  	[tilespmem:$0x3BA8] =	vst v0  }
0x3af: {  	[tilespmem:$0x3BB8] =	vst v0  }
0x3b0: {  	[tilespmem:$0x3BC8] =	vst v0  }
0x3b1: {  	[tilespmem:$0x3BD8] =	vst v0  }
0x3b2: {  	[tilespmem:$0x3BE8] =	vst v0  }
0x3b3: {  	[tilespmem:$0x3BF8] =	vst v0  }
0x3b4: {  	[tilespmem:$0x3C08] =	vst v0  }
0x3b5: {  	[tilespmem:$0x3C18] =	vst v0  }
0x3b6: {  	[tilespmem:$0x3C28] =	vst v0  }
0x3b7: {  	[tilespmem:$0x3C38] =	vst v0  }
0x3b8: {  	[tilespmem:$0x3C48] =	vst v0  }
0x3b9: {  	[tilespmem:$0x3C58] =	vst v0  }
0x3ba: {  	[tilespmem:$0x3C68] =	vst v0  }
0x3bb: {  	[tilespmem:$0x3C78] =	vst v0  }
0x3bc: {  	[tilespmem:$0x3C88] =	vst v0  }
0x3bd: {  	[tilespmem:$0x3C98] =	vst v0  }
0x3be: {  	[tilespmem:$0x3CA8] =	vst v0  }
0x3bf: {  	[tilespmem:$0x3CB8] =	vst v0  }
0x3c0: {  	[tilespmem:$0x3CC8] =	vst v0  }
0x3c1: {  	[tilespmem:$0x3CD8] =	vst v0  }
0x3c2: {  	[tilespmem:$0x3CE8] =	vst v0  }
0x3c3: {  	[tilespmem:$0x3CF8] =	vst v0  }
0x3c4: {  	[tilespmem:$0x3D08] =	vst v0  }
0x3c5: {  	[tilespmem:$0x3D18] =	vst v0  }
0x3c6: {  	[tilespmem:$0x3D28] =	vst v0  }
0x3c7: {  	[tilespmem:$0x3D38] =	vst v0  }
0x3c8: {  	[tilespmem:$0x3D48] =	vst v0  }
0x3c9: {  	[tilespmem:$0x3D58] =	vst v0  }
0x3ca: {  	[tilespmem:$0x3D68] =	vst v0  }
0x3cb: {  	[tilespmem:$0x3D78] =	vst v0  }
0x3cc: {  	[tilespmem:$0x3D88] =	vst v0  }
0x3cd: {  	[tilespmem:$0x3D98] =	vst v0  }
0x3ce: {  	[tilespmem:$0x3DA8] =	vst v0  }
0x3cf: {  	[tilespmem:$0x3DB8] =	vst v0  }
0x3d0: {  	[tilespmem:$0x3DC8] =	vst v0  }
0x3d1: {  	[tilespmem:$0x3DD8] =	vst v0  }
0x3d2: {  	[tilespmem:$0x3DE8] =	vst v0  }
0x3d3: {  	[tilespmem:$0x3DF8] =	vst v0  }
0x3d4: {  	[tilespmem:$0x3E08] =	vst v0  }
0x3d5: {  	[tilespmem:$0x3E18] =	vst v0  }
0x3d6: {  	[tilespmem:$0x3E28] =	vst v0  }
0x3d7: {  	[tilespmem:$0x3E38] =	vst v0  }
0x3d8: {  	[tilespmem:$0x3E48] =	vst v0  }
0x3d9: {  	[tilespmem:$0x3E58] =	vst v0  }
0x3da: {  	[tilespmem:$0x3E68] =	vst v0  }
0x3db: {  	[tilespmem:$0x3E78] =	vst v0  }
0x3dc: {  	[tilespmem:$0x3E88] =	vst v0  }
0x3dd: {  	[tilespmem:$0x3E98] =	vst v0  }
0x3de: {  	[tilespmem:$0x3EA8] =	vst v0  }
0x3df: {  	[tilespmem:$0x3EB8] =	vst v0  }
0x3e0: {  	[tilespmem:$0x3EC8] =	vst v0  }
0x3e1: {  	[tilespmem:$0x3ED8] =	vst v0  }
0x3e2: {  	[tilespmem:$0x3EE8] =	vst v0  }
0x3e3: {  	[tilespmem:$0x3EF8] =	vst v0  }
0x3e4: {  	[tilespmem:$0x3F08] =	vst v0  }
0x3e5: {  	[tilespmem:$0x3F18] =	vst v0  }
0x3e6: {  	[tilespmem:$0x3F28] =	vst v0  }
0x3e7: {  	[tilespmem:$0x3F38] =	vst v0  }
0x3e8: {  	[tilespmem:$0x3F48] =	vst v0  }
0x3e9: {  	[tilespmem:$0x3F58] =	vst v0  }
0x3ea: {  	[tilespmem:$0x3F68] =	vst v0  }
0x3eb: {  	[tilespmem:$0x3F78] =	vst v0  }
0x3ec: {  	[tilespmem:$0x3F88] =	vst v0  }
0x3ed: {  	[tilespmem:$0x3F98] =	vst v0  }
0x3ee: {  	[tilespmem:$0x3FA8] =	vst v0  }
0x3ef: {  	[tilespmem:$0x3FB8] =	vst v0  }
0x3f0: {  	[tilespmem:$0x3FC8] =	vst v0  }
0x3f1: {  	[tilespmem:$0x3FD8] =	vst v0  }
0x3f2: {  	[tilespmem:$0x3FE8] =	vst v0  }
0x3f3: {  	[tilespmem:$0x3FF8] =	vst v0  }
0x3f4: {  	[tilespmem:$0x4008] =	vst v0  }
0x3f5: {  	[tilespmem:$0x4018] =	vst v0  }
0x3f6: {  	[tilespmem:$0x4028] =	vst v0  }
0x3f7: {  	[tilespmem:$0x4038] =	vst v0  }
0x3f8: {  	[tilespmem:$0x4048] =	vst v0  }
0x3f9: {  	[tilespmem:$0x4058] =	vst v0  }
0x3fa: {  	[tilespmem:$0x4068] =	vst v0  }
0x3fb: {  	[tilespmem:$0x4078] =	vst v0  }
0x3fc: {  	[tilespmem:$0x4088] =	vst v0  }
0x3fd: {  	[tilespmem:$0x4098] =	vst v0  }
0x3fe: {  	[tilespmem:$0x40A8] =	vst v0  }
0x3ff: {  	[tilespmem:$0x40B8] =	vst v0  }
0x400: {  	[tilespmem:$0x40C8] =	vst v0  }
0x401: {  	[tilespmem:$0x40D8] =	vst v0  }
0x402: {  	[tilespmem:$0x40E8] =	vst v0  }
0x403: {  	[tilespmem:$0x40F8] =	vst v0  }
0x404: {  	[tilespmem:$0x4108] =	vst v0  }
0x405: {  	[tilespmem:$0x4118] =	vst v0  }
0x406: {  	[tilespmem:$0x4128] =	vst v0  }
0x407: {  	[tilespmem:$0x4138] =	vst v0  }
0x408: {  	[tilespmem:$0x4148] =	vst v0  }
0x409: {  	[tilespmem:$0x4158] =	vst v0  }
0x40a: {  	[tilespmem:$0x4168] =	vst v0  }
0x40b: {  	[tilespmem:$0x4178] =	vst v0  }
0x40c: {  	[tilespmem:$0x4188] =	vst v0  }
0x40d: {  	[tilespmem:$0x4198] =	vst v0  }
0x40e: {  	[tilespmem:$0x41A8] =	vst v0  }
0x40f: {  	[tilespmem:$0x41B8] =	vst v0  }
0x410: {  	[tilespmem:$0x41C8] =	vst v0  }
0x411: {  	[tilespmem:$0x41D8] =	vst v0  }
0x412: {  	[tilespmem:$0x41E8] =	vst v0  }
0x413: {  	[tilespmem:$0x41F8] =	vst v0  }
0x414: {  	[tilespmem:$0x4208] =	vst v0  }
0x415: {  	[tilespmem:$0x4218] =	vst v0  }
0x416: {  	[tilespmem:$0x4228] =	vst v0  }
0x417: {  	[tilespmem:$0x4238] =	vst v0  }
0x418: {  	[tilespmem:$0x4248] =	vst v0  }
0x419: {  	[tilespmem:$0x4258] =	vst v0  }
0x41a: {  	[tilespmem:$0x4268] =	vst v0  }
0x41b: {  	[tilespmem:$0x4278] =	vst v0  }
0x41c: {  	[tilespmem:$0x4288] =	vst v0  }
0x41d: {  	[tilespmem:$0x4298] =	vst v0  }
0x41e: {  	[tilespmem:$0x42A8] =	vst v0  }
0x41f: {  	[tilespmem:$0x42B8] =	vst v0  }
0x420: {  	[tilespmem:$0x42C8] =	vst v0  }
0x421: {  	[tilespmem:$0x42D8] =	vst v0  }
0x422: {  	[tilespmem:$0x42E8] =	vst v0  }
0x423: {  	[tilespmem:$0x42F8] =	vst v0  }
0x424: {  	[tilespmem:$0x4308] =	vst v0  }
0x425: {  	[tilespmem:$0x4318] =	vst v0  }
0x426: {  	[tilespmem:$0x4328] =	vst v0  }
0x427: {  	[tilespmem:$0x4338] =	vst v0  }
0x428: {  	[tilespmem:$0x4348] =	vst v0  }
0x429: {  	[tilespmem:$0x4358] =	vst v0  }
0x42a: {  	[tilespmem:$0x4368] =	vst v0  }
0x42b: {  	[tilespmem:$0x4378] =	vst v0  }
0x42c: {  	[tilespmem:$0x4388] =	vst v0  }
0x42d: {  	[tilespmem:$0x4398] =	vst v0  }
0x42e: {  	[tilespmem:$0x43A8] =	vst v0  }
0x42f: {  	[tilespmem:$0x43B8] =	vst v0  }
0x430: {  	[tilespmem:$0x4478] =	vst v0  }
0x431: {  	[tilespmem:$0x52A8] =	vst v0  }
0x432: {  	[tilespmem:$0x5298] =	vst v0  }
0x433: {  	[tilespmem:$0x4408] =	vst v0  }
0x434: {  	[tilespmem:$0x5288] =	vst v0  }
0x435: {  	[tilespmem:$0x5278] =	vst v0  }
0x436: {  	[tilespmem:$0x5268] =	vst v0  }
0x437: {  	[tilespmem:$0x5258] =	vst v0  }
0x438: {  	[tilespmem:$0x5248] =	vst v0  }
0x439: {  	[tilespmem:$0x5238] =	vst v0  }
0x43a: {  	[tilespmem:$0x5228] =	vst v0  }
0x43b: {  	[tilespmem:$0x5218] =	vst v0  }
0x43c: {  	[tilespmem:$0x5208] =	vst v0  }
0x43d: {  	[tilespmem:$0x51F8] =	vst v0  }
0x43e: {  	[tilespmem:$0x51E8] =	vst v0  }
0x43f: {  	[tilespmem:$0x51D8] =	vst v0  }
0x440: {  	[tilespmem:$0x51C8] =	vst v0  }
0x441: {  	[tilespmem:$0x51B8] =	vst v0  }
0x442: {  	[tilespmem:$0x51A8] =	vst v0  }
0x443: {  	[tilespmem:$0x5198] =	vst v0  }
0x444: {  	[tilespmem:$0x5188] =	vst v0  }
0x445: {  	[tilespmem:$0x5178] =	vst v0  }
0x446: {  	[tilespmem:$0x5168] =	vst v0  }
0x447: {  	[tilespmem:$0x5158] =	vst v0  }
0x448: {  	[tilespmem:$0x5148] =	vst v0  }
0x449: {  	[tilespmem:$0x5138] =	vst v0  }
0x44a: {  	[tilespmem:$0x5128] =	vst v0  }
0x44b: {  	[tilespmem:$0x5118] =	vst v0  }
0x44c: {  	[tilespmem:$0x5108] =	vst v0  }
0x44d: {  	[tilespmem:$0x50F8] =	vst v0  }
0x44e: {  	[tilespmem:$0x50E8] =	vst v0  }
0x44f: {  	[tilespmem:$0x50D8] =	vst v0  }
0x450: {  	[tilespmem:$0x50C8] =	vst v0  }
0x451: {  	[tilespmem:$0x50B8] =	vst v0  }
0x452: {  	[tilespmem:$0x50A8] =	vst v0  }
0x453: {  	[tilespmem:$0x5098] =	vst v0  }
0x454: {  	[tilespmem:$0x5088] =	vst v0  }
0x455: {  	[tilespmem:$0x5078] =	vst v0  }
0x456: {  	[tilespmem:$0x5068] =	vst v0  }
0x457: {  	[tilespmem:$0x5058] =	vst v0  }
0x458: {  	[tilespmem:$0x5048] =	vst v0  }
0x459: {  	[tilespmem:$0x5038] =	vst v0  }
0x45a: {  	[tilespmem:$0x5028] =	vst v0  }
0x45b: {  	[tilespmem:$0x5018] =	vst v0  }
0x45c: {  	[tilespmem:$0x5008] =	vst v0  }
0x45d: {  	[tilespmem:$0x4FF8] =	vst v0  }
0x45e: {  	[tilespmem:$0x4FE8] =	vst v0  }
0x45f: {  	[tilespmem:$0x4FD8] =	vst v0  }
0x460: {  	[tilespmem:$0x4FC8] =	vst v0  }
0x461: {  	[tilespmem:$0x4FB8] =	vst v0  }
0x462: {  	[tilespmem:$0x4FA8] =	vst v0  }
0x463: {  	[tilespmem:$0x4F98] =	vst v0  }
0x464: {  	[tilespmem:$0x4F88] =	vst v0  }
0x465: {  	[tilespmem:$0x4F78] =	vst v0  }
0x466: {  	[tilespmem:$0x4F68] =	vst v0  }
0x467: {  	[tilespmem:$0x4F58] =	vst v0  }
0x468: {  	[tilespmem:$0x4F48] =	vst v0  }
0x469: {  	[tilespmem:$0x4F38] =	vst v0  }
0x46a: {  	[tilespmem:$0x4F28] =	vst v0  }
0x46b: {  	[tilespmem:$0x4F18] =	vst v0  }
0x46c: {  	[tilespmem:$0x4F08] =	vst v0  }
0x46d: {  	[tilespmem:$0x4EF8] =	vst v0  }
0x46e: {  	[tilespmem:$0x4EE8] =	vst v0  }
0x46f: {  	[tilespmem:$0x4ED8] =	vst v0  }
0x470: {  	[tilespmem:$0x4EC8] =	vst v0  }
0x471: {  	[tilespmem:$0x4EB8] =	vst v0  }
0x472: {  	[tilespmem:$0x4EA8] =	vst v0  }
0x473: {  	[tilespmem:$0x4E98] =	vst v0  }
0x474: {  	[tilespmem:$0x4E88] =	vst v0  }
0x475: {  	[tilespmem:$0x4E78] =	vst v0  }
0x476: {  	[tilespmem:$0x4E68] =	vst v0  }
0x477: {  	[tilespmem:$0x4E58] =	vst v0  }
0x478: {  	[tilespmem:$0x4E48] =	vst v0  }
0x479: {  	[tilespmem:$0x4E38] =	vst v0  }
0x47a: {  	[tilespmem:$0x4E28] =	vst v0  }
0x47b: {  	[tilespmem:$0x4E18] =	vst v0  }
0x47c: {  	[tilespmem:$0x4E08] =	vst v0  }
0x47d: {  	[tilespmem:$0x4DF8] =	vst v0  }
0x47e: {  	[tilespmem:$0x4DE8] =	vst v0  }
0x47f: {  	[tilespmem:$0x4DD8] =	vst v0  }
0x480: {  	[tilespmem:$0x4DC8] =	vst v0  }
0x481: {  	[tilespmem:$0x4DB8] =	vst v0  }
0x482: {  	[tilespmem:$0x4DA8] =	vst v0  }
0x483: {  	[tilespmem:$0x4D98] =	vst v0  }
0x484: {  	[tilespmem:$0x4D88] =	vst v0  }
0x485: {  	[tilespmem:$0x4D78] =	vst v0  }
0x486: {  	[tilespmem:$0x4D68] =	vst v0  }
0x487: {  	[tilespmem:$0x4D58] =	vst v0  }
0x488: {  	[tilespmem:$0x4D48] =	vst v0  }
0x489: {  	[tilespmem:$0x4D38] =	vst v0  }
0x48a: {  	[tilespmem:$0x4D28] =	vst v0  }
0x48b: {  	[tilespmem:$0x4D18] =	vst v0  }
0x48c: {  	[tilespmem:$0x4D08] =	vst v0  }
0x48d: {  	[tilespmem:$0x4CF8] =	vst v0  }
0x48e: {  	[tilespmem:$0x4CE8] =	vst v0  }
0x48f: {  	[tilespmem:$0x4CD8] =	vst v0  }
0x490: {  	[tilespmem:$0x4CC8] =	vst v0  }
0x491: {  	[tilespmem:$0x4CB8] =	vst v0  }
0x492: {  	[tilespmem:$0x4CA8] =	vst v0  }
0x493: {  	[tilespmem:$0x4C98] =	vst v0  }
0x494: {  	[tilespmem:$0x4C88] =	vst v0  }
0x495: {  	[tilespmem:$0x4C78] =	vst v0  }
0x496: {  	[tilespmem:$0x4C68] =	vst v0  }
0x497: {  	[tilespmem:$0x4C58] =	vst v0  }
0x498: {  	[tilespmem:$0x4C48] =	vst v0  }
0x499: {  	[tilespmem:$0x4C38] =	vst v0  }
0x49a: {  	[tilespmem:$0x4C28] =	vst v0  }
0x49b: {  	[tilespmem:$0x4C18] =	vst v0  }
0x49c: {  	[tilespmem:$0x4C08] =	vst v0  }
0x49d: {  	[tilespmem:$0x4BF8] =	vst v0  }
0x49e: {  	[tilespmem:$0x4BE8] =	vst v0  }
0x49f: {  	[tilespmem:$0x4BD8] =	vst v0  }
0x4a0: {  	[tilespmem:$0x4BC8] =	vst v0  }
0x4a1: {  	[tilespmem:$0x4BB8] =	vst v0  }
0x4a2: {  	[tilespmem:$0x4BA8] =	vst v0  }
0x4a3: {  	[tilespmem:$0x4B98] =	vst v0  }
0x4a4: {  	[tilespmem:$0x4B88] =	vst v0  }
0x4a5: {  	[tilespmem:$0x4B78] =	vst v0  }
0x4a6: {  	[tilespmem:$0x4B68] =	vst v0  }
0x4a7: {  	[tilespmem:$0x4B58] =	vst v0  }
0x4a8: {  	[tilespmem:$0x4B48] =	vst v0  }
0x4a9: {  	[tilespmem:$0x4B38] =	vst v0  }
0x4aa: {  	[tilespmem:$0x4B28] =	vst v0  }
0x4ab: {  	[tilespmem:$0x4B18] =	vst v0  }
0x4ac: {  	[tilespmem:$0x4B08] =	vst v0  }
0x4ad: {  	[tilespmem:$0x4AF8] =	vst v0  }
0x4ae: {  	[tilespmem:$0x4AE8] =	vst v0  }
0x4af: {  	[tilespmem:$0x4AD8] =	vst v0  }
0x4b0: {  	[tilespmem:$0x4AC8] =	vst v0  }
0x4b1: {  	[tilespmem:$0x4AB8] =	vst v0  }
0x4b2: {  	[tilespmem:$0x4AA8] =	vst v0  }
0x4b3: {  	[tilespmem:$0x4A98] =	vst v0  }
0x4b4: {  	[tilespmem:$0x4A88] =	vst v0  }
0x4b5: {  	[tilespmem:$0x4A78] =	vst v0  }
0x4b6: {  	[tilespmem:$0x4A68] =	vst v0  }
0x4b7: {  	[tilespmem:$0x4A58] =	vst v0  }
0x4b8: {  	[tilespmem:$0x4A48] =	vst v0  }
0x4b9: {  	[tilespmem:$0x4A38] =	vst v0  }
0x4ba: {  	[tilespmem:$0x4A28] =	vst v0  }
0x4bb: {  	[tilespmem:$0x4A18] =	vst v0  }
0x4bc: {  	[tilespmem:$0x4A08] =	vst v0  }
0x4bd: {  	[tilespmem:$0x49F8] =	vst v0  }
0x4be: {  	[tilespmem:$0x49E8] =	vst v0  }
0x4bf: {  	[tilespmem:$0x49D8] =	vst v0  }
0x4c0: {  	[tilespmem:$0x49C8] =	vst v0  }
0x4c1: {  	[tilespmem:$0x49B8] =	vst v0  }
0x4c2: {  	[tilespmem:$0x49A8] =	vst v0  }
0x4c3: {  	[tilespmem:$0x4998] =	vst v0  }
0x4c4: {  	[tilespmem:$0x4988] =	vst v0  }
0x4c5: {  	[tilespmem:$0x4978] =	vst v0  }
0x4c6: {  	[tilespmem:$0x4968] =	vst v0  }
0x4c7: {  	[tilespmem:$0x4958] =	vst v0  }
0x4c8: {  	[tilespmem:$0x4948] =	vst v0  }
0x4c9: {  	[tilespmem:$0x4938] =	vst v0  }
0x4ca: {  	[tilespmem:$0x4928] =	vst v0  }
0x4cb: {  	[tilespmem:$0x4918] =	vst v0  }
0x4cc: {  	[tilespmem:$0x4908] =	vst v0  }
0x4cd: {  	[tilespmem:$0x48F8] =	vst v0  }
0x4ce: {  	[tilespmem:$0x48E8] =	vst v0  }
0x4cf: {  	[tilespmem:$0x48D8] =	vst v0  }
0x4d0: {  	[tilespmem:$0x48C8] =	vst v0  }
0x4d1: {  	[tilespmem:$0x48B8] =	vst v0  }
0x4d2: {  	[tilespmem:$0x48A8] =	vst v0  }
0x4d3: {  	[tilespmem:$0x4898] =	vst v0  }
0x4d4: {  	[tilespmem:$0x4888] =	vst v0  }
0x4d5: {  	[tilespmem:$0x4878] =	vst v0  }
0x4d6: {  	[tilespmem:$0x4868] =	vst v0  }
0x4d7: {  	[tilespmem:$0x4858] =	vst v0  }
0x4d8: {  	[tilespmem:$0x4848] =	vst v0  }
0x4d9: {  	[tilespmem:$0x4838] =	vst v0  }
0x4da: {  	[tilespmem:$0x4828] =	vst v0  }
0x4db: {  	[tilespmem:$0x4818] =	vst v0  }
0x4dc: {  	[tilespmem:$0x4808] =	vst v0  }
0x4dd: {  	[tilespmem:$0x47F8] =	vst v0  }
0x4de: {  	[tilespmem:$0x47E8] =	vst v0  }
0x4df: {  	[tilespmem:$0x47D8] =	vst v0  }
0x4e0: {  	[tilespmem:$0x47C8] =	vst v0  }
0x4e1: {  	[tilespmem:$0x47B8] =	vst v0  }
0x4e2: {  	[tilespmem:$0x47A8] =	vst v0  }
0x4e3: {  	[tilespmem:$0x4798] =	vst v0  }
0x4e4: {  	[tilespmem:$0x4788] =	vst v0  }
0x4e5: {  	[tilespmem:$0x4778] =	vst v0  }
0x4e6: {  	[tilespmem:$0x4768] =	vst v0  }
0x4e7: {  	[tilespmem:$0x4758] =	vst v0  }
0x4e8: {  	[tilespmem:$0x4748] =	vst v0  }
0x4e9: {  	[tilespmem:$0x4738] =	vst v0  }
0x4ea: {  	[tilespmem:$0x4728] =	vst v0  }
0x4eb: {  	[tilespmem:$0x4718] =	vst v0  }
0x4ec: {  	[tilespmem:$0x4708] =	vst v0  }
0x4ed: {  	[tilespmem:$0x46F8] =	vst v0  }
0x4ee: {  	[tilespmem:$0x46E8] =	vst v0  }
0x4ef: {  	[tilespmem:$0x46D8] =	vst v0  }
0x4f0: {  	[tilespmem:$0x46C8] =	vst v0  }
0x4f1: {  	[tilespmem:$0x46B8] =	vst v0  }
0x4f2: {  	[tilespmem:$0x46A8] =	vst v0  }
0x4f3: {  	[tilespmem:$0x4698] =	vst v0  }
0x4f4: {  	[tilespmem:$0x4688] =	vst v0  }
0x4f5: {  	[tilespmem:$0x4678] =	vst v0  }
0x4f6: {  	[tilespmem:$0x4668] =	vst v0  }
0x4f7: {  	[tilespmem:$0x4658] =	vst v0  }
0x4f8: {  	[tilespmem:$0x4648] =	vst v0  }
0x4f9: {  	[tilespmem:$0x4638] =	vst v0  }
0x4fa: {  	[tilespmem:$0x4628] =	vst v0  }
0x4fb: {  	[tilespmem:$0x4618] =	vst v0  }
0x4fc: {  	[tilespmem:$0x4608] =	vst v0  }
0x4fd: {  	[tilespmem:$0x45F8] =	vst v0  }
0x4fe: {  	[tilespmem:$0x45E8] =	vst v0  }
0x4ff: {  	[tilespmem:$0x45D8] =	vst v0  }
0x500: {  	[tilespmem:$0x45C8] =	vst v0  }
0x501: {  	[tilespmem:$0x45B8] =	vst v0  }
0x502: {  	[tilespmem:$0x45A8] =	vst v0  }
0x503: {  	[tilespmem:$0x4598] =	vst v0  }
0x504: {  	[tilespmem:$0x4588] =	vst v0  }
0x505: {  	[tilespmem:$0x4578] =	vst v0  }
0x506: {  	[tilespmem:$0x4568] =	vst v0  }
0x507: {  	[tilespmem:$0x4558] =	vst v0  }
0x508: {  	[tilespmem:$0x4548] =	vst v0  }
0x509: {  	[tilespmem:$0x4538] =	vst v0  }
0x50a: {  	[tilespmem:$0x4528] =	vst v0  }
0x50b: {  	[tilespmem:$0x4518] =	vst v0  }
0x50c: {  	[tilespmem:$0x4508] =	vst v0  }
0x50d: {  	[tilespmem:$0x44F8] =	vst v0  }
0x50e: {  	[tilespmem:$0x44E8] =	vst v0  }
0x50f: {  	[tilespmem:$0x44D8] =	vst v0  }
0x510: {  	[tilespmem:$0x44C8] =	vst v0  }
0x511: {  	s11 =	stileid.u32;
	[tilespmem:$0x44B8] =	vst v0  }
0x512: {  	s24 =	smul.u32 $0x22, s11;
	[tilespmem:$0x44A8] =	vst v0  }
0x513: {  	s2 =	smin.u32 s11, $0xC;
	[tilespmem:$0x4498] =	vst v0  }
0x514: {  	[tilespmem:$0x4488] =	vst v0;
	s0 =	sadd.s32 s2, s24  }
0x515: {  	p0 =	slt.u32 s11, $0xC;
	[tilespmem:$0x4458] =	vst v0;
	s2 =	simm.s32 $0x13B0;
	s9 =	smul.u32 $0x90, s0  }
0x516: {  	s2 =	simm.s32 @!p0 $0x1320;
	[tilespmem:$0x4468] =	vst v0  }
0x517: {  	[tilespmem:$0x4448] =	vst v0;
	s0 =	sadd.s32 s2, s9  }
0x518: {  	s7 =	simm.s32 $0x2;
	s8 =	simm.s32 $0x9;
	[tilespmem:$0x43D8] =	vst v0;
	s10 =	smin.u32 s0, $0x13880  }
0x519: {  	s29 =	simm.s32 $0xA;
	s13 =	simm.s32 $0xB;
	[tilespmem:$0x4438] =	vst v0;
	s0 =	ssub.s32 s10, s9  }
0x51a: {  	p1 =	por $0x0, $0x0;
	s18 =	simm.s32 $0x80;
	[tilespmem:$0x4428] =	vst v0;
	p0 =	sgt.s32 s0, $0x0  }
0x51b: {  	s19 =	simm.s32 $0x400;
	s20 =	simm.s32 $0xC;
	[tilespmem:$0x4418] =	vst v0;
	s0 =	simm.s32 @!p0 $0x0  }
0x51c: {  	s21 =	simm.s32 $0x0;
	s23 =	simm.s32 $0x0;
	[tilespmem:$0x43F8] =	vst v0;
	s25 =	smulhi.u32 $0x38E38E39, s0  }
0x51d: {  	s12 =	sadd.s32 $0xCB7C00, s6;
	s26 =	sand.u32 $0x1, s3;
	s30 =	smul.u32 $0x480, s11;
	[tilespmem:$0x43E8] =	vst v0  }
0x51e: {  	[tilespmem:$0x43C8] =	vst v0;
	[sflag:s7] =	ssyncpa.u1 $0x0;
	v0 =	vimm.s32 $0xFFFFFFFF;
	s7 =	smul.u32 $0x2710, s26;
	s2 =	sshrl.u32 s25, $0x5  }
0x51f: {  	[dreg:$0x6] =	wrdreg s26;
	[tilespmem:$0xA448] =	vst v0;
	[sflag:s8] =	ssyncpa.u1 $0x0;
	s28 =	smul.u32 $0x90, s2  }
.Ltmp0:
0x520: {  	s16 =	sshrl.u32 s30, $0x2;
	s24 =	simm.s32 $0x0;
	(pc) =	sbr.rel .LBB2_1-.Ltmp0, $4  }
0x521: {  	[sflag:s29] =	ssyncpa.u1 $0x0;
	p0 =	sne.s32 s0, s28;
	s0 =	simm.s32 $0x1  }
0x522: {  	s31 =	sadd.s32 s7, s6;
	s17 =	sadd.s32 s7, s5;
	s0 =	simm.s32 @!p0 $0x0  }
0x523: {  	[sflag:s13] =	ssyncpa.u1 $0x0;
	s14 =	sadd.s32 $0x555C00, s31;
	s6 =	sadd.s32 s0, s2  }
0x524: {  	v0 =	vlaneseq.u32;
	s22 =	smov.u32 s9;
	p0 =	por $0x1, $0x1;
	s15 =	sadd.s32 $0x1, s6  }
.LBB2_22:
0x525: {  	s2 =	sshrl.u32 s2, $0x2  }
.LBB2_24:
0x526: {  	_ =	swait.ge [sflag:s20], s2  }
0x527: {  	s31 =	ssub.s32 $0x0, s2;
	v1 =	vmov s26;
	vm0 =	veq.s32 v0, $0x0;
	[sflag:s20] =	ssyncset.done $0x0  }
0x528: {  	vm15 =	veq.s32 v0, $0x2;
	v1 =	vsel vm0, s0, v1;
	[sflag:s20] =	ssyncadd.s32 s31  }
0x529: {  	v1 =	vsel vm15, s24, v1;
	[sflag:s20] =	ssyncpa.u1 $0x1  }
0x52a: {  	[tilespmem:$0xA448] =	vst v1  }
.LBB2_25:
0x52b: {  	s0 =	sadd.s32 $0x90, s22  }
0x52c: {  	s2 =	smov.u32 s9;
	p2 =	slt.s32 s0, s10  }
0x52d: {  	s2 =	smov.u32 @p2 s0;
	p2 =	sne.s32 s23, s15  }
.Ltmp1:
0x52e: {  	_ = 	snop;
	(pc) =	sbr.rel @!p2 .LBB2_26-.Ltmp1, $4  }
0x52f: {  	_ = 	snop  }
0x530: {  	s24 =	smov.u32 s21  }
0x531: {  	s31 =	sadd.s32 $0x1, s23;
	s21 =	smov.u32 s22;
	p0 =	por !p0, !p0  }
0x532: {  	p1 =	por !p1, !p1;
	s23 =	smov.u32 s31;
	s22 =	smov.u32 s2  }
.LBB2_1:
0x533: {  	p2 =	sge.u32 s23, s6  }
0x534: {  	s0 =	smulhi.u32 @!p2 $0xAAAAAAAB, s23  }
0x535: {  	s2 =	smov.u32 s22;
	p3 =	sgt.s32 @!p2 s22, $0x137F0  }
0x536: {  	s3 =	sshra.s32 @!p2 s22, $0x1F;
	p3 =	por !p3, p2;
	s0 =	sshrl.u32 @!p2 s0, $0x1  }
0x537: {  	s3 =	sand.u32 @!p2 s3, s22;
	s2 =	simm.s32 @p3 $0x137F0;
	s0 =	smul.u32 @!p2 $0x3, s0  }
0x538: {  	s2 =	ssub.s32 @!p2 s2, s3  }
0x539: {  	s2 =	sadd.s32 @!p2 $0xFFFEC810, s2;
	s0 =	ssub.s32 @!p2 s23, s0  }
0x53a: {  	s3 =	sshll.u32 @!p2 s2, $0x2;
	p3 =	sgt.s32 @!p2 s2, $0x8F;
	s0 =	smul.u32 @!p2 $0x240, s0  }
0x53b: {  	s7 =	sand.u32 @!p2 $0x7, s22;
	s2 =	ssub.s32 @!p2 $0x240, s3;
	p3 =	por !p3, p2  }
0x53c: {  	s3 =	sshrl.u32 @!p2 s22, $0x3;
	s2 =	sshrl.u32 @!p2 s2, $0x2;
	s0 =	sshrl.u32 @!p2 s0, $0x2  }
0x53d: {  	s3 =	sadd.s32 @!p2 s3, s14;
	s2 =	simm.s32 @!p3 $0x0;
	s0 =	sadd.s32 @!p2 $0xB688, s0  }
0x53e: {  	[tilespmem:s0], [sflag:$0xA] =	stream.linear.gather @!p2 [hbm4b:s3+s7], s2, $0x38;
	[tilespmem:$0x1D958] =	vst v63  }
0x53f: {  	s2 =	sadd.s32 $0xFFFFFFFF, s23  }
0x540: {  	p2 =	sge.u32 s2, s6  }
0x541: {  	p3 =	sgt.s32 @!p2 s21, $0x137F0  }
0x542: {  	s0 =	smov.u32 s21;
	s3 =	sshra.s32 @!p2 s21, $0x1F;
	p3 =	por !p3, p2  }
0x543: {  	s3 =	sand.u32 @!p2 s3, s21;
	s0 =	simm.s32 @p3 $0x137F0  }
0x544: {  	s0 =	ssub.s32 @!p2 s0, s3  }
0x545: {  	s0 =	sadd.s32 @!p2 $0xFFFEC810, s0  }
0x546: {  	s3 =	sshll.u32 @!p2 s0, $0x2  }
0x547: {  	p3 =	sgt.s32 @!p2 s0, $0x8F;
	s0 =	ssub.s32 @!p2 $0x240, s3  }
0x548: {  	p3 =	por !p3, p2;
	s0 =	sshrl.u32 @!p2 s0, $0x2  }
0x549: {  	s7 =	simm.s32 @!p2 $0xA;
	s3 =	sand.u32 @!p2 $0x1, s2;
	s0 =	simm.s32 @!p3 $0x0  }
0x54a: {  	s3 =	smul.u32 @!p2 $0x240, s3;
	_ =	swait.ge @!p2 [sflag:s7], s0  }
0x54b: {  	s8 =	ssub.s32 @!p2 $0x0, s0;
	[sflag:s7] =	ssyncset.done @!p2 $0x0  }
0x54c: {  	s3 =	sshrl.u32 @!p2 s3, $0x2;
	[sflag:s7] =	ssyncadd.s32 @!p2 s8;
	s7 =	sshrl.u32 @!p2 s21, $0x3  }
0x54d: {  	s3 =	sadd.s32 @!p2 $0xB838, s3;
	s8 =	sand.u32 @!p2 $0x7, s21;
	s7 =	sadd.s32 @!p2 s7, s17  }
0x54e: {  	[tilespmem:s3], [sflag:$0xB] =	stream.linear.gather @!p2 [hbm4b:s7+s8], s0, $0x38;
	[tilespmem:$0x1D958] =	vst v63  }
0x54f: {  	s0 =	ssub.s32 @!p2 $0x13880, s21  }
0x550: {  	p3 =	slt.s32 @!p2 s0, $0x1  }
0x551: {  	p3 =	por p2, p3  }
.Ltmp2:
0x552: {  	_ = 	snop;
	(pc) =	sbr.rel @p3 .LBB2_7-.Ltmp2, $1  }
0x553: {  	_ =	sdelay $0x3  }
0x554: {  	s3 =	smulhi.u32 $0xAAAAAAAB, s2;
	_ =	sdelay $0x1  }
0x555: {  	s3 =	sshrl.u32 s3, $0x1  }
0x556: {  	s3 =	smul.u32 $0x3, s3;
	_ =	sdelay $0x1  }
0x557: {  	s29 =	ssub.s32 s2, s3  }
0x558: {  	s7 =	simm.s32 $0x1;
	s2 =	smul.u32 $0x240, s29  }
.Ltmp3:
0x559: {  	s7 =	simm.s32 @!p0 $0x0;
	(pc) =	sbr.rel .LBB2_4-.Ltmp3, $4  }
0x55a: {  	s30 =	smul.u32 $0x24000, s7  }
0x55b: {  	p3 =	slt.s32 @!p2 s0, $0x90;
	s2 =	sshrl.u32 s2, $0x2  }
0x55c: {  	p2 =	por !p3, p2;
	s3 =	sshrl.u32 s30, $0x2;
	s31 =	sadd.s32 $0xB688, s2  }
0x55d: {  	s0 =	simm.s32 @p2 $0x90;
	s2 =	sadd.s32 $0xB958, s3;
	s3 =	simm.s32 $0x0;
	v1 =	vmov s31  }
.LBB2_3:
0x55e: {  	p2 =	sge.s32 s3, s0  }
.Ltmp4:
0x55f: {  	_ = 	snop;
	(pc) =	sbr.rel @p2 .LBB2_7-.Ltmp4, $2  }
0x560: {  	_ =	sdelay $0x2  }
0x561: {  	s2 =	sadd.s32 $0x1000, s2  }
.LBB2_4:
0x562: {  	p2 =	sle.s32 s0, s3  }
.Ltmp5:
0x563: {  	_ = 	snop;
	(pc) =	sbr.rel @p2 .LBB2_3-.Ltmp5, $2  }
0x564: {  	_ =	sdelay $0x2  }
0x565: {  	s8 =	smov.u32 s3;
	s3 =	sadd.s32 $0x10, s3  }
0x566: {  	s7 =	ssub.s32 s0, s8  }
0x567: {  	p2 =	slt.s32 s7, $0x10  }
0x568: {  	s7 =	simm.s32 @!p2 $0x10  }
0x569: {  	v2 =	vmov s7  }
0x56a: {  	vm0 =	vgt.s32 v2, v0;
	_ =	sdelay $0x5  }
0x56b: {  	v2 =	vld.idx.msk [tilespmem:v1+s8+$0x0 ss:$0x1], vm0;
	_ =	sdelay $0x2  }
0x56c: {  	p2 =	slt.s32 s3, s0;
	s7 =	smov.u32 s0  }
0x56d: {  	s11 =	smov.u32 s2;
	s25 =	simm.s32 $0x0;
	s7 =	smov.u32 @p2 s3  }
.LBB2_6:
0x56e: {  	(v2sf) =	vpush v2, s25;
	_ =	sdelay $0xe  }
0x56f: {  	s25 =	sadd.s32 $0x1, s25;
	s13 =	spop (v2sf)  }
0x570: {  	s31 =	sadd.s32 s25, s8;
	s26 =	sshll.u32 s13, $0x8;
	s13 =	sshll.u32 s13, $0x7  }
0x571: {  	p2 =	slt.s32 s31, s7;
	s26 =	sand.u32 $0xFFFFF800, s26;
	s13 =	sand.u32 $0x380, s13  }
.Ltmp6:
0x572: {  	s13 =	sor.u32 s13, s26;
	(pc) =	sbr.rel @p2 .LBB2_6-.Ltmp6, $4  }
0x573: {  	s13 =	sshrl.u32 s13, $0x3  }
0x574: {  	s13 =	sadd.s32 s12, s13  }
0x575: {  	[tilespmem:s11], [sflag:$0x9] =	stream.strided.gather [hbm4b:s13+s18], $0x100, s19, s18, $0x38;
	[tilespmem:$0x1D958] =	vst v63  }
0x576: {  	s11 =	sadd.s32 $0x100, s11  }
.Ltmp7:
0x577: {  	_ = 	snop;
	(pc) =	sbr.rel .LBB2_3-.Ltmp7, $1  }
0x578: {  	_ =	sdelay $0x3  }
.LBB2_7:
0x579: {  	p2 =	slt.u32 s23, $0x2  }
.Ltmp8:
0x57a: {  	_ = 	snop;
	(pc) =	sbr.rel @p2 .LBB2_25-.Ltmp8, $1  }
0x57b: {  	_ =	sdelay $0x3  }
0x57c: {  	p2 =	sgt.s32 s24, $0x137F0  }
0x57d: {  	s0 =	smov.u32 s24;
	s2 =	sshra.s32 s24, $0x1F;
	s3 =	ssub.s32 $0x13880, s24  }
0x57e: {  	s0 =	simm.s32 @!p2 $0x137F0;
	s2 =	sand.u32 s2, s24;
	p2 =	slt.s32 s3, $0x90  }
0x57f: {  	s0 =	ssub.s32 s0, s2;
	s3 =	simm.s32 @!p2 $0x90  }
0x580: {  	s0 =	sadd.s32 $0xFFFEC810, s0;
	s13 =	sshll.u32 s3, $0x8  }
0x581: {  	s29 =	simm.s32 $0x9;
	s25 =	sshll.u32 s0, $0x2;
	s2 =	sand.u32 $0x3FFFFF00, s13  }
0x582: {  	p2 =	sgt.s32 s0, $0x8F;
	s26 =	ssub.s32 $0x240, s25;
	_ =	swait.ge [sflag:s29], s2  }
0x583: {  	s2 =	ssub.s32 $0x0, s2;
	[sflag:s29] =	ssyncset.done $0x0;
	s0 =	sshrl.u32 s26, $0x2  }
0x584: {  	s30 =	simm.s32 $0xB;
	[sflag:s29] =	ssyncadd.s32 s2;
	s0 =	simm.s32 @p2 $0x0  }
0x585: {  	_ =	swait.ge [sflag:s30], s0  }
0x586: {  	s0 =	ssub.s32 $0x0, s0;
	[sflag:s30] =	ssyncset.done $0x0  }
0x587: {  	[sflag:s30] =	ssyncadd.s32 s0  }
0x588: {  	v1 =	vld [tilespmem:$0xA448];
	_ =	sdelay $0x4  }
0x589: {  	(v2sf) =	vpush v1, $0x0  }
0x58a: {  	(v2sf) =	vpush v1, $0x1  }
0x58b: {  	(v2sf) =	vpush v1, $0x2;
	_ =	sdelay $0x3  }
0x58c: {  	s0 =	sadd.s32 $0x90, s24  }
0x58d: {  	s7 =	ssub.s32 $0x27100, s24;
	p2 =	slt.s32 s10, s0  }
0x58e: {  	s0 =	smov.u32 @p2 s10;
	p2 =	sgt.s32 s7, $0x0  }
0x58f: {  	s0 =	ssub.s32 s0, s24;
	s7 =	simm.s32 @!p2 $0x0  }
0x590: {  	p2 =	slt.s32 s7, s0  }
0x591: {  	s0 =	smov.u32 @p2 s7  }
0x592: {  	s2 =	simm.s32 $0x1;
	p2 =	slt.s32 s0, $0x1  }
.Ltmp9:
0x593: {  	s2 =	simm.s32 @!p1 $0x0;
	(pc) =	sbr.rel @p2 .LBB2_12-.Ltmp9, $4  }
0x594: {  	s8 =	smul.u32 $0x240, s2  }
0x595: {  	s3 =	spop (v2sf)  }
0x596: {  	s31 =	sshrl.u32 s8, $0x2;
	s28 =	spop (v2sf)  }
0x597: {  	s25 =	sadd.s32 $0xB838, s31;
	s24 =	spop (v2sf)  }
0x598: {  	s7 =	smin.u32 s0, $0x10  }
0x599: {  	v1 =	vmov s7  }
0x59a: {  	vm1 =	vgt.u32 v1, v0  }
0x59b: {  	p3 =	sgt.s32 s0, $0x10  }
.Ltmp10:
0x59c: {  	_ = 	snop;
	(pc) =	sbr.rel @!p3 .LBB2_11-.Ltmp10, $2  }
0x59d: {  	_ =	sdelay $0x2  }
0x59e: {  	s26 =	simm.s32 $0x10;
	s29 =	sadd.s32 $0xFFFFFFF0, s0;
	s8 =	smov.u32 s25;
	vm0 =	vmmov vm1;
	v1 =	vld.msk [tilespmem:s25+$0x0 ss:$0x1], vm1  }
.LBB2_10:
0x59f: {  	s7 =	smin.u32 s29, $0x10;
	s26 =	sadd.s32 $0x10, s26  }
0x5a0: {  	v2 =	vmov s7;
	p3 =	slt.s32 s26, s0  }
0x5a1: {  	vm1 =	vgt.u32 v2, v0;
	_ =	sdelay $0x1  }
0x5a2: {  	v2 =	vshll.u32 v1, $0x5;
	v1 =	vshll.u32 v1, $0x4  }
.Ltmp11:
0x5a3: {  	v2 =	vand.u32 $0xFFFFFF00, v2;
	v1 =	vand.u32 $0x70, v1;
	(pc) =	sbr.rel @p3 .LBB2_10-.Ltmp11, $4  }
0x5a4: {  	v1 =	vor.u32 v1, v2  }
0x5a5: {  	[tilespmem:s8+$0x0] =	vst.msk vm0, v1;
	s8 =	sadd.s32 $0x10, s8;
	vm0 =	vmmov vm1  }
0x5a6: {  	v1 =	vld.msk [tilespmem:s8+$0x0 ss:$0x1], vm1  }
0x5a7: {  	s29 =	sadd.s32 $0xFFFFFFF0, s29  }
.LBB2_11:
0x5a8: {  	_ =	sdelay $0x3  }
0x5a9: {  	v2 =	vshll.u32 v1, $0x5;
	v1 =	vshll.u32 v1, $0x4  }
0x5aa: {  	v2 =	vand.u32 $0xFFFFFF00, v2;
	v1 =	vand.u32 $0x70, v1  }
0x5ab: {  	v1 =	vor.u32 v1, v2  }
0x5ac: {  	[tilespmem:s8+$0x0] =	vst.msk vm0, v1  }
.LBB2_12:
0x5ad: {  	s7 =	sand.u32 $0x1, s23  }
0x5ae: {  	s7 =	smul.u32 $0x90, s7  }
0x5af: {  	p3 =	sne.s32 s28, $0xFFFFFFFF  }
0x5b0: {  	v1 =	vld.msk @!p3 [tilespmem:s7+$0xB838], $0x1;
	_ =	sdelay $0x4  }
0x5b1: {  	(v2sf) =	vpush @!p3 v1, $0x0;
	_ =	sdelay $0xc  }
.Ltmp12:
0x5b2: {  	_ = 	snop;
	(pc) =	sbr.rel @p2 .LBB2_23-.Ltmp12, $4  }
0x5b3: {  	_ = 	snop  }
0x5b4: {  	s31 =	spop @!p3 (v2sf)  }
0x5b5: {  	s24 =	simm.s32 @!p3 $0x0;
	s26 =	smov.u32 s31  }
0x5b6: {  	[sflag:s20] =	ssyncpa.u1 $0x0;
	s31 =	smov.u32 @p3 s3;
	s26 =	smov.u32 @p3 s28  }
0x5b7: {  	v1 =	vld.msk [tilespmem:s25+$0x0], $0x1;
	_ =	sdelay $0x4  }
0x5b8: {  	(v2sf) =	vpush v1, $0x0;
	_ =	sdelay $0xe  }
0x5b9: {  	s5 =	smov.u32 s14;
	s2 =	smul.u32 $0x24000, s2;
	s3 =	spop (v2sf)  }
0x5ba: {  	s28 =	simm.s32 $0x0;
	s8 =	smov.u32 s31;
	p2 =	seq.s32 s31, s3  }
0x5bb: {  	s30 =	ssub.s32 $0x0, s0;
	p3 =	sgt.s32 @!p2 s31, $0x0;
	s7 =	smul.u32 @!p2 $0x240, s28  }
0x5bc: {  	s0 =	sadd.s32 $0x1, s30;
	s2 =	sshrl.u32 s2, $0x2;
	p3 =	por !p3, p2  }
0x5bd: {  	s29 =	sadd.s32 $0xB998, s2;
	s8 =	simm.s32 @p3 $0x0;
	s2 =	sshra.s32 @!p2 s7, $0x2  }
0x5be: {  	p3 =	seq.s32 s0, $0x0;
	s7 =	smin.u32 @!p2 s8, $0x4E17E;
	s8 =	simm.s32 @!p2 $0x1  }
.Ltmp13:
0x5bf: {  	s11 =	sadd.s32 @!p2 $0x52B8, s2;
	s13 =	sand.u32 @!p2 $0x7FFF8, s7;
	(pc) =	sbr.rel @p3 .LBB2_15-.Ltmp13, $4  }
0x5c0: {  	s14 =	sadd.s32 @!p2 $0x80, s7;
	s7 =	sand.u32 @!p2 $0x7, s7;
	s13 =	sadd.s32 @!p2 s1, s13  }
0x5c1: {  	[tilespmem:s11], [sflag:$0x2] =	stream.linear.gather @!p2 [hbm4b:s13+s7], $0x80, $0x38;
	[tilespmem:$0x1D958] =	vst v63  }
0x5c2: {  	s4 =	smov.u32 s15;
	s8 =	smov.u32 @p2 s28;
	s13 =	sand.u32 @!p2 $0xFFFF8, s14  }
0x5c3: {  	s11 =	sadd.s32 @!p2 $0x5338, s2;
	s2 =	sadd.s32 $0x1, s25;
	s13 =	sadd.s32 @!p2 s1, s13  }
.LBB2_14:
0x5c4: {  	s14 =	smov.u32 s8  }
0x5c5: {  	[tilespmem:s11], [sflag:$0x2] =	stream.linear.gather @!p2 [hbm4b:s13+s7], $0x10, $0x38;
	[tilespmem:$0x1D958] =	vst v63  }
0x5c6: {  	s0 =	sadd.s32 $0x1, s0;
	s7 =	smov.u32 s3;
	v1 =	vld.msk [tilespmem:s2+$0x0], $0x1  }
0x5c7: {  	p3 =	seq.s32 s0, $0x0;
	_ =	sdelay $0x3  }
0x5c8: {  	(v2sf) =	vpush v1, $0x0;
	_ =	sdelay $0xe  }
0x5c9: {  	s3 =	spop (v2sf)  }
0x5ca: {  	p2 =	seq.s32 s7, s3  }
0x5cb: {  	p4 =	sgt.s32 @!p2 s7, $0x0;
	s11 =	smul.u32 @!p2 $0x240, s8;
	s8 =	sadd.s32 @!p2 $0x1, s8  }
0x5cc: {  	p4 =	por !p4, p2;
	s8 =	smov.u32 @p2 s14  }
0x5cd: {  	s7 =	simm.s32 @p4 $0x0;
	s11 =	sshra.s32 @!p2 s11, $0x2  }
.Ltmp14:
0x5ce: {  	s7 =	smin.u32 @!p2 s7, $0x4E17E;
	s13 =	sadd.s32 @!p2 $0x52B8, s11;
	(pc) =	sbr.rel @!p3 .LBB2_14-.Ltmp14, $4  }
0x5cf: {  	s11 =	sadd.s32 @!p2 $0x5338, s11;
	s14 =	sand.u32 @!p2 $0x7FFF8, s7;
	s15 =	sadd.s32 @!p2 $0x80, s7  }
0x5d0: {  	s7 =	sand.u32 @!p2 $0x7, s7;
	s14 =	sadd.s32 @!p2 s1, s14;
	s15 =	sand.u32 @!p2 $0xFFFF8, s15  }
0x5d1: {  	[tilespmem:s13], [sflag:$0x2] =	stream.linear.gather @!p2 [hbm4b:s14+s7], $0x80, $0x38;
	[tilespmem:$0x1D958] =	vst v63  }
0x5d2: {  	s2 =	sadd.s32 $0x1, s2;
	s13 =	sadd.s32 @!p2 s1, s15  }
.LBB2_15:
0x5d3: {  	s0 =	smul.u32 $0x240, s8  }
0x5d4: {  	[tilespmem:s11], [sflag:$0x2] =	stream.linear.gather @!p2 [hbm4b:s13+s7], $0x10, $0x38;
	[tilespmem:$0x1D958] =	vst v63  }
.Ltmp15:
0x5d5: {  	_ = 	snop;
	(pc) =	sbr.rel .LBB2_16-.Ltmp15, $4  }
0x5d6: {  	s2 =	simm.s32 $0x2;
	s0 =	sshrl.u32 s0, $0x2  }
0x5d7: {  	s14 =	smov.u32 s5;
	_ =	swait.ge [sflag:s2], s0  }
0x5d8: {  	s15 =	smov.u32 s4;
	s0 =	ssub.s32 $0x0, s0;
	[sflag:s2] =	ssyncset.done $0x0  }
0x5d9: {  	s4 =	simm.s32 $0x1;
	[sflag:s2] =	ssyncadd.s32 s0;
	s2 =	simm.s32 $0x0  }
.LBB2_17:
0x5da: {  	v1 =	vld [tilespmem:s29+$0xFFFFFFC0];
	_ =	sdelay $0x4  }
0x5db: {  	[tilespmem:s3+$0x128] =	vst.add.f32.msk $0xffff, v1  }
0x5dc: {  	v1 =	vld [tilespmem:s29+$0xFFFFFFD0];
	_ =	sdelay $0x4  }
0x5dd: {  	[tilespmem:s3+$0x138] =	vst.add.f32.msk $0xffff, v1  }
0x5de: {  	v1 =	vld [tilespmem:s29+$0xFFFFFFE0];
	_ =	sdelay $0x4  }
0x5df: {  	[tilespmem:s3+$0x148] =	vst.add.f32.msk $0xffff, v1  }
0x5e0: {  	v1 =	vld [tilespmem:s29+$0xFFFFFFF0];
	_ =	sdelay $0x4  }
0x5e1: {  	[tilespmem:s3+$0x158] =	vst.add.f32.msk $0xffff, v1  }
0x5e2: {  	v1 =	vld [tilespmem:s29+$0x0];
	_ =	sdelay $0x4  }
0x5e3: {  	[tilespmem:s3+$0x168] =	vst.add.f32.msk $0xffff, v1  }
0x5e4: {  	v1 =	vld [tilespmem:s29+$0x10];
	_ =	sdelay $0x4  }
0x5e5: {  	[tilespmem:s3+$0x178] =	vst.add.f32.msk $0xffff, v1  }
0x5e6: {  	v1 =	vld [tilespmem:s29+$0x20];
	_ =	sdelay $0x4  }
0x5e7: {  	[tilespmem:s3+$0x188] =	vst.add.f32.msk $0xffff, v1  }
0x5e8: {  	v1 =	vld [tilespmem:s29+$0x30];
	_ =	sdelay $0x4  }
0x5e9: {  	[tilespmem:s3+$0x198] =	vst.add.f32.msk $0xffff, v1  }
0x5ea: {  	v1 =	vld [tilespmem:s29+$0x40];
	_ =	sdelay $0x4  }
0x5eb: {  	[tilespmem:s3+$0x1A8] =	vst.add.f32.msk $0xffff, v1  }
.LBB2_21:
0x5ec: {  	s30 =	sadd.s32 $0x1, s30  }
0x5ed: {  	p2 =	seq.s32 s30, $0x0  }
.Ltmp16:
0x5ee: {  	_ = 	snop;
	(pc) =	sbr.rel @p2 .LBB2_22-.Ltmp16, $2  }
0x5ef: {  	_ =	sdelay $0x2  }
0x5f0: {  	s25 =	sadd.s32 $0x1, s25;
	s29 =	sadd.s32 $0x100, s29;
	s31 =	smov.u32 s0  }
.LBB2_16:
0x5f1: {  	v1 =	vld.msk [tilespmem:s25+$0x0], $0x1;
	_ =	sdelay $0x4  }
0x5f2: {  	(v2sf) =	vpush v1, $0x0;
	_ =	sdelay $0xe  }
0x5f3: {  	s0 =	spop (v2sf)  }
0x5f4: {  	p2 =	sne.s32 s31, s0  }
.Ltmp17:
0x5f5: {  	_ = 	snop;
	(pc) =	sbr.rel @!p2 .LBB2_17-.Ltmp17, $3  }
0x5f6: {  	_ = 	snop  }
0x5f7: {  	s3 =	smul.u32 $0x240, s24;
	_ =	sdelay $0x1  }
0x5f8: {  	s3 =	sshra.s32 s3, $0x2  }
0x5f9: {  	p2 =	seq.s32 s31, s26  }
.Ltmp18:
0x5fa: {  	_ = 	snop;
	(pc) =	sbr.rel @!p2 .LBB2_19-.Ltmp18, $1  }
0x5fb: {  	_ =	sdelay $0x3  }
.Ltmp19:
0x5fc: {  	s3 =	sadd.s32 $0x128, s3;
	(pc) =	sbr.rel .LBB2_20-.Ltmp19, $4  }
0x5fd: {  	[spmem:s16] =	stream.linear.scatter [tilespmem:s3], [sflag:$0x1], $0x90, $0x38;
	[tilespmem:$0x1D958] =	vst v63  }
0x5fe: {  	_ =	swait.ge [sflag:s4], $0x90  }
0x5ff: {  	[sflag:s4] =	ssyncset.done $0x0  }
0x600: {  	[sflag:s4] =	ssyncadd.s32 $0xFFFFFF70  }
.LBB2_19:
0x601: {  	s7 =	smul.u32 $0x240, s28;
	_ =	sdelay $0x1  }
0x602: {  	s7 =	sshra.s32 s7, $0x2  }
0x603: {  	v1 =	vld [tilespmem:s7+$0x52B8];
	_ =	sdelay $0x4  }
0x604: {  	[tilespmem:s3+$0x128] =	vst.add.f32.msk $0xffff, v1  }
0x605: {  	v1 =	vld [tilespmem:s7+$0x52C8];
	_ =	sdelay $0x4  }
0x606: {  	[tilespmem:s3+$0x138] =	vst.add.f32.msk $0xffff, v1  }
0x607: {  	v1 =	vld [tilespmem:s7+$0x52D8];
	_ =	sdelay $0x4  }
0x608: {  	[tilespmem:s3+$0x148] =	vst.add.f32.msk $0xffff, v1  }
0x609: {  	v1 =	vld [tilespmem:s7+$0x52E8];
	_ =	sdelay $0x4  }
0x60a: {  	[tilespmem:s3+$0x158] =	vst.add.f32.msk $0xffff, v1  }
0x60b: {  	v1 =	vld [tilespmem:s7+$0x52F8];
	_ =	sdelay $0x4  }
0x60c: {  	[tilespmem:s3+$0x168] =	vst.add.f32.msk $0xffff, v1  }
0x60d: {  	v1 =	vld [tilespmem:s7+$0x5308];
	_ =	sdelay $0x4  }
0x60e: {  	[tilespmem:s3+$0x178] =	vst.add.f32.msk $0xffff, v1  }
0x60f: {  	v1 =	vld [tilespmem:s7+$0x5318];
	_ =	sdelay $0x4  }
0x610: {  	[tilespmem:s3+$0x188] =	vst.add.f32.msk $0xffff, v1  }
0x611: {  	v1 =	vld [tilespmem:s7+$0x5328];
	_ =	sdelay $0x4  }
0x612: {  	[tilespmem:s3+$0x198] =	vst.add.f32.msk $0xffff, v1  }
0x613: {  	v1 =	vld [tilespmem:s7+$0x5338];
	_ =	sdelay $0x2  }
0x614: {  	p2 =	sgt.u32 s31, $0x4E17E  }
0x615: {  	s7 =	sand.u32 @!p2 $0x7FFF8, s31  }
0x616: {  	s8 =	sadd.s32 $0x128, s3;
	s11 =	sand.u32 @!p2 $0x7, s31;
	s7 =	sadd.s32 @!p2 s1, s7;
	[tilespmem:s3+$0x1A8] =	vst.add.f32.msk $0xffff, v1  }
0x617: {  	[hbm4b:s7+s11] =	stream.linear.scatter @!p2 [tilespmem:s8], [sflag:$0xC], $0x80, $0x38;
	[tilespmem:$0x1D958] =	vst v63  }
0x618: {  	s7 =	sadd.s32 @!p2 $0x80, s31  }
0x619: {  	s7 =	sand.u32 @!p2 $0xFFFF8, s7  }
0x61a: {  	s3 =	sadd.s32 $0x1A8, s3;
	s7 =	sadd.s32 @!p2 s1, s7  }
0x61b: {  	[hbm4b:s7+s11] =	stream.linear.scatter @!p2 [tilespmem:s3], [sflag:$0xC], $0x10, $0x38;
	[tilespmem:$0x1D958] =	vst v63  }
0x61c: {  	s3 =	simm.s32 $0x0  }
0x61d: {  	s3 =	simm.s32 @!p2 $0x240  }
0x61e: {  	s2 =	sadd.s32 s3, s2  }
.LBB2_20:
0x61f: {  	s3 =	sadd.s32 $0x1, s24  }
0x620: {  	s7 =	smulhi.u32 $0x38E38E39, s3;
	_ =	sdelay $0x1  }
0x621: {  	s7 =	sshrl.u32 s7, $0x5  }
0x622: {  	s7 =	smul.u32 $0x90, s7  }
0x623: {  	v1 =	vld [tilespmem:s29+$0xFFFFFFC0]  }
0x624: {  	s24 =	ssub.s32 s3, s7  }
0x625: {  	s3 =	smul.u32 $0x240, s24;
	_ =	sdelay $0x1  }
0x626: {  	s3 =	sshrl.u32 s3, $0x2  }
0x627: {  	[tilespmem:s3+$0x128] =	vst v1  }
0x628: {  	v1 =	vld [tilespmem:s29+$0xFFFFFFD0];
	_ =	sdelay $0x4  }
0x629: {  	[tilespmem:s3+$0x138] =	vst v1  }
0x62a: {  	v1 =	vld [tilespmem:s29+$0xFFFFFFE0];
	_ =	sdelay $0x4  }
0x62b: {  	[tilespmem:s3+$0x148] =	vst v1  }
0x62c: {  	v1 =	vld [tilespmem:s29+$0xFFFFFFF0];
	_ =	sdelay $0x4  }
0x62d: {  	[tilespmem:s3+$0x158] =	vst v1  }
0x62e: {  	v1 =	vld [tilespmem:s29+$0x0];
	_ =	sdelay $0x4  }
0x62f: {  	[tilespmem:s3+$0x168] =	vst v1  }
0x630: {  	v1 =	vld [tilespmem:s29+$0x10];
	_ =	sdelay $0x4  }
0x631: {  	[tilespmem:s3+$0x178] =	vst v1  }
0x632: {  	v1 =	vld [tilespmem:s29+$0x20];
	_ =	sdelay $0x4  }
0x633: {  	[tilespmem:s3+$0x188] =	vst v1  }
0x634: {  	v1 =	vld [tilespmem:s29+$0x30];
	_ =	sdelay $0x4  }
0x635: {  	[tilespmem:s3+$0x198] =	vst v1  }
0x636: {  	v1 =	vld [tilespmem:s29+$0x40]  }
.Ltmp20:
0x637: {  	_ = 	snop;
	(pc) =	sbr.rel .LBB2_21-.Ltmp20, $2  }
0x638: {  	_ =	sdelay $0x2  }
0x639: {  	s28 =	sadd.s32 $0x1, s28;
	[tilespmem:s3+$0x1A8] =	vst v1  }
.LBB2_23:
.Ltmp21:
0x63a: {  	(pc) =	sbr.rel .LBB2_24-.Ltmp21, $4  }
0x63b: {  	_ = 	snop  }
0x63c: {  	s0 =	simm.s32 $0x2  }
0x63d: {  	_ =	swait.ge [sflag:s0], $0x0  }
0x63e: {  	s2 =	simm.s32 $0x0;
	[sflag:s0] =	ssyncset.done $0x0;
	s0 =	smov.u32 s31  }
.LBB2_26:
0x63f: {  	_ =	sfence.sel $0x180000  }
0x640: {  	s0 =	simm.s32 $0x9;
	[bflag:$0x0] =	sbarrier.arrive $0xFFFF  }
0x641: {  	s24 =	simm.s32 $0xA;
	[sflag:s0] =	ssyncpa.u1 $0x1  }
0x642: {  	s25 =	simm.s32 $0xB;
	[sflag:s24] =	ssyncpa.u1 $0x1  }
0x643: {  	s26 =	simm.s32 $0x2;
	[sflag:s25] =	ssyncpa.u1 $0x1  }
0x644: {  	[sflag:s26] =	ssyncpa.u1 $0x1  }
0x645: {  	v0 =	vld [tilespmem:$0xA448];
	_ =	sdelay $0x4  }
0x646: {  	(v2sf) =	vpush v0, $0x0  }
0x647: {  	(v2sf) =	vpush v0, $0x1  }
0x648: {  	(v2sf) =	vpush v0, $0x2;
	_ =	sdelay $0xc  }
0x649: {  	s0 =	spop (v2sf)  }
0x64a: {  	s2 =	spop (v2sf)  }
0x64b: {  	s3 =	smov.u32 s0;
	p0 =	sne.s32 s0, s2;
	s4 =	spop (v2sf)  }
0x64c: {  	s3 =	simm.s32 @!p0 $0xFFFFFFFF;
	p0 =	seq.s32 s4, $0xFFFFFFFF  }
0x64d: {  	v2 =	vimm.s32 $0x1;
	v3 =	vlaneseq.u32;
	v1 =	vmov s3;
	p1 =	sne.s32 @!p0 s0, s2  }
0x64e: {  	s14 =	stileid.u32;
	v0 =	vperm.xlane v0, v2;
	s0 =	simm.s32 @!p0 $0x1;
	v1 =	vperm.xlane v1, v3;
	p1 =	por !p1, p0  }
0x64f: {  	vm0 =	vcmask $0x3F04;
	s3 =	sshll.u32 s14, $0x1;
	s2 =	smul.u32 @!p0 $0x240, s4;
	s0 =	simm.s32 @p1 $0x0  }
0x650: {  	s6 =	simm.s32 $0xA448;
	v0 =	vsel vm0, v1, v0;
	s0 =	sor.u32 @!p0 s0, s3  }
0x651: {  	s5 =	sor.u32 $0x1200, s3;
	s2 =	sshra.s32 @!p0 s2, $0x2;
	[tilespmem:$0xA448] =	vst v0;
	s0 =	smul.u32 @!p0 $0x240, s0  }
0x652: {  	[spmem:s5] =	stream.linear.scatter [tilespmem:s6], [sflag:$0x1], $0x2, $0x38;
	[tilespmem:$0x1D958] =	vst v63  }
0x653: {  	s2 =	sadd.s32 @!p0 $0x128, s2;
	s0 =	sshrl.u32 @!p0 s0, $0x2  }
0x654: {  	[spmem:s0] =	stream.linear.scatter @!p0 [tilespmem:s2], [sflag:$0x1], $0x90, $0x38;
	[tilespmem:$0x1D958] =	vst v63  }
0x655: {  	s0 =	simm.s32 @!p0 $0x92  }
0x656: {  	s28 =	simm.s32 $0x1;
	s0 =	simm.s32 @p0 $0x2  }
0x657: {  	_ =	swait.ge [sflag:s28], s0  }
0x658: {  	s0 =	ssub.s32 $0x0, s0;
	[sflag:s28] =	ssyncset.done $0x0  }
0x659: {  	p0 =	sne.s32 s14, $0x0;
	[sflag:s28] =	ssyncadd.s32 s0  }
.Ltmp22:
0x65a: {  	_ =	sfence.stream.spmem;
	(pc) =	sbr.rel @p0 .LBB2_43-.Ltmp22, $4  }
0x65b: {  	s29 =	simm.s32 $0x3;
	[bflag:$0x0] =	sbarrier.arrive $0xFFFF  }
0x65c: {  	s30 =	simm.s32 $0x4;
	[sflag:s29] =	ssyncpa.u1 $0x1  }
0x65d: {  	s31 =	simm.s32 $0x3C;
	[sflag:s30] =	ssyncpa.u1 $0x1  }
0x65e: {  	s15 =	rddreg [dreg:$0x6];
	[sflag:s31] =	ssyncpa.u1 $0x1  }
0x65f: {  	_ =	sfence.stream.spmem;
	s0 =	simm.s32 $0x5  }
0x660: {  	s2 =	simm.s32 $0x1200;
	s3 =	simm.s32 $0xA458;
	[sflag:s0] =	ssyncpa.u1 $0x0  }
0x661: {  	[tilespmem:s3], [sflag:$0x5] =	stream.linear.gather [spmem:s2], $0x20, $0x38;
	[tilespmem:$0x1D958] =	vst v63  }
0x662: {  	s26 =	simm.s32 $0x0;
	s28 =	simm.s32 $0xA478  }
0x663: {  	[tilespmem:s28], [sflag:$0x5] =	stream.linear.gather [spmem:s26], $0x1200, $0x38;
	[tilespmem:$0x1D958] =	vst v63  }
0x664: {  	_ =	swait.ge [sflag:s0], $0x1220  }
0x665: {  	[sflag:s0] =	ssyncset.done $0x0  }
0x666: {  	s29 =	simm.s32 $0x0;
	[sflag:s0] =	ssyncadd.s32 $0xFFFFEDE0  }
0x667: {  	v0 =	vld.msk [tilespmem:s29+$0xA458], $0x1;
	_ =	sdelay $0x1  }
0x668: {  	s30 =	simm.s32 $0x1  }
0x669: {  	v1 =	vld.msk [tilespmem:s30+$0xA458], $0x1;
	_ =	sdelay $0x1  }
0x66a: {  	(v2sf) =	vpush v0, $0x0;
	_ =	sdelay $0x2  }
0x66b: {  	(v2sf) =	vpush v1, $0x0;
	_ =	sdelay $0x2  }
0x66c: {  	s31 =	simm.s32 $0x2  }
0x66d: {  	v0 =	vld.msk [tilespmem:s31+$0xA458], $0x1;
	_ =	sdelay $0x2  }
0x66e: {  	s2 =	simm.s32 $0xFFFFFFFF;
	s3 =	simm.s32 $0xFFFFFFFF;
	s0 =	simm.s32 $0xC  }
.LBB2_28:
0x66f: {  	s4 =	smov.u32 s3;
	s5 =	smov.u32 s2  }
0x670: {  	s2 =	sshra.s32 s0, $0x2;
	p1 =	sne.s32 s0, $0x7C;
	s0 =	sadd.s32 $0x4, s0;
	(v2sf) =	vpush v0, $0x0  }
0x671: {  	v0 =	vld.msk [tilespmem:s2+$0xA458], $0x1  }
.Ltmp23:
0x672: {  	(pc) =	sbr.rel @p1 .LBB2_28-.Ltmp23, $4  }
0x673: {  	s3 =	spop (v2sf)  }
0x674: {  	p2 =	sne.s32 s5, $0xFFFFFFFF;
	s2 =	smov.u32 s3  }
0x675: {  	p3 =	seq.s32 s3, $0xFFFFFFFF;
	s2 =	smov.u32 @p2 s5  }
0x676: {  	s3 =	smov.u32 @p3 s4;
	s2 =	smov.u32 @p3 s5  }
0x677: {  	(v2sf) =	vpush v0, $0x0;
	_ =	sdelay $0x8  }
0x678: {  	s0 =	spop (v2sf)  }
0x679: {  	p1 =	sne.s32 s2, $0xFFFFFFFF;
	s9 =	simm.s32 $0x6;
	s4 =	smov.u32 s0  }
0x67a: {  	s10 =	simm.s32 $0xA3B8;
	p2 =	seq.s32 s0, $0xFFFFFFFF;
	s4 =	smov.u32 @p1 s2  }
0x67b: {  	s11 =	simm.s32 $0xA438;
	s4 =	smov.u32 @p2 s2;
	s2 =	spop (v2sf)  }
0x67c: {  	s0 =	smov.u32 @p2 s3;
	p1 =	sne.s32 s4, $0xFFFFFFFF;
	s7 =	smov.u32 s2  }
.Ltmp24:
0x67d: {  	p2 =	seq.s32 s2, $0xFFFFFFFF;
	s7 =	smov.u32 @p1 s4;
	(pc) =	sbr.rel .LBB2_30-.Ltmp24, $4  }
0x67e: {  	s12 =	simm.s32 $0x0;
	s7 =	smov.u32 @p2 s4;
	s5 =	spop (v2sf)  }
0x67f: {  	[sflag:s9] =	ssyncpa.u1 $0x0;
	p1 =	sne.s32 s7, $0xFFFFFFFF;
	s6 =	smov.u32 s5  }
0x680: {  	s2 =	smov.u32 @p2 s0;
	p2 =	seq.s32 s5, $0xFFFFFFFF;
	s6 =	smov.u32 @p1 s7  }
0x681: {  	s4 =	simm.s32 $0x0;
	s5 =	smov.u32 @p2 s2;
	s6 =	smov.u32 @p2 s7  }
.LBB2_36:
0x682: {  	p1 =	sgt.u32 s0, $0x4E17E  }
0x683: {  	p2 =	seq.s32 @!p1 s0, s6  }
0x684: {  	p1 =	por p1, p2  }
0x685: {  	p2 =	sne.s32 @!p1 s0, s5  }
0x686: {  	p1 =	por p1, !p2  }
0x687: {  	s0 =	smul.u32 @p1 $0x240, s12;
	_ =	sdelay $0x1  }
0x688: {  	s2 =	sand.u32 @!p1 $0x7FFF8, s0;
	s3 =	sand.u32 @!p1 $0x7, s0;
	s0 =	sadd.s32 @!p1 $0x80, s0  }
0x689: {  	s2 =	sadd.s32 @!p1 s1, s2;
	s0 =	sand.u32 @!p1 $0xFFFF8, s0  }
0x68a: {  	[tilespmem:s10], [sflag:$0x6] =	stream.linear.gather @!p1 [hbm4b:s2+s3], $0x80, $0x38;
	[tilespmem:$0x1D958] =	vst v63  }
0x68b: {  	s0 =	sadd.s32 @!p1 s1, s0  }
0x68c: {  	[tilespmem:s11], [sflag:$0x6] =	stream.linear.gather @!p1 [hbm4b:s0+s3], $0x10, $0x38;
	[tilespmem:$0x1D958] =	vst v63  }
0x68d: {  	_ =	swait.ge @!p1 [sflag:s9], $0x90  }
0x68e: {  	[sflag:s9] =	ssyncset.done @!p1 $0x0  }
0x68f: {  	[sflag:s9] =	ssyncadd.s32 @!p1 $0xFFFFFF70  }
0x690: {  	v1 =	vld @!p1 [tilespmem:$0xA3B8];
	_ =	sdelay $0x1  }
0x691: {  	s0 =	smul.u32 @!p1 $0x240, s12;
	_ =	sdelay $0x1  }
0x692: {  	s2 =	sshra.s32 @!p1 s0, $0x2  }
0x693: {  	[tilespmem:s2+$0xA478] =	vst.add.f32.msk @!p1 $0xffff, v1  }
0x694: {  	v1 =	vld @!p1 [tilespmem:$0xA3C8];
	_ =	sdelay $0x4  }
0x695: {  	[tilespmem:s2+$0xA488] =	vst.add.f32.msk @!p1 $0xffff, v1  }
0x696: {  	v1 =	vld @!p1 [tilespmem:$0xA3D8];
	_ =	sdelay $0x4  }
0x697: {  	[tilespmem:s2+$0xA498] =	vst.add.f32.msk @!p1 $0xffff, v1  }
0x698: {  	v1 =	vld @!p1 [tilespmem:$0xA3E8];
	_ =	sdelay $0x4  }
0x699: {  	[tilespmem:s2+$0xA4A8] =	vst.add.f32.msk @!p1 $0xffff, v1  }
0x69a: {  	v1 =	vld @!p1 [tilespmem:$0xA3F8];
	_ =	sdelay $0x4  }
0x69b: {  	[tilespmem:s2+$0xA4B8] =	vst.add.f32.msk @!p1 $0xffff, v1  }
0x69c: {  	v1 =	vld @!p1 [tilespmem:$0xA408];
	_ =	sdelay $0x4  }
0x69d: {  	[tilespmem:s2+$0xA4C8] =	vst.add.f32.msk @!p1 $0xffff, v1  }
0x69e: {  	v1 =	vld @!p1 [tilespmem:$0xA418];
	_ =	sdelay $0x4  }
0x69f: {  	[tilespmem:s2+$0xA4D8] =	vst.add.f32.msk @!p1 $0xffff, v1  }
0x6a0: {  	v1 =	vld @!p1 [tilespmem:$0xA428];
	_ =	sdelay $0x4  }
0x6a1: {  	[tilespmem:s2+$0xA4E8] =	vst.add.f32.msk @!p1 $0xffff, v1  }
0x6a2: {  	v1 =	vld @!p1 [tilespmem:$0xA438];
	_ =	sdelay $0x4  }
0x6a3: {  	[tilespmem:s2+$0xA4F8] =	vst.add.f32.msk @!p1 $0xffff, v1  }
0x6a4: {  	s0 =	sshra.s32 s0, $0x2;
	[tilespmem:s4+$0xA458] =	vst.msk $0x1, v0  }
0x6a5: {  	v0 =	vld [tilespmem:s0+$0xA478];
	_ =	sdelay $0x1  }
0x6a6: {  	s31 =	smul.u32 $0x240, s4;
	_ =	sdelay $0x1  }
0x6a7: {  	s2 =	sshra.s32 s31, $0x2  }
0x6a8: {  	[tilespmem:s2+$0xA478] =	vst v0  }
0x6a9: {  	v0 =	vld [tilespmem:s0+$0xA488];
	_ =	sdelay $0x4  }
0x6aa: {  	[tilespmem:s2+$0xA488] =	vst v0  }
0x6ab: {  	v0 =	vld [tilespmem:s0+$0xA498];
	_ =	sdelay $0x4  }
0x6ac: {  	[tilespmem:s2+$0xA498] =	vst v0  }
0x6ad: {  	v0 =	vld [tilespmem:s0+$0xA4A8];
	_ =	sdelay $0x4  }
0x6ae: {  	[tilespmem:s2+$0xA4A8] =	vst v0  }
0x6af: {  	v0 =	vld [tilespmem:s0+$0xA4B8];
	_ =	sdelay $0x4  }
0x6b0: {  	[tilespmem:s2+$0xA4B8] =	vst v0  }
0x6b1: {  	v0 =	vld [tilespmem:s0+$0xA4C8];
	_ =	sdelay $0x4  }
0x6b2: {  	[tilespmem:s2+$0xA4C8] =	vst v0  }
0x6b3: {  	v0 =	vld [tilespmem:s0+$0xA4D8];
	_ =	sdelay $0x4  }
0x6b4: {  	[tilespmem:s2+$0xA4D8] =	vst v0  }
0x6b5: {  	v0 =	vld [tilespmem:s0+$0xA4E8];
	_ =	sdelay $0x4  }
0x6b6: {  	[tilespmem:s2+$0xA4E8] =	vst v0  }
0x6b7: {  	v0 =	vld [tilespmem:s0+$0xA4F8];
	_ =	sdelay $0x4  }
0x6b8: {  	s4 =	sadd.s32 $0x1, s4;
	[tilespmem:s2+$0xA4F8] =	vst v0  }
.LBB2_37:
0x6b9: {  	s12 =	sadd.s32 $0x1, s12  }
0x6ba: {  	p1 =	sne.s32 s12, $0x20  }
.Ltmp25:
0x6bb: {  	_ = 	snop;
	(pc) =	sbr.rel @!p1 .LBB2_38-.Ltmp25, $1  }
0x6bc: {  	_ =	sdelay $0x3  }
.LBB2_30:
0x6bd: {  	v0 =	vld.msk [tilespmem:s12+$0xA458], $0x1;
	_ =	sdelay $0x4  }
0x6be: {  	(v2sf) =	vpush v0, $0x0;
	_ =	sdelay $0xe  }
0x6bf: {  	s0 =	spop (v2sf)  }
0x6c0: {  	p1 =	seq.s32 s0, $0xFFFFFFFF  }
.Ltmp26:
0x6c1: {  	_ = 	snop;
	(pc) =	sbr.rel @p1 .LBB2_37-.Ltmp26, $1  }
0x6c2: {  	_ =	sdelay $0x3  }
0x6c3: {  	p1 =	slt.s32 s4, $0x1  }
.Ltmp27:
0x6c4: {  	_ = 	snop;
	(pc) =	sbr.rel @p1 .LBB2_36-.Ltmp27, $1  }
0x6c5: {  	_ =	sdelay $0x3  }
0x6c6: {  	s2 =	simm.s32 $0xA458;
	p1 =	por $0x0, $0x0  }
0x6c7: {  	v1 =	vld.msk @!p1 [tilespmem:s2+$0x0], $0x1;
	_ =	sdelay $0x4  }
0x6c8: {  	(v2sf) =	vpush @!p1 v1, $0x0;
	_ =	sdelay $0xd  }
0x6c9: {  	p3 =	sne.s32 s4, $0x1  }
.Ltmp28:
0x6ca: {  	s3 =	spop @!p1 (v2sf);
	(pc) =	sbr.rel @!p3 .LBB2_34-.Ltmp28, $4  }
0x6cb: {  	p2 =	seq.s32 @!p1 s0, s3  }
0x6cc: {  	s3 =	simm.s32 $0x0;
	p2 =	por !p2, p1  }
0x6cd: {  	s7 =	simm.s32 $0xFFFFFFFF;
	s3 =	simm.s32 @p2 $0xFFFFFFFF  }
0x6ce: {  	s13 =	simm.s32 $0x1;
	s3 =	smov.u32 @p1 s7  }
.LBB2_33:
0x6cf: {  	s7 =	smov.u32 s3;
	p1 =	sne.s32 s3, $0xFFFFFFFF  }
0x6d0: {  	s2 =	sadd.s32 $0x1, s2;
	s3 =	smov.u32 s13;
	s13 =	sadd.s32 $0x1, s13  }
0x6d1: {  	p2 =	sne.s32 s4, s13;
	v1 =	vld.msk @!p1 [tilespmem:s2+$0x0], $0x1;
	_ =	sdelay $0x4  }
0x6d2: {  	(v2sf) =	vpush @!p1 v1, $0x0;
	_ =	sdelay $0xe  }
.Ltmp29:
0x6d3: {  	s8 =	spop @!p1 (v2sf);
	(pc) =	sbr.rel @p2 .LBB2_33-.Ltmp29, $4  }
0x6d4: {  	p3 =	seq.s32 @!p1 s0, s8  }
0x6d5: {  	p3 =	por !p3, p1  }
0x6d6: {  	s3 =	simm.s32 @p3 $0xFFFFFFFF  }
0x6d7: {  	s3 =	smov.u32 @p1 s7  }
.LBB2_34:
0x6d8: {  	p1 =	seq.s32 s3, $0xFFFFFFFF  }
.Ltmp30:
0x6d9: {  	_ = 	snop;
	(pc) =	sbr.rel @p1 .LBB2_36-.Ltmp30, $1  }
0x6da: {  	_ =	sdelay $0x3  }
0x6db: {  	s0 =	smul.u32 $0x240, s12;
	_ =	sdelay $0x1  }
0x6dc: {  	s0 =	sshra.s32 s0, $0x2  }
0x6dd: {  	v0 =	vld [tilespmem:s0+$0xA478];
	_ =	sdelay $0x1  }
0x6de: {  	s2 =	smul.u32 $0x240, s3;
	_ =	sdelay $0x1  }
0x6df: {  	s2 =	sshra.s32 s2, $0x2  }
0x6e0: {  	[tilespmem:s2+$0xA478] =	vst.add.f32.msk $0xffff, v0  }
0x6e1: {  	v0 =	vld [tilespmem:s0+$0xA488];
	_ =	sdelay $0x4  }
0x6e2: {  	[tilespmem:s2+$0xA488] =	vst.add.f32.msk $0xffff, v0  }
0x6e3: {  	v0 =	vld [tilespmem:s0+$0xA498];
	_ =	sdelay $0x4  }
0x6e4: {  	[tilespmem:s2+$0xA498] =	vst.add.f32.msk $0xffff, v0  }
0x6e5: {  	v0 =	vld [tilespmem:s0+$0xA4A8];
	_ =	sdelay $0x4  }
0x6e6: {  	[tilespmem:s2+$0xA4A8] =	vst.add.f32.msk $0xffff, v0  }
0x6e7: {  	v0 =	vld [tilespmem:s0+$0xA4B8];
	_ =	sdelay $0x4  }
0x6e8: {  	[tilespmem:s2+$0xA4B8] =	vst.add.f32.msk $0xffff, v0  }
0x6e9: {  	v0 =	vld [tilespmem:s0+$0xA4C8];
	_ =	sdelay $0x4  }
0x6ea: {  	[tilespmem:s2+$0xA4C8] =	vst.add.f32.msk $0xffff, v0  }
0x6eb: {  	v0 =	vld [tilespmem:s0+$0xA4D8];
	_ =	sdelay $0x4  }
0x6ec: {  	[tilespmem:s2+$0xA4D8] =	vst.add.f32.msk $0xffff, v0  }
0x6ed: {  	v0 =	vld [tilespmem:s0+$0xA4E8];
	_ =	sdelay $0x4  }
0x6ee: {  	[tilespmem:s2+$0xA4E8] =	vst.add.f32.msk $0xffff, v0  }
0x6ef: {  	v0 =	vld [tilespmem:s0+$0xA4F8]  }
.Ltmp31:
0x6f0: {  	_ = 	snop;
	(pc) =	sbr.rel .LBB2_37-.Ltmp31, $2  }
0x6f1: {  	_ =	sdelay $0x2  }
0x6f2: {  	[tilespmem:s2+$0xA4F8] =	vst.add.f32.msk $0xffff, v0  }
.LBB2_38:
0x6f3: {  	s0 =	simm.s32 $0x6;
	p1 =	seq.s32 s4, $0x0  }
0x6f4: {  	[sflag:s0] =	ssyncpa.u1 $0x1;
	v0 =	vimm.s32 @p1 $0xFFFFFFFF  }
0x6f5: {  	s0 =	sadd.s32 $0xFFFFFFFF, s4;
	[tilespmem:$0xB678] =	vst @p1 v0  }
0x6f6: {  	v0 =	vld.msk @!p1 [tilespmem:s0+$0xA458], $0x1;
	_ =	sdelay $0x1  }
0x6f7: {  	v1 =	vld.msk @!p1 [tilespmem:$0xA458], $0x1;
	_ =	sdelay $0x2  }
0x6f8: {  	p2 =	seq.s32 @!p1 s0, $0x0;
	v0 =	vbroadcast @!p1 v0, $0x0  }
0x6f9: {  	vm0 =	vmmov @!p1 $0x1;
	p3 =	por !p2, p1  }
0x6fa: {  	p2 =	sne.s32 @!p1 s6, s5;
	v1 =	vnsel @!p1 vm0, $0xFFFFFFFF, v1;
	vm0 =	vcmask @!p1 $0x308;
	v0 =	vpsel !p3, $0xFFFFFFFF, v0  }
0x6fb: {  	p3 =	por !p2, p1;
	v0 =	vsel @!p1 vm0, v1, v0  }
0x6fc: {  	s2 =	simm.s32 @!p1 $0xA478;
	s3 =	simm.s32 @!p1 $0x0;
	s5 =	smul.u32 @!p3 $0x240, s0;
	[tilespmem:$0xB678] =	vst @!p1 v0  }
0x6fd: {  	[spmem:s3] =	stream.linear.scatter @!p1 [tilespmem:s2], [sflag:$0x1], $0x90, $0x38;
	[tilespmem:$0x1D958] =	vst v63  }
0x6fe: {  	s2 =	sshra.s32 @!p3 s5, $0x2  }
0x6ff: {  	s3 =	simm.s32 @!p3 $0x90;
	s2 =	sadd.s32 @!p3 $0xA478, s2  }
0x700: {  	[spmem:s3] =	stream.linear.scatter @!p3 [tilespmem:s2], [sflag:$0x1], $0x90, $0x38;
	[tilespmem:$0x1D958] =	vst v63  }
0x701: {  	s2 =	simm.s32 @!p3 $0x1  }
0x702: {  	_ =	swait.ge @!p3 [sflag:s2], $0x120  }
0x703: {  	p1 =	por p2, p1;
	[sflag:s2] =	ssyncset.done @!p3 $0x0  }
0x704: {  	[sflag:s2] =	ssyncadd.s32 @!p3 $0xFFFFFEE0;
	s2 =	simm.s32 @!p1 $0x1  }
0x705: {  	_ =	swait.ge @!p1 [sflag:s2], $0x90  }
0x706: {  	s29 =	simm.s32 $0xB678;
	[sflag:s2] =	ssyncset.done @!p1 $0x0  }
0x707: {  	s30 =	simm.s32 $0x1200;
	s31 =	simm.s32 $0x1;
	[sflag:s2] =	ssyncadd.s32 @!p1 $0xFFFFFF70  }
0x708: {  	[spmem:s30] =	stream.linear.scatter [tilespmem:s29], [sflag:$0x1], $0x10, $0x38;
	[tilespmem:$0x1D958] =	vst v63  }
0x709: {  	_ =	swait.ge [sflag:s31], $0x10  }
0x70a: {  	[sflag:s31] =	ssyncset.done $0x0  }
0x70b: {  	p1 =	seq.s32 s15, $0x0;
	s9 =	rddreg [dreg:$0x3];
	[sflag:s31] =	ssyncadd.s32 $0xFFFFFFF0  }
0x70c: {  	s3 =	sshll.u32 @p1 s9, $0xE;
	s8 =	rddreg [dreg:$0x4]  }
0x70d: {  	s2 =	sadd.s32 @p1 $0x15C3C, s3;
	s3 =	sshll.u32 @p1 s8, $0x11  }
0x70e: {  	_ =	sfence.stream.spmem;
	s2 =	sor.u32 @p1 s3, s2  }
0x70f: {  	[sflag:s2] =	ssyncadd.remote.s32 @p1 $0x1;
	s2 =	simm.s32 @p1 $0x4  }
0x710: {  	s5 =	simm.s32 @!p1 $0x3C;
	s3 =	sand.u32 $0xFFFFFFFE, s9;
	_ =	swait.ge @p1 [sflag:s2], $0x26  }
0x711: {  	s6 =	simm.s32 @!p1 $0x0;
	s3 =	sadd.s32 @!p1 $0x4, s3;
	[sflag:s2] =	ssyncset.done @p1 $0x0  }
0x712: {  	s7 =	simm.s32 @!p1 $0x120;
	[sflag:s2] =	ssyncadd.s32 @p1 $0xFFFFFFDA;
	s2 =	sshll.u32 @!p1 s3, $0x1A  }
0x713: {  	s3 =	sshll.u32 @!p1 s3, $0xD;
	s2 =	sor.u32 @!p1 s2, s8;
	_ =	swait.eq @!p1 [sflag:s5], $0x1  }
0x714: {  	s3 =	sor.u32 @!p1 $0x1C04, s3;
	s5 =	simm.s32 @!p1 $0x1C03;
	s2 =	sor.u32 @!p1 $0x80004000, s2  }
0x715: {  	[spmem:s7], [sflag:s3] =	dma.general @!p1 [spmem:s6], [sflag:s5], length:$0x24, [dreg:$0x0], stride_count:$0x0, ici_dest:s2, dma_misc:DstOpCode:WRITE  }
0x716: {  	p2 =	slt.s32 s0, $0x2;
	s6 =	simm.s32 @!p1 $0x240;
	s7 =	simm.s32 @!p1 $0x242  }
0x717: {  	[spmem:s7], [sflag:s3] =	dma.general @!p1 [spmem:s6], [sflag:s5], length:$0x2, [dreg:$0x0], stride_count:$0x0, ici_dest:s2, dma_misc:DstOpCode:WRITE  }
.Ltmp32:
0x718: {  	s2 =	simm.s32 @!p1 $0x3;
	(pc) =	sbr.rel @p2 .LBB2_42-.Ltmp32, $4  }
0x719: {  	s3 =	sshll.u32 @!p1 s9, $0xE;
	_ =	swait.ge @!p1 [sflag:s2], $0x26  }
0x71a: {  	s5 =	sshll.u32 @!p1 s8, $0x11;
	s3 =	sadd.s32 @!p1 $0x11C3C, s3;
	[sflag:s2] =	ssyncset.done @!p1 $0x0  }
0x71b: {  	[sflag:s2] =	ssyncadd.s32 @!p1 $0xFFFFFFDA;
	s2 =	sor.u32 @!p1 s5, s3  }
0x71c: {  	s0 =	simm.s32 $0x0;
	[sflag:s2] =	ssyncadd.remote.s32 @!p1 $0xFFFFFFFF  }
0x71d: {  	s0 =	simm.s32 $0xA459  }
0x71e: {  	v0 =	vld.msk [tilespmem:s0+$0x0], $0x1;
	_ =	sdelay $0x4  }
0x71f: {  	(v2sf) =	vpush v0, $0x0;
	_ =	sdelay $0xd  }
0x720: {  	s31 =	sadd.s32 $0xFFFFFFFE, s4  }
0x721: {  	s4 =	simm.s32 $0x0;
	s0 =	sadd.s32 $0xFFFFFFFF, s31;
	s3 =	spop (v2sf)  }
0x722: {  	s6 =	simm.s32 $0xA508;
	p1 =	sne.s32 s0, $0x0;
	p2 =	sgt.u32 s3, $0x4E17E  }
.Ltmp33:
0x723: {  	s2 =	simm.s32 $0xA598;
	s5 =	sand.u32 @!p2 $0x7FFF8, s3;
	(pc) =	sbr.rel @!p1 .LBB2_41-.Ltmp33, $4  }
0x724: {  	s7 =	sadd.s32 @!p2 $0x80, s3;
	s4 =	simm.s32 @!p2 $0x240;
	s8 =	sadd.s32 @!p2 s1, s5  }
0x725: {  	s5 =	sand.u32 @!p2 $0x7, s3;
	s3 =	simm.s32 $0xA45A;
	s7 =	sand.u32 @!p2 $0xFFFF8, s7  }
0x726: {  	[hbm4b:s8+s5] =	stream.linear.scatter @!p2 [tilespmem:s6], [sflag:$0x5], $0x80, $0x38;
	[tilespmem:$0x1D958] =	vst v63  }
0x727: {  	s4 =	sadd.s32 $0x0, s4;
	s6 =	simm.s32 @!p2 $0xA588;
	s7 =	sadd.s32 @!p2 s1, s7  }
.LBB2_40:
0x728: {  	[hbm4b:s7+s5] =	stream.linear.scatter @!p2 [tilespmem:s6], [sflag:$0x5], $0x10, $0x38;
	[tilespmem:$0x1D958] =	vst v63  }
0x729: {  	s0 =	sadd.s32 $0xFFFFFFFF, s0;
	s6 =	smov.u32 s2;
	v0 =	vld.msk [tilespmem:s3+$0x0], $0x1  }
0x72a: {  	p1 =	sne.s32 s0, $0x0;
	_ =	sdelay $0x3  }
0x72b: {  	(v2sf) =	vpush v0, $0x0;
	_ =	sdelay $0xe  }
0x72c: {  	s2 =	sadd.s32 $0x90, s2;
	s8 =	simm.s32 $0x0;
	s5 =	spop (v2sf)  }
.Ltmp34:
0x72d: {  	s3 =	sadd.s32 $0x1, s3;
	p2 =	sgt.u32 s5, $0x4E17E;
	(pc) =	sbr.rel @p1 .LBB2_40-.Ltmp34, $4  }
0x72e: {  	s8 =	simm.s32 @!p2 $0x240;
	s7 =	sand.u32 @!p2 $0x7FFF8, s5;
	s9 =	sadd.s32 @!p2 $0x80, s5  }
0x72f: {  	s5 =	sand.u32 @!p2 $0x7, s5;
	s7 =	sadd.s32 @!p2 s1, s7;
	s9 =	sand.u32 @!p2 $0xFFFF8, s9  }
0x730: {  	[hbm4b:s7+s5] =	stream.linear.scatter @!p2 [tilespmem:s6], [sflag:$0x5], $0x80, $0x38;
	[tilespmem:$0x1D958] =	vst v63  }
0x731: {  	s4 =	sadd.s32 s4, s8;
	s6 =	sadd.s32 @!p2 $0x80, s6;
	s7 =	sadd.s32 @!p2 s1, s9  }
.LBB2_41:
0x732: {  	[hbm4b:s7+s5] =	stream.linear.scatter @!p2 [tilespmem:s6], [sflag:$0x5], $0x10, $0x38;
	[tilespmem:$0x1D958] =	vst v63  }
0x733: {  	s0 =	sshrl.u32 s4, $0x2  }
.LBB2_42:
0x734: {  	s2 =	simm.s32 $0x5  }
0x735: {  	_ =	swait.ge [sflag:s2], s0  }
0x736: {  	s31 =	ssub.s32 $0x0, s0;
	[sflag:s2] =	ssyncset.done $0x0  }
0x737: {  	[sflag:s2] =	ssyncadd.s32 s31  }
0x738: {  	[sflag:s2] =	ssyncpa.u1 $0x1  }
.LBB2_43:
0x739: {  	s0 =	sor.u32 s15, s14  }
0x73a: {  	p1 =	sne.s32 s0, $0x0  }
.Ltmp35:
0x73b: {  	_ = 	snop;
	(pc) =	sbr.rel @p1 .LBB2_58-.Ltmp35, $3  }
0x73c: {  	_ =	sdelay $0x1  }
0x73d: {  	[bflag:$0x0] =	sbarrier.arrive $0xFFFF  }
0x73e: {  	_ =	sfence  }
0x73f: {  	s0 =	simm.s32 $0x7  }
0x740: {  	s2 =	simm.s32 $0x1200;
	s3 =	simm.s32 $0xA458;
	[sflag:s0] =	ssyncpa.u1 $0x0  }
0x741: {  	[tilespmem:s3], [sflag:$0x7] =	stream.linear.gather [spmem:s2], $0x20, $0x38;
	[tilespmem:$0x1D958] =	vst v63  }
0x742: {  	s30 =	simm.s32 $0xA478;
	s2 =	simm.s32 $0x0  }
0x743: {  	[tilespmem:s30], [sflag:$0x7] =	stream.linear.gather [spmem:s2], $0x1200, $0x38;
	[tilespmem:$0x1D958] =	vst v63  }
.Ltmp36:
0x744: {  	_ = 	snop;
	(pc) =	sbr.rel .LBB2_45-.Ltmp36, $4  }
0x745: {  	_ =	swait.ge [sflag:s0], $0x1220  }
0x746: {  	[sflag:s0] =	ssyncset.done $0x0  }
0x747: {  	s31 =	simm.s32 $0x8;
	[sflag:s0] =	ssyncadd.s32 $0xFFFFEDE0  }
0x748: {  	s3 =	simm.s32 $0x0;
	[sflag:s31] =	ssyncpa.u1 $0x0  }
.LBB2_51:
0x749: {  	p1 =	slt.u32 s0, $0x4E17F  }
0x74a: {  	s4 =	sand.u32 @p1 $0x7FFF8, s0;
	s5 =	sand.u32 @p1 $0x7, s0;
	s0 =	sadd.s32 @p1 $0x80, s0  }
0x74b: {  	s6 =	simm.s32 @p1 $0xA3B8;
	s4 =	sadd.s32 @p1 s1, s4;
	s0 =	sand.u32 @p1 $0xFFFF8, s0  }
0x74c: {  	[tilespmem:s6], [sflag:$0x8] =	stream.linear.gather @p1 [hbm4b:s4+s5], $0x80, $0x38;
	[tilespmem:$0x1D958] =	vst v63  }
0x74d: {  	s0 =	sadd.s32 @p1 s1, s0;
	s4 =	simm.s32 @p1 $0xA438  }
0x74e: {  	[tilespmem:s4], [sflag:$0x8] =	stream.linear.gather @p1 [hbm4b:s0+s5], $0x10, $0x38;
	[tilespmem:$0x1D958] =	vst v63  }
0x74f: {  	s0 =	simm.s32 @p1 $0x8  }
0x750: {  	_ =	swait.ge @p1 [sflag:s0], $0x90  }
0x751: {  	[sflag:s0] =	ssyncset.done @p1 $0x0  }
0x752: {  	[sflag:s0] =	ssyncadd.s32 @p1 $0xFFFFFF70  }
0x753: {  	v1 =	vld @p1 [tilespmem:$0xA3B8];
	_ =	sdelay $0x1  }
0x754: {  	s0 =	smul.u32 @p1 $0x240, s3;
	_ =	sdelay $0x1  }
0x755: {  	s4 =	sshra.s32 @p1 s0, $0x2  }
0x756: {  	[tilespmem:s4+$0xA478] =	vst.add.f32.msk @p1 $0xffff, v1  }
0x757: {  	v1 =	vld @p1 [tilespmem:$0xA3C8];
	_ =	sdelay $0x4  }
0x758: {  	[tilespmem:s4+$0xA488] =	vst.add.f32.msk @p1 $0xffff, v1  }
0x759: {  	v1 =	vld @p1 [tilespmem:$0xA3D8];
	_ =	sdelay $0x4  }
0x75a: {  	[tilespmem:s4+$0xA498] =	vst.add.f32.msk @p1 $0xffff, v1  }
0x75b: {  	v1 =	vld @p1 [tilespmem:$0xA3E8];
	_ =	sdelay $0x4  }
0x75c: {  	[tilespmem:s4+$0xA4A8] =	vst.add.f32.msk @p1 $0xffff, v1  }
0x75d: {  	v1 =	vld @p1 [tilespmem:$0xA3F8];
	_ =	sdelay $0x4  }
0x75e: {  	[tilespmem:s4+$0xA4B8] =	vst.add.f32.msk @p1 $0xffff, v1  }
0x75f: {  	v1 =	vld @p1 [tilespmem:$0xA408];
	_ =	sdelay $0x4  }
0x760: {  	[tilespmem:s4+$0xA4C8] =	vst.add.f32.msk @p1 $0xffff, v1  }
0x761: {  	v1 =	vld @p1 [tilespmem:$0xA418];
	_ =	sdelay $0x4  }
0x762: {  	[tilespmem:s4+$0xA4D8] =	vst.add.f32.msk @p1 $0xffff, v1  }
0x763: {  	v1 =	vld @p1 [tilespmem:$0xA428];
	_ =	sdelay $0x4  }
0x764: {  	[tilespmem:s4+$0xA4E8] =	vst.add.f32.msk @p1 $0xffff, v1  }
0x765: {  	v1 =	vld @p1 [tilespmem:$0xA438];
	_ =	sdelay $0x2  }
0x766: {  	s5 =	smul.u32 @!p1 $0x240, s3;
	_ =	sdelay $0x1  }
0x767: {  	s5 =	smov.u32 @p1 s0;
	[tilespmem:s4+$0xA4F8] =	vst.add.f32.msk @p1 $0xffff, v1  }
0x768: {  	s0 =	sshra.s32 s5, $0x2;
	[tilespmem:s2+$0xA458] =	vst.msk $0x1, v0  }
0x769: {  	v0 =	vld [tilespmem:s0+$0xA478];
	_ =	sdelay $0x1  }
0x76a: {  	s31 =	smul.u32 $0x240, s2;
	_ =	sdelay $0x1  }
0x76b: {  	s4 =	sshra.s32 s31, $0x2  }
0x76c: {  	[tilespmem:s4+$0xA478] =	vst v0  }
0x76d: {  	v0 =	vld [tilespmem:s0+$0xA488];
	_ =	sdelay $0x4  }
0x76e: {  	[tilespmem:s4+$0xA488] =	vst v0  }
0x76f: {  	v0 =	vld [tilespmem:s0+$0xA498];
	_ =	sdelay $0x4  }
0x770: {  	[tilespmem:s4+$0xA498] =	vst v0  }
0x771: {  	v0 =	vld [tilespmem:s0+$0xA4A8];
	_ =	sdelay $0x4  }
0x772: {  	[tilespmem:s4+$0xA4A8] =	vst v0  }
0x773: {  	v0 =	vld [tilespmem:s0+$0xA4B8];
	_ =	sdelay $0x4  }
0x774: {  	[tilespmem:s4+$0xA4B8] =	vst v0  }
0x775: {  	v0 =	vld [tilespmem:s0+$0xA4C8];
	_ =	sdelay $0x4  }
0x776: {  	[tilespmem:s4+$0xA4C8] =	vst v0  }
0x777: {  	v0 =	vld [tilespmem:s0+$0xA4D8];
	_ =	sdelay $0x4  }
0x778: {  	[tilespmem:s4+$0xA4D8] =	vst v0  }
0x779: {  	v0 =	vld [tilespmem:s0+$0xA4E8];
	_ =	sdelay $0x4  }
0x77a: {  	[tilespmem:s4+$0xA4E8] =	vst v0  }
0x77b: {  	v0 =	vld [tilespmem:s0+$0xA4F8];
	_ =	sdelay $0x4  }
0x77c: {  	s2 =	sadd.s32 $0x1, s2;
	[tilespmem:s4+$0xA4F8] =	vst v0  }
.LBB2_52:
0x77d: {  	s3 =	sadd.s32 $0x1, s3  }
0x77e: {  	p1 =	sne.s32 s3, $0x20  }
.Ltmp37:
0x77f: {  	_ = 	snop;
	(pc) =	sbr.rel @!p1 .LBB2_53-.Ltmp37, $1  }
0x780: {  	_ =	sdelay $0x3  }
.LBB2_45:
0x781: {  	v0 =	vld.msk [tilespmem:s3+$0xA458], $0x1;
	_ =	sdelay $0x4  }
0x782: {  	(v2sf) =	vpush v0, $0x0;
	_ =	sdelay $0xe  }
0x783: {  	s0 =	spop (v2sf)  }
0x784: {  	p1 =	seq.s32 s0, $0xFFFFFFFF  }
.Ltmp38:
0x785: {  	_ = 	snop;
	(pc) =	sbr.rel @p1 .LBB2_52-.Ltmp38, $1  }
0x786: {  	_ =	sdelay $0x3  }
0x787: {  	p1 =	slt.s32 s2, $0x1  }
.Ltmp39:
0x788: {  	_ = 	snop;
	(pc) =	sbr.rel @p1 .LBB2_51-.Ltmp39, $1  }
0x789: {  	_ =	sdelay $0x3  }
0x78a: {  	s4 =	simm.s32 $0xA458;
	p1 =	por $0x0, $0x0  }
0x78b: {  	v1 =	vld.msk @!p1 [tilespmem:s4+$0x0], $0x1;
	_ =	sdelay $0x4  }
0x78c: {  	(v2sf) =	vpush @!p1 v1, $0x0;
	_ =	sdelay $0xd  }
0x78d: {  	p3 =	sne.s32 s2, $0x1  }
.Ltmp40:
0x78e: {  	s5 =	spop @!p1 (v2sf);
	(pc) =	sbr.rel @!p3 .LBB2_49-.Ltmp40, $4  }
0x78f: {  	p2 =	seq.s32 @!p1 s0, s5  }
0x790: {  	s5 =	simm.s32 $0x0;
	p2 =	por !p2, p1  }
0x791: {  	s7 =	simm.s32 $0xFFFFFFFF;
	s5 =	simm.s32 @p2 $0xFFFFFFFF  }
0x792: {  	s6 =	simm.s32 $0x1;
	s5 =	smov.u32 @p1 s7  }
.LBB2_48:
0x793: {  	s7 =	smov.u32 s5;
	p1 =	sne.s32 s5, $0xFFFFFFFF  }
0x794: {  	s4 =	sadd.s32 $0x1, s4;
	s5 =	smov.u32 s6;
	s6 =	sadd.s32 $0x1, s6  }
0x795: {  	p2 =	sne.s32 s2, s6;
	v1 =	vld.msk @!p1 [tilespmem:s4+$0x0], $0x1;
	_ =	sdelay $0x4  }
0x796: {  	(v2sf) =	vpush @!p1 v1, $0x0;
	_ =	sdelay $0xe  }
.Ltmp41:
0x797: {  	s8 =	spop @!p1 (v2sf);
	(pc) =	sbr.rel @p2 .LBB2_48-.Ltmp41, $4  }
0x798: {  	p3 =	seq.s32 @!p1 s0, s8  }
0x799: {  	p3 =	por !p3, p1  }
0x79a: {  	s5 =	simm.s32 @p3 $0xFFFFFFFF  }
0x79b: {  	s5 =	smov.u32 @p1 s7  }
.LBB2_49:
0x79c: {  	p1 =	seq.s32 s5, $0xFFFFFFFF  }
.Ltmp42:
0x79d: {  	_ = 	snop;
	(pc) =	sbr.rel @p1 .LBB2_51-.Ltmp42, $1  }
0x79e: {  	_ =	sdelay $0x3  }
0x79f: {  	s0 =	smul.u32 $0x240, s3;
	_ =	sdelay $0x1  }
0x7a0: {  	s0 =	sshra.s32 s0, $0x2  }
0x7a1: {  	v0 =	vld [tilespmem:s0+$0xA478];
	_ =	sdelay $0x1  }
0x7a2: {  	s4 =	smul.u32 $0x240, s5;
	_ =	sdelay $0x1  }
0x7a3: {  	s4 =	sshra.s32 s4, $0x2  }
0x7a4: {  	[tilespmem:s4+$0xA478] =	vst.add.f32.msk $0xffff, v0  }
0x7a5: {  	v0 =	vld [tilespmem:s0+$0xA488];
	_ =	sdelay $0x4  }
0x7a6: {  	[tilespmem:s4+$0xA488] =	vst.add.f32.msk $0xffff, v0  }
0x7a7: {  	v0 =	vld [tilespmem:s0+$0xA498];
	_ =	sdelay $0x4  }
0x7a8: {  	[tilespmem:s4+$0xA498] =	vst.add.f32.msk $0xffff, v0  }
0x7a9: {  	v0 =	vld [tilespmem:s0+$0xA4A8];
	_ =	sdelay $0x4  }
0x7aa: {  	[tilespmem:s4+$0xA4A8] =	vst.add.f32.msk $0xffff, v0  }
0x7ab: {  	v0 =	vld [tilespmem:s0+$0xA4B8];
	_ =	sdelay $0x4  }
0x7ac: {  	[tilespmem:s4+$0xA4B8] =	vst.add.f32.msk $0xffff, v0  }
0x7ad: {  	v0 =	vld [tilespmem:s0+$0xA4C8];
	_ =	sdelay $0x4  }
0x7ae: {  	[tilespmem:s4+$0xA4C8] =	vst.add.f32.msk $0xffff, v0  }
0x7af: {  	v0 =	vld [tilespmem:s0+$0xA4D8];
	_ =	sdelay $0x4  }
0x7b0: {  	[tilespmem:s4+$0xA4D8] =	vst.add.f32.msk $0xffff, v0  }
0x7b1: {  	v0 =	vld [tilespmem:s0+$0xA4E8];
	_ =	sdelay $0x4  }
0x7b2: {  	[tilespmem:s4+$0xA4E8] =	vst.add.f32.msk $0xffff, v0  }
0x7b3: {  	v0 =	vld [tilespmem:s0+$0xA4F8]  }
.Ltmp43:
0x7b4: {  	_ = 	snop;
	(pc) =	sbr.rel .LBB2_52-.Ltmp43, $2  }
0x7b5: {  	_ =	sdelay $0x2  }
0x7b6: {  	[tilespmem:s4+$0xA4F8] =	vst.add.f32.msk $0xffff, v0  }
.LBB2_53:
0x7b7: {  	p1 =	slt.s32 s2, $0x1  }
.Ltmp44:
0x7b8: {  	_ = 	snop;
	(pc) =	sbr.rel @p1 .LBB2_57-.Ltmp44, $3  }
0x7b9: {  	_ =	sdelay $0x1  }
0x7ba: {  	s0 =	simm.s32 $0x8  }
0x7bb: {  	s4 =	simm.s32 $0x0;
	[sflag:s0] =	ssyncpa.u1 $0x1  }
0x7bc: {  	s0 =	simm.s32 $0xA458  }
0x7bd: {  	v0 =	vld.msk [tilespmem:s0+$0x0], $0x1;
	_ =	sdelay $0x4  }
0x7be: {  	(v2sf) =	vpush v0, $0x0;
	_ =	sdelay $0xe  }
0x7bf: {  	s0 =	sadd.s32 $0xFFFFFFFF, s2;
	s3 =	spop (v2sf)  }
0x7c0: {  	s6 =	simm.s32 $0xA478;
	p1 =	sne.s32 s0, $0x0;
	p2 =	sgt.u32 s3, $0x4E17E  }
.Ltmp45:
0x7c1: {  	s2 =	simm.s32 $0xA508;
	s5 =	sand.u32 @!p2 $0x7FFF8, s3;
	(pc) =	sbr.rel @!p1 .LBB2_56-.Ltmp45, $4  }
0x7c2: {  	s7 =	sadd.s32 @!p2 $0x80, s3;
	s4 =	simm.s32 @!p2 $0x240;
	s8 =	sadd.s32 @!p2 s1, s5  }
0x7c3: {  	s5 =	sand.u32 @!p2 $0x7, s3;
	s3 =	simm.s32 $0xA459;
	s7 =	sand.u32 @!p2 $0xFFFF8, s7  }
0x7c4: {  	[hbm4b:s8+s5] =	stream.linear.scatter @!p2 [tilespmem:s6], [sflag:$0x7], $0x80, $0x38;
	[tilespmem:$0x1D958] =	vst v63  }
0x7c5: {  	s4 =	sadd.s32 $0x0, s4;
	s6 =	simm.s32 @!p2 $0xA4F8;
	s7 =	sadd.s32 @!p2 s1, s7  }
.LBB2_55:
0x7c6: {  	[hbm4b:s7+s5] =	stream.linear.scatter @!p2 [tilespmem:s6], [sflag:$0x7], $0x10, $0x38;
	[tilespmem:$0x1D958] =	vst v63  }
0x7c7: {  	s0 =	sadd.s32 $0xFFFFFFFF, s0;
	s6 =	smov.u32 s2;
	v0 =	vld.msk [tilespmem:s3+$0x0], $0x1  }
0x7c8: {  	p1 =	sne.s32 s0, $0x0;
	_ =	sdelay $0x3  }
0x7c9: {  	(v2sf) =	vpush v0, $0x0;
	_ =	sdelay $0xe  }
0x7ca: {  	s2 =	sadd.s32 $0x90, s2;
	s8 =	simm.s32 $0x0;
	s5 =	spop (v2sf)  }
.Ltmp46:
0x7cb: {  	s3 =	sadd.s32 $0x1, s3;
	p2 =	sgt.u32 s5, $0x4E17E;
	(pc) =	sbr.rel @p1 .LBB2_55-.Ltmp46, $4  }
0x7cc: {  	s8 =	simm.s32 @!p2 $0x240;
	s7 =	sand.u32 @!p2 $0x7FFF8, s5;
	s9 =	sadd.s32 @!p2 $0x80, s5  }
0x7cd: {  	s5 =	sand.u32 @!p2 $0x7, s5;
	s7 =	sadd.s32 @!p2 s1, s7;
	s9 =	sand.u32 @!p2 $0xFFFF8, s9  }
0x7ce: {  	[hbm4b:s7+s5] =	stream.linear.scatter @!p2 [tilespmem:s6], [sflag:$0x7], $0x80, $0x38;
	[tilespmem:$0x1D958] =	vst v63  }
0x7cf: {  	s4 =	sadd.s32 s4, s8;
	s6 =	sadd.s32 @!p2 $0x80, s6;
	s7 =	sadd.s32 @!p2 s1, s9  }
.LBB2_56:
0x7d0: {  	[hbm4b:s7+s5] =	stream.linear.scatter @!p2 [tilespmem:s6], [sflag:$0x7], $0x10, $0x38;
	[tilespmem:$0x1D958] =	vst v63  }
0x7d1: {  	s4 =	sshrl.u32 s4, $0x2  }
.LBB2_57:
0x7d2: {  	s0 =	simm.s32 $0x7  }
0x7d3: {  	_ =	swait.ge [sflag:s0], s4  }
0x7d4: {  	s1 =	ssub.s32 $0x0, s4;
	[sflag:s0] =	ssyncset.done $0x0  }
0x7d5: {  	[sflag:s0] =	ssyncadd.s32 s1  }
0x7d6: {  	[sflag:s0] =	ssyncpa.u1 $0x1  }
.LBB2_58:
0x7d7: {  	_ =	sfence;
	s0 =	simm.s32 $0x1  }
0x7d8: {  	[sflag:s0] =	ssyncpa.u1 $0x1  }
0x7d9: {  	_ =	strace $0x9000004A  }
0x7da: {  	[bflag:$0x2] =	sbarrier.arrive $0xFFFF  }
0x7db: {  	s0 =	rddreg [dreg:$0x5]  }
0x7dc: {  	s0 =	sadd.s32 @!p0 $0x100000, s0  }
0x7dd: {  	[sflag:s0] =	ssyncadd.tile.s32 @!p0 $0x1;
	_ =	shalt  }
.Lfunc_end2:
_tile_overlayer_lowered:
.L_overlay_start_2:
0x7de: {  	(tag) =	ssettag $0x2  }
0x7df: {  	s0 =	rddreg [dreg:$0x0];
	s2 =	stileid.u32  }
0x7e0: {  	s1 =	rddreg [dreg:$0x1];
	p0 =	sne.s32 s2, $0x0  }
0x7e1: {  	s3 =	rddreg [dreg:$0x2];
	[bflag:$0x3] =	sbarrier.arrive $0xFFFF;
	s2 =	simm.s32 @!p0 $0x1C01  }
0x7e2: {  	[timem:s3], [sflag:s2] =	dma.local @!p0 [hbm:s0], s1  }
0x7e3: {  	s0 =	simm.s32 @!p0 $0x1  }
0x7e4: {  	_ =	swait.ge @!p0 [sflag:s0], s1  }
0x7e5: {  	s1 =	ssub.s32 @!p0 $0x0, s1;
	[sflag:s0] =	ssyncset.done @!p0 $0x0  }
0x7e6: {  	[sflag:s0] =	ssyncadd.s32 @!p0 s1  }
0x7e7: {  	[bflag:$0x3] =	sbarrier.arrive $0xFFFF  }
0x7e8: {  	_ =	shalt  }

</sc_bundles>
